<compile_context>
chip_gen: v7x
topology: tpu7x:2x2x1
jax: 0.10.2.dev20260603
libtpu: 0.0.44.dev20260713+nightly
codegen_flags: <defaults>
</compile_context>

<pallas_src>
import functools

import numpy as np
import jax
import jax.numpy as jnp
from jax import lax
from jax.experimental import pallas as pl
from jax.experimental.pallas import tpu as pltpu
from jax.experimental.pallas import tpu_sc as plsc

_MAJOR = np.array([30, 32, 33, 46, 47, 48, 50, 54, 76, 82, 84, 88, 90], dtype=np.int32)
_ACC = np.array([10, 11, 16, 20, 24, 35, 36, 53, 62, 63, 71, 73, 74, 77, 85, 93], dtype=np.int32)
_POS0 = np.concatenate([_MAJOR, _ACC]) - 1
_P = 99
_G = 22
_E = 128
_NPOS = 29
_NSEL = 32
_RW = 16
_RPP = 3

_NW = 32
_CB = 32
_PAIRS = _CB * _NSEL
_NREC = _PAIRS * _RPP
_SEG = 128
_NSEGC = _NREC // _SEG

_B = 16384
_S = 12288


def _tables(row0, nrows):
    posx = np.concatenate([_POS0, np.full(_NSEL - _NPOS, _POS0[0])]).astype(np.int64)
    q = np.arange(nrows * _NSEL, dtype=np.int64)
    r = row0 + (q >> 5)
    w0 = r * (_P * _G) + posx[q & 31] * _G
    g0 = w0 >> 4
    idx = (g0[:, None] + np.arange(_RPP)[None, :]).reshape(-1)
    obase = (q % _PAIRS) * (_RW * _RPP) + (w0 & 15)
    return idx.astype(np.int32), obase.astype(np.int32)


_IDX, _OBASE = _tables(_S, _B - _S)


def _sc_mut(xw, idx_all, obase_all, nrows):
    bp = nrows // _NW
    nchunks = bp // _CB
    mesh = plsc.VectorSubcoreMesh(core_axis_name="c", subcore_axis_name="s")

    @functools.partial(
        pl.kernel,
        mesh=mesh,
        out_type=jax.ShapeDtypeStruct((nrows * _NSEL,), jnp.float32),
        compiler_params=pltpu.CompilerParams(
            needs_layout_passes=False,
            use_tc_tiling_on_sc=False,
        ),
        scratch_types=[
            pltpu.VMEM((_NREC,), jnp.int32),
            pltpu.VMEM((_NREC,), jnp.int32),
            pltpu.VMEM((_NREC, _RW), jnp.float32),
            pltpu.VMEM((_NREC, _RW), jnp.float32),
            pltpu.VMEM((_PAIRS,), jnp.int32),
            pltpu.VMEM((_PAIRS,), jnp.float32),
            pltpu.SemaphoreType.DMA,
            pltpu.SemaphoreType.DMA,
        ],
    )
    def k(xw_hbm, idx_hbm, obase_hbm, out_hbm, idx0, idx1, rec0, rec1,
          obase_v, mut_v, sem0, sem1):
        wid = lax.axis_index("s") * 2 + lax.axis_index("c")
        wbase = wid * bp
        idx_bufs = (idx0, idx1)
        rec_bufs = (rec0, rec1)
        sems = (sem0, sem1)

        def start(c):
            s = c % 2
            qb = (wbase + c * _CB) * _NSEL
            pltpu.sync_copy(idx_hbm.at[pl.ds(qb * _RPP, _NREC)], idx_bufs[s])
            return [
                pltpu.async_copy(
                    xw_hbm.at[idx_bufs[s].at[pl.ds(sg * _SEG, _SEG)]],
                    rec_bufs[s].at[pl.ds(sg * _SEG, _SEG)], sems[s])
                for sg in range(_NSEGC)
            ]

        def compute(c):
            rec = rec_bufs[c % 2]
            qb = (wbase + c * _CB) * _NSEL
            pltpu.sync_copy(obase_hbm.at[pl.ds(qb, _PAIRS)], obase_v)

            def body(g, _):
                base = obase_v[pl.ds(g * 16, 16)]
                acc = plsc.load_gather(rec, [base >> 4, base & 15])
                for kk in range(1, _G - 1):
                    w = base + kk
                    acc = acc + plsc.load_gather(rec, [w >> 4, w & 15])
                mut_v[pl.ds(g * 16, 16)] = jnp.where(acc > 0.0, 1.0, 0.0)
                return _
            lax.fori_loop(0, _PAIRS // 16, body, 0)
            pltpu.sync_copy(mut_v, out_hbm.at[pl.ds(qb, _PAIRS)])

        handles = start(0)
        for c in range(nchunks):
            nxt = start(c + 1) if c + 1 < nchunks else None
            for h in handles:
                h.wait()
            compute(c)
            handles = nxt

    return k(xw, idx_all, obase_all).reshape(nrows, _NSEL)


def _sel_matrix():
    sel = np.zeros((_P * _G, _NSEL), np.float32)
    for j, pos in enumerate(_POS0):
        sel[_G * pos: _G * pos + 21, j] = 1.0
    return sel


_SEL = _sel_matrix()


def _proj(mt_ref, at_ref, w_ref):
    pm = lax.dot_general(mt_ref[...], w_ref[:, :_E], (((1,), (1,)), ((), ())),
                         preferred_element_type=jnp.float32)
    pa = lax.dot_general(at_ref[...], w_ref[:, _E:], (((1,), (1,)), ((), ())),
                         preferred_element_type=jnp.float32)
    return jnp.concatenate(
        [pm, pa, jnp.zeros((_NSEL - _NPOS, _E), jnp.float32)], axis=0)


def _tc_full_body(x_ref, sel_ref, mt_ref, at_ref, w_ref, b_ref, out_ref):
    xb = x_ref[...].astype(jnp.bfloat16)
    sums = lax.dot_general(xb, sel_ref[...], (((1,), (0,)), ((), ())),
                           preferred_element_type=jnp.float32)
    mut = (sums > 0).astype(jnp.float32)
    out_ref[...] = lax.dot_general(mut, _proj(mt_ref, at_ref, w_ref),
                                   (((1,), (0,)), ((), ())),
                                   preferred_element_type=jnp.float32) + b_ref[...]


def _tc_mut_body(mut_ref, mt_ref, at_ref, w_ref, b_ref, out_ref):
    out_ref[...] = lax.dot_general(mut_ref[...], _proj(mt_ref, at_ref, w_ref),
                                   (((1,), (0,)), ((), ())),
                                   preferred_element_type=jnp.float32) + b_ref[...]


def kernel(x, major_table, accessory_table, W, b):
    batch, feat = x.shape
    xw = x.reshape(batch * feat // _RW, _RW)
    b2 = b.reshape(1, _E)
    sel = jnp.asarray(_SEL, dtype=jnp.bfloat16)

    mut = _sc_mut(xw, jnp.asarray(_IDX), jnp.asarray(_OBASE), batch - _S)

    bb = 512
    out_tc = pl.pallas_call(
        _tc_full_body,
        grid=(_S // bb,),
        in_specs=[
            pl.BlockSpec((bb, feat), lambda i: (i, 0)),
            pl.BlockSpec((feat, _NSEL), lambda i: (0, 0)),
            pl.BlockSpec(major_table.shape, lambda i: (0, 0)),
            pl.BlockSpec(accessory_table.shape, lambda i: (0, 0)),
            pl.BlockSpec(W.shape, lambda i: (0, 0)),
            pl.BlockSpec((1, _E), lambda i: (0, 0)),
        ],
        out_specs=pl.BlockSpec((bb, _E), lambda i: (i, 0)),
        out_shape=jax.ShapeDtypeStruct((_S, _E), jnp.float32),
        compiler_params=pltpu.CompilerParams(
            dimension_semantics=("parallel",),
        ),
    )(x, sel, major_table, accessory_table, W, b2)

    bb2 = 2048
    out_sc = pl.pallas_call(
        _tc_mut_body,
        grid=((batch - _S) // bb2,),
        in_specs=[
            pl.BlockSpec((bb2, _NSEL), lambda i: (i, 0)),
            pl.BlockSpec(major_table.shape, lambda i: (0, 0)),
            pl.BlockSpec(accessory_table.shape, lambda i: (0, 0)),
            pl.BlockSpec(W.shape, lambda i: (0, 0)),
            pl.BlockSpec((1, _E), lambda i: (0, 0)),
        ],
        out_specs=pl.BlockSpec((bb2, _E), lambda i: (i, 0)),
        out_shape=jax.ShapeDtypeStruct((batch - _S, _E), jnp.float32),
        compiler_params=pltpu.CompilerParams(
            dimension_semantics=("parallel",),
        ),
    )(mut, major_table, accessory_table, W, b2)

    return jnp.concatenate([out_tc, out_sc], axis=0)

# --- scband reference (transcript-rebuilt; emitter-appended) ---
"""Pipeline reference for scband-mutation-encoder-26731876450407 (READ-ONLY COPY).

The authoritative reference and input builder live on the scoring server;
editing this copy changes nothing except your own understanding.
"""

import jax, jax.numpy as jnp
import numpy as np

MAJOR = jnp.array([30, 32, 33, 46, 47, 48, 50, 54, 76, 82, 84, 88, 90], dtype=jnp.int32)
ACC = jnp.array([10, 11, 16, 20, 24, 35, 36, 53, 62, 63, 71, 73, 74, 77, 85, 93], dtype=jnp.int32)

B = 16384
P = 99
E = 128


def setup_inputs(seed: int = 0) -> dict:
    key = jax.random.key(seed)
    k1, k2, k3, k4, k5 = jax.random.split(key, 5)
    x = jax.random.uniform(k1, (B, P * 22), dtype=jnp.float32)
    major_table = jax.random.normal(k2, (len(MAJOR), E), dtype=jnp.float32)
    accessory_table = jax.random.normal(k3, (len(ACC), E), dtype=jnp.float32)
    W = jax.random.normal(k4, (E, 2 * E), dtype=jnp.float32) * (1.0 / np.sqrt(2 * E))
    b = jax.random.normal(k5, (E,), dtype=jnp.float32) * 0.01
    return {"x": x, "major_table": major_table, "accessory_table": accessory_table, "W": W, "b": b}


def reference(x, major_table, accessory_table, W, b):
    batch = x.shape[0]
    xr = x.reshape(batch, -1, 22)
    # major positions: gather per-position one-hot slices
    m_data = jnp.take(xr, MAJOR - 1, axis=1)  # [B, 13, 22]
    m_mut = (jnp.sum(m_data[:, :, :-1], axis=-1) > 0).astype(jnp.float32)  # [B, 13]
    m_emb = jnp.take(major_table, jnp.arange(major_table.shape[0]), axis=0)  # embedding lookup
    major_sum = m_mut @ m_emb  # sum_i is_mutated[:, i:i+1] * embed_i -> [B, E]
    # accessory positions
    a_data = jnp.take(xr, ACC - 1, axis=1)  # [B, 16, 22]
    a_mut = (jnp.sum(a_data[:, :, :-1], axis=-1) > 0).astype(jnp.float32)  # [B, 16]
    a_emb = jnp.take(accessory_table, jnp.arange(accessory_table.shape[0]), axis=0)
    accessory_sum = a_mut @ a_emb  # [B, E]
    combined = jnp.concatenate([major_sum, accessory_sum], axis=-1)  # [B, 2E]
    return combined @ W.T + b

if __name__ == "__main__":
    import jax
    _d = setup_inputs()
    print(jax.jit(kernel)(*tuple(_d.values())))

</pallas_src>

<mosaic_0001>
#map = affine_map<(d0, d1) -> (0, 0)>
#map1 = affine_map<(d0, d1) -> (0)>
module attributes {stable_mosaic.version = 14 : i64} {
  func.func @k(%arg0: i32, %arg1: i32, %arg2: memref<2230272x16xf32, #tpu.memory_space<hbm>>, %arg3: memref<393216xi32, #tpu.memory_space<hbm>>, %arg4: memref<131072xi32, #tpu.memory_space<hbm>>, %arg5: memref<131072xf32, #tpu.memory_space<hbm>>, %arg6: memref<3072xi32, #tpu.memory_space<vmem>>, %arg7: memref<3072xi32, #tpu.memory_space<vmem>>, %arg8: memref<3072x16xf32, #tpu.memory_space<vmem>>, %arg9: memref<3072x16xf32, #tpu.memory_space<vmem>>, %arg10: memref<1024xi32, #tpu.memory_space<vmem>>, %arg11: memref<1024xf32, #tpu.memory_space<vmem>>, %arg12: memref<!tpu.dma_semaphore, #tpu.memory_space<semaphore_mem>>, %arg13: memref<!tpu.dma_semaphore, #tpu.memory_space<semaphore_mem>>) attributes {dimension_semantics = [#tpu.dimension_semantics<core_parallel>, #tpu.dimension_semantics<subcore_parallel>], iteration_bounds = array<i64: 2, 16>, scalar_prefetch = 0 : i64, scratch_operands = 8 : i64, tpu.core_type = #tpu.core_type<sc_vector_subcore>, window_params = [{transform_indices = #map}, {transform_indices = #map1}, {transform_indices = #map1}, {transform_indices = #map1}]} {
    %mul3A = arith.constant 2 : i32
    %mul3A_0 = arith.muli %arg1, %mul3A : i32
    %add3A = arith.addi %mul3A_0, %arg0 : i32
    %mul3A_1 = arith.constant 128 : i32
    %mul3A_2 = arith.muli %add3A, %mul3A_1 : i32
    %add3A_3 = arith.constant 0 : i32
    %add3A_4 = arith.addi %mul3A_2, %add3A_3 : i32
    %mul3A_5 = arith.constant 32 : i32
    %mul3A_6 = arith.muli %add3A_4, %mul3A_5 : i32
    %mul3A_7 = arith.constant 3 : i32
    %mul3A_8 = arith.muli %mul3A_6, %mul3A_7 : i32
    "tpu.region"() ({
      %run_scoped3A = tpu.sem_alloc : memref<!tpu.dma_semaphore, #tpu.memory_space<semaphore_mem>>
      %dma_start3A_1600 = tpu.memref_slice %arg3[%mul3A_8] : memref<393216xi32, #tpu.memory_space<hbm>> -> memref<3072xi32, #tpu.memory_space<hbm>>
      %dma_start3A_1601 = tpu.memref_slice %arg3[%mul3A_8] : memref<393216xi32, #tpu.memory_space<hbm>> -> memref<3072xi32, #tpu.memory_space<hbm>>
      tpu.enqueue_dma source(%dma_start3A_1601 : memref<3072xi32, #tpu.memory_space<hbm>>) target(%arg6 : memref<3072xi32, #tpu.memory_space<vmem>>) target_semaphore(%run_scoped3A : memref<!tpu.dma_semaphore, #tpu.memory_space<semaphore_mem>>)
      %dma_wait3A_1602 = tpu.memref_slice %arg3[%mul3A_8] : memref<393216xi32, #tpu.memory_space<hbm>> -> memref<3072xi32, #tpu.memory_space<hbm>>
      %dma_wait3A_1603 = tpu.memref_slice %arg3[%mul3A_8] : memref<393216xi32, #tpu.memory_space<hbm>> -> memref<3072xi32, #tpu.memory_space<hbm>>
      tpu.wait_dma2 semaphore(%run_scoped3A : memref<!tpu.dma_semaphore, #tpu.memory_space<semaphore_mem>>) src(%dma_wait3A_1603 : memref<3072xi32, #tpu.memory_space<hbm>>) dst(%arg6 : memref<3072xi32, #tpu.memory_space<vmem>>)
      tpu.yield
    }) : () -> ()
    %dma_start3A = arith.constant 0 : i32
    %dma_start3A_9 = arith.constant 0 : i32
    %dma_start3A_10 = tpu.memref_slice %arg8[%dma_start3A, %dma_start3A_9] : memref<3072x16xf32, #tpu.memory_space<vmem>> -> memref<128x16xf32, #tpu.memory_space<vmem>>
    %dma_start3A_11 = arith.constant 0 : i32
    %dma_start3A_12 = tpu.memref_slice %arg6[%dma_start3A_11] : memref<3072xi32, #tpu.memory_space<vmem>> -> memref<128xi32, #tpu.memory_space<vmem>>
    %dma_start3A_13 = arith.constant 0 : i32
    %dma_start3A_14 = arith.constant 0 : i32
    %dma_start3A_15 = tpu.memref_slice %arg2[%dma_start3A_13, %dma_start3A_14] : memref<2230272x16xf32, #tpu.memory_space<hbm>> -> memref<2230272x16xf32, #tpu.memory_space<hbm>>
    tpu.enqueue_indirect_dma source(%dma_start3A_15 : memref<2230272x16xf32, #tpu.memory_space<hbm>>) target(%dma_start3A_10 : memref<128x16xf32, #tpu.memory_space<vmem>>) offsets(%dma_start3A_12 : memref<128xi32, #tpu.memory_space<vmem>>) semaphore(%arg12 : memref<!tpu.dma_semaphore, #tpu.memory_space<semaphore_mem>>)
    %dma_start3A_16 = arith.constant 128 : i32
    %dma_start3A_17 = arith.constant 0 : i32
    %dma_start3A_18 = tpu.memref_slice %arg8[%dma_start3A_16, %dma_start3A_17] : memref<3072x16xf32, #tpu.memory_space<vmem>> -> memref<128x16xf32, #tpu.memory_space<vmem>>
    %dma_start3A_19 = arith.constant 128 : i32
    %dma_start3A_20 = tpu.memref_slice %arg6[%dma_start3A_19] : memref<3072xi32, #tpu.memory_space<vmem>> -> memref<128xi32, #tpu.memory_space<vmem>>
    %dma_start3A_21 = arith.constant 0 : i32
    %dma_start3A_22 = arith.constant 0 : i32
    %dma_start3A_23 = tpu.memref_slice %arg2[%dma_start3A_21, %dma_start3A_22] : memref<2230272x16xf32, #tpu.memory_space<hbm>> -> memref<2230272x16xf32, #tpu.memory_space<hbm>>
    tpu.enqueue_indirect_dma source(%dma_start3A_23 : memref<2230272x16xf32, #tpu.memory_space<hbm>>) target(%dma_start3A_18 : memref<128x16xf32, #tpu.memory_space<vmem>>) offsets(%dma_start3A_20 : memref<128xi32, #tpu.memory_space<vmem>>) semaphore(%arg12 : memref<!tpu.dma_semaphore, #tpu.memory_space<semaphore_mem>>)
    %dma_start3A_24 = arith.constant 256 : i32
    %dma_start3A_25 = arith.constant 0 : i32
    %dma_start3A_26 = tpu.memref_slice %arg8[%dma_start3A_24, %dma_start3A_25] : memref<3072x16xf32, #tpu.memory_space<vmem>> -> memref<128x16xf32, #tpu.memory_space<vmem>>
    %dma_start3A_27 = arith.constant 256 : i32
    %dma_start3A_28 = tpu.memref_slice %arg6[%dma_start3A_27] : memref<3072xi32, #tpu.memory_space<vmem>> -> memref<128xi32, #tpu.memory_space<vmem>>
    %dma_start3A_29 = arith.constant 0 : i32
    %dma_start3A_30 = arith.constant 0 : i32
    %dma_start3A_31 = tpu.memref_slice %arg2[%dma_start3A_29, %dma_start3A_30] : memref<2230272x16xf32, #tpu.memory_space<hbm>> -> memref<2230272x16xf32, #tpu.memory_space<hbm>>
    tpu.enqueue_indirect_dma source(%dma_start3A_31 : memref<2230272x16xf32, #tpu.memory_space<hbm>>) target(%dma_start3A_26 : memref<128x16xf32, #tpu.memory_space<vmem>>) offsets(%dma_start3A_28 : memref<128xi32, #tpu.memory_space<vmem>>) semaphore(%arg12 : memref<!tpu.dma_semaphore, #tpu.memory_space<semaphore_mem>>)
    %dma_start3A_32 = arith.constant 384 : i32
    %dma_start3A_33 = arith.constant 0 : i32
    %dma_start3A_34 = tpu.memref_slice %arg8[%dma_start3A_32, %dma_start3A_33] : memref<3072x16xf32, #tpu.memory_space<vmem>> -> memref<128x16xf32, #tpu.memory_space<vmem>>
    %dma_start3A_35 = arith.constant 384 : i32
    %dma_start3A_36 = tpu.memref_slice %arg6[%dma_start3A_35] : memref<3072xi32, #tpu.memory_space<vmem>> -> memref<128xi32, #tpu.memory_space<vmem>>
    %dma_start3A_37 = arith.constant 0 : i32
    %dma_start3A_38 = arith.constant 0 : i32
    %dma_start3A_39 = tpu.memref_slice %arg2[%dma_start3A_37, %dma_start3A_38] : memref<2230272x16xf32, #tpu.memory_space<hbm>> -> memref<2230272x16xf32, #tpu.memory_space<hbm>>
    tpu.enqueue_indirect_dma source(%dma_start3A_39 : memref<2230272x16xf32, #tpu.memory_space<hbm>>) target(%dma_start3A_34 : memref<128x16xf32, #tpu.memory_space<vmem>>) offsets(%dma_start3A_36 : memref<128xi32, #tpu.memory_space<vmem>>) semaphore(%arg12 : memref<!tpu.dma_semaphore, #tpu.memory_space<semaphore_mem>>)
    %dma_start3A_40 = arith.constant 512 : i32
    %dma_start3A_41 = arith.constant 0 : i32
    %dma_start3A_42 = tpu.memref_slice %arg8[%dma_start3A_40, %dma_start3A_41] : memref<3072x16xf32, #tpu.memory_space<vmem>> -> memref<128x16xf32, #tpu.memory_space<vmem>>
    %dma_start3A_43 = arith.constant 512 : i32
    %dma_start3A_44 = tpu.memref_slice %arg6[%dma_start3A_43] : memref<3072xi32, #tpu.memory_space<vmem>> -> memref<128xi32, #tpu.memory_space<vmem>>
    %dma_start3A_45 = arith.constant 0 : i32
    %dma_start3A_46 = arith.constant 0 : i32
    %dma_start3A_47 = tpu.memref_slice %arg2[%dma_start3A_45, %dma_start3A_46] : memref<2230272x16xf32, #tpu.memory_space<hbm>> -> memref<2230272x16xf32, #tpu.memory_space<hbm>>
    tpu.enqueue_indirect_dma source(%dma_start3A_47 : memref<2230272x16xf32, #tpu.memory_space<hbm>>) target(%dma_start3A_42 : memref<128x16xf32, #tpu.memory_space<vmem>>) offsets(%dma_start3A_44 : memref<128xi32, #tpu.memory_space<vmem>>) semaphore(%arg12 : memref<!tpu.dma_semaphore, #tpu.memory_space<semaphore_mem>>)
    %dma_start3A_48 = arith.constant 640 : i32
    %dma_start3A_49 = arith.constant 0 : i32
    %dma_start3A_50 = tpu.memref_slice %arg8[%dma_start3A_48, %dma_start3A_49] : memref<3072x16xf32, #tpu.memory_space<vmem>> -> memref<128x16xf32, #tpu.memory_space<vmem>>
    %dma_start3A_51 = arith.constant 640 : i32
    %dma_start3A_52 = tpu.memref_slice %arg6[%dma_start3A_51] : memref<3072xi32, #tpu.memory_space<vmem>> -> memref<128xi32, #tpu.memory_space<vmem>>
    %dma_start3A_53 = arith.constant 0 : i32
    %dma_start3A_54 = arith.constant 0 : i32
    %dma_start3A_55 = tpu.memref_slice %arg2[%dma_start3A_53, %dma_start3A_54] : memref<2230272x16xf32, #tpu.memory_space<hbm>> -> memref<2230272x16xf32, #tpu.memory_space<hbm>>
    tpu.enqueue_indirect_dma source(%dma_start3A_55 : memref<2230272x16xf32, #tpu.memory_space<hbm>>) target(%dma_start3A_50 : memref<128x16xf32, #tpu.memory_space<vmem>>) offsets(%dma_start3A_52 : memref<128xi32, #tpu.memory_space<vmem>>) semaphore(%arg12 : memref<!tpu.dma_semaphore, #tpu.memory_space<semaphore_mem>>)
    %dma_start3A_56 = arith.constant 768 : i32
    %dma_start3A_57 = arith.constant 0 : i32
    %dma_start3A_58 = tpu.memref_slice %arg8[%dma_start3A_56, %dma_start3A_57] : memref<3072x16xf32, #tpu.memory_space<vmem>> -> memref<128x16xf32, #tpu.memory_space<vmem>>
    %dma_start3A_59 = arith.constant 768 : i32
    %dma_start3A_60 = tpu.memref_slice %arg6[%dma_start3A_59] : memref<3072xi32, #tpu.memory_space<vmem>> -> memref<128xi32, #tpu.memory_space<vmem>>
    %dma_start3A_61 = arith.constant 0 : i32
    %dma_start3A_62 = arith.constant 0 : i32
    %dma_start3A_63 = tpu.memref_slice %arg2[%dma_start3A_61, %dma_start3A_62] : memref<2230272x16xf32, #tpu.memory_space<hbm>> -> memref<2230272x16xf32, #tpu.memory_space<hbm>>
    tpu.enqueue_indirect_dma source(%dma_start3A_63 : memref<2230272x16xf32, #tpu.memory_space<hbm>>) target(%dma_start3A_58 : memref<128x16xf32, #tpu.memory_space<vmem>>) offsets(%dma_start3A_60 : memref<128xi32, #tpu.memory_space<vmem>>) semaphore(%arg12 : memref<!tpu.dma_semaphore, #tpu.memory_space<semaphore_mem>>)
    %dma_start3A_64 = arith.constant 896 : i32
    %dma_start3A_65 = arith.constant 0 : i32
    %dma_start3A_66 = tpu.memref_slice %arg8[%dma_start3A_64, %dma_start3A_65] : memref<3072x16xf32, #tpu.memory_space<vmem>> -> memref<128x16xf32, #tpu.memory_space<vmem>>
    %dma_start3A_67 = arith.constant 896 : i32
    %dma_start3A_68 = tpu.memref_slice %arg6[%dma_start3A_67] : memref<3072xi32, #tpu.memory_space<vmem>> -> memref<128xi32, #tpu.memory_space<vmem>>
    %dma_start3A_69 = arith.constant 0 : i32
    %dma_start3A_70 = arith.constant 0 : i32
    %dma_start3A_71 = tpu.memref_slice %arg2[%dma_start3A_69, %dma_start3A_70] : memref<2230272x16xf32, #tpu.memory_space<hbm>> -> memref<2230272x16xf32, #tpu.memory_space<hbm>>
    tpu.enqueue_indirect_dma source(%dma_start3A_71 : memref<2230272x16xf32, #tpu.memory_space<hbm>>) target(%dma_start3A_66 : memref<128x16xf32, #tpu.memory_space<vmem>>) offsets(%dma_start3A_68 : memref<128xi32, #tpu.memory_space<vmem>>) semaphore(%arg12 : memref<!tpu.dma_semaphore, #tpu.memory_space<semaphore_mem>>)
    %dma_start3A_72 = arith.constant 1024 : i32
    %dma_start3A_73 = arith.constant 0 : i32
    %dma_start3A_74 = tpu.memref_slice %arg8[%dma_start3A_72, %dma_start3A_73] : memref<3072x16xf32, #tpu.memory_space<vmem>> -> memref<128x16xf32, #tpu.memory_space<vmem>>
    %dma_start3A_75 = arith.constant 1024 : i32
    %dma_start3A_76 = tpu.memref_slice %arg6[%dma_start3A_75] : memref<3072xi32, #tpu.memory_space<vmem>> -> memref<128xi32, #tpu.memory_space<vmem>>
    %dma_start3A_77 = arith.constant 0 : i32
    %dma_start3A_78 = arith.constant 0 : i32
    %dma_start3A_79 = tpu.memref_slice %arg2[%dma_start3A_77, %dma_start3A_78] : memref<2230272x16xf32, #tpu.memory_space<hbm>> -> memref<2230272x16xf32, #tpu.memory_space<hbm>>
    tpu.enqueue_indirect_dma source(%dma_start3A_79 : memref<2230272x16xf32, #tpu.memory_space<hbm>>) target(%dma_start3A_74 : memref<128x16xf32, #tpu.memory_space<vmem>>) offsets(%dma_start3A_76 : memref<128xi32, #tpu.memory_space<vmem>>) semaphore(%arg12 : memref<!tpu.dma_semaphore, #tpu.memory_space<semaphore_mem>>)
    %dma_start3A_80 = arith.constant 1152 : i32
    %dma_start3A_81 = arith.constant 0 : i32
    %dma_start3A_82 = tpu.memref_slice %arg8[%dma_start3A_80, %dma_start3A_81] : memref<3072x16xf32, #tpu.memory_space<vmem>> -> memref<128x16xf32, #tpu.memory_space<vmem>>
    %dma_start3A_83 = arith.constant 1152 : i32
    %dma_start3A_84 = tpu.memref_slice %arg6[%dma_start3A_83] : memref<3072xi32, #tpu.memory_space<vmem>> -> memref<128xi32, #tpu.memory_space<vmem>>
    %dma_start3A_85 = arith.constant 0 : i32
    %dma_start3A_86 = arith.constant 0 : i32
    %dma_start3A_87 = tpu.memref_slice %arg2[%dma_start3A_85, %dma_start3A_86] : memref<2230272x16xf32, #tpu.memory_space<hbm>> -> memref<2230272x16xf32, #tpu.memory_space<hbm>>
    tpu.enqueue_indirect_dma source(%dma_start3A_87 : memref<2230272x16xf32, #tpu.memory_space<hbm>>) target(%dma_start3A_82 : memref<128x16xf32, #tpu.memory_space<vmem>>) offsets(%dma_start3A_84 : memref<128xi32, #tpu.memory_space<vmem>>) semaphore(%arg12 : memref<!tpu.dma_semaphore, #tpu.memory_space<semaphore_mem>>)
    %dma_start3A_88 = arith.constant 1280 : i32
    %dma_start3A_89 = arith.constant 0 : i32
    %dma_start3A_90 = tpu.memref_slice %arg8[%dma_start3A_88, %dma_start3A_89] : memref<3072x16xf32, #tpu.memory_space<vmem>> -> memref<128x16xf32, #tpu.memory_space<vmem>>
    %dma_start3A_91 = arith.constant 1280 : i32
    %dma_start3A_92 = tpu.memref_slice %arg6[%dma_start3A_91] : memref<3072xi32, #tpu.memory_space<vmem>> -> memref<128xi32, #tpu.memory_space<vmem>>
    %dma_start3A_93 = arith.constant 0 : i32
    %dma_start3A_94 = arith.constant 0 : i32
    %dma_start3A_95 = tpu.memref_slice %arg2[%dma_start3A_93, %dma_start3A_94] : memref<2230272x16xf32, #tpu.memory_space<hbm>> -> memref<2230272x16xf32, #tpu.memory_space<hbm>>
    tpu.enqueue_indirect_dma source(%dma_start3A_95 : memref<2230272x16xf32, #tpu.memory_space<hbm>>) target(%dma_start3A_90 : memref<128x16xf32, #tpu.memory_space<vmem>>) offsets(%dma_start3A_92 : memref<128xi32, #tpu.memory_space<vmem>>) semaphore(%arg12 : memref<!tpu.dma_semaphore, #tpu.memory_space<semaphore_mem>>)
    %dma_start3A_96 = arith.constant 1408 : i32
    %dma_start3A_97 = arith.constant 0 : i32
    %dma_start3A_98 = tpu.memref_slice %arg8[%dma_start3A_96, %dma_start3A_97] : memref<3072x16xf32, #tpu.memory_space<vmem>> -> memref<128x16xf32, #tpu.memory_space<vmem>>
    %dma_start3A_99 = arith.constant 1408 : i32
    %dma_start3A_100 = tpu.memref_slice %arg6[%dma_start3A_99] : memref<3072xi32, #tpu.memory_space<vmem>> -> memref<128xi32, #tpu.memory_space<vmem>>
    %dma_start3A_101 = arith.constant 0 : i32
    %dma_start3A_102 = arith.constant 0 : i32
    %dma_start3A_103 = tpu.memref_slice %arg2[%dma_start3A_101, %dma_start3A_102] : memref<2230272x16xf32, #tpu.memory_space<hbm>> -> memref<2230272x16xf32, #tpu.memory_space<hbm>>
    tpu.enqueue_indirect_dma source(%dma_start3A_103 : memref<2230272x16xf32, #tpu.memory_space<hbm>>) target(%dma_start3A_98 : memref<128x16xf32, #tpu.memory_space<vmem>>) offsets(%dma_start3A_100 : memref<128xi32, #tpu.memory_space<vmem>>) semaphore(%arg12 : memref<!tpu.dma_semaphore, #tpu.memory_space<semaphore_mem>>)
    %dma_start3A_104 = arith.constant 1536 : i32
    %dma_start3A_105 = arith.constant 0 : i32
    %dma_start3A_106 = tpu.memref_slice %arg8[%dma_start3A_104, %dma_start3A_105] : memref<3072x16xf32, #tpu.memory_space<vmem>> -> memref<128x16xf32, #tpu.memory_space<vmem>>
    %dma_start3A_107 = arith.constant 1536 : i32
    %dma_start3A_108 = tpu.memref_slice %arg6[%dma_start3A_107] : memref<3072xi32, #tpu.memory_space<vmem>> -> memref<128xi32, #tpu.memory_space<vmem>>
    %dma_start3A_109 = arith.constant 0 : i32
    %dma_start3A_110 = arith.constant 0 : i32
    %dma_start3A_111 = tpu.memref_slice %arg2[%dma_start3A_109, %dma_start3A_110] : memref<2230272x16xf32, #tpu.memory_space<hbm>> -> memref<2230272x16xf32, #tpu.memory_space<hbm>>
    tpu.enqueue_indirect_dma source(%dma_start3A_111 : memref<2230272x16xf32, #tpu.memory_space<hbm>>) target(%dma_start3A_106 : memref<128x16xf32, #tpu.memory_space<vmem>>) offsets(%dma_start3A_108 : memref<128xi32, #tpu.memory_space<vmem>>) semaphore(%arg12 : memref<!tpu.dma_semaphore, #tpu.memory_space<semaphore_mem>>)
    %dma_start3A_112 = arith.constant 1664 : i32
    %dma_start3A_113 = arith.constant 0 : i32
    %dma_start3A_114 = tpu.memref_slice %arg8[%dma_start3A_112, %dma_start3A_113] : memref<3072x16xf32, #tpu.memory_space<vmem>> -> memref<128x16xf32, #tpu.memory_space<vmem>>
    %dma_start3A_115 = arith.constant 1664 : i32
    %dma_start3A_116 = tpu.memref_slice %arg6[%dma_start3A_115] : memref<3072xi32, #tpu.memory_space<vmem>> -> memref<128xi32, #tpu.memory_space<vmem>>
    %dma_start3A_117 = arith.constant 0 : i32
    %dma_start3A_118 = arith.constant 0 : i32
    %dma_start3A_119 = tpu.memref_slice %arg2[%dma_start3A_117, %dma_start3A_118] : memref<2230272x16xf32, #tpu.memory_space<hbm>> -> memref<2230272x16xf32, #tpu.memory_space<hbm>>
    tpu.enqueue_indirect_dma source(%dma_start3A_119 : memref<2230272x16xf32, #tpu.memory_space<hbm>>) target(%dma_start3A_114 : memref<128x16xf32, #tpu.memory_space<vmem>>) offsets(%dma_start3A_116 : memref<128xi32, #tpu.memory_space<vmem>>) semaphore(%arg12 : memref<!tpu.dma_semaphore, #tpu.memory_space<semaphore_mem>>)
    %dma_start3A_120 = arith.constant 1792 : i32
    %dma_start3A_121 = arith.constant 0 : i32
    %dma_start3A_122 = tpu.memref_slice %arg8[%dma_start3A_120, %dma_start3A_121] : memref<3072x16xf32, #tpu.memory_space<vmem>> -> memref<128x16xf32, #tpu.memory_space<vmem>>
    %dma_start3A_123 = arith.constant 1792 : i32
    %dma_start3A_124 = tpu.memref_slice %arg6[%dma_start3A_123] : memref<3072xi32, #tpu.memory_space<vmem>> -> memref<128xi32, #tpu.memory_space<vmem>>
    %dma_start3A_125 = arith.constant 0 : i32
    %dma_start3A_126 = arith.constant 0 : i32
    %dma_start3A_127 = tpu.memref_slice %arg2[%dma_start3A_125, %dma_start3A_126] : memref<2230272x16xf32, #tpu.memory_space<hbm>> -> memref<2230272x16xf32, #tpu.memory_space<hbm>>
    tpu.enqueue_indirect_dma source(%dma_start3A_127 : memref<2230272x16xf32, #tpu.memory_space<hbm>>) target(%dma_start3A_122 : memref<128x16xf32, #tpu.memory_space<vmem>>) offsets(%dma_start3A_124 : memref<128xi32, #tpu.memory_space<vmem>>) semaphore(%arg12 : memref<!tpu.dma_semaphore, #tpu.memory_space<semaphore_mem>>)
    %dma_start3A_128 = arith.constant 1920 : i32
    %dma_start3A_129 = arith.constant 0 : i32
    %dma_start3A_130 = tpu.memref_slice %arg8[%dma_start3A_128, %dma_start3A_129] : memref<3072x16xf32, #tpu.memory_space<vmem>> -> memref<128x16xf32, #tpu.memory_space<vmem>>
    %dma_start3A_131 = arith.constant 1920 : i32
    %dma_start3A_132 = tpu.memref_slice %arg6[%dma_start3A_131] : memref<3072xi32, #tpu.memory_space<vmem>> -> memref<128xi32, #tpu.memory_space<vmem>>
    %dma_start3A_133 = arith.constant 0 : i32
    %dma_start3A_134 = arith.constant 0 : i32
    %dma_start3A_135 = tpu.memref_slice %arg2[%dma_start3A_133, %dma_start3A_134] : memref<2230272x16xf32, #tpu.memory_space<hbm>> -> memref<2230272x16xf32, #tpu.memory_space<hbm>>
    tpu.enqueue_indirect_dma source(%dma_start3A_135 : memref<2230272x16xf32, #tpu.memory_space<hbm>>) target(%dma_start3A_130 : memref<128x16xf32, #tpu.memory_space<vmem>>) offsets(%dma_start3A_132 : memref<128xi32, #tpu.memory_space<vmem>>) semaphore(%arg12 : memref<!tpu.dma_semaphore, #tpu.memory_space<semaphore_mem>>)
    %dma_start3A_136 = arith.constant 2048 : i32
    %dma_start3A_137 = arith.constant 0 : i32
    %dma_start3A_138 = tpu.memref_slice %arg8[%dma_start3A_136, %dma_start3A_137] : memref<3072x16xf32, #tpu.memory_space<vmem>> -> memref<128x16xf32, #tpu.memory_space<vmem>>
    %dma_start3A_139 = arith.constant 2048 : i32
    %dma_start3A_140 = tpu.memref_slice %arg6[%dma_start3A_139] : memref<3072xi32, #tpu.memory_space<vmem>> -> memref<128xi32, #tpu.memory_space<vmem>>
    %dma_start3A_141 = arith.constant 0 : i32
    %dma_start3A_142 = arith.constant 0 : i32
    %dma_start3A_143 = tpu.memref_slice %arg2[%dma_start3A_141, %dma_start3A_142] : memref<2230272x16xf32, #tpu.memory_space<hbm>> -> memref<2230272x16xf32, #tpu.memory_space<hbm>>
    tpu.enqueue_indirect_dma source(%dma_start3A_143 : memref<2230272x16xf32, #tpu.memory_space<hbm>>) target(%dma_start3A_138 : memref<128x16xf32, #tpu.memory_space<vmem>>) offsets(%dma_start3A_140 : memref<128xi32, #tpu.memory_space<vmem>>) semaphore(%arg12 : memref<!tpu.dma_semaphore, #tpu.memory_space<semaphore_mem>>)
    %dma_start3A_144 = arith.constant 2176 : i32
    %dma_start3A_145 = arith.constant 0 : i32
    %dma_start3A_146 = tpu.memref_slice %arg8[%dma_start3A_144, %dma_start3A_145] : memref<3072x16xf32, #tpu.memory_space<vmem>> -> memref<128x16xf32, #tpu.memory_space<vmem>>
    %dma_start3A_147 = arith.constant 2176 : i32
    %dma_start3A_148 = tpu.memref_slice %arg6[%dma_start3A_147] : memref<3072xi32, #tpu.memory_space<vmem>> -> memref<128xi32, #tpu.memory_space<vmem>>
    %dma_start3A_149 = arith.constant 0 : i32
    %dma_start3A_150 = arith.constant 0 : i32
    %dma_start3A_151 = tpu.memref_slice %arg2[%dma_start3A_149, %dma_start3A_150] : memref<2230272x16xf32, #tpu.memory_space<hbm>> -> memref<2230272x16xf32, #tpu.memory_space<hbm>>
    tpu.enqueue_indirect_dma source(%dma_start3A_151 : memref<2230272x16xf32, #tpu.memory_space<hbm>>) target(%dma_start3A_146 : memref<128x16xf32, #tpu.memory_space<vmem>>) offsets(%dma_start3A_148 : memref<128xi32, #tpu.memory_space<vmem>>) semaphore(%arg12 : memref<!tpu.dma_semaphore, #tpu.memory_space<semaphore_mem>>)
    %dma_start3A_152 = arith.constant 2304 : i32
    %dma_start3A_153 = arith.constant 0 : i32
    %dma_start3A_154 = tpu.memref_slice %arg8[%dma_start3A_152, %dma_start3A_153] : memref<3072x16xf32, #tpu.memory_space<vmem>> -> memref<128x16xf32, #tpu.memory_space<vmem>>
    %dma_start3A_155 = arith.constant 2304 : i32
    %dma_start3A_156 = tpu.memref_slice %arg6[%dma_start3A_155] : memref<3072xi32, #tpu.memory_space<vmem>> -> memref<128xi32, #tpu.memory_space<vmem>>
    %dma_start3A_157 = arith.constant 0 : i32
    %dma_start3A_158 = arith.constant 0 : i32
    %dma_start3A_159 = tpu.memref_slice %arg2[%dma_start3A_157, %dma_start3A_158] : memref<2230272x16xf32, #tpu.memory_space<hbm>> -> memref<2230272x16xf32, #tpu.memory_space<hbm>>
    tpu.enqueue_indirect_dma source(%dma_start3A_159 : memref<2230272x16xf32, #tpu.memory_space<hbm>>) target(%dma_start3A_154 : memref<128x16xf32, #tpu.memory_space<vmem>>) offsets(%dma_start3A_156 : memref<128xi32, #tpu.memory_space<vmem>>) semaphore(%arg12 : memref<!tpu.dma_semaphore, #tpu.memory_space<semaphore_mem>>)
    %dma_start3A_160 = arith.constant 2432 : i32
    %dma_start3A_161 = arith.constant 0 : i32
    %dma_start3A_162 = tpu.memref_slice %arg8[%dma_start3A_160, %dma_start3A_161] : memref<3072x16xf32, #tpu.memory_space<vmem>> -> memref<128x16xf32, #tpu.memory_space<vmem>>
    %dma_start3A_163 = arith.constant 2432 : i32
    %dma_start3A_164 = tpu.memref_slice %arg6[%dma_start3A_163] : memref<3072xi32, #tpu.memory_space<vmem>> -> memref<128xi32, #tpu.memory_space<vmem>>
    %dma_start3A_165 = arith.constant 0 : i32
    %dma_start3A_166 = arith.constant 0 : i32
    %dma_start3A_167 = tpu.memref_slice %arg2[%dma_start3A_165, %dma_start3A_166] : memref<2230272x16xf32, #tpu.memory_space<hbm>> -> memref<2230272x16xf32, #tpu.memory_space<hbm>>
    tpu.enqueue_indirect_dma source(%dma_start3A_167 : memref<2230272x16xf32, #tpu.memory_space<hbm>>) target(%dma_start3A_162 : memref<128x16xf32, #tpu.memory_space<vmem>>) offsets(%dma_start3A_164 : memref<128xi32, #tpu.memory_space<vmem>>) semaphore(%arg12 : memref<!tpu.dma_semaphore, #tpu.memory_space<semaphore_mem>>)
    %dma_start3A_168 = arith.constant 2560 : i32
    %dma_start3A_169 = arith.constant 0 : i32
    %dma_start3A_170 = tpu.memref_slice %arg8[%dma_start3A_168, %dma_start3A_169] : memref<3072x16xf32, #tpu.memory_space<vmem>> -> memref<128x16xf32, #tpu.memory_space<vmem>>
    %dma_start3A_171 = arith.constant 2560 : i32
    %dma_start3A_172 = tpu.memref_slice %arg6[%dma_start3A_171] : memref<3072xi32, #tpu.memory_space<vmem>> -> memref<128xi32, #tpu.memory_space<vmem>>
    %dma_start3A_173 = arith.constant 0 : i32
    %dma_start3A_174 = arith.constant 0 : i32
    %dma_start3A_175 = tpu.memref_slice %arg2[%dma_start3A_173, %dma_start3A_174] : memref<2230272x16xf32, #tpu.memory_space<hbm>> -> memref<2230272x16xf32, #tpu.memory_space<hbm>>
    tpu.enqueue_indirect_dma source(%dma_start3A_175 : memref<2230272x16xf32, #tpu.memory_space<hbm>>) target(%dma_start3A_170 : memref<128x16xf32, #tpu.memory_space<vmem>>) offsets(%dma_start3A_172 : memref<128xi32, #tpu.memory_space<vmem>>) semaphore(%arg12 : memref<!tpu.dma_semaphore, #tpu.memory_space<semaphore_mem>>)
    %dma_start3A_176 = arith.constant 2688 : i32
    %dma_start3A_177 = arith.constant 0 : i32
    %dma_start3A_178 = tpu.memref_slice %arg8[%dma_start3A_176, %dma_start3A_177] : memref<3072x16xf32, #tpu.memory_space<vmem>> -> memref<128x16xf32, #tpu.memory_space<vmem>>
    %dma_start3A_179 = arith.constant 2688 : i32
    %dma_start3A_180 = tpu.memref_slice %arg6[%dma_start3A_179] : memref<3072xi32, #tpu.memory_space<vmem>> -> memref<128xi32, #tpu.memory_space<vmem>>
    %dma_start3A_181 = arith.constant 0 : i32
    %dma_start3A_182 = arith.constant 0 : i32
    %dma_start3A_183 = tpu.memref_slice %arg2[%dma_start3A_181, %dma_start3A_182] : memref<2230272x16xf32, #tpu.memory_space<hbm>> -> memref<2230272x16xf32, #tpu.memory_space<hbm>>
    tpu.enqueue_indirect_dma source(%dma_start3A_183 : memref<2230272x16xf32, #tpu.memory_space<hbm>>) target(%dma_start3A_178 : memref<128x16xf32, #tpu.memory_space<vmem>>) offsets(%dma_start3A_180 : memref<128xi32, #tpu.memory_space<vmem>>) semaphore(%arg12 : memref<!tpu.dma_semaphore, #tpu.memory_space<semaphore_mem>>)
    %dma_start3A_184 = arith.constant 2816 : i32
    %dma_start3A_185 = arith.constant 0 : i32
    %dma_start3A_186 = tpu.memref_slice %arg8[%dma_start3A_184, %dma_start3A_185] : memref<3072x16xf32, #tpu.memory_space<vmem>> -> memref<128x16xf32, #tpu.memory_space<vmem>>
    %dma_start3A_187 = arith.constant 2816 : i32
    %dma_start3A_188 = tpu.memref_slice %arg6[%dma_start3A_187] : memref<3072xi32, #tpu.memory_space<vmem>> -> memref<128xi32, #tpu.memory_space<vmem>>
    %dma_start3A_189 = arith.constant 0 : i32
    %dma_start3A_190 = arith.constant 0 : i32
    %dma_start3A_191 = tpu.memref_slice %arg2[%dma_start3A_189, %dma_start3A_190] : memref<2230272x16xf32, #tpu.memory_space<hbm>> -> memref<2230272x16xf32, #tpu.memory_space<hbm>>
    tpu.enqueue_indirect_dma source(%dma_start3A_191 : memref<2230272x16xf32, #tpu.memory_space<hbm>>) target(%dma_start3A_186 : memref<128x16xf32, #tpu.memory_space<vmem>>) offsets(%dma_start3A_188 : memref<128xi32, #tpu.memory_space<vmem>>) semaphore(%arg12 : memref<!tpu.dma_semaphore, #tpu.memory_space<semaphore_mem>>)
    %dma_start3A_192 = arith.constant 2944 : i32
    %dma_start3A_193 = arith.constant 0 : i32
    %dma_start3A_194 = tpu.memref_slice %arg8[%dma_start3A_192, %dma_start3A_193] : memref<3072x16xf32, #tpu.memory_space<vmem>> -> memref<128x16xf32, #tpu.memory_space<vmem>>
    %dma_start3A_195 = arith.constant 2944 : i32
    %dma_start3A_196 = tpu.memref_slice %arg6[%dma_start3A_195] : memref<3072xi32, #tpu.memory_space<vmem>> -> memref<128xi32, #tpu.memory_space<vmem>>
    %dma_start3A_197 = arith.constant 0 : i32
    %dma_start3A_198 = arith.constant 0 : i32
    %dma_start3A_199 = tpu.memref_slice %arg2[%dma_start3A_197, %dma_start3A_198] : memref<2230272x16xf32, #tpu.memory_space<hbm>> -> memref<2230272x16xf32, #tpu.memory_space<hbm>>
    tpu.enqueue_indirect_dma source(%dma_start3A_199 : memref<2230272x16xf32, #tpu.memory_space<hbm>>) target(%dma_start3A_194 : memref<128x16xf32, #tpu.memory_space<vmem>>) offsets(%dma_start3A_196 : memref<128xi32, #tpu.memory_space<vmem>>) semaphore(%arg12 : memref<!tpu.dma_semaphore, #tpu.memory_space<semaphore_mem>>)
    %add3A_200 = arith.constant 32 : i32
    %add3A_201 = arith.addi %mul3A_2, %add3A_200 : i32
    %mul3A_202 = arith.constant 32 : i32
    %mul3A_203 = arith.muli %add3A_201, %mul3A_202 : i32
    %mul3A_204 = arith.constant 3 : i32
    %mul3A_205 = arith.muli %mul3A_203, %mul3A_204 : i32
    "tpu.region"() ({
      %run_scoped3A = tpu.sem_alloc : memref<!tpu.dma_semaphore, #tpu.memory_space<semaphore_mem>>
      %dma_start3A_1600 = tpu.memref_slice %arg3[%mul3A_205] : memref<393216xi32, #tpu.memory_space<hbm>> -> memref<3072xi32, #tpu.memory_space<hbm>>
      %dma_start3A_1601 = tpu.memref_slice %arg3[%mul3A_205] : memref<393216xi32, #tpu.memory_space<hbm>> -> memref<3072xi32, #tpu.memory_space<hbm>>
      tpu.enqueue_dma source(%dma_start3A_1601 : memref<3072xi32, #tpu.memory_space<hbm>>) target(%arg7 : memref<3072xi32, #tpu.memory_space<vmem>>) target_semaphore(%run_scoped3A : memref<!tpu.dma_semaphore, #tpu.memory_space<semaphore_mem>>)
      %dma_wait3A_1602 = tpu.memref_slice %arg3[%mul3A_205] : memref<393216xi32, #tpu.memory_space<hbm>> -> memref<3072xi32, #tpu.memory_space<hbm>>
      %dma_wait3A_1603 = tpu.memref_slice %arg3[%mul3A_205] : memref<393216xi32, #tpu.memory_space<hbm>> -> memref<3072xi32, #tpu.memory_space<hbm>>
      tpu.wait_dma2 semaphore(%run_scoped3A : memref<!tpu.dma_semaphore, #tpu.memory_space<semaphore_mem>>) src(%dma_wait3A_1603 : memref<3072xi32, #tpu.memory_space<hbm>>) dst(%arg7 : memref<3072xi32, #tpu.memory_space<vmem>>)
      tpu.yield
    }) : () -> ()
    %dma_start3A_206 = arith.constant 0 : i32
    %dma_start3A_207 = arith.constant 0 : i32
    %dma_start3A_208 = tpu.memref_slice %arg9[%dma_start3A_206, %dma_start3A_207] : memref<3072x16xf32, #tpu.memory_space<vmem>> -> memref<128x16xf32, #tpu.memory_space<vmem>>
    %dma_start3A_209 = arith.constant 0 : i32
    %dma_start3A_210 = tpu.memref_slice %arg7[%dma_start3A_209] : memref<3072xi32, #tpu.memory_space<vmem>> -> memref<128xi32, #tpu.memory_space<vmem>>
    %dma_start3A_211 = arith.constant 0 : i32
    %dma_start3A_212 = arith.constant 0 : i32
    %dma_start3A_213 = tpu.memref_slice %arg2[%dma_start3A_211, %dma_start3A_212] : memref<2230272x16xf32, #tpu.memory_space<hbm>> -> memref<2230272x16xf32, #tpu.memory_space<hbm>>
    tpu.enqueue_indirect_dma source(%dma_start3A_213 : memref<2230272x16xf32, #tpu.memory_space<hbm>>) target(%dma_start3A_208 : memref<128x16xf32, #tpu.memory_space<vmem>>) offsets(%dma_start3A_210 : memref<128xi32, #tpu.memory_space<vmem>>) semaphore(%arg13 : memref<!tpu.dma_semaphore, #tpu.memory_space<semaphore_mem>>)
    %dma_start3A_214 = arith.constant 128 : i32
    %dma_start3A_215 = arith.constant 0 : i32
    %dma_start3A_216 = tpu.memref_slice %arg9[%dma_start3A_214, %dma_start3A_215] : memref<3072x16xf32, #tpu.memory_space<vmem>> -> memref<128x16xf32, #tpu.memory_space<vmem>>
    %dma_start3A_217 = arith.constant 128 : i32
    %dma_start3A_218 = tpu.memref_slice %arg7[%dma_start3A_217] : memref<3072xi32, #tpu.memory_space<vmem>> -> memref<128xi32, #tpu.memory_space<vmem>>
    %dma_start3A_219 = arith.constant 0 : i32
    %dma_start3A_220 = arith.constant 0 : i32
    %dma_start3A_221 = tpu.memref_slice %arg2[%dma_start3A_219, %dma_start3A_220] : memref<2230272x16xf32, #tpu.memory_space<hbm>> -> memref<2230272x16xf32, #tpu.memory_space<hbm>>
    tpu.enqueue_indirect_dma source(%dma_start3A_221 : memref<2230272x16xf32, #tpu.memory_space<hbm>>) target(%dma_start3A_216 : memref<128x16xf32, #tpu.memory_space<vmem>>) offsets(%dma_start3A_218 : memref<128xi32, #tpu.memory_space<vmem>>) semaphore(%arg13 : memref<!tpu.dma_semaphore, #tpu.memory_space<semaphore_mem>>)
    %dma_start3A_222 = arith.constant 256 : i32
    %dma_start3A_223 = arith.constant 0 : i32
    %dma_start3A_224 = tpu.memref_slice %arg9[%dma_start3A_222, %dma_start3A_223] : memref<3072x16xf32, #tpu.memory_space<vmem>> -> memref<128x16xf32, #tpu.memory_space<vmem>>
    %dma_start3A_225 = arith.constant 256 : i32
    %dma_start3A_226 = tpu.memref_slice %arg7[%dma_start3A_225] : memref<3072xi32, #tpu.memory_space<vmem>> -> memref<128xi32, #tpu.memory_space<vmem>>
    %dma_start3A_227 = arith.constant 0 : i32
    %dma_start3A_228 = arith.constant 0 : i32
    %dma_start3A_229 = tpu.memref_slice %arg2[%dma_start3A_227, %dma_start3A_228] : memref<2230272x16xf32, #tpu.memory_space<hbm>> -> memref<2230272x16xf32, #tpu.memory_space<hbm>>
    tpu.enqueue_indirect_dma source(%dma_start3A_229 : memref<2230272x16xf32, #tpu.memory_space<hbm>>) target(%dma_start3A_224 : memref<128x16xf32, #tpu.memory_space<vmem>>) offsets(%dma_start3A_226 : memref<128xi32, #tpu.memory_space<vmem>>) semaphore(%arg13 : memref<!tpu.dma_semaphore, #tpu.memory_space<semaphore_mem>>)
    %dma_start3A_230 = arith.constant 384 : i32
    %dma_start3A_231 = arith.constant 0 : i32
    %dma_start3A_232 = tpu.memref_slice %arg9[%dma_start3A_230, %dma_start3A_231] : memref<3072x16xf32, #tpu.memory_space<vmem>> -> memref<128x16xf32, #tpu.memory_space<vmem>>
    %dma_start3A_233 = arith.constant 384 : i32
    %dma_start3A_234 = tpu.memref_slice %arg7[%dma_start3A_233] : memref<3072xi32, #tpu.memory_space<vmem>> -> memref<128xi32, #tpu.memory_space<vmem>>
    %dma_start3A_235 = arith.constant 0 : i32
    %dma_start3A_236 = arith.constant 0 : i32
    %dma_start3A_237 = tpu.memref_slice %arg2[%dma_start3A_235, %dma_start3A_236] : memref<2230272x16xf32, #tpu.memory_space<hbm>> -> memref<2230272x16xf32, #tpu.memory_space<hbm>>
    tpu.enqueue_indirect_dma source(%dma_start3A_237 : memref<2230272x16xf32, #tpu.memory_space<hbm>>) target(%dma_start3A_232 : memref<128x16xf32, #tpu.memory_space<vmem>>) offsets(%dma_start3A_234 : memref<128xi32, #tpu.memory_space<vmem>>) semaphore(%arg13 : memref<!tpu.dma_semaphore, #tpu.memory_space<semaphore_mem>>)
    %dma_start3A_238 = arith.constant 512 : i32
    %dma_start3A_239 = arith.constant 0 : i32
    %dma_start3A_240 = tpu.memref_slice %arg9[%dma_start3A_238, %dma_start3A_239] : memref<3072x16xf32, #tpu.memory_space<vmem>> -> memref<128x16xf32, #tpu.memory_space<vmem>>
    %dma_start3A_241 = arith.constant 512 : i32
    %dma_start3A_242 = tpu.memref_slice %arg7[%dma_start3A_241] : memref<3072xi32, #tpu.memory_space<vmem>> -> memref<128xi32, #tpu.memory_space<vmem>>
    %dma_start3A_243 = arith.constant 0 : i32
    %dma_start3A_244 = arith.constant 0 : i32
    %dma_start3A_245 = tpu.memref_slice %arg2[%dma_start3A_243, %dma_start3A_244] : memref<2230272x16xf32, #tpu.memory_space<hbm>> -> memref<2230272x16xf32, #tpu.memory_space<hbm>>
    tpu.enqueue_indirect_dma source(%dma_start3A_245 : memref<2230272x16xf32, #tpu.memory_space<hbm>>) target(%dma_start3A_240 : memref<128x16xf32, #tpu.memory_space<vmem>>) offsets(%dma_start3A_242 : memref<128xi32, #tpu.memory_space<vmem>>) semaphore(%arg13 : memref<!tpu.dma_semaphore, #tpu.memory_space<semaphore_mem>>)
    %dma_start3A_246 = arith.constant 640 : i32
    %dma_start3A_247 = arith.constant 0 : i32
    %dma_start3A_248 = tpu.memref_slice %arg9[%dma_start3A_246, %dma_start3A_247] : memref<3072x16xf32, #tpu.memory_space<vmem>> -> memref<128x16xf32, #tpu.memory_space<vmem>>
    %dma_start3A_249 = arith.constant 640 : i32
    %dma_start3A_250 = tpu.memref_slice %arg7[%dma_start3A_249] : memref<3072xi32, #tpu.memory_space<vmem>> -> memref<128xi32, #tpu.memory_space<vmem>>
    %dma_start3A_251 = arith.constant 0 : i32
    %dma_start3A_252 = arith.constant 0 : i32
    %dma_start3A_253 = tpu.memref_slice %arg2[%dma_start3A_251, %dma_start3A_252] : memref<2230272x16xf32, #tpu.memory_space<hbm>> -> memref<2230272x16xf32, #tpu.memory_space<hbm>>
    tpu.enqueue_indirect_dma source(%dma_start3A_253 : memref<2230272x16xf32, #tpu.memory_space<hbm>>) target(%dma_start3A_248 : memref<128x16xf32, #tpu.memory_space<vmem>>) offsets(%dma_start3A_250 : memref<128xi32, #tpu.memory_space<vmem>>) semaphore(%arg13 : memref<!tpu.dma_semaphore, #tpu.memory_space<semaphore_mem>>)
    %dma_start3A_254 = arith.constant 768 : i32
    %dma_start3A_255 = arith.constant 0 : i32
    %dma_start3A_256 = tpu.memref_slice %arg9[%dma_start3A_254, %dma_start3A_255] : memref<3072x16xf32, #tpu.memory_space<vmem>> -> memref<128x16xf32, #tpu.memory_space<vmem>>
    %dma_start3A_257 = arith.constant 768 : i32
    %dma_start3A_258 = tpu.memref_slice %arg7[%dma_start3A_257] : memref<3072xi32, #tpu.memory_space<vmem>> -> memref<128xi32, #tpu.memory_space<vmem>>
    %dma_start3A_259 = arith.constant 0 : i32
    %dma_start3A_260 = arith.constant 0 : i32
    %dma_start3A_261 = tpu.memref_slice %arg2[%dma_start3A_259, %dma_start3A_260] : memref<2230272x16xf32, #tpu.memory_space<hbm>> -> memref<2230272x16xf32, #tpu.memory_space<hbm>>
    tpu.enqueue_indirect_dma source(%dma_start3A_261 : memref<2230272x16xf32, #tpu.memory_space<hbm>>) target(%dma_start3A_256 : memref<128x16xf32, #tpu.memory_space<vmem>>) offsets(%dma_start3A_258 : memref<128xi32, #tpu.memory_space<vmem>>) semaphore(%arg13 : memref<!tpu.dma_semaphore, #tpu.memory_space<semaphore_mem>>)
    %dma_start3A_262 = arith.constant 896 : i32
    %dma_start3A_263 = arith.constant 0 : i32
    %dma_start3A_264 = tpu.memref_slice %arg9[%dma_start3A_262, %dma_start3A_263] : memref<3072x16xf32, #tpu.memory_space<vmem>> -> memref<128x16xf32, #tpu.memory_space<vmem>>
    %dma_start3A_265 = arith.constant 896 : i32
    %dma_start3A_266 = tpu.memref_slice %arg7[%dma_start3A_265] : memref<3072xi32, #tpu.memory_space<vmem>> -> memref<128xi32, #tpu.memory_space<vmem>>
    %dma_start3A_267 = arith.constant 0 : i32
    %dma_start3A_268 = arith.constant 0 : i32
    %dma_start3A_269 = tpu.memref_slice %arg2[%dma_start3A_267, %dma_start3A_268] : memref<2230272x16xf32, #tpu.memory_space<hbm>> -> memref<2230272x16xf32, #tpu.memory_space<hbm>>
    tpu.enqueue_indirect_dma source(%dma_start3A_269 : memref<2230272x16xf32, #tpu.memory_space<hbm>>) target(%dma_start3A_264 : memref<128x16xf32, #tpu.memory_space<vmem>>) offsets(%dma_start3A_266 : memref<128xi32, #tpu.memory_space<vmem>>) semaphore(%arg13 : memref<!tpu.dma_semaphore, #tpu.memory_space<semaphore_mem>>)
    %dma_start3A_270 = arith.constant 1024 : i32
    %dma_start3A_271 = arith.constant 0 : i32
    %dma_start3A_272 = tpu.memref_slice %arg9[%dma_start3A_270, %dma_start3A_271] : memref<3072x16xf32, #tpu.memory_space<vmem>> -> memref<128x16xf32, #tpu.memory_space<vmem>>
    %dma_start3A_273 = arith.constant 1024 : i32
    %dma_start3A_274 = tpu.memref_slice %arg7[%dma_start3A_273] : memref<3072xi32, #tpu.memory_space<vmem>> -> memref<128xi32, #tpu.memory_space<vmem>>
    %dma_start3A_275 = arith.constant 0 : i32
    %dma_start3A_276 = arith.constant 0 : i32
    %dma_start3A_277 = tpu.memref_slice %arg2[%dma_start3A_275, %dma_start3A_276] : memref<2230272x16xf32, #tpu.memory_space<hbm>> -> memref<2230272x16xf32, #tpu.memory_space<hbm>>
    tpu.enqueue_indirect_dma source(%dma_start3A_277 : memref<2230272x16xf32, #tpu.memory_space<hbm>>) target(%dma_start3A_272 : memref<128x16xf32, #tpu.memory_space<vmem>>) offsets(%dma_start3A_274 : memref<128xi32, #tpu.memory_space<vmem>>) semaphore(%arg13 : memref<!tpu.dma_semaphore, #tpu.memory_space<semaphore_mem>>)
    %dma_start3A_278 = arith.constant 1152 : i32
    %dma_start3A_279 = arith.constant 0 : i32
    %dma_start3A_280 = tpu.memref_slice %arg9[%dma_start3A_278, %dma_start3A_279] : memref<3072x16xf32, #tpu.memory_space<vmem>> -> memref<128x16xf32, #tpu.memory_space<vmem>>
    %dma_start3A_281 = arith.constant 1152 : i32
    %dma_start3A_282 = tpu.memref_slice %arg7[%dma_start3A_281] : memref<3072xi32, #tpu.memory_space<vmem>> -> memref<128xi32, #tpu.memory_space<vmem>>
    %dma_start3A_283 = arith.constant 0 : i32
    %dma_start3A_284 = arith.constant 0 : i32
    %dma_start3A_285 = tpu.memref_slice %arg2[%dma_start3A_283, %dma_start3A_284] : memref<2230272x16xf32, #tpu.memory_space<hbm>> -> memref<2230272x16xf32, #tpu.memory_space<hbm>>
    tpu.enqueue_indirect_dma source(%dma_start3A_285 : memref<2230272x16xf32, #tpu.memory_space<hbm>>) target(%dma_start3A_280 : memref<128x16xf32, #tpu.memory_space<vmem>>) offsets(%dma_start3A_282 : memref<128xi32, #tpu.memory_space<vmem>>) semaphore(%arg13 : memref<!tpu.dma_semaphore, #tpu.memory_space<semaphore_mem>>)
    %dma_start3A_286 = arith.constant 1280 : i32
    %dma_start3A_287 = arith.constant 0 : i32
    %dma_start3A_288 = tpu.memref_slice %arg9[%dma_start3A_286, %dma_start3A_287] : memref<3072x16xf32, #tpu.memory_space<vmem>> -> memref<128x16xf32, #tpu.memory_space<vmem>>
    %dma_start3A_289 = arith.constant 1280 : i32
    %dma_start3A_290 = tpu.memref_slice %arg7[%dma_start3A_289] : memref<3072xi32, #tpu.memory_space<vmem>> -> memref<128xi32, #tpu.memory_space<vmem>>
    %dma_start3A_291 = arith.constant 0 : i32
    %dma_start3A_292 = arith.constant 0 : i32
    %dma_start3A_293 = tpu.memref_slice %arg2[%dma_start3A_291, %dma_start3A_292] : memref<2230272x16xf32, #tpu.memory_space<hbm>> -> memref<2230272x16xf32, #tpu.memory_space<hbm>>
    tpu.enqueue_indirect_dma source(%dma_start3A_293 : memref<2230272x16xf32, #tpu.memory_space<hbm>>) target(%dma_start3A_288 : memref<128x16xf32, #tpu.memory_space<vmem>>) offsets(%dma_start3A_290 : memref<128xi32, #tpu.memory_space<vmem>>) semaphore(%arg13 : memref<!tpu.dma_semaphore, #tpu.memory_space<semaphore_mem>>)
    %dma_start3A_294 = arith.constant 1408 : i32
    %dma_start3A_295 = arith.constant 0 : i32
    %dma_start3A_296 = tpu.memref_slice %arg9[%dma_start3A_294, %dma_start3A_295] : memref<3072x16xf32, #tpu.memory_space<vmem>> -> memref<128x16xf32, #tpu.memory_space<vmem>>
    %dma_start3A_297 = arith.constant 1408 : i32
    %dma_start3A_298 = tpu.memref_slice %arg7[%dma_start3A_297] : memref<3072xi32, #tpu.memory_space<vmem>> -> memref<128xi32, #tpu.memory_space<vmem>>
    %dma_start3A_299 = arith.constant 0 : i32
    %dma_start3A_300 = arith.constant 0 : i32
    %dma_start3A_301 = tpu.memref_slice %arg2[%dma_start3A_299, %dma_start3A_300] : memref<2230272x16xf32, #tpu.memory_space<hbm>> -> memref<2230272x16xf32, #tpu.memory_space<hbm>>
    tpu.enqueue_indirect_dma source(%dma_start3A_301 : memref<2230272x16xf32, #tpu.memory_space<hbm>>) target(%dma_start3A_296 : memref<128x16xf32, #tpu.memory_space<vmem>>) offsets(%dma_start3A_298 : memref<128xi32, #tpu.memory_space<vmem>>) semaphore(%arg13 : memref<!tpu.dma_semaphore, #tpu.memory_space<semaphore_mem>>)
    %dma_start3A_302 = arith.constant 1536 : i32
    %dma_start3A_303 = arith.constant 0 : i32
    %dma_start3A_304 = tpu.memref_slice %arg9[%dma_start3A_302, %dma_start3A_303] : memref<3072x16xf32, #tpu.memory_space<vmem>> -> memref<128x16xf32, #tpu.memory_space<vmem>>
    %dma_start3A_305 = arith.constant 1536 : i32
    %dma_start3A_306 = tpu.memref_slice %arg7[%dma_start3A_305] : memref<3072xi32, #tpu.memory_space<vmem>> -> memref<128xi32, #tpu.memory_space<vmem>>
    %dma_start3A_307 = arith.constant 0 : i32
    %dma_start3A_308 = arith.constant 0 : i32
    %dma_start3A_309 = tpu.memref_slice %arg2[%dma_start3A_307, %dma_start3A_308] : memref<2230272x16xf32, #tpu.memory_space<hbm>> -> memref<2230272x16xf32, #tpu.memory_space<hbm>>
    tpu.enqueue_indirect_dma source(%dma_start3A_309 : memref<2230272x16xf32, #tpu.memory_space<hbm>>) target(%dma_start3A_304 : memref<128x16xf32, #tpu.memory_space<vmem>>) offsets(%dma_start3A_306 : memref<128xi32, #tpu.memory_space<vmem>>) semaphore(%arg13 : memref<!tpu.dma_semaphore, #tpu.memory_space<semaphore_mem>>)
    %dma_start3A_310 = arith.constant 1664 : i32
    %dma_start3A_311 = arith.constant 0 : i32
    %dma_start3A_312 = tpu.memref_slice %arg9[%dma_start3A_310, %dma_start3A_311] : memref<3072x16xf32, #tpu.memory_space<vmem>> -> memref<128x16xf32, #tpu.memory_space<vmem>>
    %dma_start3A_313 = arith.constant 1664 : i32
    %dma_start3A_314 = tpu.memref_slice %arg7[%dma_start3A_313] : memref<3072xi32, #tpu.memory_space<vmem>> -> memref<128xi32, #tpu.memory_space<vmem>>
    %dma_start3A_315 = arith.constant 0 : i32
    %dma_start3A_316 = arith.constant 0 : i32
    %dma_start3A_317 = tpu.memref_slice %arg2[%dma_start3A_315, %dma_start3A_316] : memref<2230272x16xf32, #tpu.memory_space<hbm>> -> memref<2230272x16xf32, #tpu.memory_space<hbm>>
    tpu.enqueue_indirect_dma source(%dma_start3A_317 : memref<2230272x16xf32, #tpu.memory_space<hbm>>) target(%dma_start3A_312 : memref<128x16xf32, #tpu.memory_space<vmem>>) offsets(%dma_start3A_314 : memref<128xi32, #tpu.memory_space<vmem>>) semaphore(%arg13 : memref<!tpu.dma_semaphore, #tpu.memory_space<semaphore_mem>>)
    %dma_start3A_318 = arith.constant 1792 : i32
    %dma_start3A_319 = arith.constant 0 : i32
    %dma_start3A_320 = tpu.memref_slice %arg9[%dma_start3A_318, %dma_start3A_319] : memref<3072x16xf32, #tpu.memory_space<vmem>> -> memref<128x16xf32, #tpu.memory_space<vmem>>
    %dma_start3A_321 = arith.constant 1792 : i32
    %dma_start3A_322 = tpu.memref_slice %arg7[%dma_start3A_321] : memref<3072xi32, #tpu.memory_space<vmem>> -> memref<128xi32, #tpu.memory_space<vmem>>
    %dma_start3A_323 = arith.constant 0 : i32
    %dma_start3A_324 = arith.constant 0 : i32
    %dma_start3A_325 = tpu.memref_slice %arg2[%dma_start3A_323, %dma_start3A_324] : memref<2230272x16xf32, #tpu.memory_space<hbm>> -> memref<2230272x16xf32, #tpu.memory_space<hbm>>
    tpu.enqueue_indirect_dma source(%dma_start3A_325 : memref<2230272x16xf32, #tpu.memory_space<hbm>>) target(%dma_start3A_320 : memref<128x16xf32, #tpu.memory_space<vmem>>) offsets(%dma_start3A_322 : memref<128xi32, #tpu.memory_space<vmem>>) semaphore(%arg13 : memref<!tpu.dma_semaphore, #tpu.memory_space<semaphore_mem>>)
    %dma_start3A_326 = arith.constant 1920 : i32
    %dma_start3A_327 = arith.constant 0 : i32
    %dma_start3A_328 = tpu.memref_slice %arg9[%dma_start3A_326, %dma_start3A_327] : memref<3072x16xf32, #tpu.memory_space<vmem>> -> memref<128x16xf32, #tpu.memory_space<vmem>>
    %dma_start3A_329 = arith.constant 1920 : i32
    %dma_start3A_330 = tpu.memref_slice %arg7[%dma_start3A_329] : memref<3072xi32, #tpu.memory_space<vmem>> -> memref<128xi32, #tpu.memory_space<vmem>>
    %dma_start3A_331 = arith.constant 0 : i32
    %dma_start3A_332 = arith.constant 0 : i32
    %dma_start3A_333 = tpu.memref_slice %arg2[%dma_start3A_331, %dma_start3A_332] : memref<2230272x16xf32, #tpu.memory_space<hbm>> -> memref<2230272x16xf32, #tpu.memory_space<hbm>>
    tpu.enqueue_indirect_dma source(%dma_start3A_333 : memref<2230272x16xf32, #tpu.memory_space<hbm>>) target(%dma_start3A_328 : memref<128x16xf32, #tpu.memory_space<vmem>>) offsets(%dma_start3A_330 : memref<128xi32, #tpu.memory_space<vmem>>) semaphore(%arg13 : memref<!tpu.dma_semaphore, #tpu.memory_space<semaphore_mem>>)
    %dma_start3A_334 = arith.constant 2048 : i32
    %dma_start3A_335 = arith.constant 0 : i32
    %dma_start3A_336 = tpu.memref_slice %arg9[%dma_start3A_334, %dma_start3A_335] : memref<3072x16xf32, #tpu.memory_space<vmem>> -> memref<128x16xf32, #tpu.memory_space<vmem>>
    %dma_start3A_337 = arith.constant 2048 : i32
    %dma_start3A_338 = tpu.memref_slice %arg7[%dma_start3A_337] : memref<3072xi32, #tpu.memory_space<vmem>> -> memref<128xi32, #tpu.memory_space<vmem>>
    %dma_start3A_339 = arith.constant 0 : i32
    %dma_start3A_340 = arith.constant 0 : i32
    %dma_start3A_341 = tpu.memref_slice %arg2[%dma_start3A_339, %dma_start3A_340] : memref<2230272x16xf32, #tpu.memory_space<hbm>> -> memref<2230272x16xf32, #tpu.memory_space<hbm>>
    tpu.enqueue_indirect_dma source(%dma_start3A_341 : memref<2230272x16xf32, #tpu.memory_space<hbm>>) target(%dma_start3A_336 : memref<128x16xf32, #tpu.memory_space<vmem>>) offsets(%dma_start3A_338 : memref<128xi32, #tpu.memory_space<vmem>>) semaphore(%arg13 : memref<!tpu.dma_semaphore, #tpu.memory_space<semaphore_mem>>)
    %dma_start3A_342 = arith.constant 2176 : i32
    %dma_start3A_343 = arith.constant 0 : i32
    %dma_start3A_344 = tpu.memref_slice %arg9[%dma_start3A_342, %dma_start3A_343] : memref<3072x16xf32, #tpu.memory_space<vmem>> -> memref<128x16xf32, #tpu.memory_space<vmem>>
    %dma_start3A_345 = arith.constant 2176 : i32
    %dma_start3A_346 = tpu.memref_slice %arg7[%dma_start3A_345] : memref<3072xi32, #tpu.memory_space<vmem>> -> memref<128xi32, #tpu.memory_space<vmem>>
    %dma_start3A_347 = arith.constant 0 : i32
    %dma_start3A_348 = arith.constant 0 : i32
    %dma_start3A_349 = tpu.memref_slice %arg2[%dma_start3A_347, %dma_start3A_348] : memref<2230272x16xf32, #tpu.memory_space<hbm>> -> memref<2230272x16xf32, #tpu.memory_space<hbm>>
    tpu.enqueue_indirect_dma source(%dma_start3A_349 : memref<2230272x16xf32, #tpu.memory_space<hbm>>) target(%dma_start3A_344 : memref<128x16xf32, #tpu.memory_space<vmem>>) offsets(%dma_start3A_346 : memref<128xi32, #tpu.memory_space<vmem>>) semaphore(%arg13 : memref<!tpu.dma_semaphore, #tpu.memory_space<semaphore_mem>>)
    %dma_start3A_350 = arith.constant 2304 : i32
    %dma_start3A_351 = arith.constant 0 : i32
    %dma_start3A_352 = tpu.memref_slice %arg9[%dma_start3A_350, %dma_start3A_351] : memref<3072x16xf32, #tpu.memory_space<vmem>> -> memref<128x16xf32, #tpu.memory_space<vmem>>
    %dma_start3A_353 = arith.constant 2304 : i32
    %dma_start3A_354 = tpu.memref_slice %arg7[%dma_start3A_353] : memref<3072xi32, #tpu.memory_space<vmem>> -> memref<128xi32, #tpu.memory_space<vmem>>
    %dma_start3A_355 = arith.constant 0 : i32
    %dma_start3A_356 = arith.constant 0 : i32
    %dma_start3A_357 = tpu.memref_slice %arg2[%dma_start3A_355, %dma_start3A_356] : memref<2230272x16xf32, #tpu.memory_space<hbm>> -> memref<2230272x16xf32, #tpu.memory_space<hbm>>
    tpu.enqueue_indirect_dma source(%dma_start3A_357 : memref<2230272x16xf32, #tpu.memory_space<hbm>>) target(%dma_start3A_352 : memref<128x16xf32, #tpu.memory_space<vmem>>) offsets(%dma_start3A_354 : memref<128xi32, #tpu.memory_space<vmem>>) semaphore(%arg13 : memref<!tpu.dma_semaphore, #tpu.memory_space<semaphore_mem>>)
    %dma_start3A_358 = arith.constant 2432 : i32
    %dma_start3A_359 = arith.constant 0 : i32
    %dma_start3A_360 = tpu.memref_slice %arg9[%dma_start3A_358, %dma_start3A_359] : memref<3072x16xf32, #tpu.memory_space<vmem>> -> memref<128x16xf32, #tpu.memory_space<vmem>>
    %dma_start3A_361 = arith.constant 2432 : i32
    %dma_start3A_362 = tpu.memref_slice %arg7[%dma_start3A_361] : memref<3072xi32, #tpu.memory_space<vmem>> -> memref<128xi32, #tpu.memory_space<vmem>>
    %dma_start3A_363 = arith.constant 0 : i32
    %dma_start3A_364 = arith.constant 0 : i32
    %dma_start3A_365 = tpu.memref_slice %arg2[%dma_start3A_363, %dma_start3A_364] : memref<2230272x16xf32, #tpu.memory_space<hbm>> -> memref<2230272x16xf32, #tpu.memory_space<hbm>>
    tpu.enqueue_indirect_dma source(%dma_start3A_365 : memref<2230272x16xf32, #tpu.memory_space<hbm>>) target(%dma_start3A_360 : memref<128x16xf32, #tpu.memory_space<vmem>>) offsets(%dma_start3A_362 : memref<128xi32, #tpu.memory_space<vmem>>) semaphore(%arg13 : memref<!tpu.dma_semaphore, #tpu.memory_space<semaphore_mem>>)
    %dma_start3A_366 = arith.constant 2560 : i32
    %dma_start3A_367 = arith.constant 0 : i32
    %dma_start3A_368 = tpu.memref_slice %arg9[%dma_start3A_366, %dma_start3A_367] : memref<3072x16xf32, #tpu.memory_space<vmem>> -> memref<128x16xf32, #tpu.memory_space<vmem>>
    %dma_start3A_369 = arith.constant 2560 : i32
    %dma_start3A_370 = tpu.memref_slice %arg7[%dma_start3A_369] : memref<3072xi32, #tpu.memory_space<vmem>> -> memref<128xi32, #tpu.memory_space<vmem>>
    %dma_start3A_371 = arith.constant 0 : i32
    %dma_start3A_372 = arith.constant 0 : i32
    %dma_start3A_373 = tpu.memref_slice %arg2[%dma_start3A_371, %dma_start3A_372] : memref<2230272x16xf32, #tpu.memory_space<hbm>> -> memref<2230272x16xf32, #tpu.memory_space<hbm>>
    tpu.enqueue_indirect_dma source(%dma_start3A_373 : memref<2230272x16xf32, #tpu.memory_space<hbm>>) target(%dma_start3A_368 : memref<128x16xf32, #tpu.memory_space<vmem>>) offsets(%dma_start3A_370 : memref<128xi32, #tpu.memory_space<vmem>>) semaphore(%arg13 : memref<!tpu.dma_semaphore, #tpu.memory_space<semaphore_mem>>)
    %dma_start3A_374 = arith.constant 2688 : i32
    %dma_start3A_375 = arith.constant 0 : i32
    %dma_start3A_376 = tpu.memref_slice %arg9[%dma_start3A_374, %dma_start3A_375] : memref<3072x16xf32, #tpu.memory_space<vmem>> -> memref<128x16xf32, #tpu.memory_space<vmem>>
    %dma_start3A_377 = arith.constant 2688 : i32
    %dma_start3A_378 = tpu.memref_slice %arg7[%dma_start3A_377] : memref<3072xi32, #tpu.memory_space<vmem>> -> memref<128xi32, #tpu.memory_space<vmem>>
    %dma_start3A_379 = arith.constant 0 : i32
    %dma_start3A_380 = arith.constant 0 : i32
    %dma_start3A_381 = tpu.memref_slice %arg2[%dma_start3A_379, %dma_start3A_380] : memref<2230272x16xf32, #tpu.memory_space<hbm>> -> memref<2230272x16xf32, #tpu.memory_space<hbm>>
    tpu.enqueue_indirect_dma source(%dma_start3A_381 : memref<2230272x16xf32, #tpu.memory_space<hbm>>) target(%dma_start3A_376 : memref<128x16xf32, #tpu.memory_space<vmem>>) offsets(%dma_start3A_378 : memref<128xi32, #tpu.memory_space<vmem>>) semaphore(%arg13 : memref<!tpu.dma_semaphore, #tpu.memory_space<semaphore_mem>>)
    %dma_start3A_382 = arith.constant 2816 : i32
    %dma_start3A_383 = arith.constant 0 : i32
    %dma_start3A_384 = tpu.memref_slice %arg9[%dma_start3A_382, %dma_start3A_383] : memref<3072x16xf32, #tpu.memory_space<vmem>> -> memref<128x16xf32, #tpu.memory_space<vmem>>
    %dma_start3A_385 = arith.constant 2816 : i32
    %dma_start3A_386 = tpu.memref_slice %arg7[%dma_start3A_385] : memref<3072xi32, #tpu.memory_space<vmem>> -> memref<128xi32, #tpu.memory_space<vmem>>
    %dma_start3A_387 = arith.constant 0 : i32
    %dma_start3A_388 = arith.constant 0 : i32
    %dma_start3A_389 = tpu.memref_slice %arg2[%dma_start3A_387, %dma_start3A_388] : memref<2230272x16xf32, #tpu.memory_space<hbm>> -> memref<2230272x16xf32, #tpu.memory_space<hbm>>
    tpu.enqueue_indirect_dma source(%dma_start3A_389 : memref<2230272x16xf32, #tpu.memory_space<hbm>>) target(%dma_start3A_384 : memref<128x16xf32, #tpu.memory_space<vmem>>) offsets(%dma_start3A_386 : memref<128xi32, #tpu.memory_space<vmem>>) semaphore(%arg13 : memref<!tpu.dma_semaphore, #tpu.memory_space<semaphore_mem>>)
    %dma_start3A_390 = arith.constant 2944 : i32
    %dma_start3A_391 = arith.constant 0 : i32
    %dma_start3A_392 = tpu.memref_slice %arg9[%dma_start3A_390, %dma_start3A_391] : memref<3072x16xf32, #tpu.memory_space<vmem>> -> memref<128x16xf32, #tpu.memory_space<vmem>>
    %dma_start3A_393 = arith.constant 2944 : i32
    %dma_start3A_394 = tpu.memref_slice %arg7[%dma_start3A_393] : memref<3072xi32, #tpu.memory_space<vmem>> -> memref<128xi32, #tpu.memory_space<vmem>>
    %dma_start3A_395 = arith.constant 0 : i32
    %dma_start3A_396 = arith.constant 0 : i32
    %dma_start3A_397 = tpu.memref_slice %arg2[%dma_start3A_395, %dma_start3A_396] : memref<2230272x16xf32, #tpu.memory_space<hbm>> -> memref<2230272x16xf32, #tpu.memory_space<hbm>>
    tpu.enqueue_indirect_dma source(%dma_start3A_397 : memref<2230272x16xf32, #tpu.memory_space<hbm>>) target(%dma_start3A_392 : memref<128x16xf32, #tpu.memory_space<vmem>>) offsets(%dma_start3A_394 : memref<128xi32, #tpu.memory_space<vmem>>) semaphore(%arg13 : memref<!tpu.dma_semaphore, #tpu.memory_space<semaphore_mem>>)
    %dma_wait3A = arith.constant 0 : i32
    %dma_wait3A_398 = arith.constant 0 : i32
    %dma_wait3A_399 = tpu.memref_slice %arg8[%dma_wait3A, %dma_wait3A_398] : memref<3072x16xf32, #tpu.memory_space<vmem>> -> memref<128x16xf32, #tpu.memory_space<vmem>>
    %dma_wait3A_400 = arith.constant 0 : i32
    %dma_wait3A_401 = tpu.memref_slice %arg6[%dma_wait3A_400] : memref<3072xi32, #tpu.memory_space<vmem>> -> memref<128xi32, #tpu.memory_space<vmem>>
    %dma_wait3A_402 = arith.constant 0 : i32
    %dma_wait3A_403 = arith.constant 0 : i32
    %dma_wait3A_404 = tpu.memref_slice %arg2[%dma_wait3A_402, %dma_wait3A_403] : memref<2230272x16xf32, #tpu.memory_space<hbm>> -> memref<2230272x16xf32, #tpu.memory_space<hbm>>
    tpu.wait_indirect_dma semaphore(%arg12 : memref<!tpu.dma_semaphore, #tpu.memory_space<semaphore_mem>>) src(%dma_wait3A_404 : memref<2230272x16xf32, #tpu.memory_space<hbm>>) dst(%dma_wait3A_399 : memref<128x16xf32, #tpu.memory_space<vmem>>)
    %dma_wait3A_405 = arith.constant 128 : i32
    %dma_wait3A_406 = arith.constant 0 : i32
    %dma_wait3A_407 = tpu.memref_slice %arg8[%dma_wait3A_405, %dma_wait3A_406] : memref<3072x16xf32, #tpu.memory_space<vmem>> -> memref<128x16xf32, #tpu.memory_space<vmem>>
    %dma_wait3A_408 = arith.constant 128 : i32
    %dma_wait3A_409 = tpu.memref_slice %arg6[%dma_wait3A_408] : memref<3072xi32, #tpu.memory_space<vmem>> -> memref<128xi32, #tpu.memory_space<vmem>>
    %dma_wait3A_410 = arith.constant 0 : i32
    %dma_wait3A_411 = arith.constant 0 : i32
    %dma_wait3A_412 = tpu.memref_slice %arg2[%dma_wait3A_410, %dma_wait3A_411] : memref<2230272x16xf32, #tpu.memory_space<hbm>> -> memref<2230272x16xf32, #tpu.memory_space<hbm>>
    tpu.wait_indirect_dma semaphore(%arg12 : memref<!tpu.dma_semaphore, #tpu.memory_space<semaphore_mem>>) src(%dma_wait3A_412 : memref<2230272x16xf32, #tpu.memory_space<hbm>>) dst(%dma_wait3A_407 : memref<128x16xf32, #tpu.memory_space<vmem>>)
    %dma_wait3A_413 = arith.constant 256 : i32
    %dma_wait3A_414 = arith.constant 0 : i32
    %dma_wait3A_415 = tpu.memref_slice %arg8[%dma_wait3A_413, %dma_wait3A_414] : memref<3072x16xf32, #tpu.memory_space<vmem>> -> memref<128x16xf32, #tpu.memory_space<vmem>>
    %dma_wait3A_416 = arith.constant 256 : i32
    %dma_wait3A_417 = tpu.memref_slice %arg6[%dma_wait3A_416] : memref<3072xi32, #tpu.memory_space<vmem>> -> memref<128xi32, #tpu.memory_space<vmem>>
    %dma_wait3A_418 = arith.constant 0 : i32
    %dma_wait3A_419 = arith.constant 0 : i32
    %dma_wait3A_420 = tpu.memref_slice %arg2[%dma_wait3A_418, %dma_wait3A_419] : memref<2230272x16xf32, #tpu.memory_space<hbm>> -> memref<2230272x16xf32, #tpu.memory_space<hbm>>
    tpu.wait_indirect_dma semaphore(%arg12 : memref<!tpu.dma_semaphore, #tpu.memory_space<semaphore_mem>>) src(%dma_wait3A_420 : memref<2230272x16xf32, #tpu.memory_space<hbm>>) dst(%dma_wait3A_415 : memref<128x16xf32, #tpu.memory_space<vmem>>)
    %dma_wait3A_421 = arith.constant 384 : i32
    %dma_wait3A_422 = arith.constant 0 : i32
    %dma_wait3A_423 = tpu.memref_slice %arg8[%dma_wait3A_421, %dma_wait3A_422] : memref<3072x16xf32, #tpu.memory_space<vmem>> -> memref<128x16xf32, #tpu.memory_space<vmem>>
    %dma_wait3A_424 = arith.constant 384 : i32
    %dma_wait3A_425 = tpu.memref_slice %arg6[%dma_wait3A_424] : memref<3072xi32, #tpu.memory_space<vmem>> -> memref<128xi32, #tpu.memory_space<vmem>>
    %dma_wait3A_426 = arith.constant 0 : i32
    %dma_wait3A_427 = arith.constant 0 : i32
    %dma_wait3A_428 = tpu.memref_slice %arg2[%dma_wait3A_426, %dma_wait3A_427] : memref<2230272x16xf32, #tpu.memory_space<hbm>> -> memref<2230272x16xf32, #tpu.memory_space<hbm>>
    tpu.wait_indirect_dma semaphore(%arg12 : memref<!tpu.dma_semaphore, #tpu.memory_space<semaphore_mem>>) src(%dma_wait3A_428 : memref<2230272x16xf32, #tpu.memory_space<hbm>>) dst(%dma_wait3A_423 : memref<128x16xf32, #tpu.memory_space<vmem>>)
    %dma_wait3A_429 = arith.constant 512 : i32
    %dma_wait3A_430 = arith.constant 0 : i32
    %dma_wait3A_431 = tpu.memref_slice %arg8[%dma_wait3A_429, %dma_wait3A_430] : memref<3072x16xf32, #tpu.memory_space<vmem>> -> memref<128x16xf32, #tpu.memory_space<vmem>>
    %dma_wait3A_432 = arith.constant 512 : i32
    %dma_wait3A_433 = tpu.memref_slice %arg6[%dma_wait3A_432] : memref<3072xi32, #tpu.memory_space<vmem>> -> memref<128xi32, #tpu.memory_space<vmem>>
    %dma_wait3A_434 = arith.constant 0 : i32
    %dma_wait3A_435 = arith.constant 0 : i32
    %dma_wait3A_436 = tpu.memref_slice %arg2[%dma_wait3A_434, %dma_wait3A_435] : memref<2230272x16xf32, #tpu.memory_space<hbm>> -> memref<2230272x16xf32, #tpu.memory_space<hbm>>
    tpu.wait_indirect_dma semaphore(%arg12 : memref<!tpu.dma_semaphore, #tpu.memory_space<semaphore_mem>>) src(%dma_wait3A_436 : memref<2230272x16xf32, #tpu.memory_space<hbm>>) dst(%dma_wait3A_431 : memref<128x16xf32, #tpu.memory_space<vmem>>)
    %dma_wait3A_437 = arith.constant 640 : i32
    %dma_wait3A_438 = arith.constant 0 : i32
    %dma_wait3A_439 = tpu.memref_slice %arg8[%dma_wait3A_437, %dma_wait3A_438] : memref<3072x16xf32, #tpu.memory_space<vmem>> -> memref<128x16xf32, #tpu.memory_space<vmem>>
    %dma_wait3A_440 = arith.constant 640 : i32
    %dma_wait3A_441 = tpu.memref_slice %arg6[%dma_wait3A_440] : memref<3072xi32, #tpu.memory_space<vmem>> -> memref<128xi32, #tpu.memory_space<vmem>>
    %dma_wait3A_442 = arith.constant 0 : i32
    %dma_wait3A_443 = arith.constant 0 : i32
    %dma_wait3A_444 = tpu.memref_slice %arg2[%dma_wait3A_442, %dma_wait3A_443] : memref<2230272x16xf32, #tpu.memory_space<hbm>> -> memref<2230272x16xf32, #tpu.memory_space<hbm>>
    tpu.wait_indirect_dma semaphore(%arg12 : memref<!tpu.dma_semaphore, #tpu.memory_space<semaphore_mem>>) src(%dma_wait3A_444 : memref<2230272x16xf32, #tpu.memory_space<hbm>>) dst(%dma_wait3A_439 : memref<128x16xf32, #tpu.memory_space<vmem>>)
    %dma_wait3A_445 = arith.constant 768 : i32
    %dma_wait3A_446 = arith.constant 0 : i32
    %dma_wait3A_447 = tpu.memref_slice %arg8[%dma_wait3A_445, %dma_wait3A_446] : memref<3072x16xf32, #tpu.memory_space<vmem>> -> memref<128x16xf32, #tpu.memory_space<vmem>>
    %dma_wait3A_448 = arith.constant 768 : i32
    %dma_wait3A_449 = tpu.memref_slice %arg6[%dma_wait3A_448] : memref<3072xi32, #tpu.memory_space<vmem>> -> memref<128xi32, #tpu.memory_space<vmem>>
    %dma_wait3A_450 = arith.constant 0 : i32
    %dma_wait3A_451 = arith.constant 0 : i32
    %dma_wait3A_452 = tpu.memref_slice %arg2[%dma_wait3A_450, %dma_wait3A_451] : memref<2230272x16xf32, #tpu.memory_space<hbm>> -> memref<2230272x16xf32, #tpu.memory_space<hbm>>
    tpu.wait_indirect_dma semaphore(%arg12 : memref<!tpu.dma_semaphore, #tpu.memory_space<semaphore_mem>>) src(%dma_wait3A_452 : memref<2230272x16xf32, #tpu.memory_space<hbm>>) dst(%dma_wait3A_447 : memref<128x16xf32, #tpu.memory_space<vmem>>)
    %dma_wait3A_453 = arith.constant 896 : i32
    %dma_wait3A_454 = arith.constant 0 : i32
    %dma_wait3A_455 = tpu.memref_slice %arg8[%dma_wait3A_453, %dma_wait3A_454] : memref<3072x16xf32, #tpu.memory_space<vmem>> -> memref<128x16xf32, #tpu.memory_space<vmem>>
    %dma_wait3A_456 = arith.constant 896 : i32
    %dma_wait3A_457 = tpu.memref_slice %arg6[%dma_wait3A_456] : memref<3072xi32, #tpu.memory_space<vmem>> -> memref<128xi32, #tpu.memory_space<vmem>>
    %dma_wait3A_458 = arith.constant 0 : i32
    %dma_wait3A_459 = arith.constant 0 : i32
    %dma_wait3A_460 = tpu.memref_slice %arg2[%dma_wait3A_458, %dma_wait3A_459] : memref<2230272x16xf32, #tpu.memory_space<hbm>> -> memref<2230272x16xf32, #tpu.memory_space<hbm>>
    tpu.wait_indirect_dma semaphore(%arg12 : memref<!tpu.dma_semaphore, #tpu.memory_space<semaphore_mem>>) src(%dma_wait3A_460 : memref<2230272x16xf32, #tpu.memory_space<hbm>>) dst(%dma_wait3A_455 : memref<128x16xf32, #tpu.memory_space<vmem>>)
    %dma_wait3A_461 = arith.constant 1024 : i32
    %dma_wait3A_462 = arith.constant 0 : i32
    %dma_wait3A_463 = tpu.memref_slice %arg8[%dma_wait3A_461, %dma_wait3A_462] : memref<3072x16xf32, #tpu.memory_space<vmem>> -> memref<128x16xf32, #tpu.memory_space<vmem>>
    %dma_wait3A_464 = arith.constant 1024 : i32
    %dma_wait3A_465 = tpu.memref_slice %arg6[%dma_wait3A_464] : memref<3072xi32, #tpu.memory_space<vmem>> -> memref<128xi32, #tpu.memory_space<vmem>>
    %dma_wait3A_466 = arith.constant 0 : i32
    %dma_wait3A_467 = arith.constant 0 : i32
    %dma_wait3A_468 = tpu.memref_slice %arg2[%dma_wait3A_466, %dma_wait3A_467] : memref<2230272x16xf32, #tpu.memory_space<hbm>> -> memref<2230272x16xf32, #tpu.memory_space<hbm>>
    tpu.wait_indirect_dma semaphore(%arg12 : memref<!tpu.dma_semaphore, #tpu.memory_space<semaphore_mem>>) src(%dma_wait3A_468 : memref<2230272x16xf32, #tpu.memory_space<hbm>>) dst(%dma_wait3A_463 : memref<128x16xf32, #tpu.memory_space<vmem>>)
    %dma_wait3A_469 = arith.constant 1152 : i32
    %dma_wait3A_470 = arith.constant 0 : i32
    %dma_wait3A_471 = tpu.memref_slice %arg8[%dma_wait3A_469, %dma_wait3A_470] : memref<3072x16xf32, #tpu.memory_space<vmem>> -> memref<128x16xf32, #tpu.memory_space<vmem>>
    %dma_wait3A_472 = arith.constant 1152 : i32
    %dma_wait3A_473 = tpu.memref_slice %arg6[%dma_wait3A_472] : memref<3072xi32, #tpu.memory_space<vmem>> -> memref<128xi32, #tpu.memory_space<vmem>>
    %dma_wait3A_474 = arith.constant 0 : i32
    %dma_wait3A_475 = arith.constant 0 : i32
    %dma_wait3A_476 = tpu.memref_slice %arg2[%dma_wait3A_474, %dma_wait3A_475] : memref<2230272x16xf32, #tpu.memory_space<hbm>> -> memref<2230272x16xf32, #tpu.memory_space<hbm>>
    tpu.wait_indirect_dma semaphore(%arg12 : memref<!tpu.dma_semaphore, #tpu.memory_space<semaphore_mem>>) src(%dma_wait3A_476 : memref<2230272x16xf32, #tpu.memory_space<hbm>>) dst(%dma_wait3A_471 : memref<128x16xf32, #tpu.memory_space<vmem>>)
    %dma_wait3A_477 = arith.constant 1280 : i32
    %dma_wait3A_478 = arith.constant 0 : i32
    %dma_wait3A_479 = tpu.memref_slice %arg8[%dma_wait3A_477, %dma_wait3A_478] : memref<3072x16xf32, #tpu.memory_space<vmem>> -> memref<128x16xf32, #tpu.memory_space<vmem>>
    %dma_wait3A_480 = arith.constant 1280 : i32
    %dma_wait3A_481 = tpu.memref_slice %arg6[%dma_wait3A_480] : memref<3072xi32, #tpu.memory_space<vmem>> -> memref<128xi32, #tpu.memory_space<vmem>>
    %dma_wait3A_482 = arith.constant 0 : i32
    %dma_wait3A_483 = arith.constant 0 : i32
    %dma_wait3A_484 = tpu.memref_slice %arg2[%dma_wait3A_482, %dma_wait3A_483] : memref<2230272x16xf32, #tpu.memory_space<hbm>> -> memref<2230272x16xf32, #tpu.memory_space<hbm>>
    tpu.wait_indirect_dma semaphore(%arg12 : memref<!tpu.dma_semaphore, #tpu.memory_space<semaphore_mem>>) src(%dma_wait3A_484 : memref<2230272x16xf32, #tpu.memory_space<hbm>>) dst(%dma_wait3A_479 : memref<128x16xf32, #tpu.memory_space<vmem>>)
    %dma_wait3A_485 = arith.constant 1408 : i32
    %dma_wait3A_486 = arith.constant 0 : i32
    %dma_wait3A_487 = tpu.memref_slice %arg8[%dma_wait3A_485, %dma_wait3A_486] : memref<3072x16xf32, #tpu.memory_space<vmem>> -> memref<128x16xf32, #tpu.memory_space<vmem>>
    %dma_wait3A_488 = arith.constant 1408 : i32
    %dma_wait3A_489 = tpu.memref_slice %arg6[%dma_wait3A_488] : memref<3072xi32, #tpu.memory_space<vmem>> -> memref<128xi32, #tpu.memory_space<vmem>>
    %dma_wait3A_490 = arith.constant 0 : i32
    %dma_wait3A_491 = arith.constant 0 : i32
    %dma_wait3A_492 = tpu.memref_slice %arg2[%dma_wait3A_490, %dma_wait3A_491] : memref<2230272x16xf32, #tpu.memory_space<hbm>> -> memref<2230272x16xf32, #tpu.memory_space<hbm>>
    tpu.wait_indirect_dma semaphore(%arg12 : memref<!tpu.dma_semaphore, #tpu.memory_space<semaphore_mem>>) src(%dma_wait3A_492 : memref<2230272x16xf32, #tpu.memory_space<hbm>>) dst(%dma_wait3A_487 : memref<128x16xf32, #tpu.memory_space<vmem>>)
    %dma_wait3A_493 = arith.constant 1536 : i32
    %dma_wait3A_494 = arith.constant 0 : i32
    %dma_wait3A_495 = tpu.memref_slice %arg8[%dma_wait3A_493, %dma_wait3A_494] : memref<3072x16xf32, #tpu.memory_space<vmem>> -> memref<128x16xf32, #tpu.memory_space<vmem>>
    %dma_wait3A_496 = arith.constant 1536 : i32
    %dma_wait3A_497 = tpu.memref_slice %arg6[%dma_wait3A_496] : memref<3072xi32, #tpu.memory_space<vmem>> -> memref<128xi32, #tpu.memory_space<vmem>>
    %dma_wait3A_498 = arith.constant 0 : i32
    %dma_wait3A_499 = arith.constant 0 : i32
    %dma_wait3A_500 = tpu.memref_slice %arg2[%dma_wait3A_498, %dma_wait3A_499] : memref<2230272x16xf32, #tpu.memory_space<hbm>> -> memref<2230272x16xf32, #tpu.memory_space<hbm>>
    tpu.wait_indirect_dma semaphore(%arg12 : memref<!tpu.dma_semaphore, #tpu.memory_space<semaphore_mem>>) src(%dma_wait3A_500 : memref<2230272x16xf32, #tpu.memory_space<hbm>>) dst(%dma_wait3A_495 : memref<128x16xf32, #tpu.memory_space<vmem>>)
    %dma_wait3A_501 = arith.constant 1664 : i32
    %dma_wait3A_502 = arith.constant 0 : i32
    %dma_wait3A_503 = tpu.memref_slice %arg8[%dma_wait3A_501, %dma_wait3A_502] : memref<3072x16xf32, #tpu.memory_space<vmem>> -> memref<128x16xf32, #tpu.memory_space<vmem>>
    %dma_wait3A_504 = arith.constant 1664 : i32
    %dma_wait3A_505 = tpu.memref_slice %arg6[%dma_wait3A_504] : memref<3072xi32, #tpu.memory_space<vmem>> -> memref<128xi32, #tpu.memory_space<vmem>>
    %dma_wait3A_506 = arith.constant 0 : i32
    %dma_wait3A_507 = arith.constant 0 : i32
    %dma_wait3A_508 = tpu.memref_slice %arg2[%dma_wait3A_506, %dma_wait3A_507] : memref<2230272x16xf32, #tpu.memory_space<hbm>> -> memref<2230272x16xf32, #tpu.memory_space<hbm>>
    tpu.wait_indirect_dma semaphore(%arg12 : memref<!tpu.dma_semaphore, #tpu.memory_space<semaphore_mem>>) src(%dma_wait3A_508 : memref<2230272x16xf32, #tpu.memory_space<hbm>>) dst(%dma_wait3A_503 : memref<128x16xf32, #tpu.memory_space<vmem>>)
    %dma_wait3A_509 = arith.constant 1792 : i32
    %dma_wait3A_510 = arith.constant 0 : i32
    %dma_wait3A_511 = tpu.memref_slice %arg8[%dma_wait3A_509, %dma_wait3A_510] : memref<3072x16xf32, #tpu.memory_space<vmem>> -> memref<128x16xf32, #tpu.memory_space<vmem>>
    %dma_wait3A_512 = arith.constant 1792 : i32
    %dma_wait3A_513 = tpu.memref_slice %arg6[%dma_wait3A_512] : memref<3072xi32, #tpu.memory_space<vmem>> -> memref<128xi32, #tpu.memory_space<vmem>>
    %dma_wait3A_514 = arith.constant 0 : i32
    %dma_wait3A_515 = arith.constant 0 : i32
    %dma_wait3A_516 = tpu.memref_slice %arg2[%dma_wait3A_514, %dma_wait3A_515] : memref<2230272x16xf32, #tpu.memory_space<hbm>> -> memref<2230272x16xf32, #tpu.memory_space<hbm>>
    tpu.wait_indirect_dma semaphore(%arg12 : memref<!tpu.dma_semaphore, #tpu.memory_space<semaphore_mem>>) src(%dma_wait3A_516 : memref<2230272x16xf32, #tpu.memory_space<hbm>>) dst(%dma_wait3A_511 : memref<128x16xf32, #tpu.memory_space<vmem>>)
    %dma_wait3A_517 = arith.constant 1920 : i32
    %dma_wait3A_518 = arith.constant 0 : i32
    %dma_wait3A_519 = tpu.memref_slice %arg8[%dma_wait3A_517, %dma_wait3A_518] : memref<3072x16xf32, #tpu.memory_space<vmem>> -> memref<128x16xf32, #tpu.memory_space<vmem>>
    %dma_wait3A_520 = arith.constant 1920 : i32
    %dma_wait3A_521 = tpu.memref_slice %arg6[%dma_wait3A_520] : memref<3072xi32, #tpu.memory_space<vmem>> -> memref<128xi32, #tpu.memory_space<vmem>>
    %dma_wait3A_522 = arith.constant 0 : i32
    %dma_wait3A_523 = arith.constant 0 : i32
    %dma_wait3A_524 = tpu.memref_slice %arg2[%dma_wait3A_522, %dma_wait3A_523] : memref<2230272x16xf32, #tpu.memory_space<hbm>> -> memref<2230272x16xf32, #tpu.memory_space<hbm>>
    tpu.wait_indirect_dma semaphore(%arg12 : memref<!tpu.dma_semaphore, #tpu.memory_space<semaphore_mem>>) src(%dma_wait3A_524 : memref<2230272x16xf32, #tpu.memory_space<hbm>>) dst(%dma_wait3A_519 : memref<128x16xf32, #tpu.memory_space<vmem>>)
    %dma_wait3A_525 = arith.constant 2048 : i32
    %dma_wait3A_526 = arith.constant 0 : i32
    %dma_wait3A_527 = tpu.memref_slice %arg8[%dma_wait3A_525, %dma_wait3A_526] : memref<3072x16xf32, #tpu.memory_space<vmem>> -> memref<128x16xf32, #tpu.memory_space<vmem>>
    %dma_wait3A_528 = arith.constant 2048 : i32
    %dma_wait3A_529 = tpu.memref_slice %arg6[%dma_wait3A_528] : memref<3072xi32, #tpu.memory_space<vmem>> -> memref<128xi32, #tpu.memory_space<vmem>>
    %dma_wait3A_530 = arith.constant 0 : i32
    %dma_wait3A_531 = arith.constant 0 : i32
    %dma_wait3A_532 = tpu.memref_slice %arg2[%dma_wait3A_530, %dma_wait3A_531] : memref<2230272x16xf32, #tpu.memory_space<hbm>> -> memref<2230272x16xf32, #tpu.memory_space<hbm>>
    tpu.wait_indirect_dma semaphore(%arg12 : memref<!tpu.dma_semaphore, #tpu.memory_space<semaphore_mem>>) src(%dma_wait3A_532 : memref<2230272x16xf32, #tpu.memory_space<hbm>>) dst(%dma_wait3A_527 : memref<128x16xf32, #tpu.memory_space<vmem>>)
    %dma_wait3A_533 = arith.constant 2176 : i32
    %dma_wait3A_534 = arith.constant 0 : i32
    %dma_wait3A_535 = tpu.memref_slice %arg8[%dma_wait3A_533, %dma_wait3A_534] : memref<3072x16xf32, #tpu.memory_space<vmem>> -> memref<128x16xf32, #tpu.memory_space<vmem>>
    %dma_wait3A_536 = arith.constant 2176 : i32
    %dma_wait3A_537 = tpu.memref_slice %arg6[%dma_wait3A_536] : memref<3072xi32, #tpu.memory_space<vmem>> -> memref<128xi32, #tpu.memory_space<vmem>>
    %dma_wait3A_538 = arith.constant 0 : i32
    %dma_wait3A_539 = arith.constant 0 : i32
    %dma_wait3A_540 = tpu.memref_slice %arg2[%dma_wait3A_538, %dma_wait3A_539] : memref<2230272x16xf32, #tpu.memory_space<hbm>> -> memref<2230272x16xf32, #tpu.memory_space<hbm>>
    tpu.wait_indirect_dma semaphore(%arg12 : memref<!tpu.dma_semaphore, #tpu.memory_space<semaphore_mem>>) src(%dma_wait3A_540 : memref<2230272x16xf32, #tpu.memory_space<hbm>>) dst(%dma_wait3A_535 : memref<128x16xf32, #tpu.memory_space<vmem>>)
    %dma_wait3A_541 = arith.constant 2304 : i32
    %dma_wait3A_542 = arith.constant 0 : i32
    %dma_wait3A_543 = tpu.memref_slice %arg8[%dma_wait3A_541, %dma_wait3A_542] : memref<3072x16xf32, #tpu.memory_space<vmem>> -> memref<128x16xf32, #tpu.memory_space<vmem>>
    %dma_wait3A_544 = arith.constant 2304 : i32
    %dma_wait3A_545 = tpu.memref_slice %arg6[%dma_wait3A_544] : memref<3072xi32, #tpu.memory_space<vmem>> -> memref<128xi32, #tpu.memory_space<vmem>>
    %dma_wait3A_546 = arith.constant 0 : i32
    %dma_wait3A_547 = arith.constant 0 : i32
    %dma_wait3A_548 = tpu.memref_slice %arg2[%dma_wait3A_546, %dma_wait3A_547] : memref<2230272x16xf32, #tpu.memory_space<hbm>> -> memref<2230272x16xf32, #tpu.memory_space<hbm>>
    tpu.wait_indirect_dma semaphore(%arg12 : memref<!tpu.dma_semaphore, #tpu.memory_space<semaphore_mem>>) src(%dma_wait3A_548 : memref<2230272x16xf32, #tpu.memory_space<hbm>>) dst(%dma_wait3A_543 : memref<128x16xf32, #tpu.memory_space<vmem>>)
    %dma_wait3A_549 = arith.constant 2432 : i32
    %dma_wait3A_550 = arith.constant 0 : i32
    %dma_wait3A_551 = tpu.memref_slice %arg8[%dma_wait3A_549, %dma_wait3A_550] : memref<3072x16xf32, #tpu.memory_space<vmem>> -> memref<128x16xf32, #tpu.memory_space<vmem>>
    %dma_wait3A_552 = arith.constant 2432 : i32
    %dma_wait3A_553 = tpu.memref_slice %arg6[%dma_wait3A_552] : memref<3072xi32, #tpu.memory_space<vmem>> -> memref<128xi32, #tpu.memory_space<vmem>>
    %dma_wait3A_554 = arith.constant 0 : i32
    %dma_wait3A_555 = arith.constant 0 : i32
    %dma_wait3A_556 = tpu.memref_slice %arg2[%dma_wait3A_554, %dma_wait3A_555] : memref<2230272x16xf32, #tpu.memory_space<hbm>> -> memref<2230272x16xf32, #tpu.memory_space<hbm>>
    tpu.wait_indirect_dma semaphore(%arg12 : memref<!tpu.dma_semaphore, #tpu.memory_space<semaphore_mem>>) src(%dma_wait3A_556 : memref<2230272x16xf32, #tpu.memory_space<hbm>>) dst(%dma_wait3A_551 : memref<128x16xf32, #tpu.memory_space<vmem>>)
    %dma_wait3A_557 = arith.constant 2560 : i32
    %dma_wait3A_558 = arith.constant 0 : i32
    %dma_wait3A_559 = tpu.memref_slice %arg8[%dma_wait3A_557, %dma_wait3A_558] : memref<3072x16xf32, #tpu.memory_space<vmem>> -> memref<128x16xf32, #tpu.memory_space<vmem>>
    %dma_wait3A_560 = arith.constant 2560 : i32
    %dma_wait3A_561 = tpu.memref_slice %arg6[%dma_wait3A_560] : memref<3072xi32, #tpu.memory_space<vmem>> -> memref<128xi32, #tpu.memory_space<vmem>>
    %dma_wait3A_562 = arith.constant 0 : i32
    %dma_wait3A_563 = arith.constant 0 : i32
    %dma_wait3A_564 = tpu.memref_slice %arg2[%dma_wait3A_562, %dma_wait3A_563] : memref<2230272x16xf32, #tpu.memory_space<hbm>> -> memref<2230272x16xf32, #tpu.memory_space<hbm>>
    tpu.wait_indirect_dma semaphore(%arg12 : memref<!tpu.dma_semaphore, #tpu.memory_space<semaphore_mem>>) src(%dma_wait3A_564 : memref<2230272x16xf32, #tpu.memory_space<hbm>>) dst(%dma_wait3A_559 : memref<128x16xf32, #tpu.memory_space<vmem>>)
    %dma_wait3A_565 = arith.constant 2688 : i32
    %dma_wait3A_566 = arith.constant 0 : i32
    %dma_wait3A_567 = tpu.memref_slice %arg8[%dma_wait3A_565, %dma_wait3A_566] : memref<3072x16xf32, #tpu.memory_space<vmem>> -> memref<128x16xf32, #tpu.memory_space<vmem>>
    %dma_wait3A_568 = arith.constant 2688 : i32
    %dma_wait3A_569 = tpu.memref_slice %arg6[%dma_wait3A_568] : memref<3072xi32, #tpu.memory_space<vmem>> -> memref<128xi32, #tpu.memory_space<vmem>>
    %dma_wait3A_570 = arith.constant 0 : i32
    %dma_wait3A_571 = arith.constant 0 : i32
    %dma_wait3A_572 = tpu.memref_slice %arg2[%dma_wait3A_570, %dma_wait3A_571] : memref<2230272x16xf32, #tpu.memory_space<hbm>> -> memref<2230272x16xf32, #tpu.memory_space<hbm>>
    tpu.wait_indirect_dma semaphore(%arg12 : memref<!tpu.dma_semaphore, #tpu.memory_space<semaphore_mem>>) src(%dma_wait3A_572 : memref<2230272x16xf32, #tpu.memory_space<hbm>>) dst(%dma_wait3A_567 : memref<128x16xf32, #tpu.memory_space<vmem>>)
    %dma_wait3A_573 = arith.constant 2816 : i32
    %dma_wait3A_574 = arith.constant 0 : i32
    %dma_wait3A_575 = tpu.memref_slice %arg8[%dma_wait3A_573, %dma_wait3A_574] : memref<3072x16xf32, #tpu.memory_space<vmem>> -> memref<128x16xf32, #tpu.memory_space<vmem>>
    %dma_wait3A_576 = arith.constant 2816 : i32
    %dma_wait3A_577 = tpu.memref_slice %arg6[%dma_wait3A_576] : memref<3072xi32, #tpu.memory_space<vmem>> -> memref<128xi32, #tpu.memory_space<vmem>>
    %dma_wait3A_578 = arith.constant 0 : i32
    %dma_wait3A_579 = arith.constant 0 : i32
    %dma_wait3A_580 = tpu.memref_slice %arg2[%dma_wait3A_578, %dma_wait3A_579] : memref<2230272x16xf32, #tpu.memory_space<hbm>> -> memref<2230272x16xf32, #tpu.memory_space<hbm>>
    tpu.wait_indirect_dma semaphore(%arg12 : memref<!tpu.dma_semaphore, #tpu.memory_space<semaphore_mem>>) src(%dma_wait3A_580 : memref<2230272x16xf32, #tpu.memory_space<hbm>>) dst(%dma_wait3A_575 : memref<128x16xf32, #tpu.memory_space<vmem>>)
    %dma_wait3A_581 = arith.constant 2944 : i32
    %dma_wait3A_582 = arith.constant 0 : i32
    %dma_wait3A_583 = tpu.memref_slice %arg8[%dma_wait3A_581, %dma_wait3A_582] : memref<3072x16xf32, #tpu.memory_space<vmem>> -> memref<128x16xf32, #tpu.memory_space<vmem>>
    %dma_wait3A_584 = arith.constant 2944 : i32
    %dma_wait3A_585 = tpu.memref_slice %arg6[%dma_wait3A_584] : memref<3072xi32, #tpu.memory_space<vmem>> -> memref<128xi32, #tpu.memory_space<vmem>>
    %dma_wait3A_586 = arith.constant 0 : i32
    %dma_wait3A_587 = arith.constant 0 : i32
    %dma_wait3A_588 = tpu.memref_slice %arg2[%dma_wait3A_586, %dma_wait3A_587] : memref<2230272x16xf32, #tpu.memory_space<hbm>> -> memref<2230272x16xf32, #tpu.memory_space<hbm>>
    tpu.wait_indirect_dma semaphore(%arg12 : memref<!tpu.dma_semaphore, #tpu.memory_space<semaphore_mem>>) src(%dma_wait3A_588 : memref<2230272x16xf32, #tpu.memory_space<hbm>>) dst(%dma_wait3A_583 : memref<128x16xf32, #tpu.memory_space<vmem>>)
    %add3A_589 = arith.constant 0 : i32
    %add3A_590 = arith.addi %mul3A_2, %add3A_589 : i32
    %mul3A_591 = arith.constant 32 : i32
    %mul3A_592 = arith.muli %add3A_590, %mul3A_591 : i32
    "tpu.region"() ({
      %run_scoped3A = tpu.sem_alloc : memref<!tpu.dma_semaphore, #tpu.memory_space<semaphore_mem>>
      %dma_start3A_1600 = tpu.memref_slice %arg4[%mul3A_592] : memref<131072xi32, #tpu.memory_space<hbm>> -> memref<1024xi32, #tpu.memory_space<hbm>>
      %dma_start3A_1601 = tpu.memref_slice %arg4[%mul3A_592] : memref<131072xi32, #tpu.memory_space<hbm>> -> memref<1024xi32, #tpu.memory_space<hbm>>
      tpu.enqueue_dma source(%dma_start3A_1601 : memref<1024xi32, #tpu.memory_space<hbm>>) target(%arg10 : memref<1024xi32, #tpu.memory_space<vmem>>) target_semaphore(%run_scoped3A : memref<!tpu.dma_semaphore, #tpu.memory_space<semaphore_mem>>)
      %dma_wait3A_1602 = tpu.memref_slice %arg4[%mul3A_592] : memref<131072xi32, #tpu.memory_space<hbm>> -> memref<1024xi32, #tpu.memory_space<hbm>>
      %dma_wait3A_1603 = tpu.memref_slice %arg4[%mul3A_592] : memref<131072xi32, #tpu.memory_space<hbm>> -> memref<1024xi32, #tpu.memory_space<hbm>>
      tpu.wait_dma2 semaphore(%run_scoped3A : memref<!tpu.dma_semaphore, #tpu.memory_space<semaphore_mem>>) src(%dma_wait3A_1603 : memref<1024xi32, #tpu.memory_space<hbm>>) dst(%arg10 : memref<1024xi32, #tpu.memory_space<vmem>>)
      tpu.yield
    }) : () -> ()
    %scan3A = arith.constant 0 : i32
    %scan3A_593 = arith.constant 0 : i32
    %scan3A_594 = arith.constant 64 : i32
    %scan3A_595 = arith.addi %scan3A_593, %scan3A_594 : i32
    %scan3A_596 = arith.constant 1 : i32
    scf.for %scan3A_1600 = %scan3A_593 to %scan3A_595 step %scan3A_596  : i32 {
      %mul3A_1601 = arith.constant 16 : i32
      %mul3A_1602 = arith.muli %scan3A_1600, %mul3A_1601 : i32
      %get3A = arith.index_cast %mul3A_1602 : i32 to index
      %get3A_1603 = tpu.vector_load %arg10[%get3A] {strides = array<i32>} : memref<1024xi32, #tpu.memory_space<vmem>>, vector<16xi32>,
      %shift_right_arithmetic3A = arith.constant 4 : i32
      %shift_right_arithmetic3A_1604 = vector.broadcast %shift_right_arithmetic3A : i32 to vector<16xi32>
      %shift_right_arithmetic3A_1605 = arith.shrsi %get3A_1603, %shift_right_arithmetic3A_1604 : vector<16xi32>
      %and3A = arith.constant 15 : i32
      %and3A_1606 = vector.broadcast %and3A : i32 to vector<16xi32>
      %and3A_1607 = arith.andi %get3A_1603, %and3A_1606 : vector<16xi32>
      %gather3A = tpu.vector_load_idx %arg8[%shift_right_arithmetic3A_1605, %and3A_1607] : memref<3072x16xf32, #tpu.memory_space<vmem>>[vector<16xi32>, vector<16xi32>], vector<16xf32>,
      %add3A_1608 = arith.constant 1 : i32
      %add3A_1609 = vector.broadcast %add3A_1608 : i32 to vector<16xi32>
      %add3A_1610 = arith.addi %get3A_1603, %add3A_1609 : vector<16xi32>
      %shift_right_arithmetic3A_1611 = arith.constant 4 : i32
      %shift_right_arithmetic3A_1612 = vector.broadcast %shift_right_arithmetic3A_1611 : i32 to vector<16xi32>
      %shift_right_arithmetic3A_1613 = arith.shrsi %add3A_1610, %shift_right_arithmetic3A_1612 : vector<16xi32>
      %and3A_1614 = arith.constant 15 : i32
      %and3A_1615 = vector.broadcast %and3A_1614 : i32 to vector<16xi32>
      %and3A_1616 = arith.andi %add3A_1610, %and3A_1615 : vector<16xi32>
      %gather3A_1617 = tpu.vector_load_idx %arg8[%shift_right_arithmetic3A_1613, %and3A_1616] : memref<3072x16xf32, #tpu.memory_space<vmem>>[vector<16xi32>, vector<16xi32>], vector<16xf32>,
      %add3A_1618 = arith.addf %gather3A, %gather3A_1617 : vector<16xf32>
      %add3A_1619 = arith.constant 2 : i32
      %add3A_1620 = vector.broadcast %add3A_1619 : i32 to vector<16xi32>
      %add3A_1621 = arith.addi %get3A_1603, %add3A_1620 : vector<16xi32>
      %shift_right_arithmetic3A_1622 = arith.constant 4 : i32
      %shift_right_arithmetic3A_1623 = vector.broadcast %shift_right_arithmetic3A_1622 : i32 to vector<16xi32>
      %shift_right_arithmetic3A_1624 = arith.shrsi %add3A_1621, %shift_right_arithmetic3A_1623 : vector<16xi32>
      %and3A_1625 = arith.constant 15 : i32
      %and3A_1626 = vector.broadcast %and3A_1625 : i32 to vector<16xi32>
      %and3A_1627 = arith.andi %add3A_1621, %and3A_1626 : vector<16xi32>
      %gather3A_1628 = tpu.vector_load_idx %arg8[%shift_right_arithmetic3A_1624, %and3A_1627] : memref<3072x16xf32, #tpu.memory_space<vmem>>[vector<16xi32>, vector<16xi32>], vector<16xf32>,
      %add3A_1629 = arith.addf %add3A_1618, %gather3A_1628 : vector<16xf32>
      %add3A_1630 = arith.constant 3 : i32
      %add3A_1631 = vector.broadcast %add3A_1630 : i32 to vector<16xi32>
      %add3A_1632 = arith.addi %get3A_1603, %add3A_1631 : vector<16xi32>
      %shift_right_arithmetic3A_1633 = arith.constant 4 : i32
      %shift_right_arithmetic3A_1634 = vector.broadcast %shift_right_arithmetic3A_1633 : i32 to vector<16xi32>
      %shift_right_arithmetic3A_1635 = arith.shrsi %add3A_1632, %shift_right_arithmetic3A_1634 : vector<16xi32>
      %and3A_1636 = arith.constant 15 : i32
      %and3A_1637 = vector.broadcast %and3A_1636 : i32 to vector<16xi32>
      %and3A_1638 = arith.andi %add3A_1632, %and3A_1637 : vector<16xi32>
      %gather3A_1639 = tpu.vector_load_idx %arg8[%shift_right_arithmetic3A_1635, %and3A_1638] : memref<3072x16xf32, #tpu.memory_space<vmem>>[vector<16xi32>, vector<16xi32>], vector<16xf32>,
      %add3A_1640 = arith.addf %add3A_1629, %gather3A_1639 : vector<16xf32>
      %add3A_1641 = arith.constant 4 : i32
      %add3A_1642 = vector.broadcast %add3A_1641 : i32 to vector<16xi32>
      %add3A_1643 = arith.addi %get3A_1603, %add3A_1642 : vector<16xi32>
      %shift_right_arithmetic3A_1644 = arith.constant 4 : i32
      %shift_right_arithmetic3A_1645 = vector.broadcast %shift_right_arithmetic3A_1644 : i32 to vector<16xi32>
      %shift_right_arithmetic3A_1646 = arith.shrsi %add3A_1643, %shift_right_arithmetic3A_1645 : vector<16xi32>
      %and3A_1647 = arith.constant 15 : i32
      %and3A_1648 = vector.broadcast %and3A_1647 : i32 to vector<16xi32>
      %and3A_1649 = arith.andi %add3A_1643, %and3A_1648 : vector<16xi32>
      %gather3A_1650 = tpu.vector_load_idx %arg8[%shift_right_arithmetic3A_1646, %and3A_1649] : memref<3072x16xf32, #tpu.memory_space<vmem>>[vector<16xi32>, vector<16xi32>], vector<16xf32>,
      %add3A_1651 = arith.addf %add3A_1640, %gather3A_1650 : vector<16xf32>
      %add3A_1652 = arith.constant 5 : i32
      %add3A_1653 = vector.broadcast %add3A_1652 : i32 to vector<16xi32>
      %add3A_1654 = arith.addi %get3A_1603, %add3A_1653 : vector<16xi32>
      %shift_right_arithmetic3A_1655 = arith.constant 4 : i32
      %shift_right_arithmetic3A_1656 = vector.broadcast %shift_right_arithmetic3A_1655 : i32 to vector<16xi32>
      %shift_right_arithmetic3A_1657 = arith.shrsi %add3A_1654, %shift_right_arithmetic3A_1656 : vector<16xi32>
      %and3A_1658 = arith.constant 15 : i32
      %and3A_1659 = vector.broadcast %and3A_1658 : i32 to vector<16xi32>
      %and3A_1660 = arith.andi %add3A_1654, %and3A_1659 : vector<16xi32>
      %gather3A_1661 = tpu.vector_load_idx %arg8[%shift_right_arithmetic3A_1657, %and3A_1660] : memref<3072x16xf32, #tpu.memory_space<vmem>>[vector<16xi32>, vector<16xi32>], vector<16xf32>,
      %add3A_1662 = arith.addf %add3A_1651, %gather3A_1661 : vector<16xf32>
      %add3A_1663 = arith.constant 6 : i32
      %add3A_1664 = vector.broadcast %add3A_1663 : i32 to vector<16xi32>
      %add3A_1665 = arith.addi %get3A_1603, %add3A_1664 : vector<16xi32>
      %shift_right_arithmetic3A_1666 = arith.constant 4 : i32
      %shift_right_arithmetic3A_1667 = vector.broadcast %shift_right_arithmetic3A_1666 : i32 to vector<16xi32>
      %shift_right_arithmetic3A_1668 = arith.shrsi %add3A_1665, %shift_right_arithmetic3A_1667 : vector<16xi32>
      %and3A_1669 = arith.constant 15 : i32
      %and3A_1670 = vector.broadcast %and3A_1669 : i32 to vector<16xi32>
      %and3A_1671 = arith.andi %add3A_1665, %and3A_1670 : vector<16xi32>
      %gather3A_1672 = tpu.vector_load_idx %arg8[%shift_right_arithmetic3A_1668, %and3A_1671] : memref<3072x16xf32, #tpu.memory_space<vmem>>[vector<16xi32>, vector<16xi32>], vector<16xf32>,
      %add3A_1673 = arith.addf %add3A_1662, %gather3A_1672 : vector<16xf32>
      %add3A_1674 = arith.constant 7 : i32
      %add3A_1675 = vector.broadcast %add3A_1674 : i32 to vector<16xi32>
      %add3A_1676 = arith.addi %get3A_1603, %add3A_1675 : vector<16xi32>
      %shift_right_arithmetic3A_1677 = arith.constant 4 : i32
      %shift_right_arithmetic3A_1678 = vector.broadcast %shift_right_arithmetic3A_1677 : i32 to vector<16xi32>
      %shift_right_arithmetic3A_1679 = arith.shrsi %add3A_1676, %shift_right_arithmetic3A_1678 : vector<16xi32>
      %and3A_1680 = arith.constant 15 : i32
      %and3A_1681 = vector.broadcast %and3A_1680 : i32 to vector<16xi32>
      %and3A_1682 = arith.andi %add3A_1676, %and3A_1681 : vector<16xi32>
      %gather3A_1683 = tpu.vector_load_idx %arg8[%shift_right_arithmetic3A_1679, %and3A_1682] : memref<3072x16xf32, #tpu.memory_space<vmem>>[vector<16xi32>, vector<16xi32>], vector<16xf32>,
      %add3A_1684 = arith.addf %add3A_1673, %gather3A_1683 : vector<16xf32>
      %add3A_1685 = arith.constant 8 : i32
      %add3A_1686 = vector.broadcast %add3A_1685 : i32 to vector<16xi32>
      %add3A_1687 = arith.addi %get3A_1603, %add3A_1686 : vector<16xi32>
      %shift_right_arithmetic3A_1688 = arith.constant 4 : i32
      %shift_right_arithmetic3A_1689 = vector.broadcast %shift_right_arithmetic3A_1688 : i32 to vector<16xi32>
      %shift_right_arithmetic3A_1690 = arith.shrsi %add3A_1687, %shift_right_arithmetic3A_1689 : vector<16xi32>
      %and3A_1691 = arith.constant 15 : i32
      %and3A_1692 = vector.broadcast %and3A_1691 : i32 to vector<16xi32>
      %and3A_1693 = arith.andi %add3A_1687, %and3A_1692 : vector<16xi32>
      %gather3A_1694 = tpu.vector_load_idx %arg8[%shift_right_arithmetic3A_1690, %and3A_1693] : memref<3072x16xf32, #tpu.memory_space<vmem>>[vector<16xi32>, vector<16xi32>], vector<16xf32>,
      %add3A_1695 = arith.addf %add3A_1684, %gather3A_1694 : vector<16xf32>
      %add3A_1696 = arith.constant 9 : i32
      %add3A_1697 = vector.broadcast %add3A_1696 : i32 to vector<16xi32>
      %add3A_1698 = arith.addi %get3A_1603, %add3A_1697 : vector<16xi32>
      %shift_right_arithmetic3A_1699 = arith.constant 4 : i32
      %shift_right_arithmetic3A_1700 = vector.broadcast %shift_right_arithmetic3A_1699 : i32 to vector<16xi32>
      %shift_right_arithmetic3A_1701 = arith.shrsi %add3A_1698, %shift_right_arithmetic3A_1700 : vector<16xi32>
      %and3A_1702 = arith.constant 15 : i32
      %and3A_1703 = vector.broadcast %and3A_1702 : i32 to vector<16xi32>
      %and3A_1704 = arith.andi %add3A_1698, %and3A_1703 : vector<16xi32>
      %gather3A_1705 = tpu.vector_load_idx %arg8[%shift_right_arithmetic3A_1701, %and3A_1704] : memref<3072x16xf32, #tpu.memory_space<vmem>>[vector<16xi32>, vector<16xi32>], vector<16xf32>,
      %add3A_1706 = arith.addf %add3A_1695, %gather3A_1705 : vector<16xf32>
      %add3A_1707 = arith.constant 10 : i32
      %add3A_1708 = vector.broadcast %add3A_1707 : i32 to vector<16xi32>
      %add3A_1709 = arith.addi %get3A_1603, %add3A_1708 : vector<16xi32>
      %shift_right_arithmetic3A_1710 = arith.constant 4 : i32
      %shift_right_arithmetic3A_1711 = vector.broadcast %shift_right_arithmetic3A_1710 : i32 to vector<16xi32>
      %shift_right_arithmetic3A_1712 = arith.shrsi %add3A_1709, %shift_right_arithmetic3A_1711 : vector<16xi32>
      %and3A_1713 = arith.constant 15 : i32
      %and3A_1714 = vector.broadcast %and3A_1713 : i32 to vector<16xi32>
      %and3A_1715 = arith.andi %add3A_1709, %and3A_1714 : vector<16xi32>
      %gather3A_1716 = tpu.vector_load_idx %arg8[%shift_right_arithmetic3A_1712, %and3A_1715] : memref<3072x16xf32, #tpu.memory_space<vmem>>[vector<16xi32>, vector<16xi32>], vector<16xf32>,
      %add3A_1717 = arith.addf %add3A_1706, %gather3A_1716 : vector<16xf32>
      %add3A_1718 = arith.constant 11 : i32
      %add3A_1719 = vector.broadcast %add3A_1718 : i32 to vector<16xi32>
      %add3A_1720 = arith.addi %get3A_1603, %add3A_1719 : vector<16xi32>
      %shift_right_arithmetic3A_1721 = arith.constant 4 : i32
      %shift_right_arithmetic3A_1722 = vector.broadcast %shift_right_arithmetic3A_1721 : i32 to vector<16xi32>
      %shift_right_arithmetic3A_1723 = arith.shrsi %add3A_1720, %shift_right_arithmetic3A_1722 : vector<16xi32>
      %and3A_1724 = arith.constant 15 : i32
      %and3A_1725 = vector.broadcast %and3A_1724 : i32 to vector<16xi32>
      %and3A_1726 = arith.andi %add3A_1720, %and3A_1725 : vector<16xi32>
      %gather3A_1727 = tpu.vector_load_idx %arg8[%shift_right_arithmetic3A_1723, %and3A_1726] : memref<3072x16xf32, #tpu.memory_space<vmem>>[vector<16xi32>, vector<16xi32>], vector<16xf32>,
      %add3A_1728 = arith.addf %add3A_1717, %gather3A_1727 : vector<16xf32>
      %add3A_1729 = arith.constant 12 : i32
      %add3A_1730 = vector.broadcast %add3A_1729 : i32 to vector<16xi32>
      %add3A_1731 = arith.addi %get3A_1603, %add3A_1730 : vector<16xi32>
      %shift_right_arithmetic3A_1732 = arith.constant 4 : i32
      %shift_right_arithmetic3A_1733 = vector.broadcast %shift_right_arithmetic3A_1732 : i32 to vector<16xi32>
      %shift_right_arithmetic3A_1734 = arith.shrsi %add3A_1731, %shift_right_arithmetic3A_1733 : vector<16xi32>
      %and3A_1735 = arith.constant 15 : i32
      %and3A_1736 = vector.broadcast %and3A_1735 : i32 to vector<16xi32>
      %and3A_1737 = arith.andi %add3A_1731, %and3A_1736 : vector<16xi32>
      %gather3A_1738 = tpu.vector_load_idx %arg8[%shift_right_arithmetic3A_1734, %and3A_1737] : memref<3072x16xf32, #tpu.memory_space<vmem>>[vector<16xi32>, vector<16xi32>], vector<16xf32>,
      %add3A_1739 = arith.addf %add3A_1728, %gather3A_1738 : vector<16xf32>
      %add3A_1740 = arith.constant 13 : i32
      %add3A_1741 = vector.broadcast %add3A_1740 : i32 to vector<16xi32>
      %add3A_1742 = arith.addi %get3A_1603, %add3A_1741 : vector<16xi32>
      %shift_right_arithmetic3A_1743 = arith.constant 4 : i32
      %shift_right_arithmetic3A_1744 = vector.broadcast %shift_right_arithmetic3A_1743 : i32 to vector<16xi32>
      %shift_right_arithmetic3A_1745 = arith.shrsi %add3A_1742, %shift_right_arithmetic3A_1744 : vector<16xi32>
      %and3A_1746 = arith.constant 15 : i32
      %and3A_1747 = vector.broadcast %and3A_1746 : i32 to vector<16xi32>
      %and3A_1748 = arith.andi %add3A_1742, %and3A_1747 : vector<16xi32>
      %gather3A_1749 = tpu.vector_load_idx %arg8[%shift_right_arithmetic3A_1745, %and3A_1748] : memref<3072x16xf32, #tpu.memory_space<vmem>>[vector<16xi32>, vector<16xi32>], vector<16xf32>,
      %add3A_1750 = arith.addf %add3A_1739, %gather3A_1749 : vector<16xf32>
      %add3A_1751 = arith.constant 14 : i32
      %add3A_1752 = vector.broadcast %add3A_1751 : i32 to vector<16xi32>
      %add3A_1753 = arith.addi %get3A_1603, %add3A_1752 : vector<16xi32>
      %shift_right_arithmetic3A_1754 = arith.constant 4 : i32
      %shift_right_arithmetic3A_1755 = vector.broadcast %shift_right_arithmetic3A_1754 : i32 to vector<16xi32>
      %shift_right_arithmetic3A_1756 = arith.shrsi %add3A_1753, %shift_right_arithmetic3A_1755 : vector<16xi32>
      %and3A_1757 = arith.constant 15 : i32
      %and3A_1758 = vector.broadcast %and3A_1757 : i32 to vector<16xi32>
      %and3A_1759 = arith.andi %add3A_1753, %and3A_1758 : vector<16xi32>
      %gather3A_1760 = tpu.vector_load_idx %arg8[%shift_right_arithmetic3A_1756, %and3A_1759] : memref<3072x16xf32, #tpu.memory_space<vmem>>[vector<16xi32>, vector<16xi32>], vector<16xf32>,
      %add3A_1761 = arith.addf %add3A_1750, %gather3A_1760 : vector<16xf32>
      %add3A_1762 = arith.constant 15 : i32
      %add3A_1763 = vector.broadcast %add3A_1762 : i32 to vector<16xi32>
      %add3A_1764 = arith.addi %get3A_1603, %add3A_1763 : vector<16xi32>
      %shift_right_arithmetic3A_1765 = arith.constant 4 : i32
      %shift_right_arithmetic3A_1766 = vector.broadcast %shift_right_arithmetic3A_1765 : i32 to vector<16xi32>
      %shift_right_arithmetic3A_1767 = arith.shrsi %add3A_1764, %shift_right_arithmetic3A_1766 : vector<16xi32>
      %and3A_1768 = arith.constant 15 : i32
      %and3A_1769 = vector.broadcast %and3A_1768 : i32 to vector<16xi32>
      %and3A_1770 = arith.andi %add3A_1764, %and3A_1769 : vector<16xi32>
      %gather3A_1771 = tpu.vector_load_idx %arg8[%shift_right_arithmetic3A_1767, %and3A_1770] : memref<3072x16xf32, #tpu.memory_space<vmem>>[vector<16xi32>, vector<16xi32>], vector<16xf32>,
      %add3A_1772 = arith.addf %add3A_1761, %gather3A_1771 : vector<16xf32>
      %add3A_1773 = arith.constant 16 : i32
      %add3A_1774 = vector.broadcast %add3A_1773 : i32 to vector<16xi32>
      %add3A_1775 = arith.addi %get3A_1603, %add3A_1774 : vector<16xi32>
      %shift_right_arithmetic3A_1776 = arith.constant 4 : i32
      %shift_right_arithmetic3A_1777 = vector.broadcast %shift_right_arithmetic3A_1776 : i32 to vector<16xi32>
      %shift_right_arithmetic3A_1778 = arith.shrsi %add3A_1775, %shift_right_arithmetic3A_1777 : vector<16xi32>
      %and3A_1779 = arith.constant 15 : i32
      %and3A_1780 = vector.broadcast %and3A_1779 : i32 to vector<16xi32>
      %and3A_1781 = arith.andi %add3A_1775, %and3A_1780 : vector<16xi32>
      %gather3A_1782 = tpu.vector_load_idx %arg8[%shift_right_arithmetic3A_1778, %and3A_1781] : memref<3072x16xf32, #tpu.memory_space<vmem>>[vector<16xi32>, vector<16xi32>], vector<16xf32>,
      %add3A_1783 = arith.addf %add3A_1772, %gather3A_1782 : vector<16xf32>
      %add3A_1784 = arith.constant 17 : i32
      %add3A_1785 = vector.broadcast %add3A_1784 : i32 to vector<16xi32>
      %add3A_1786 = arith.addi %get3A_1603, %add3A_1785 : vector<16xi32>
      %shift_right_arithmetic3A_1787 = arith.constant 4 : i32
      %shift_right_arithmetic3A_1788 = vector.broadcast %shift_right_arithmetic3A_1787 : i32 to vector<16xi32>
      %shift_right_arithmetic3A_1789 = arith.shrsi %add3A_1786, %shift_right_arithmetic3A_1788 : vector<16xi32>
      %and3A_1790 = arith.constant 15 : i32
      %and3A_1791 = vector.broadcast %and3A_1790 : i32 to vector<16xi32>
      %and3A_1792 = arith.andi %add3A_1786, %and3A_1791 : vector<16xi32>
      %gather3A_1793 = tpu.vector_load_idx %arg8[%shift_right_arithmetic3A_1789, %and3A_1792] : memref<3072x16xf32, #tpu.memory_space<vmem>>[vector<16xi32>, vector<16xi32>], vector<16xf32>,
      %add3A_1794 = arith.addf %add3A_1783, %gather3A_1793 : vector<16xf32>
      %add3A_1795 = arith.constant 18 : i32
      %add3A_1796 = vector.broadcast %add3A_1795 : i32 to vector<16xi32>
      %add3A_1797 = arith.addi %get3A_1603, %add3A_1796 : vector<16xi32>
      %shift_right_arithmetic3A_1798 = arith.constant 4 : i32
      %shift_right_arithmetic3A_1799 = vector.broadcast %shift_right_arithmetic3A_1798 : i32 to vector<16xi32>
      %shift_right_arithmetic3A_1800 = arith.shrsi %add3A_1797, %shift_right_arithmetic3A_1799 : vector<16xi32>
      %and3A_1801 = arith.constant 15 : i32
      %and3A_1802 = vector.broadcast %and3A_1801 : i32 to vector<16xi32>
      %and3A_1803 = arith.andi %add3A_1797, %and3A_1802 : vector<16xi32>
      %gather3A_1804 = tpu.vector_load_idx %arg8[%shift_right_arithmetic3A_1800, %and3A_1803] : memref<3072x16xf32, #tpu.memory_space<vmem>>[vector<16xi32>, vector<16xi32>], vector<16xf32>,
      %add3A_1805 = arith.addf %add3A_1794, %gather3A_1804 : vector<16xf32>
      %add3A_1806 = arith.constant 19 : i32
      %add3A_1807 = vector.broadcast %add3A_1806 : i32 to vector<16xi32>
      %add3A_1808 = arith.addi %get3A_1603, %add3A_1807 : vector<16xi32>
      %shift_right_arithmetic3A_1809 = arith.constant 4 : i32
      %shift_right_arithmetic3A_1810 = vector.broadcast %shift_right_arithmetic3A_1809 : i32 to vector<16xi32>
      %shift_right_arithmetic3A_1811 = arith.shrsi %add3A_1808, %shift_right_arithmetic3A_1810 : vector<16xi32>
      %and3A_1812 = arith.constant 15 : i32
      %and3A_1813 = vector.broadcast %and3A_1812 : i32 to vector<16xi32>
      %and3A_1814 = arith.andi %add3A_1808, %and3A_1813 : vector<16xi32>
      %gather3A_1815 = tpu.vector_load_idx %arg8[%shift_right_arithmetic3A_1811, %and3A_1814] : memref<3072x16xf32, #tpu.memory_space<vmem>>[vector<16xi32>, vector<16xi32>], vector<16xf32>,
      %add3A_1816 = arith.addf %add3A_1805, %gather3A_1815 : vector<16xf32>
      %add3A_1817 = arith.constant 20 : i32
      %add3A_1818 = vector.broadcast %add3A_1817 : i32 to vector<16xi32>
      %add3A_1819 = arith.addi %get3A_1603, %add3A_1818 : vector<16xi32>
      %shift_right_arithmetic3A_1820 = arith.constant 4 : i32
      %shift_right_arithmetic3A_1821 = vector.broadcast %shift_right_arithmetic3A_1820 : i32 to vector<16xi32>
      %shift_right_arithmetic3A_1822 = arith.shrsi %add3A_1819, %shift_right_arithmetic3A_1821 : vector<16xi32>
      %and3A_1823 = arith.constant 15 : i32
      %and3A_1824 = vector.broadcast %and3A_1823 : i32 to vector<16xi32>
      %and3A_1825 = arith.andi %add3A_1819, %and3A_1824 : vector<16xi32>
      %gather3A_1826 = tpu.vector_load_idx %arg8[%shift_right_arithmetic3A_1822, %and3A_1825] : memref<3072x16xf32, #tpu.memory_space<vmem>>[vector<16xi32>, vector<16xi32>], vector<16xf32>,
      %add3A_1827 = arith.addf %add3A_1816, %gather3A_1826 : vector<16xf32>
      %gt3A = arith.constant 0.000000e+00 : f32
      %gt3A_1828 = vector.broadcast %gt3A : f32 to vector<16xf32>
      %gt3A_1829 = arith.cmpf ogt, %add3A_1827, %gt3A_1828 : vector<16xf32>
      %jit3A = arith.constant 1.000000e+00 : f32
      %jit3A_1830 = arith.constant 0.000000e+00 : f32
      %broadcast_in_dim3A = vector.broadcast %jit3A : f32 to vector<16xf32>
      %broadcast_in_dim3A_1831 = vector.broadcast %jit3A_1830 : f32 to vector<16xf32>
      %select_n3A = arith.select %gt3A_1829, %broadcast_in_dim3A, %broadcast_in_dim3A_1831 : vector<16xi1>, vector<16xf32>
      %mul3A_1832 = arith.constant 16 : i32
      %mul3A_1833 = arith.muli %scan3A_1600, %mul3A_1832 : i32
      %swap3A = arith.index_cast %mul3A_1833 : i32 to index
      %swap3A_1834 = tpu.vector_load %arg11[%swap3A] {strides = array<i32>} : memref<1024xf32, #tpu.memory_space<vmem>>, vector<16xf32>,
      tpu.vector_store %arg11[%swap3A], %select_n3A {strides = array<i32>} : memref<1024xf32, #tpu.memory_space<vmem>>, vector<16xf32>,
    }
    %scan3A_597 = arith.constant 64 : i32
    "tpu.region"() ({
      %run_scoped3A = tpu.sem_alloc : memref<!tpu.dma_semaphore, #tpu.memory_space<semaphore_mem>>
      %dma_start3A_1600 = tpu.memref_slice %arg5[%mul3A_592] : memref<131072xf32, #tpu.memory_space<hbm>> -> memref<1024xf32, #tpu.memory_space<hbm>>
      %dma_start3A_1601 = tpu.memref_slice %arg5[%mul3A_592] : memref<131072xf32, #tpu.memory_space<hbm>> -> memref<1024xf32, #tpu.memory_space<hbm>>
      tpu.enqueue_dma source(%arg11 : memref<1024xf32, #tpu.memory_space<vmem>>) target(%dma_start3A_1601 : memref<1024xf32, #tpu.memory_space<hbm>>) target_semaphore(%run_scoped3A : memref<!tpu.dma_semaphore, #tpu.memory_space<semaphore_mem>>)
      %dma_wait3A_1602 = tpu.memref_slice %arg5[%mul3A_592] : memref<131072xf32, #tpu.memory_space<hbm>> -> memref<1024xf32, #tpu.memory_space<hbm>>
      %dma_wait3A_1603 = tpu.memref_slice %arg5[%mul3A_592] : memref<131072xf32, #tpu.memory_space<hbm>> -> memref<1024xf32, #tpu.memory_space<hbm>>
      tpu.wait_dma2 semaphore(%run_scoped3A : memref<!tpu.dma_semaphore, #tpu.memory_space<semaphore_mem>>) src(%arg11 : memref<1024xf32, #tpu.memory_space<vmem>>) dst(%dma_wait3A_1603 : memref<1024xf32, #tpu.memory_space<hbm>>)
      tpu.yield
    }) : () -> ()
    %add3A_598 = arith.constant 64 : i32
    %add3A_599 = arith.addi %mul3A_2, %add3A_598 : i32
    %mul3A_600 = arith.constant 32 : i32
    %mul3A_601 = arith.muli %add3A_599, %mul3A_600 : i32
    %mul3A_602 = arith.constant 3 : i32
    %mul3A_603 = arith.muli %mul3A_601, %mul3A_602 : i32
    "tpu.region"() ({
      %run_scoped3A = tpu.sem_alloc : memref<!tpu.dma_semaphore, #tpu.memory_space<semaphore_mem>>
      %dma_start3A_1600 = tpu.memref_slice %arg3[%mul3A_603] : memref<393216xi32, #tpu.memory_space<hbm>> -> memref<3072xi32, #tpu.memory_space<hbm>>
      %dma_start3A_1601 = tpu.memref_slice %arg3[%mul3A_603] : memref<393216xi32, #tpu.memory_space<hbm>> -> memref<3072xi32, #tpu.memory_space<hbm>>
      tpu.enqueue_dma source(%dma_start3A_1601 : memref<3072xi32, #tpu.memory_space<hbm>>) target(%arg6 : memref<3072xi32, #tpu.memory_space<vmem>>) target_semaphore(%run_scoped3A : memref<!tpu.dma_semaphore, #tpu.memory_space<semaphore_mem>>)
      %dma_wait3A_1602 = tpu.memref_slice %arg3[%mul3A_603] : memref<393216xi32, #tpu.memory_space<hbm>> -> memref<3072xi32, #tpu.memory_space<hbm>>
      %dma_wait3A_1603 = tpu.memref_slice %arg3[%mul3A_603] : memref<393216xi32, #tpu.memory_space<hbm>> -> memref<3072xi32, #tpu.memory_space<hbm>>
      tpu.wait_dma2 semaphore(%run_scoped3A : memref<!tpu.dma_semaphore, #tpu.memory_space<semaphore_mem>>) src(%dma_wait3A_1603 : memref<3072xi32, #tpu.memory_space<hbm>>) dst(%arg6 : memref<3072xi32, #tpu.memory_space<vmem>>)
      tpu.yield
    }) : () -> ()
    %dma_start3A_604 = arith.constant 0 : i32
    %dma_start3A_605 = arith.constant 0 : i32
    %dma_start3A_606 = tpu.memref_slice %arg8[%dma_start3A_604, %dma_start3A_605] : memref<3072x16xf32, #tpu.memory_space<vmem>> -> memref<128x16xf32, #tpu.memory_space<vmem>>
    %dma_start3A_607 = arith.constant 0 : i32
    %dma_start3A_608 = tpu.memref_slice %arg6[%dma_start3A_607] : memref<3072xi32, #tpu.memory_space<vmem>> -> memref<128xi32, #tpu.memory_space<vmem>>
    %dma_start3A_609 = arith.constant 0 : i32
    %dma_start3A_610 = arith.constant 0 : i32
    %dma_start3A_611 = tpu.memref_slice %arg2[%dma_start3A_609, %dma_start3A_610] : memref<2230272x16xf32, #tpu.memory_space<hbm>> -> memref<2230272x16xf32, #tpu.memory_space<hbm>>
    tpu.enqueue_indirect_dma source(%dma_start3A_611 : memref<2230272x16xf32, #tpu.memory_space<hbm>>) target(%dma_start3A_606 : memref<128x16xf32, #tpu.memory_space<vmem>>) offsets(%dma_start3A_608 : memref<128xi32, #tpu.memory_space<vmem>>) semaphore(%arg12 : memref<!tpu.dma_semaphore, #tpu.memory_space<semaphore_mem>>)
    %dma_start3A_612 = arith.constant 128 : i32
    %dma_start3A_613 = arith.constant 0 : i32
    %dma_start3A_614 = tpu.memref_slice %arg8[%dma_start3A_612, %dma_start3A_613] : memref<3072x16xf32, #tpu.memory_space<vmem>> -> memref<128x16xf32, #tpu.memory_space<vmem>>
    %dma_start3A_615 = arith.constant 128 : i32
    %dma_start3A_616 = tpu.memref_slice %arg6[%dma_start3A_615] : memref<3072xi32, #tpu.memory_space<vmem>> -> memref<128xi32, #tpu.memory_space<vmem>>
    %dma_start3A_617 = arith.constant 0 : i32
    %dma_start3A_618 = arith.constant 0 : i32
    %dma_start3A_619 = tpu.memref_slice %arg2[%dma_start3A_617, %dma_start3A_618] : memref<2230272x16xf32, #tpu.memory_space<hbm>> -> memref<2230272x16xf32, #tpu.memory_space<hbm>>
    tpu.enqueue_indirect_dma source(%dma_start3A_619 : memref<2230272x16xf32, #tpu.memory_space<hbm>>) target(%dma_start3A_614 : memref<128x16xf32, #tpu.memory_space<vmem>>) offsets(%dma_start3A_616 : memref<128xi32, #tpu.memory_space<vmem>>) semaphore(%arg12 : memref<!tpu.dma_semaphore, #tpu.memory_space<semaphore_mem>>)
    %dma_start3A_620 = arith.constant 256 : i32
    %dma_start3A_621 = arith.constant 0 : i32
    %dma_start3A_622 = tpu.memref_slice %arg8[%dma_start3A_620, %dma_start3A_621] : memref<3072x16xf32, #tpu.memory_space<vmem>> -> memref<128x16xf32, #tpu.memory_space<vmem>>
    %dma_start3A_623 = arith.constant 256 : i32
    %dma_start3A_624 = tpu.memref_slice %arg6[%dma_start3A_623] : memref<3072xi32, #tpu.memory_space<vmem>> -> memref<128xi32, #tpu.memory_space<vmem>>
    %dma_start3A_625 = arith.constant 0 : i32
    %dma_start3A_626 = arith.constant 0 : i32
    %dma_start3A_627 = tpu.memref_slice %arg2[%dma_start3A_625, %dma_start3A_626] : memref<2230272x16xf32, #tpu.memory_space<hbm>> -> memref<2230272x16xf32, #tpu.memory_space<hbm>>
    tpu.enqueue_indirect_dma source(%dma_start3A_627 : memref<2230272x16xf32, #tpu.memory_space<hbm>>) target(%dma_start3A_622 : memref<128x16xf32, #tpu.memory_space<vmem>>) offsets(%dma_start3A_624 : memref<128xi32, #tpu.memory_space<vmem>>) semaphore(%arg12 : memref<!tpu.dma_semaphore, #tpu.memory_space<semaphore_mem>>)
    %dma_start3A_628 = arith.constant 384 : i32
    %dma_start3A_629 = arith.constant 0 : i32
    %dma_start3A_630 = tpu.memref_slice %arg8[%dma_start3A_628, %dma_start3A_629] : memref<3072x16xf32, #tpu.memory_space<vmem>> -> memref<128x16xf32, #tpu.memory_space<vmem>>
    %dma_start3A_631 = arith.constant 384 : i32
    %dma_start3A_632 = tpu.memref_slice %arg6[%dma_start3A_631] : memref<3072xi32, #tpu.memory_space<vmem>> -> memref<128xi32, #tpu.memory_space<vmem>>
    %dma_start3A_633 = arith.constant 0 : i32
    %dma_start3A_634 = arith.constant 0 : i32
    %dma_start3A_635 = tpu.memref_slice %arg2[%dma_start3A_633, %dma_start3A_634] : memref<2230272x16xf32, #tpu.memory_space<hbm>> -> memref<2230272x16xf32, #tpu.memory_space<hbm>>
    tpu.enqueue_indirect_dma source(%dma_start3A_635 : memref<2230272x16xf32, #tpu.memory_space<hbm>>) target(%dma_start3A_630 : memref<128x16xf32, #tpu.memory_space<vmem>>) offsets(%dma_start3A_632 : memref<128xi32, #tpu.memory_space<vmem>>) semaphore(%arg12 : memref<!tpu.dma_semaphore, #tpu.memory_space<semaphore_mem>>)
    %dma_start3A_636 = arith.constant 512 : i32
    %dma_start3A_637 = arith.constant 0 : i32
    %dma_start3A_638 = tpu.memref_slice %arg8[%dma_start3A_636, %dma_start3A_637] : memref<3072x16xf32, #tpu.memory_space<vmem>> -> memref<128x16xf32, #tpu.memory_space<vmem>>
    %dma_start3A_639 = arith.constant 512 : i32
    %dma_start3A_640 = tpu.memref_slice %arg6[%dma_start3A_639] : memref<3072xi32, #tpu.memory_space<vmem>> -> memref<128xi32, #tpu.memory_space<vmem>>
    %dma_start3A_641 = arith.constant 0 : i32
    %dma_start3A_642 = arith.constant 0 : i32
    %dma_start3A_643 = tpu.memref_slice %arg2[%dma_start3A_641, %dma_start3A_642] : memref<2230272x16xf32, #tpu.memory_space<hbm>> -> memref<2230272x16xf32, #tpu.memory_space<hbm>>
    tpu.enqueue_indirect_dma source(%dma_start3A_643 : memref<2230272x16xf32, #tpu.memory_space<hbm>>) target(%dma_start3A_638 : memref<128x16xf32, #tpu.memory_space<vmem>>) offsets(%dma_start3A_640 : memref<128xi32, #tpu.memory_space<vmem>>) semaphore(%arg12 : memref<!tpu.dma_semaphore, #tpu.memory_space<semaphore_mem>>)
    %dma_start3A_644 = arith.constant 640 : i32
    %dma_start3A_645 = arith.constant 0 : i32
    %dma_start3A_646 = tpu.memref_slice %arg8[%dma_start3A_644, %dma_start3A_645] : memref<3072x16xf32, #tpu.memory_space<vmem>> -> memref<128x16xf32, #tpu.memory_space<vmem>>
    %dma_start3A_647 = arith.constant 640 : i32
    %dma_start3A_648 = tpu.memref_slice %arg6[%dma_start3A_647] : memref<3072xi32, #tpu.memory_space<vmem>> -> memref<128xi32, #tpu.memory_space<vmem>>
    %dma_start3A_649 = arith.constant 0 : i32
    %dma_start3A_650 = arith.constant 0 : i32
    %dma_start3A_651 = tpu.memref_slice %arg2[%dma_start3A_649, %dma_start3A_650] : memref<2230272x16xf32, #tpu.memory_space<hbm>> -> memref<2230272x16xf32, #tpu.memory_space<hbm>>
    tpu.enqueue_indirect_dma source(%dma_start3A_651 : memref<2230272x16xf32, #tpu.memory_space<hbm>>) target(%dma_start3A_646 : memref<128x16xf32, #tpu.memory_space<vmem>>) offsets(%dma_start3A_648 : memref<128xi32, #tpu.memory_space<vmem>>) semaphore(%arg12 : memref<!tpu.dma_semaphore, #tpu.memory_space<semaphore_mem>>)
    %dma_start3A_652 = arith.constant 768 : i32
    %dma_start3A_653 = arith.constant 0 : i32
    %dma_start3A_654 = tpu.memref_slice %arg8[%dma_start3A_652, %dma_start3A_653] : memref<3072x16xf32, #tpu.memory_space<vmem>> -> memref<128x16xf32, #tpu.memory_space<vmem>>
    %dma_start3A_655 = arith.constant 768 : i32
    %dma_start3A_656 = tpu.memref_slice %arg6[%dma_start3A_655] : memref<3072xi32, #tpu.memory_space<vmem>> -> memref<128xi32, #tpu.memory_space<vmem>>
    %dma_start3A_657 = arith.constant 0 : i32
    %dma_start3A_658 = arith.constant 0 : i32
    %dma_start3A_659 = tpu.memref_slice %arg2[%dma_start3A_657, %dma_start3A_658] : memref<2230272x16xf32, #tpu.memory_space<hbm>> -> memref<2230272x16xf32, #tpu.memory_space<hbm>>
    tpu.enqueue_indirect_dma source(%dma_start3A_659 : memref<2230272x16xf32, #tpu.memory_space<hbm>>) target(%dma_start3A_654 : memref<128x16xf32, #tpu.memory_space<vmem>>) offsets(%dma_start3A_656 : memref<128xi32, #tpu.memory_space<vmem>>) semaphore(%arg12 : memref<!tpu.dma_semaphore, #tpu.memory_space<semaphore_mem>>)
    %dma_start3A_660 = arith.constant 896 : i32
    %dma_start3A_661 = arith.constant 0 : i32
    %dma_start3A_662 = tpu.memref_slice %arg8[%dma_start3A_660, %dma_start3A_661] : memref<3072x16xf32, #tpu.memory_space<vmem>> -> memref<128x16xf32, #tpu.memory_space<vmem>>
    %dma_start3A_663 = arith.constant 896 : i32
    %dma_start3A_664 = tpu.memref_slice %arg6[%dma_start3A_663] : memref<3072xi32, #tpu.memory_space<vmem>> -> memref<128xi32, #tpu.memory_space<vmem>>
    %dma_start3A_665 = arith.constant 0 : i32
    %dma_start3A_666 = arith.constant 0 : i32
    %dma_start3A_667 = tpu.memref_slice %arg2[%dma_start3A_665, %dma_start3A_666] : memref<2230272x16xf32, #tpu.memory_space<hbm>> -> memref<2230272x16xf32, #tpu.memory_space<hbm>>
    tpu.enqueue_indirect_dma source(%dma_start3A_667 : memref<2230272x16xf32, #tpu.memory_space<hbm>>) target(%dma_start3A_662 : memref<128x16xf32, #tpu.memory_space<vmem>>) offsets(%dma_start3A_664 : memref<128xi32, #tpu.memory_space<vmem>>) semaphore(%arg12 : memref<!tpu.dma_semaphore, #tpu.memory_space<semaphore_mem>>)
    %dma_start3A_668 = arith.constant 1024 : i32
    %dma_start3A_669 = arith.constant 0 : i32
    %dma_start3A_670 = tpu.memref_slice %arg8[%dma_start3A_668, %dma_start3A_669] : memref<3072x16xf32, #tpu.memory_space<vmem>> -> memref<128x16xf32, #tpu.memory_space<vmem>>
    %dma_start3A_671 = arith.constant 1024 : i32
    %dma_start3A_672 = tpu.memref_slice %arg6[%dma_start3A_671] : memref<3072xi32, #tpu.memory_space<vmem>> -> memref<128xi32, #tpu.memory_space<vmem>>
    %dma_start3A_673 = arith.constant 0 : i32
    %dma_start3A_674 = arith.constant 0 : i32
    %dma_start3A_675 = tpu.memref_slice %arg2[%dma_start3A_673, %dma_start3A_674] : memref<2230272x16xf32, #tpu.memory_space<hbm>> -> memref<2230272x16xf32, #tpu.memory_space<hbm>>
    tpu.enqueue_indirect_dma source(%dma_start3A_675 : memref<2230272x16xf32, #tpu.memory_space<hbm>>) target(%dma_start3A_670 : memref<128x16xf32, #tpu.memory_space<vmem>>) offsets(%dma_start3A_672 : memref<128xi32, #tpu.memory_space<vmem>>) semaphore(%arg12 : memref<!tpu.dma_semaphore, #tpu.memory_space<semaphore_mem>>)
    %dma_start3A_676 = arith.constant 1152 : i32
    %dma_start3A_677 = arith.constant 0 : i32
    %dma_start3A_678 = tpu.memref_slice %arg8[%dma_start3A_676, %dma_start3A_677] : memref<3072x16xf32, #tpu.memory_space<vmem>> -> memref<128x16xf32, #tpu.memory_space<vmem>>
    %dma_start3A_679 = arith.constant 1152 : i32
    %dma_start3A_680 = tpu.memref_slice %arg6[%dma_start3A_679] : memref<3072xi32, #tpu.memory_space<vmem>> -> memref<128xi32, #tpu.memory_space<vmem>>
    %dma_start3A_681 = arith.constant 0 : i32
    %dma_start3A_682 = arith.constant 0 : i32
    %dma_start3A_683 = tpu.memref_slice %arg2[%dma_start3A_681, %dma_start3A_682] : memref<2230272x16xf32, #tpu.memory_space<hbm>> -> memref<2230272x16xf32, #tpu.memory_space<hbm>>
    tpu.enqueue_indirect_dma source(%dma_start3A_683 : memref<2230272x16xf32, #tpu.memory_space<hbm>>) target(%dma_start3A_678 : memref<128x16xf32, #tpu.memory_space<vmem>>) offsets(%dma_start3A_680 : memref<128xi32, #tpu.memory_space<vmem>>) semaphore(%arg12 : memref<!tpu.dma_semaphore, #tpu.memory_space<semaphore_mem>>)
    %dma_start3A_684 = arith.constant 1280 : i32
    %dma_start3A_685 = arith.constant 0 : i32
    %dma_start3A_686 = tpu.memref_slice %arg8[%dma_start3A_684, %dma_start3A_685] : memref<3072x16xf32, #tpu.memory_space<vmem>> -> memref<128x16xf32, #tpu.memory_space<vmem>>
    %dma_start3A_687 = arith.constant 1280 : i32
    %dma_start3A_688 = tpu.memref_slice %arg6[%dma_start3A_687] : memref<3072xi32, #tpu.memory_space<vmem>> -> memref<128xi32, #tpu.memory_space<vmem>>
    %dma_start3A_689 = arith.constant 0 : i32
    %dma_start3A_690 = arith.constant 0 : i32
    %dma_start3A_691 = tpu.memref_slice %arg2[%dma_start3A_689, %dma_start3A_690] : memref<2230272x16xf32, #tpu.memory_space<hbm>> -> memref<2230272x16xf32, #tpu.memory_space<hbm>>
    tpu.enqueue_indirect_dma source(%dma_start3A_691 : memref<2230272x16xf32, #tpu.memory_space<hbm>>) target(%dma_start3A_686 : memref<128x16xf32, #tpu.memory_space<vmem>>) offsets(%dma_start3A_688 : memref<128xi32, #tpu.memory_space<vmem>>) semaphore(%arg12 : memref<!tpu.dma_semaphore, #tpu.memory_space<semaphore_mem>>)
    %dma_start3A_692 = arith.constant 1408 : i32
    %dma_start3A_693 = arith.constant 0 : i32
    %dma_start3A_694 = tpu.memref_slice %arg8[%dma_start3A_692, %dma_start3A_693] : memref<3072x16xf32, #tpu.memory_space<vmem>> -> memref<128x16xf32, #tpu.memory_space<vmem>>
    %dma_start3A_695 = arith.constant 1408 : i32
    %dma_start3A_696 = tpu.memref_slice %arg6[%dma_start3A_695] : memref<3072xi32, #tpu.memory_space<vmem>> -> memref<128xi32, #tpu.memory_space<vmem>>
    %dma_start3A_697 = arith.constant 0 : i32
    %dma_start3A_698 = arith.constant 0 : i32
    %dma_start3A_699 = tpu.memref_slice %arg2[%dma_start3A_697, %dma_start3A_698] : memref<2230272x16xf32, #tpu.memory_space<hbm>> -> memref<2230272x16xf32, #tpu.memory_space<hbm>>
    tpu.enqueue_indirect_dma source(%dma_start3A_699 : memref<2230272x16xf32, #tpu.memory_space<hbm>>) target(%dma_start3A_694 : memref<128x16xf32, #tpu.memory_space<vmem>>) offsets(%dma_start3A_696 : memref<128xi32, #tpu.memory_space<vmem>>) semaphore(%arg12 : memref<!tpu.dma_semaphore, #tpu.memory_space<semaphore_mem>>)
    %dma_start3A_700 = arith.constant 1536 : i32
    %dma_start3A_701 = arith.constant 0 : i32
    %dma_start3A_702 = tpu.memref_slice %arg8[%dma_start3A_700, %dma_start3A_701] : memref<3072x16xf32, #tpu.memory_space<vmem>> -> memref<128x16xf32, #tpu.memory_space<vmem>>
    %dma_start3A_703 = arith.constant 1536 : i32
    %dma_start3A_704 = tpu.memref_slice %arg6[%dma_start3A_703] : memref<3072xi32, #tpu.memory_space<vmem>> -> memref<128xi32, #tpu.memory_space<vmem>>
    %dma_start3A_705 = arith.constant 0 : i32
    %dma_start3A_706 = arith.constant 0 : i32
    %dma_start3A_707 = tpu.memref_slice %arg2[%dma_start3A_705, %dma_start3A_706] : memref<2230272x16xf32, #tpu.memory_space<hbm>> -> memref<2230272x16xf32, #tpu.memory_space<hbm>>
    tpu.enqueue_indirect_dma source(%dma_start3A_707 : memref<2230272x16xf32, #tpu.memory_space<hbm>>) target(%dma_start3A_702 : memref<128x16xf32, #tpu.memory_space<vmem>>) offsets(%dma_start3A_704 : memref<128xi32, #tpu.memory_space<vmem>>) semaphore(%arg12 : memref<!tpu.dma_semaphore, #tpu.memory_space<semaphore_mem>>)
    %dma_start3A_708 = arith.constant 1664 : i32
    %dma_start3A_709 = arith.constant 0 : i32
    %dma_start3A_710 = tpu.memref_slice %arg8[%dma_start3A_708, %dma_start3A_709] : memref<3072x16xf32, #tpu.memory_space<vmem>> -> memref<128x16xf32, #tpu.memory_space<vmem>>
    %dma_start3A_711 = arith.constant 1664 : i32
    %dma_start3A_712 = tpu.memref_slice %arg6[%dma_start3A_711] : memref<3072xi32, #tpu.memory_space<vmem>> -> memref<128xi32, #tpu.memory_space<vmem>>
    %dma_start3A_713 = arith.constant 0 : i32
    %dma_start3A_714 = arith.constant 0 : i32
    %dma_start3A_715 = tpu.memref_slice %arg2[%dma_start3A_713, %dma_start3A_714] : memref<2230272x16xf32, #tpu.memory_space<hbm>> -> memref<2230272x16xf32, #tpu.memory_space<hbm>>
    tpu.enqueue_indirect_dma source(%dma_start3A_715 : memref<2230272x16xf32, #tpu.memory_space<hbm>>) target(%dma_start3A_710 : memref<128x16xf32, #tpu.memory_space<vmem>>) offsets(%dma_start3A_712 : memref<128xi32, #tpu.memory_space<vmem>>) semaphore(%arg12 : memref<!tpu.dma_semaphore, #tpu.memory_space<semaphore_mem>>)
    %dma_start3A_716 = arith.constant 1792 : i32
    %dma_start3A_717 = arith.constant 0 : i32
    %dma_start3A_718 = tpu.memref_slice %arg8[%dma_start3A_716, %dma_start3A_717] : memref<3072x16xf32, #tpu.memory_space<vmem>> -> memref<128x16xf32, #tpu.memory_space<vmem>>
    %dma_start3A_719 = arith.constant 1792 : i32
    %dma_start3A_720 = tpu.memref_slice %arg6[%dma_start3A_719] : memref<3072xi32, #tpu.memory_space<vmem>> -> memref<128xi32, #tpu.memory_space<vmem>>
    %dma_start3A_721 = arith.constant 0 : i32
    %dma_start3A_722 = arith.constant 0 : i32
    %dma_start3A_723 = tpu.memref_slice %arg2[%dma_start3A_721, %dma_start3A_722] : memref<2230272x16xf32, #tpu.memory_space<hbm>> -> memref<2230272x16xf32, #tpu.memory_space<hbm>>
    tpu.enqueue_indirect_dma source(%dma_start3A_723 : memref<2230272x16xf32, #tpu.memory_space<hbm>>) target(%dma_start3A_718 : memref<128x16xf32, #tpu.memory_space<vmem>>) offsets(%dma_start3A_720 : memref<128xi32, #tpu.memory_space<vmem>>) semaphore(%arg12 : memref<!tpu.dma_semaphore, #tpu.memory_space<semaphore_mem>>)
    %dma_start3A_724 = arith.constant 1920 : i32
    %dma_start3A_725 = arith.constant 0 : i32
    %dma_start3A_726 = tpu.memref_slice %arg8[%dma_start3A_724, %dma_start3A_725] : memref<3072x16xf32, #tpu.memory_space<vmem>> -> memref<128x16xf32, #tpu.memory_space<vmem>>
    %dma_start3A_727 = arith.constant 1920 : i32
    %dma_start3A_728 = tpu.memref_slice %arg6[%dma_start3A_727] : memref<3072xi32, #tpu.memory_space<vmem>> -> memref<128xi32, #tpu.memory_space<vmem>>
    %dma_start3A_729 = arith.constant 0 : i32
    %dma_start3A_730 = arith.constant 0 : i32
    %dma_start3A_731 = tpu.memref_slice %arg2[%dma_start3A_729, %dma_start3A_730] : memref<2230272x16xf32, #tpu.memory_space<hbm>> -> memref<2230272x16xf32, #tpu.memory_space<hbm>>
    tpu.enqueue_indirect_dma source(%dma_start3A_731 : memref<2230272x16xf32, #tpu.memory_space<hbm>>) target(%dma_start3A_726 : memref<128x16xf32, #tpu.memory_space<vmem>>) offsets(%dma_start3A_728 : memref<128xi32, #tpu.memory_space<vmem>>) semaphore(%arg12 : memref<!tpu.dma_semaphore, #tpu.memory_space<semaphore_mem>>)
    %dma_start3A_732 = arith.constant 2048 : i32
    %dma_start3A_733 = arith.constant 0 : i32
    %dma_start3A_734 = tpu.memref_slice %arg8[%dma_start3A_732, %dma_start3A_733] : memref<3072x16xf32, #tpu.memory_space<vmem>> -> memref<128x16xf32, #tpu.memory_space<vmem>>
    %dma_start3A_735 = arith.constant 2048 : i32
    %dma_start3A_736 = tpu.memref_slice %arg6[%dma_start3A_735] : memref<3072xi32, #tpu.memory_space<vmem>> -> memref<128xi32, #tpu.memory_space<vmem>>
    %dma_start3A_737 = arith.constant 0 : i32
    %dma_start3A_738 = arith.constant 0 : i32
    %dma_start3A_739 = tpu.memref_slice %arg2[%dma_start3A_737, %dma_start3A_738] : memref<2230272x16xf32, #tpu.memory_space<hbm>> -> memref<2230272x16xf32, #tpu.memory_space<hbm>>
    tpu.enqueue_indirect_dma source(%dma_start3A_739 : memref<2230272x16xf32, #tpu.memory_space<hbm>>) target(%dma_start3A_734 : memref<128x16xf32, #tpu.memory_space<vmem>>) offsets(%dma_start3A_736 : memref<128xi32, #tpu.memory_space<vmem>>) semaphore(%arg12 : memref<!tpu.dma_semaphore, #tpu.memory_space<semaphore_mem>>)
    %dma_start3A_740 = arith.constant 2176 : i32
    %dma_start3A_741 = arith.constant 0 : i32
    %dma_start3A_742 = tpu.memref_slice %arg8[%dma_start3A_740, %dma_start3A_741] : memref<3072x16xf32, #tpu.memory_space<vmem>> -> memref<128x16xf32, #tpu.memory_space<vmem>>
    %dma_start3A_743 = arith.constant 2176 : i32
    %dma_start3A_744 = tpu.memref_slice %arg6[%dma_start3A_743] : memref<3072xi32, #tpu.memory_space<vmem>> -> memref<128xi32, #tpu.memory_space<vmem>>
    %dma_start3A_745 = arith.constant 0 : i32
    %dma_start3A_746 = arith.constant 0 : i32
    %dma_start3A_747 = tpu.memref_slice %arg2[%dma_start3A_745, %dma_start3A_746] : memref<2230272x16xf32, #tpu.memory_space<hbm>> -> memref<2230272x16xf32, #tpu.memory_space<hbm>>
    tpu.enqueue_indirect_dma source(%dma_start3A_747 : memref<2230272x16xf32, #tpu.memory_space<hbm>>) target(%dma_start3A_742 : memref<128x16xf32, #tpu.memory_space<vmem>>) offsets(%dma_start3A_744 : memref<128xi32, #tpu.memory_space<vmem>>) semaphore(%arg12 : memref<!tpu.dma_semaphore, #tpu.memory_space<semaphore_mem>>)
    %dma_start3A_748 = arith.constant 2304 : i32
    %dma_start3A_749 = arith.constant 0 : i32
    %dma_start3A_750 = tpu.memref_slice %arg8[%dma_start3A_748, %dma_start3A_749] : memref<3072x16xf32, #tpu.memory_space<vmem>> -> memref<128x16xf32, #tpu.memory_space<vmem>>
    %dma_start3A_751 = arith.constant 2304 : i32
    %dma_start3A_752 = tpu.memref_slice %arg6[%dma_start3A_751] : memref<3072xi32, #tpu.memory_space<vmem>> -> memref<128xi32, #tpu.memory_space<vmem>>
    %dma_start3A_753 = arith.constant 0 : i32
    %dma_start3A_754 = arith.constant 0 : i32
    %dma_start3A_755 = tpu.memref_slice %arg2[%dma_start3A_753, %dma_start3A_754] : memref<2230272x16xf32, #tpu.memory_space<hbm>> -> memref<2230272x16xf32, #tpu.memory_space<hbm>>
    tpu.enqueue_indirect_dma source(%dma_start3A_755 : memref<2230272x16xf32, #tpu.memory_space<hbm>>) target(%dma_start3A_750 : memref<128x16xf32, #tpu.memory_space<vmem>>) offsets(%dma_start3A_752 : memref<128xi32, #tpu.memory_space<vmem>>) semaphore(%arg12 : memref<!tpu.dma_semaphore, #tpu.memory_space<semaphore_mem>>)
    %dma_start3A_756 = arith.constant 2432 : i32
    %dma_start3A_757 = arith.constant 0 : i32
    %dma_start3A_758 = tpu.memref_slice %arg8[%dma_start3A_756, %dma_start3A_757] : memref<3072x16xf32, #tpu.memory_space<vmem>> -> memref<128x16xf32, #tpu.memory_space<vmem>>
    %dma_start3A_759 = arith.constant 2432 : i32
    %dma_start3A_760 = tpu.memref_slice %arg6[%dma_start3A_759] : memref<3072xi32, #tpu.memory_space<vmem>> -> memref<128xi32, #tpu.memory_space<vmem>>
    %dma_start3A_761 = arith.constant 0 : i32
    %dma_start3A_762 = arith.constant 0 : i32
    %dma_start3A_763 = tpu.memref_slice %arg2[%dma_start3A_761, %dma_start3A_762] : memref<2230272x16xf32, #tpu.memory_space<hbm>> -> memref<2230272x16xf32, #tpu.memory_space<hbm>>
    tpu.enqueue_indirect_dma source(%dma_start3A_763 : memref<2230272x16xf32, #tpu.memory_space<hbm>>) target(%dma_start3A_758 : memref<128x16xf32, #tpu.memory_space<vmem>>) offsets(%dma_start3A_760 : memref<128xi32, #tpu.memory_space<vmem>>) semaphore(%arg12 : memref<!tpu.dma_semaphore, #tpu.memory_space<semaphore_mem>>)
    %dma_start3A_764 = arith.constant 2560 : i32
    %dma_start3A_765 = arith.constant 0 : i32
    %dma_start3A_766 = tpu.memref_slice %arg8[%dma_start3A_764, %dma_start3A_765] : memref<3072x16xf32, #tpu.memory_space<vmem>> -> memref<128x16xf32, #tpu.memory_space<vmem>>
    %dma_start3A_767 = arith.constant 2560 : i32
    %dma_start3A_768 = tpu.memref_slice %arg6[%dma_start3A_767] : memref<3072xi32, #tpu.memory_space<vmem>> -> memref<128xi32, #tpu.memory_space<vmem>>
    %dma_start3A_769 = arith.constant 0 : i32
    %dma_start3A_770 = arith.constant 0 : i32
    %dma_start3A_771 = tpu.memref_slice %arg2[%dma_start3A_769, %dma_start3A_770] : memref<2230272x16xf32, #tpu.memory_space<hbm>> -> memref<2230272x16xf32, #tpu.memory_space<hbm>>
    tpu.enqueue_indirect_dma source(%dma_start3A_771 : memref<2230272x16xf32, #tpu.memory_space<hbm>>) target(%dma_start3A_766 : memref<128x16xf32, #tpu.memory_space<vmem>>) offsets(%dma_start3A_768 : memref<128xi32, #tpu.memory_space<vmem>>) semaphore(%arg12 : memref<!tpu.dma_semaphore, #tpu.memory_space<semaphore_mem>>)
    %dma_start3A_772 = arith.constant 2688 : i32
    %dma_start3A_773 = arith.constant 0 : i32
    %dma_start3A_774 = tpu.memref_slice %arg8[%dma_start3A_772, %dma_start3A_773] : memref<3072x16xf32, #tpu.memory_space<vmem>> -> memref<128x16xf32, #tpu.memory_space<vmem>>
    %dma_start3A_775 = arith.constant 2688 : i32
    %dma_start3A_776 = tpu.memref_slice %arg6[%dma_start3A_775] : memref<3072xi32, #tpu.memory_space<vmem>> -> memref<128xi32, #tpu.memory_space<vmem>>
    %dma_start3A_777 = arith.constant 0 : i32
    %dma_start3A_778 = arith.constant 0 : i32
    %dma_start3A_779 = tpu.memref_slice %arg2[%dma_start3A_777, %dma_start3A_778] : memref<2230272x16xf32, #tpu.memory_space<hbm>> -> memref<2230272x16xf32, #tpu.memory_space<hbm>>
    tpu.enqueue_indirect_dma source(%dma_start3A_779 : memref<2230272x16xf32, #tpu.memory_space<hbm>>) target(%dma_start3A_774 : memref<128x16xf32, #tpu.memory_space<vmem>>) offsets(%dma_start3A_776 : memref<128xi32, #tpu.memory_space<vmem>>) semaphore(%arg12 : memref<!tpu.dma_semaphore, #tpu.memory_space<semaphore_mem>>)
    %dma_start3A_780 = arith.constant 2816 : i32
    %dma_start3A_781 = arith.constant 0 : i32
    %dma_start3A_782 = tpu.memref_slice %arg8[%dma_start3A_780, %dma_start3A_781] : memref<3072x16xf32, #tpu.memory_space<vmem>> -> memref<128x16xf32, #tpu.memory_space<vmem>>
    %dma_start3A_783 = arith.constant 2816 : i32
    %dma_start3A_784 = tpu.memref_slice %arg6[%dma_start3A_783] : memref<3072xi32, #tpu.memory_space<vmem>> -> memref<128xi32, #tpu.memory_space<vmem>>
    %dma_start3A_785 = arith.constant 0 : i32
    %dma_start3A_786 = arith.constant 0 : i32
    %dma_start3A_787 = tpu.memref_slice %arg2[%dma_start3A_785, %dma_start3A_786] : memref<2230272x16xf32, #tpu.memory_space<hbm>> -> memref<2230272x16xf32, #tpu.memory_space<hbm>>
    tpu.enqueue_indirect_dma source(%dma_start3A_787 : memref<2230272x16xf32, #tpu.memory_space<hbm>>) target(%dma_start3A_782 : memref<128x16xf32, #tpu.memory_space<vmem>>) offsets(%dma_start3A_784 : memref<128xi32, #tpu.memory_space<vmem>>) semaphore(%arg12 : memref<!tpu.dma_semaphore, #tpu.memory_space<semaphore_mem>>)
    %dma_start3A_788 = arith.constant 2944 : i32
    %dma_start3A_789 = arith.constant 0 : i32
    %dma_start3A_790 = tpu.memref_slice %arg8[%dma_start3A_788, %dma_start3A_789] : memref<3072x16xf32, #tpu.memory_space<vmem>> -> memref<128x16xf32, #tpu.memory_space<vmem>>
    %dma_start3A_791 = arith.constant 2944 : i32
    %dma_start3A_792 = tpu.memref_slice %arg6[%dma_start3A_791] : memref<3072xi32, #tpu.memory_space<vmem>> -> memref<128xi32, #tpu.memory_space<vmem>>
    %dma_start3A_793 = arith.constant 0 : i32
    %dma_start3A_794 = arith.constant 0 : i32
    %dma_start3A_795 = tpu.memref_slice %arg2[%dma_start3A_793, %dma_start3A_794] : memref<2230272x16xf32, #tpu.memory_space<hbm>> -> memref<2230272x16xf32, #tpu.memory_space<hbm>>
    tpu.enqueue_indirect_dma source(%dma_start3A_795 : memref<2230272x16xf32, #tpu.memory_space<hbm>>) target(%dma_start3A_790 : memref<128x16xf32, #tpu.memory_space<vmem>>) offsets(%dma_start3A_792 : memref<128xi32, #tpu.memory_space<vmem>>) semaphore(%arg12 : memref<!tpu.dma_semaphore, #tpu.memory_space<semaphore_mem>>)
    %dma_wait3A_796 = arith.constant 0 : i32
    %dma_wait3A_797 = arith.constant 0 : i32
    %dma_wait3A_798 = tpu.memref_slice %arg9[%dma_wait3A_796, %dma_wait3A_797] : memref<3072x16xf32, #tpu.memory_space<vmem>> -> memref<128x16xf32, #tpu.memory_space<vmem>>
    %dma_wait3A_799 = arith.constant 0 : i32
    %dma_wait3A_800 = tpu.memref_slice %arg7[%dma_wait3A_799] : memref<3072xi32, #tpu.memory_space<vmem>> -> memref<128xi32, #tpu.memory_space<vmem>>
    %dma_wait3A_801 = arith.constant 0 : i32
    %dma_wait3A_802 = arith.constant 0 : i32
    %dma_wait3A_803 = tpu.memref_slice %arg2[%dma_wait3A_801, %dma_wait3A_802] : memref<2230272x16xf32, #tpu.memory_space<hbm>> -> memref<2230272x16xf32, #tpu.memory_space<hbm>>
    tpu.wait_indirect_dma semaphore(%arg13 : memref<!tpu.dma_semaphore, #tpu.memory_space<semaphore_mem>>) src(%dma_wait3A_803 : memref<2230272x16xf32, #tpu.memory_space<hbm>>) dst(%dma_wait3A_798 : memref<128x16xf32, #tpu.memory_space<vmem>>)
    %dma_wait3A_804 = arith.constant 128 : i32
    %dma_wait3A_805 = arith.constant 0 : i32
    %dma_wait3A_806 = tpu.memref_slice %arg9[%dma_wait3A_804, %dma_wait3A_805] : memref<3072x16xf32, #tpu.memory_space<vmem>> -> memref<128x16xf32, #tpu.memory_space<vmem>>
    %dma_wait3A_807 = arith.constant 128 : i32
    %dma_wait3A_808 = tpu.memref_slice %arg7[%dma_wait3A_807] : memref<3072xi32, #tpu.memory_space<vmem>> -> memref<128xi32, #tpu.memory_space<vmem>>
    %dma_wait3A_809 = arith.constant 0 : i32
    %dma_wait3A_810 = arith.constant 0 : i32
    %dma_wait3A_811 = tpu.memref_slice %arg2[%dma_wait3A_809, %dma_wait3A_810] : memref<2230272x16xf32, #tpu.memory_space<hbm>> -> memref<2230272x16xf32, #tpu.memory_space<hbm>>
    tpu.wait_indirect_dma semaphore(%arg13 : memref<!tpu.dma_semaphore, #tpu.memory_space<semaphore_mem>>) src(%dma_wait3A_811 : memref<2230272x16xf32, #tpu.memory_space<hbm>>) dst(%dma_wait3A_806 : memref<128x16xf32, #tpu.memory_space<vmem>>)
    %dma_wait3A_812 = arith.constant 256 : i32
    %dma_wait3A_813 = arith.constant 0 : i32
    %dma_wait3A_814 = tpu.memref_slice %arg9[%dma_wait3A_812, %dma_wait3A_813] : memref<3072x16xf32, #tpu.memory_space<vmem>> -> memref<128x16xf32, #tpu.memory_space<vmem>>
    %dma_wait3A_815 = arith.constant 256 : i32
    %dma_wait3A_816 = tpu.memref_slice %arg7[%dma_wait3A_815] : memref<3072xi32, #tpu.memory_space<vmem>> -> memref<128xi32, #tpu.memory_space<vmem>>
    %dma_wait3A_817 = arith.constant 0 : i32
    %dma_wait3A_818 = arith.constant 0 : i32
    %dma_wait3A_819 = tpu.memref_slice %arg2[%dma_wait3A_817, %dma_wait3A_818] : memref<2230272x16xf32, #tpu.memory_space<hbm>> -> memref<2230272x16xf32, #tpu.memory_space<hbm>>
    tpu.wait_indirect_dma semaphore(%arg13 : memref<!tpu.dma_semaphore, #tpu.memory_space<semaphore_mem>>) src(%dma_wait3A_819 : memref<2230272x16xf32, #tpu.memory_space<hbm>>) dst(%dma_wait3A_814 : memref<128x16xf32, #tpu.memory_space<vmem>>)
    %dma_wait3A_820 = arith.constant 384 : i32
    %dma_wait3A_821 = arith.constant 0 : i32
    %dma_wait3A_822 = tpu.memref_slice %arg9[%dma_wait3A_820, %dma_wait3A_821] : memref<3072x16xf32, #tpu.memory_space<vmem>> -> memref<128x16xf32, #tpu.memory_space<vmem>>
    %dma_wait3A_823 = arith.constant 384 : i32
    %dma_wait3A_824 = tpu.memref_slice %arg7[%dma_wait3A_823] : memref<3072xi32, #tpu.memory_space<vmem>> -> memref<128xi32, #tpu.memory_space<vmem>>
    %dma_wait3A_825 = arith.constant 0 : i32
    %dma_wait3A_826 = arith.constant 0 : i32
    %dma_wait3A_827 = tpu.memref_slice %arg2[%dma_wait3A_825, %dma_wait3A_826] : memref<2230272x16xf32, #tpu.memory_space<hbm>> -> memref<2230272x16xf32, #tpu.memory_space<hbm>>
    tpu.wait_indirect_dma semaphore(%arg13 : memref<!tpu.dma_semaphore, #tpu.memory_space<semaphore_mem>>) src(%dma_wait3A_827 : memref<2230272x16xf32, #tpu.memory_space<hbm>>) dst(%dma_wait3A_822 : memref<128x16xf32, #tpu.memory_space<vmem>>)
    %dma_wait3A_828 = arith.constant 512 : i32
    %dma_wait3A_829 = arith.constant 0 : i32
    %dma_wait3A_830 = tpu.memref_slice %arg9[%dma_wait3A_828, %dma_wait3A_829] : memref<3072x16xf32, #tpu.memory_space<vmem>> -> memref<128x16xf32, #tpu.memory_space<vmem>>
    %dma_wait3A_831 = arith.constant 512 : i32
    %dma_wait3A_832 = tpu.memref_slice %arg7[%dma_wait3A_831] : memref<3072xi32, #tpu.memory_space<vmem>> -> memref<128xi32, #tpu.memory_space<vmem>>
    %dma_wait3A_833 = arith.constant 0 : i32
    %dma_wait3A_834 = arith.constant 0 : i32
    %dma_wait3A_835 = tpu.memref_slice %arg2[%dma_wait3A_833, %dma_wait3A_834] : memref<2230272x16xf32, #tpu.memory_space<hbm>> -> memref<2230272x16xf32, #tpu.memory_space<hbm>>
    tpu.wait_indirect_dma semaphore(%arg13 : memref<!tpu.dma_semaphore, #tpu.memory_space<semaphore_mem>>) src(%dma_wait3A_835 : memref<2230272x16xf32, #tpu.memory_space<hbm>>) dst(%dma_wait3A_830 : memref<128x16xf32, #tpu.memory_space<vmem>>)
    %dma_wait3A_836 = arith.constant 640 : i32
    %dma_wait3A_837 = arith.constant 0 : i32
    %dma_wait3A_838 = tpu.memref_slice %arg9[%dma_wait3A_836, %dma_wait3A_837] : memref<3072x16xf32, #tpu.memory_space<vmem>> -> memref<128x16xf32, #tpu.memory_space<vmem>>
    %dma_wait3A_839 = arith.constant 640 : i32
    %dma_wait3A_840 = tpu.memref_slice %arg7[%dma_wait3A_839] : memref<3072xi32, #tpu.memory_space<vmem>> -> memref<128xi32, #tpu.memory_space<vmem>>
    %dma_wait3A_841 = arith.constant 0 : i32
    %dma_wait3A_842 = arith.constant 0 : i32
    %dma_wait3A_843 = tpu.memref_slice %arg2[%dma_wait3A_841, %dma_wait3A_842] : memref<2230272x16xf32, #tpu.memory_space<hbm>> -> memref<2230272x16xf32, #tpu.memory_space<hbm>>
    tpu.wait_indirect_dma semaphore(%arg13 : memref<!tpu.dma_semaphore, #tpu.memory_space<semaphore_mem>>) src(%dma_wait3A_843 : memref<2230272x16xf32, #tpu.memory_space<hbm>>) dst(%dma_wait3A_838 : memref<128x16xf32, #tpu.memory_space<vmem>>)
    %dma_wait3A_844 = arith.constant 768 : i32
    %dma_wait3A_845 = arith.constant 0 : i32
    %dma_wait3A_846 = tpu.memref_slice %arg9[%dma_wait3A_844, %dma_wait3A_845] : memref<3072x16xf32, #tpu.memory_space<vmem>> -> memref<128x16xf32, #tpu.memory_space<vmem>>
    %dma_wait3A_847 = arith.constant 768 : i32
    %dma_wait3A_848 = tpu.memref_slice %arg7[%dma_wait3A_847] : memref<3072xi32, #tpu.memory_space<vmem>> -> memref<128xi32, #tpu.memory_space<vmem>>
    %dma_wait3A_849 = arith.constant 0 : i32
    %dma_wait3A_850 = arith.constant 0 : i32
    %dma_wait3A_851 = tpu.memref_slice %arg2[%dma_wait3A_849, %dma_wait3A_850] : memref<2230272x16xf32, #tpu.memory_space<hbm>> -> memref<2230272x16xf32, #tpu.memory_space<hbm>>
    tpu.wait_indirect_dma semaphore(%arg13 : memref<!tpu.dma_semaphore, #tpu.memory_space<semaphore_mem>>) src(%dma_wait3A_851 : memref<2230272x16xf32, #tpu.memory_space<hbm>>) dst(%dma_wait3A_846 : memref<128x16xf32, #tpu.memory_space<vmem>>)
    %dma_wait3A_852 = arith.constant 896 : i32
    %dma_wait3A_853 = arith.constant 0 : i32
    %dma_wait3A_854 = tpu.memref_slice %arg9[%dma_wait3A_852, %dma_wait3A_853] : memref<3072x16xf32, #tpu.memory_space<vmem>> -> memref<128x16xf32, #tpu.memory_space<vmem>>
    %dma_wait3A_855 = arith.constant 896 : i32
    %dma_wait3A_856 = tpu.memref_slice %arg7[%dma_wait3A_855] : memref<3072xi32, #tpu.memory_space<vmem>> -> memref<128xi32, #tpu.memory_space<vmem>>
    %dma_wait3A_857 = arith.constant 0 : i32
    %dma_wait3A_858 = arith.constant 0 : i32
    %dma_wait3A_859 = tpu.memref_slice %arg2[%dma_wait3A_857, %dma_wait3A_858] : memref<2230272x16xf32, #tpu.memory_space<hbm>> -> memref<2230272x16xf32, #tpu.memory_space<hbm>>
    tpu.wait_indirect_dma semaphore(%arg13 : memref<!tpu.dma_semaphore, #tpu.memory_space<semaphore_mem>>) src(%dma_wait3A_859 : memref<2230272x16xf32, #tpu.memory_space<hbm>>) dst(%dma_wait3A_854 : memref<128x16xf32, #tpu.memory_space<vmem>>)
    %dma_wait3A_860 = arith.constant 1024 : i32
    %dma_wait3A_861 = arith.constant 0 : i32
    %dma_wait3A_862 = tpu.memref_slice %arg9[%dma_wait3A_860, %dma_wait3A_861] : memref<3072x16xf32, #tpu.memory_space<vmem>> -> memref<128x16xf32, #tpu.memory_space<vmem>>
    %dma_wait3A_863 = arith.constant 1024 : i32
    %dma_wait3A_864 = tpu.memref_slice %arg7[%dma_wait3A_863] : memref<3072xi32, #tpu.memory_space<vmem>> -> memref<128xi32, #tpu.memory_space<vmem>>
    %dma_wait3A_865 = arith.constant 0 : i32
    %dma_wait3A_866 = arith.constant 0 : i32
    %dma_wait3A_867 = tpu.memref_slice %arg2[%dma_wait3A_865, %dma_wait3A_866] : memref<2230272x16xf32, #tpu.memory_space<hbm>> -> memref<2230272x16xf32, #tpu.memory_space<hbm>>
    tpu.wait_indirect_dma semaphore(%arg13 : memref<!tpu.dma_semaphore, #tpu.memory_space<semaphore_mem>>) src(%dma_wait3A_867 : memref<2230272x16xf32, #tpu.memory_space<hbm>>) dst(%dma_wait3A_862 : memref<128x16xf32, #tpu.memory_space<vmem>>)
    %dma_wait3A_868 = arith.constant 1152 : i32
    %dma_wait3A_869 = arith.constant 0 : i32
    %dma_wait3A_870 = tpu.memref_slice %arg9[%dma_wait3A_868, %dma_wait3A_869] : memref<3072x16xf32, #tpu.memory_space<vmem>> -> memref<128x16xf32, #tpu.memory_space<vmem>>
    %dma_wait3A_871 = arith.constant 1152 : i32
    %dma_wait3A_872 = tpu.memref_slice %arg7[%dma_wait3A_871] : memref<3072xi32, #tpu.memory_space<vmem>> -> memref<128xi32, #tpu.memory_space<vmem>>
    %dma_wait3A_873 = arith.constant 0 : i32
    %dma_wait3A_874 = arith.constant 0 : i32
    %dma_wait3A_875 = tpu.memref_slice %arg2[%dma_wait3A_873, %dma_wait3A_874] : memref<2230272x16xf32, #tpu.memory_space<hbm>> -> memref<2230272x16xf32, #tpu.memory_space<hbm>>
    tpu.wait_indirect_dma semaphore(%arg13 : memref<!tpu.dma_semaphore, #tpu.memory_space<semaphore_mem>>) src(%dma_wait3A_875 : memref<2230272x16xf32, #tpu.memory_space<hbm>>) dst(%dma_wait3A_870 : memref<128x16xf32, #tpu.memory_space<vmem>>)
    %dma_wait3A_876 = arith.constant 1280 : i32
    %dma_wait3A_877 = arith.constant 0 : i32
    %dma_wait3A_878 = tpu.memref_slice %arg9[%dma_wait3A_876, %dma_wait3A_877] : memref<3072x16xf32, #tpu.memory_space<vmem>> -> memref<128x16xf32, #tpu.memory_space<vmem>>
    %dma_wait3A_879 = arith.constant 1280 : i32
    %dma_wait3A_880 = tpu.memref_slice %arg7[%dma_wait3A_879] : memref<3072xi32, #tpu.memory_space<vmem>> -> memref<128xi32, #tpu.memory_space<vmem>>
    %dma_wait3A_881 = arith.constant 0 : i32
    %dma_wait3A_882 = arith.constant 0 : i32
    %dma_wait3A_883 = tpu.memref_slice %arg2[%dma_wait3A_881, %dma_wait3A_882] : memref<2230272x16xf32, #tpu.memory_space<hbm>> -> memref<2230272x16xf32, #tpu.memory_space<hbm>>
    tpu.wait_indirect_dma semaphore(%arg13 : memref<!tpu.dma_semaphore, #tpu.memory_space<semaphore_mem>>) src(%dma_wait3A_883 : memref<2230272x16xf32, #tpu.memory_space<hbm>>) dst(%dma_wait3A_878 : memref<128x16xf32, #tpu.memory_space<vmem>>)
    %dma_wait3A_884 = arith.constant 1408 : i32
    %dma_wait3A_885 = arith.constant 0 : i32
    %dma_wait3A_886 = tpu.memref_slice %arg9[%dma_wait3A_884, %dma_wait3A_885] : memref<3072x16xf32, #tpu.memory_space<vmem>> -> memref<128x16xf32, #tpu.memory_space<vmem>>
    %dma_wait3A_887 = arith.constant 1408 : i32
    %dma_wait3A_888 = tpu.memref_slice %arg7[%dma_wait3A_887] : memref<3072xi32, #tpu.memory_space<vmem>> -> memref<128xi32, #tpu.memory_space<vmem>>
    %dma_wait3A_889 = arith.constant 0 : i32
    %dma_wait3A_890 = arith.constant 0 : i32
    %dma_wait3A_891 = tpu.memref_slice %arg2[%dma_wait3A_889, %dma_wait3A_890] : memref<2230272x16xf32, #tpu.memory_space<hbm>> -> memref<2230272x16xf32, #tpu.memory_space<hbm>>
    tpu.wait_indirect_dma semaphore(%arg13 : memref<!tpu.dma_semaphore, #tpu.memory_space<semaphore_mem>>) src(%dma_wait3A_891 : memref<2230272x16xf32, #tpu.memory_space<hbm>>) dst(%dma_wait3A_886 : memref<128x16xf32, #tpu.memory_space<vmem>>)
    %dma_wait3A_892 = arith.constant 1536 : i32
    %dma_wait3A_893 = arith.constant 0 : i32
    %dma_wait3A_894 = tpu.memref_slice %arg9[%dma_wait3A_892, %dma_wait3A_893] : memref<3072x16xf32, #tpu.memory_space<vmem>> -> memref<128x16xf32, #tpu.memory_space<vmem>>
    %dma_wait3A_895 = arith.constant 1536 : i32
    %dma_wait3A_896 = tpu.memref_slice %arg7[%dma_wait3A_895] : memref<3072xi32, #tpu.memory_space<vmem>> -> memref<128xi32, #tpu.memory_space<vmem>>
    %dma_wait3A_897 = arith.constant 0 : i32
    %dma_wait3A_898 = arith.constant 0 : i32
    %dma_wait3A_899 = tpu.memref_slice %arg2[%dma_wait3A_897, %dma_wait3A_898] : memref<2230272x16xf32, #tpu.memory_space<hbm>> -> memref<2230272x16xf32, #tpu.memory_space<hbm>>
    tpu.wait_indirect_dma semaphore(%arg13 : memref<!tpu.dma_semaphore, #tpu.memory_space<semaphore_mem>>) src(%dma_wait3A_899 : memref<2230272x16xf32, #tpu.memory_space<hbm>>) dst(%dma_wait3A_894 : memref<128x16xf32, #tpu.memory_space<vmem>>)
    %dma_wait3A_900 = arith.constant 1664 : i32
    %dma_wait3A_901 = arith.constant 0 : i32
    %dma_wait3A_902 = tpu.memref_slice %arg9[%dma_wait3A_900, %dma_wait3A_901] : memref<3072x16xf32, #tpu.memory_space<vmem>> -> memref<128x16xf32, #tpu.memory_space<vmem>>
    %dma_wait3A_903 = arith.constant 1664 : i32
    %dma_wait3A_904 = tpu.memref_slice %arg7[%dma_wait3A_903] : memref<3072xi32, #tpu.memory_space<vmem>> -> memref<128xi32, #tpu.memory_space<vmem>>
    %dma_wait3A_905 = arith.constant 0 : i32
    %dma_wait3A_906 = arith.constant 0 : i32
    %dma_wait3A_907 = tpu.memref_slice %arg2[%dma_wait3A_905, %dma_wait3A_906] : memref<2230272x16xf32, #tpu.memory_space<hbm>> -> memref<2230272x16xf32, #tpu.memory_space<hbm>>
    tpu.wait_indirect_dma semaphore(%arg13 : memref<!tpu.dma_semaphore, #tpu.memory_space<semaphore_mem>>) src(%dma_wait3A_907 : memref<2230272x16xf32, #tpu.memory_space<hbm>>) dst(%dma_wait3A_902 : memref<128x16xf32, #tpu.memory_space<vmem>>)
    %dma_wait3A_908 = arith.constant 1792 : i32
    %dma_wait3A_909 = arith.constant 0 : i32
    %dma_wait3A_910 = tpu.memref_slice %arg9[%dma_wait3A_908, %dma_wait3A_909] : memref<3072x16xf32, #tpu.memory_space<vmem>> -> memref<128x16xf32, #tpu.memory_space<vmem>>
    %dma_wait3A_911 = arith.constant 1792 : i32
    %dma_wait3A_912 = tpu.memref_slice %arg7[%dma_wait3A_911] : memref<3072xi32, #tpu.memory_space<vmem>> -> memref<128xi32, #tpu.memory_space<vmem>>
    %dma_wait3A_913 = arith.constant 0 : i32
    %dma_wait3A_914 = arith.constant 0 : i32
    %dma_wait3A_915 = tpu.memref_slice %arg2[%dma_wait3A_913, %dma_wait3A_914] : memref<2230272x16xf32, #tpu.memory_space<hbm>> -> memref<2230272x16xf32, #tpu.memory_space<hbm>>
    tpu.wait_indirect_dma semaphore(%arg13 : memref<!tpu.dma_semaphore, #tpu.memory_space<semaphore_mem>>) src(%dma_wait3A_915 : memref<2230272x16xf32, #tpu.memory_space<hbm>>) dst(%dma_wait3A_910 : memref<128x16xf32, #tpu.memory_space<vmem>>)
    %dma_wait3A_916 = arith.constant 1920 : i32
    %dma_wait3A_917 = arith.constant 0 : i32
    %dma_wait3A_918 = tpu.memref_slice %arg9[%dma_wait3A_916, %dma_wait3A_917] : memref<3072x16xf32, #tpu.memory_space<vmem>> -> memref<128x16xf32, #tpu.memory_space<vmem>>
    %dma_wait3A_919 = arith.constant 1920 : i32
    %dma_wait3A_920 = tpu.memref_slice %arg7[%dma_wait3A_919] : memref<3072xi32, #tpu.memory_space<vmem>> -> memref<128xi32, #tpu.memory_space<vmem>>
    %dma_wait3A_921 = arith.constant 0 : i32
    %dma_wait3A_922 = arith.constant 0 : i32
    %dma_wait3A_923 = tpu.memref_slice %arg2[%dma_wait3A_921, %dma_wait3A_922] : memref<2230272x16xf32, #tpu.memory_space<hbm>> -> memref<2230272x16xf32, #tpu.memory_space<hbm>>
    tpu.wait_indirect_dma semaphore(%arg13 : memref<!tpu.dma_semaphore, #tpu.memory_space<semaphore_mem>>) src(%dma_wait3A_923 : memref<2230272x16xf32, #tpu.memory_space<hbm>>) dst(%dma_wait3A_918 : memref<128x16xf32, #tpu.memory_space<vmem>>)
    %dma_wait3A_924 = arith.constant 2048 : i32
    %dma_wait3A_925 = arith.constant 0 : i32
    %dma_wait3A_926 = tpu.memref_slice %arg9[%dma_wait3A_924, %dma_wait3A_925] : memref<3072x16xf32, #tpu.memory_space<vmem>> -> memref<128x16xf32, #tpu.memory_space<vmem>>
    %dma_wait3A_927 = arith.constant 2048 : i32
    %dma_wait3A_928 = tpu.memref_slice %arg7[%dma_wait3A_927] : memref<3072xi32, #tpu.memory_space<vmem>> -> memref<128xi32, #tpu.memory_space<vmem>>
    %dma_wait3A_929 = arith.constant 0 : i32
    %dma_wait3A_930 = arith.constant 0 : i32
    %dma_wait3A_931 = tpu.memref_slice %arg2[%dma_wait3A_929, %dma_wait3A_930] : memref<2230272x16xf32, #tpu.memory_space<hbm>> -> memref<2230272x16xf32, #tpu.memory_space<hbm>>
    tpu.wait_indirect_dma semaphore(%arg13 : memref<!tpu.dma_semaphore, #tpu.memory_space<semaphore_mem>>) src(%dma_wait3A_931 : memref<2230272x16xf32, #tpu.memory_space<hbm>>) dst(%dma_wait3A_926 : memref<128x16xf32, #tpu.memory_space<vmem>>)
    %dma_wait3A_932 = arith.constant 2176 : i32
    %dma_wait3A_933 = arith.constant 0 : i32
    %dma_wait3A_934 = tpu.memref_slice %arg9[%dma_wait3A_932, %dma_wait3A_933] : memref<3072x16xf32, #tpu.memory_space<vmem>> -> memref<128x16xf32, #tpu.memory_space<vmem>>
    %dma_wait3A_935 = arith.constant 2176 : i32
    %dma_wait3A_936 = tpu.memref_slice %arg7[%dma_wait3A_935] : memref<3072xi32, #tpu.memory_space<vmem>> -> memref<128xi32, #tpu.memory_space<vmem>>
    %dma_wait3A_937 = arith.constant 0 : i32
    %dma_wait3A_938 = arith.constant 0 : i32
    %dma_wait3A_939 = tpu.memref_slice %arg2[%dma_wait3A_937, %dma_wait3A_938] : memref<2230272x16xf32, #tpu.memory_space<hbm>> -> memref<2230272x16xf32, #tpu.memory_space<hbm>>
    tpu.wait_indirect_dma semaphore(%arg13 : memref<!tpu.dma_semaphore, #tpu.memory_space<semaphore_mem>>) src(%dma_wait3A_939 : memref<2230272x16xf32, #tpu.memory_space<hbm>>) dst(%dma_wait3A_934 : memref<128x16xf32, #tpu.memory_space<vmem>>)
    %dma_wait3A_940 = arith.constant 2304 : i32
    %dma_wait3A_941 = arith.constant 0 : i32
    %dma_wait3A_942 = tpu.memref_slice %arg9[%dma_wait3A_940, %dma_wait3A_941] : memref<3072x16xf32, #tpu.memory_space<vmem>> -> memref<128x16xf32, #tpu.memory_space<vmem>>
    %dma_wait3A_943 = arith.constant 2304 : i32
    %dma_wait3A_944 = tpu.memref_slice %arg7[%dma_wait3A_943] : memref<3072xi32, #tpu.memory_space<vmem>> -> memref<128xi32, #tpu.memory_space<vmem>>
    %dma_wait3A_945 = arith.constant 0 : i32
    %dma_wait3A_946 = arith.constant 0 : i32
    %dma_wait3A_947 = tpu.memref_slice %arg2[%dma_wait3A_945, %dma_wait3A_946] : memref<2230272x16xf32, #tpu.memory_space<hbm>> -> memref<2230272x16xf32, #tpu.memory_space<hbm>>
    tpu.wait_indirect_dma semaphore(%arg13 : memref<!tpu.dma_semaphore, #tpu.memory_space<semaphore_mem>>) src(%dma_wait3A_947 : memref<2230272x16xf32, #tpu.memory_space<hbm>>) dst(%dma_wait3A_942 : memref<128x16xf32, #tpu.memory_space<vmem>>)
    %dma_wait3A_948 = arith.constant 2432 : i32
    %dma_wait3A_949 = arith.constant 0 : i32
    %dma_wait3A_950 = tpu.memref_slice %arg9[%dma_wait3A_948, %dma_wait3A_949] : memref<3072x16xf32, #tpu.memory_space<vmem>> -> memref<128x16xf32, #tpu.memory_space<vmem>>
    %dma_wait3A_951 = arith.constant 2432 : i32
    %dma_wait3A_952 = tpu.memref_slice %arg7[%dma_wait3A_951] : memref<3072xi32, #tpu.memory_space<vmem>> -> memref<128xi32, #tpu.memory_space<vmem>>
    %dma_wait3A_953 = arith.constant 0 : i32
    %dma_wait3A_954 = arith.constant 0 : i32
    %dma_wait3A_955 = tpu.memref_slice %arg2[%dma_wait3A_953, %dma_wait3A_954] : memref<2230272x16xf32, #tpu.memory_space<hbm>> -> memref<2230272x16xf32, #tpu.memory_space<hbm>>
    tpu.wait_indirect_dma semaphore(%arg13 : memref<!tpu.dma_semaphore, #tpu.memory_space<semaphore_mem>>) src(%dma_wait3A_955 : memref<2230272x16xf32, #tpu.memory_space<hbm>>) dst(%dma_wait3A_950 : memref<128x16xf32, #tpu.memory_space<vmem>>)
    %dma_wait3A_956 = arith.constant 2560 : i32
    %dma_wait3A_957 = arith.constant 0 : i32
    %dma_wait3A_958 = tpu.memref_slice %arg9[%dma_wait3A_956, %dma_wait3A_957] : memref<3072x16xf32, #tpu.memory_space<vmem>> -> memref<128x16xf32, #tpu.memory_space<vmem>>
    %dma_wait3A_959 = arith.constant 2560 : i32
    %dma_wait3A_960 = tpu.memref_slice %arg7[%dma_wait3A_959] : memref<3072xi32, #tpu.memory_space<vmem>> -> memref<128xi32, #tpu.memory_space<vmem>>
    %dma_wait3A_961 = arith.constant 0 : i32
    %dma_wait3A_962 = arith.constant 0 : i32
    %dma_wait3A_963 = tpu.memref_slice %arg2[%dma_wait3A_961, %dma_wait3A_962] : memref<2230272x16xf32, #tpu.memory_space<hbm>> -> memref<2230272x16xf32, #tpu.memory_space<hbm>>
    tpu.wait_indirect_dma semaphore(%arg13 : memref<!tpu.dma_semaphore, #tpu.memory_space<semaphore_mem>>) src(%dma_wait3A_963 : memref<2230272x16xf32, #tpu.memory_space<hbm>>) dst(%dma_wait3A_958 : memref<128x16xf32, #tpu.memory_space<vmem>>)
    %dma_wait3A_964 = arith.constant 2688 : i32
    %dma_wait3A_965 = arith.constant 0 : i32
    %dma_wait3A_966 = tpu.memref_slice %arg9[%dma_wait3A_964, %dma_wait3A_965] : memref<3072x16xf32, #tpu.memory_space<vmem>> -> memref<128x16xf32, #tpu.memory_space<vmem>>
    %dma_wait3A_967 = arith.constant 2688 : i32
    %dma_wait3A_968 = tpu.memref_slice %arg7[%dma_wait3A_967] : memref<3072xi32, #tpu.memory_space<vmem>> -> memref<128xi32, #tpu.memory_space<vmem>>
    %dma_wait3A_969 = arith.constant 0 : i32
    %dma_wait3A_970 = arith.constant 0 : i32
    %dma_wait3A_971 = tpu.memref_slice %arg2[%dma_wait3A_969, %dma_wait3A_970] : memref<2230272x16xf32, #tpu.memory_space<hbm>> -> memref<2230272x16xf32, #tpu.memory_space<hbm>>
    tpu.wait_indirect_dma semaphore(%arg13 : memref<!tpu.dma_semaphore, #tpu.memory_space<semaphore_mem>>) src(%dma_wait3A_971 : memref<2230272x16xf32, #tpu.memory_space<hbm>>) dst(%dma_wait3A_966 : memref<128x16xf32, #tpu.memory_space<vmem>>)
    %dma_wait3A_972 = arith.constant 2816 : i32
    %dma_wait3A_973 = arith.constant 0 : i32
    %dma_wait3A_974 = tpu.memref_slice %arg9[%dma_wait3A_972, %dma_wait3A_973] : memref<3072x16xf32, #tpu.memory_space<vmem>> -> memref<128x16xf32, #tpu.memory_space<vmem>>
    %dma_wait3A_975 = arith.constant 2816 : i32
    %dma_wait3A_976 = tpu.memref_slice %arg7[%dma_wait3A_975] : memref<3072xi32, #tpu.memory_space<vmem>> -> memref<128xi32, #tpu.memory_space<vmem>>
    %dma_wait3A_977 = arith.constant 0 : i32
    %dma_wait3A_978 = arith.constant 0 : i32
    %dma_wait3A_979 = tpu.memref_slice %arg2[%dma_wait3A_977, %dma_wait3A_978] : memref<2230272x16xf32, #tpu.memory_space<hbm>> -> memref<2230272x16xf32, #tpu.memory_space<hbm>>
    tpu.wait_indirect_dma semaphore(%arg13 : memref<!tpu.dma_semaphore, #tpu.memory_space<semaphore_mem>>) src(%dma_wait3A_979 : memref<2230272x16xf32, #tpu.memory_space<hbm>>) dst(%dma_wait3A_974 : memref<128x16xf32, #tpu.memory_space<vmem>>)
    %dma_wait3A_980 = arith.constant 2944 : i32
    %dma_wait3A_981 = arith.constant 0 : i32
    %dma_wait3A_982 = tpu.memref_slice %arg9[%dma_wait3A_980, %dma_wait3A_981] : memref<3072x16xf32, #tpu.memory_space<vmem>> -> memref<128x16xf32, #tpu.memory_space<vmem>>
    %dma_wait3A_983 = arith.constant 2944 : i32
    %dma_wait3A_984 = tpu.memref_slice %arg7[%dma_wait3A_983] : memref<3072xi32, #tpu.memory_space<vmem>> -> memref<128xi32, #tpu.memory_space<vmem>>
    %dma_wait3A_985 = arith.constant 0 : i32
    %dma_wait3A_986 = arith.constant 0 : i32
    %dma_wait3A_987 = tpu.memref_slice %arg2[%dma_wait3A_985, %dma_wait3A_986] : memref<2230272x16xf32, #tpu.memory_space<hbm>> -> memref<2230272x16xf32, #tpu.memory_space<hbm>>
    tpu.wait_indirect_dma semaphore(%arg13 : memref<!tpu.dma_semaphore, #tpu.memory_space<semaphore_mem>>) src(%dma_wait3A_987 : memref<2230272x16xf32, #tpu.memory_space<hbm>>) dst(%dma_wait3A_982 : memref<128x16xf32, #tpu.memory_space<vmem>>)
    %add3A_988 = arith.constant 32 : i32
    %add3A_989 = arith.addi %mul3A_2, %add3A_988 : i32
    %mul3A_990 = arith.constant 32 : i32
    %mul3A_991 = arith.muli %add3A_989, %mul3A_990 : i32
    "tpu.region"() ({
      %run_scoped3A = tpu.sem_alloc : memref<!tpu.dma_semaphore, #tpu.memory_space<semaphore_mem>>
      %dma_start3A_1600 = tpu.memref_slice %arg4[%mul3A_991] : memref<131072xi32, #tpu.memory_space<hbm>> -> memref<1024xi32, #tpu.memory_space<hbm>>
      %dma_start3A_1601 = tpu.memref_slice %arg4[%mul3A_991] : memref<131072xi32, #tpu.memory_space<hbm>> -> memref<1024xi32, #tpu.memory_space<hbm>>
      tpu.enqueue_dma source(%dma_start3A_1601 : memref<1024xi32, #tpu.memory_space<hbm>>) target(%arg10 : memref<1024xi32, #tpu.memory_space<vmem>>) target_semaphore(%run_scoped3A : memref<!tpu.dma_semaphore, #tpu.memory_space<semaphore_mem>>)
      %dma_wait3A_1602 = tpu.memref_slice %arg4[%mul3A_991] : memref<131072xi32, #tpu.memory_space<hbm>> -> memref<1024xi32, #tpu.memory_space<hbm>>
      %dma_wait3A_1603 = tpu.memref_slice %arg4[%mul3A_991] : memref<131072xi32, #tpu.memory_space<hbm>> -> memref<1024xi32, #tpu.memory_space<hbm>>
      tpu.wait_dma2 semaphore(%run_scoped3A : memref<!tpu.dma_semaphore, #tpu.memory_space<semaphore_mem>>) src(%dma_wait3A_1603 : memref<1024xi32, #tpu.memory_space<hbm>>) dst(%arg10 : memref<1024xi32, #tpu.memory_space<vmem>>)
      tpu.yield
    }) : () -> ()
    %scan3A_992 = arith.constant 0 : i32
    %scan3A_993 = arith.constant 0 : i32
    %scan3A_994 = arith.constant 64 : i32
    %scan3A_995 = arith.addi %scan3A_993, %scan3A_994 : i32
    %scan3A_996 = arith.constant 1 : i32
    scf.for %scan3A_1600 = %scan3A_993 to %scan3A_995 step %scan3A_996  : i32 {
      %mul3A_1601 = arith.constant 16 : i32
      %mul3A_1602 = arith.muli %scan3A_1600, %mul3A_1601 : i32
      %get3A = arith.index_cast %mul3A_1602 : i32 to index
      %get3A_1603 = tpu.vector_load %arg10[%get3A] {strides = array<i32>} : memref<1024xi32, #tpu.memory_space<vmem>>, vector<16xi32>,
      %shift_right_arithmetic3A = arith.constant 4 : i32
      %shift_right_arithmetic3A_1604 = vector.broadcast %shift_right_arithmetic3A : i32 to vector<16xi32>
      %shift_right_arithmetic3A_1605 = arith.shrsi %get3A_1603, %shift_right_arithmetic3A_1604 : vector<16xi32>
      %and3A = arith.constant 15 : i32
      %and3A_1606 = vector.broadcast %and3A : i32 to vector<16xi32>
      %and3A_1607 = arith.andi %get3A_1603, %and3A_1606 : vector<16xi32>
      %gather3A = tpu.vector_load_idx %arg9[%shift_right_arithmetic3A_1605, %and3A_1607] : memref<3072x16xf32, #tpu.memory_space<vmem>>[vector<16xi32>, vector<16xi32>], vector<16xf32>,
      %add3A_1608 = arith.constant 1 : i32
      %add3A_1609 = vector.broadcast %add3A_1608 : i32 to vector<16xi32>
      %add3A_1610 = arith.addi %get3A_1603, %add3A_1609 : vector<16xi32>
      %shift_right_arithmetic3A_1611 = arith.constant 4 : i32
      %shift_right_arithmetic3A_1612 = vector.broadcast %shift_right_arithmetic3A_1611 : i32 to vector<16xi32>
      %shift_right_arithmetic3A_1613 = arith.shrsi %add3A_1610, %shift_right_arithmetic3A_1612 : vector<16xi32>
      %and3A_1614 = arith.constant 15 : i32
      %and3A_1615 = vector.broadcast %and3A_1614 : i32 to vector<16xi32>
      %and3A_1616 = arith.andi %add3A_1610, %and3A_1615 : vector<16xi32>
      %gather3A_1617 = tpu.vector_load_idx %arg9[%shift_right_arithmetic3A_1613, %and3A_1616] : memref<3072x16xf32, #tpu.memory_space<vmem>>[vector<16xi32>, vector<16xi32>], vector<16xf32>,
      %add3A_1618 = arith.addf %gather3A, %gather3A_1617 : vector<16xf32>
      %add3A_1619 = arith.constant 2 : i32
      %add3A_1620 = vector.broadcast %add3A_1619 : i32 to vector<16xi32>
      %add3A_1621 = arith.addi %get3A_1603, %add3A_1620 : vector<16xi32>
      %shift_right_arithmetic3A_1622 = arith.constant 4 : i32
      %shift_right_arithmetic3A_1623 = vector.broadcast %shift_right_arithmetic3A_1622 : i32 to vector<16xi32>
      %shift_right_arithmetic3A_1624 = arith.shrsi %add3A_1621, %shift_right_arithmetic3A_1623 : vector<16xi32>
      %and3A_1625 = arith.constant 15 : i32
      %and3A_1626 = vector.broadcast %and3A_1625 : i32 to vector<16xi32>
      %and3A_1627 = arith.andi %add3A_1621, %and3A_1626 : vector<16xi32>
      %gather3A_1628 = tpu.vector_load_idx %arg9[%shift_right_arithmetic3A_1624, %and3A_1627] : memref<3072x16xf32, #tpu.memory_space<vmem>>[vector<16xi32>, vector<16xi32>], vector<16xf32>,
      %add3A_1629 = arith.addf %add3A_1618, %gather3A_1628 : vector<16xf32>
      %add3A_1630 = arith.constant 3 : i32
      %add3A_1631 = vector.broadcast %add3A_1630 : i32 to vector<16xi32>
      %add3A_1632 = arith.addi %get3A_1603, %add3A_1631 : vector<16xi32>
      %shift_right_arithmetic3A_1633 = arith.constant 4 : i32
      %shift_right_arithmetic3A_1634 = vector.broadcast %shift_right_arithmetic3A_1633 : i32 to vector<16xi32>
      %shift_right_arithmetic3A_1635 = arith.shrsi %add3A_1632, %shift_right_arithmetic3A_1634 : vector<16xi32>
      %and3A_1636 = arith.constant 15 : i32
      %and3A_1637 = vector.broadcast %and3A_1636 : i32 to vector<16xi32>
      %and3A_1638 = arith.andi %add3A_1632, %and3A_1637 : vector<16xi32>
      %gather3A_1639 = tpu.vector_load_idx %arg9[%shift_right_arithmetic3A_1635, %and3A_1638] : memref<3072x16xf32, #tpu.memory_space<vmem>>[vector<16xi32>, vector<16xi32>], vector<16xf32>,
      %add3A_1640 = arith.addf %add3A_1629, %gather3A_1639 : vector<16xf32>
      %add3A_1641 = arith.constant 4 : i32
      %add3A_1642 = vector.broadcast %add3A_1641 : i32 to vector<16xi32>
      %add3A_1643 = arith.addi %get3A_1603, %add3A_1642 : vector<16xi32>
      %shift_right_arithmetic3A_1644 = arith.constant 4 : i32
      %shift_right_arithmetic3A_1645 = vector.broadcast %shift_right_arithmetic3A_1644 : i32 to vector<16xi32>
      %shift_right_arithmetic3A_1646 = arith.shrsi %add3A_1643, %shift_right_arithmetic3A_1645 : vector<16xi32>
      %and3A_1647 = arith.constant 15 : i32
      %and3A_1648 = vector.broadcast %and3A_1647 : i32 to vector<16xi32>
      %and3A_1649 = arith.andi %add3A_1643, %and3A_1648 : vector<16xi32>
      %gather3A_1650 = tpu.vector_load_idx %arg9[%shift_right_arithmetic3A_1646, %and3A_1649] : memref<3072x16xf32, #tpu.memory_space<vmem>>[vector<16xi32>, vector<16xi32>], vector<16xf32>,
      %add3A_1651 = arith.addf %add3A_1640, %gather3A_1650 : vector<16xf32>
      %add3A_1652 = arith.constant 5 : i32
      %add3A_1653 = vector.broadcast %add3A_1652 : i32 to vector<16xi32>
      %add3A_1654 = arith.addi %get3A_1603, %add3A_1653 : vector<16xi32>
      %shift_right_arithmetic3A_1655 = arith.constant 4 : i32
      %shift_right_arithmetic3A_1656 = vector.broadcast %shift_right_arithmetic3A_1655 : i32 to vector<16xi32>
      %shift_right_arithmetic3A_1657 = arith.shrsi %add3A_1654, %shift_right_arithmetic3A_1656 : vector<16xi32>
      %and3A_1658 = arith.constant 15 : i32
      %and3A_1659 = vector.broadcast %and3A_1658 : i32 to vector<16xi32>
      %and3A_1660 = arith.andi %add3A_1654, %and3A_1659 : vector<16xi32>
      %gather3A_1661 = tpu.vector_load_idx %arg9[%shift_right_arithmetic3A_1657, %and3A_1660] : memref<3072x16xf32, #tpu.memory_space<vmem>>[vector<16xi32>, vector<16xi32>], vector<16xf32>,
      %add3A_1662 = arith.addf %add3A_1651, %gather3A_1661 : vector<16xf32>
      %add3A_1663 = arith.constant 6 : i32
      %add3A_1664 = vector.broadcast %add3A_1663 : i32 to vector<16xi32>
      %add3A_1665 = arith.addi %get3A_1603, %add3A_1664 : vector<16xi32>
      %shift_right_arithmetic3A_1666 = arith.constant 4 : i32
      %shift_right_arithmetic3A_1667 = vector.broadcast %shift_right_arithmetic3A_1666 : i32 to vector<16xi32>
      %shift_right_arithmetic3A_1668 = arith.shrsi %add3A_1665, %shift_right_arithmetic3A_1667 : vector<16xi32>
      %and3A_1669 = arith.constant 15 : i32
      %and3A_1670 = vector.broadcast %and3A_1669 : i32 to vector<16xi32>
      %and3A_1671 = arith.andi %add3A_1665, %and3A_1670 : vector<16xi32>
      %gather3A_1672 = tpu.vector_load_idx %arg9[%shift_right_arithmetic3A_1668, %and3A_1671] : memref<3072x16xf32, #tpu.memory_space<vmem>>[vector<16xi32>, vector<16xi32>], vector<16xf32>,
      %add3A_1673 = arith.addf %add3A_1662, %gather3A_1672 : vector<16xf32>
      %add3A_1674 = arith.constant 7 : i32
      %add3A_1675 = vector.broadcast %add3A_1674 : i32 to vector<16xi32>
      %add3A_1676 = arith.addi %get3A_1603, %add3A_1675 : vector<16xi32>
      %shift_right_arithmetic3A_1677 = arith.constant 4 : i32
      %shift_right_arithmetic3A_1678 = vector.broadcast %shift_right_arithmetic3A_1677 : i32 to vector<16xi32>
      %shift_right_arithmetic3A_1679 = arith.shrsi %add3A_1676, %shift_right_arithmetic3A_1678 : vector<16xi32>
      %and3A_1680 = arith.constant 15 : i32
      %and3A_1681 = vector.broadcast %and3A_1680 : i32 to vector<16xi32>
      %and3A_1682 = arith.andi %add3A_1676, %and3A_1681 : vector<16xi32>
      %gather3A_1683 = tpu.vector_load_idx %arg9[%shift_right_arithmetic3A_1679, %and3A_1682] : memref<3072x16xf32, #tpu.memory_space<vmem>>[vector<16xi32>, vector<16xi32>], vector<16xf32>,
      %add3A_1684 = arith.addf %add3A_1673, %gather3A_1683 : vector<16xf32>
      %add3A_1685 = arith.constant 8 : i32
      %add3A_1686 = vector.broadcast %add3A_1685 : i32 to vector<16xi32>
      %add3A_1687 = arith.addi %get3A_1603, %add3A_1686 : vector<16xi32>
      %shift_right_arithmetic3A_1688 = arith.constant 4 : i32
      %shift_right_arithmetic3A_1689 = vector.broadcast %shift_right_arithmetic3A_1688 : i32 to vector<16xi32>
      %shift_right_arithmetic3A_1690 = arith.shrsi %add3A_1687, %shift_right_arithmetic3A_1689 : vector<16xi32>
      %and3A_1691 = arith.constant 15 : i32
      %and3A_1692 = vector.broadcast %and3A_1691 : i32 to vector<16xi32>
      %and3A_1693 = arith.andi %add3A_1687, %and3A_1692 : vector<16xi32>
      %gather3A_1694 = tpu.vector_load_idx %arg9[%shift_right_arithmetic3A_1690, %and3A_1693] : memref<3072x16xf32, #tpu.memory_space<vmem>>[vector<16xi32>, vector<16xi32>], vector<16xf32>,
      %add3A_1695 = arith.addf %add3A_1684, %gather3A_1694 : vector<16xf32>
      %add3A_1696 = arith.constant 9 : i32
      %add3A_1697 = vector.broadcast %add3A_1696 : i32 to vector<16xi32>
      %add3A_1698 = arith.addi %get3A_1603, %add3A_1697 : vector<16xi32>
      %shift_right_arithmetic3A_1699 = arith.constant 4 : i32
      %shift_right_arithmetic3A_1700 = vector.broadcast %shift_right_arithmetic3A_1699 : i32 to vector<16xi32>
      %shift_right_arithmetic3A_1701 = arith.shrsi %add3A_1698, %shift_right_arithmetic3A_1700 : vector<16xi32>
      %and3A_1702 = arith.constant 15 : i32
      %and3A_1703 = vector.broadcast %and3A_1702 : i32 to vector<16xi32>
      %and3A_1704 = arith.andi %add3A_1698, %and3A_1703 : vector<16xi32>
      %gather3A_1705 = tpu.vector_load_idx %arg9[%shift_right_arithmetic3A_1701, %and3A_1704] : memref<3072x16xf32, #tpu.memory_space<vmem>>[vector<16xi32>, vector<16xi32>], vector<16xf32>,
      %add3A_1706 = arith.addf %add3A_1695, %gather3A_1705 : vector<16xf32>
      %add3A_1707 = arith.constant 10 : i32
      %add3A_1708 = vector.broadcast %add3A_1707 : i32 to vector<16xi32>
      %add3A_1709 = arith.addi %get3A_1603, %add3A_1708 : vector<16xi32>
      %shift_right_arithmetic3A_1710 = arith.constant 4 : i32
      %shift_right_arithmetic3A_1711 = vector.broadcast %shift_right_arithmetic3A_1710 : i32 to vector<16xi32>
      %shift_right_arithmetic3A_1712 = arith.shrsi %add3A_1709, %shift_right_arithmetic3A_1711 : vector<16xi32>
      %and3A_1713 = arith.constant 15 : i32
      %and3A_1714 = vector.broadcast %and3A_1713 : i32 to vector<16xi32>
      %and3A_1715 = arith.andi %add3A_1709, %and3A_1714 : vector<16xi32>
      %gather3A_1716 = tpu.vector_load_idx %arg9[%shift_right_arithmetic3A_1712, %and3A_1715] : memref<3072x16xf32, #tpu.memory_space<vmem>>[vector<16xi32>, vector<16xi32>], vector<16xf32>,
      %add3A_1717 = arith.addf %add3A_1706, %gather3A_1716 : vector<16xf32>
      %add3A_1718 = arith.constant 11 : i32
      %add3A_1719 = vector.broadcast %add3A_1718 : i32 to vector<16xi32>
      %add3A_1720 = arith.addi %get3A_1603, %add3A_1719 : vector<16xi32>
      %shift_right_arithmetic3A_1721 = arith.constant 4 : i32
      %shift_right_arithmetic3A_1722 = vector.broadcast %shift_right_arithmetic3A_1721 : i32 to vector<16xi32>
      %shift_right_arithmetic3A_1723 = arith.shrsi %add3A_1720, %shift_right_arithmetic3A_1722 : vector<16xi32>
      %and3A_1724 = arith.constant 15 : i32
      %and3A_1725 = vector.broadcast %and3A_1724 : i32 to vector<16xi32>
      %and3A_1726 = arith.andi %add3A_1720, %and3A_1725 : vector<16xi32>
      %gather3A_1727 = tpu.vector_load_idx %arg9[%shift_right_arithmetic3A_1723, %and3A_1726] : memref<3072x16xf32, #tpu.memory_space<vmem>>[vector<16xi32>, vector<16xi32>], vector<16xf32>,
      %add3A_1728 = arith.addf %add3A_1717, %gather3A_1727 : vector<16xf32>
      %add3A_1729 = arith.constant 12 : i32
      %add3A_1730 = vector.broadcast %add3A_1729 : i32 to vector<16xi32>
      %add3A_1731 = arith.addi %get3A_1603, %add3A_1730 : vector<16xi32>
      %shift_right_arithmetic3A_1732 = arith.constant 4 : i32
      %shift_right_arithmetic3A_1733 = vector.broadcast %shift_right_arithmetic3A_1732 : i32 to vector<16xi32>
      %shift_right_arithmetic3A_1734 = arith.shrsi %add3A_1731, %shift_right_arithmetic3A_1733 : vector<16xi32>
      %and3A_1735 = arith.constant 15 : i32
      %and3A_1736 = vector.broadcast %and3A_1735 : i32 to vector<16xi32>
      %and3A_1737 = arith.andi %add3A_1731, %and3A_1736 : vector<16xi32>
      %gather3A_1738 = tpu.vector_load_idx %arg9[%shift_right_arithmetic3A_1734, %and3A_1737] : memref<3072x16xf32, #tpu.memory_space<vmem>>[vector<16xi32>, vector<16xi32>], vector<16xf32>,
      %add3A_1739 = arith.addf %add3A_1728, %gather3A_1738 : vector<16xf32>
      %add3A_1740 = arith.constant 13 : i32
      %add3A_1741 = vector.broadcast %add3A_1740 : i32 to vector<16xi32>
      %add3A_1742 = arith.addi %get3A_1603, %add3A_1741 : vector<16xi32>
      %shift_right_arithmetic3A_1743 = arith.constant 4 : i32
      %shift_right_arithmetic3A_1744 = vector.broadcast %shift_right_arithmetic3A_1743 : i32 to vector<16xi32>
      %shift_right_arithmetic3A_1745 = arith.shrsi %add3A_1742, %shift_right_arithmetic3A_1744 : vector<16xi32>
      %and3A_1746 = arith.constant 15 : i32
      %and3A_1747 = vector.broadcast %and3A_1746 : i32 to vector<16xi32>
      %and3A_1748 = arith.andi %add3A_1742, %and3A_1747 : vector<16xi32>
      %gather3A_1749 = tpu.vector_load_idx %arg9[%shift_right_arithmetic3A_1745, %and3A_1748] : memref<3072x16xf32, #tpu.memory_space<vmem>>[vector<16xi32>, vector<16xi32>], vector<16xf32>,
      %add3A_1750 = arith.addf %add3A_1739, %gather3A_1749 : vector<16xf32>
      %add3A_1751 = arith.constant 14 : i32
      %add3A_1752 = vector.broadcast %add3A_1751 : i32 to vector<16xi32>
      %add3A_1753 = arith.addi %get3A_1603, %add3A_1752 : vector<16xi32>
      %shift_right_arithmetic3A_1754 = arith.constant 4 : i32
      %shift_right_arithmetic3A_1755 = vector.broadcast %shift_right_arithmetic3A_1754 : i32 to vector<16xi32>
      %shift_right_arithmetic3A_1756 = arith.shrsi %add3A_1753, %shift_right_arithmetic3A_1755 : vector<16xi32>
      %and3A_1757 = arith.constant 15 : i32
      %and3A_1758 = vector.broadcast %and3A_1757 : i32 to vector<16xi32>
      %and3A_1759 = arith.andi %add3A_1753, %and3A_1758 : vector<16xi32>
      %gather3A_1760 = tpu.vector_load_idx %arg9[%shift_right_arithmetic3A_1756, %and3A_1759] : memref<3072x16xf32, #tpu.memory_space<vmem>>[vector<16xi32>, vector<16xi32>], vector<16xf32>,
      %add3A_1761 = arith.addf %add3A_1750, %gather3A_1760 : vector<16xf32>
      %add3A_1762 = arith.constant 15 : i32
      %add3A_1763 = vector.broadcast %add3A_1762 : i32 to vector<16xi32>
      %add3A_1764 = arith.addi %get3A_1603, %add3A_1763 : vector<16xi32>
      %shift_right_arithmetic3A_1765 = arith.constant 4 : i32
      %shift_right_arithmetic3A_1766 = vector.broadcast %shift_right_arithmetic3A_1765 : i32 to vector<16xi32>
      %shift_right_arithmetic3A_1767 = arith.shrsi %add3A_1764, %shift_right_arithmetic3A_1766 : vector<16xi32>
      %and3A_1768 = arith.constant 15 : i32
      %and3A_1769 = vector.broadcast %and3A_1768 : i32 to vector<16xi32>
      %and3A_1770 = arith.andi %add3A_1764, %and3A_1769 : vector<16xi32>
      %gather3A_1771 = tpu.vector_load_idx %arg9[%shift_right_arithmetic3A_1767, %and3A_1770] : memref<3072x16xf32, #tpu.memory_space<vmem>>[vector<16xi32>, vector<16xi32>], vector<16xf32>,
      %add3A_1772 = arith.addf %add3A_1761, %gather3A_1771 : vector<16xf32>
      %add3A_1773 = arith.constant 16 : i32
      %add3A_1774 = vector.broadcast %add3A_1773 : i32 to vector<16xi32>
      %add3A_1775 = arith.addi %get3A_1603, %add3A_1774 : vector<16xi32>
      %shift_right_arithmetic3A_1776 = arith.constant 4 : i32
      %shift_right_arithmetic3A_1777 = vector.broadcast %shift_right_arithmetic3A_1776 : i32 to vector<16xi32>
      %shift_right_arithmetic3A_1778 = arith.shrsi %add3A_1775, %shift_right_arithmetic3A_1777 : vector<16xi32>
      %and3A_1779 = arith.constant 15 : i32
      %and3A_1780 = vector.broadcast %and3A_1779 : i32 to vector<16xi32>
      %and3A_1781 = arith.andi %add3A_1775, %and3A_1780 : vector<16xi32>
      %gather3A_1782 = tpu.vector_load_idx %arg9[%shift_right_arithmetic3A_1778, %and3A_1781] : memref<3072x16xf32, #tpu.memory_space<vmem>>[vector<16xi32>, vector<16xi32>], vector<16xf32>,
      %add3A_1783 = arith.addf %add3A_1772, %gather3A_1782 : vector<16xf32>
      %add3A_1784 = arith.constant 17 : i32
      %add3A_1785 = vector.broadcast %add3A_1784 : i32 to vector<16xi32>
      %add3A_1786 = arith.addi %get3A_1603, %add3A_1785 : vector<16xi32>
      %shift_right_arithmetic3A_1787 = arith.constant 4 : i32
      %shift_right_arithmetic3A_1788 = vector.broadcast %shift_right_arithmetic3A_1787 : i32 to vector<16xi32>
      %shift_right_arithmetic3A_1789 = arith.shrsi %add3A_1786, %shift_right_arithmetic3A_1788 : vector<16xi32>
      %and3A_1790 = arith.constant 15 : i32
      %and3A_1791 = vector.broadcast %and3A_1790 : i32 to vector<16xi32>
      %and3A_1792 = arith.andi %add3A_1786, %and3A_1791 : vector<16xi32>
      %gather3A_1793 = tpu.vector_load_idx %arg9[%shift_right_arithmetic3A_1789, %and3A_1792] : memref<3072x16xf32, #tpu.memory_space<vmem>>[vector<16xi32>, vector<16xi32>], vector<16xf32>,
      %add3A_1794 = arith.addf %add3A_1783, %gather3A_1793 : vector<16xf32>
      %add3A_1795 = arith.constant 18 : i32
      %add3A_1796 = vector.broadcast %add3A_1795 : i32 to vector<16xi32>
      %add3A_1797 = arith.addi %get3A_1603, %add3A_1796 : vector<16xi32>
      %shift_right_arithmetic3A_1798 = arith.constant 4 : i32
      %shift_right_arithmetic3A_1799 = vector.broadcast %shift_right_arithmetic3A_1798 : i32 to vector<16xi32>
      %shift_right_arithmetic3A_1800 = arith.shrsi %add3A_1797, %shift_right_arithmetic3A_1799 : vector<16xi32>
      %and3A_1801 = arith.constant 15 : i32
      %and3A_1802 = vector.broadcast %and3A_1801 : i32 to vector<16xi32>
      %and3A_1803 = arith.andi %add3A_1797, %and3A_1802 : vector<16xi32>
      %gather3A_1804 = tpu.vector_load_idx %arg9[%shift_right_arithmetic3A_1800, %and3A_1803] : memref<3072x16xf32, #tpu.memory_space<vmem>>[vector<16xi32>, vector<16xi32>], vector<16xf32>,
      %add3A_1805 = arith.addf %add3A_1794, %gather3A_1804 : vector<16xf32>
      %add3A_1806 = arith.constant 19 : i32
      %add3A_1807 = vector.broadcast %add3A_1806 : i32 to vector<16xi32>
      %add3A_1808 = arith.addi %get3A_1603, %add3A_1807 : vector<16xi32>
      %shift_right_arithmetic3A_1809 = arith.constant 4 : i32
      %shift_right_arithmetic3A_1810 = vector.broadcast %shift_right_arithmetic3A_1809 : i32 to vector<16xi32>
      %shift_right_arithmetic3A_1811 = arith.shrsi %add3A_1808, %shift_right_arithmetic3A_1810 : vector<16xi32>
      %and3A_1812 = arith.constant 15 : i32
      %and3A_1813 = vector.broadcast %and3A_1812 : i32 to vector<16xi32>
      %and3A_1814 = arith.andi %add3A_1808, %and3A_1813 : vector<16xi32>
      %gather3A_1815 = tpu.vector_load_idx %arg9[%shift_right_arithmetic3A_1811, %and3A_1814] : memref<3072x16xf32, #tpu.memory_space<vmem>>[vector<16xi32>, vector<16xi32>], vector<16xf32>,
      %add3A_1816 = arith.addf %add3A_1805, %gather3A_1815 : vector<16xf32>
      %add3A_1817 = arith.constant 20 : i32
      %add3A_1818 = vector.broadcast %add3A_1817 : i32 to vector<16xi32>
      %add3A_1819 = arith.addi %get3A_1603, %add3A_1818 : vector<16xi32>
      %shift_right_arithmetic3A_1820 = arith.constant 4 : i32
      %shift_right_arithmetic3A_1821 = vector.broadcast %shift_right_arithmetic3A_1820 : i32 to vector<16xi32>
      %shift_right_arithmetic3A_1822 = arith.shrsi %add3A_1819, %shift_right_arithmetic3A_1821 : vector<16xi32>
      %and3A_1823 = arith.constant 15 : i32
      %and3A_1824 = vector.broadcast %and3A_1823 : i32 to vector<16xi32>
      %and3A_1825 = arith.andi %add3A_1819, %and3A_1824 : vector<16xi32>
      %gather3A_1826 = tpu.vector_load_idx %arg9[%shift_right_arithmetic3A_1822, %and3A_1825] : memref<3072x16xf32, #tpu.memory_space<vmem>>[vector<16xi32>, vector<16xi32>], vector<16xf32>,
      %add3A_1827 = arith.addf %add3A_1816, %gather3A_1826 : vector<16xf32>
      %gt3A = arith.constant 0.000000e+00 : f32
      %gt3A_1828 = vector.broadcast %gt3A : f32 to vector<16xf32>
      %gt3A_1829 = arith.cmpf ogt, %add3A_1827, %gt3A_1828 : vector<16xf32>
      %jit3A = arith.constant 1.000000e+00 : f32
      %jit3A_1830 = arith.constant 0.000000e+00 : f32
      %broadcast_in_dim3A = vector.broadcast %jit3A : f32 to vector<16xf32>
      %broadcast_in_dim3A_1831 = vector.broadcast %jit3A_1830 : f32 to vector<16xf32>
      %select_n3A = arith.select %gt3A_1829, %broadcast_in_dim3A, %broadcast_in_dim3A_1831 : vector<16xi1>, vector<16xf32>
      %mul3A_1832 = arith.constant 16 : i32
      %mul3A_1833 = arith.muli %scan3A_1600, %mul3A_1832 : i32
      %swap3A = arith.index_cast %mul3A_1833 : i32 to index
      %swap3A_1834 = tpu.vector_load %arg11[%swap3A] {strides = array<i32>} : memref<1024xf32, #tpu.memory_space<vmem>>, vector<16xf32>,
      tpu.vector_store %arg11[%swap3A], %select_n3A {strides = array<i32>} : memref<1024xf32, #tpu.memory_space<vmem>>, vector<16xf32>,
    }
    %scan3A_997 = arith.constant 64 : i32
    "tpu.region"() ({
      %run_scoped3A = tpu.sem_alloc : memref<!tpu.dma_semaphore, #tpu.memory_space<semaphore_mem>>
      %dma_start3A_1600 = tpu.memref_slice %arg5[%mul3A_991] : memref<131072xf32, #tpu.memory_space<hbm>> -> memref<1024xf32, #tpu.memory_space<hbm>>
      %dma_start3A_1601 = tpu.memref_slice %arg5[%mul3A_991] : memref<131072xf32, #tpu.memory_space<hbm>> -> memref<1024xf32, #tpu.memory_space<hbm>>
      tpu.enqueue_dma source(%arg11 : memref<1024xf32, #tpu.memory_space<vmem>>) target(%dma_start3A_1601 : memref<1024xf32, #tpu.memory_space<hbm>>) target_semaphore(%run_scoped3A : memref<!tpu.dma_semaphore, #tpu.memory_space<semaphore_mem>>)
      %dma_wait3A_1602 = tpu.memref_slice %arg5[%mul3A_991] : memref<131072xf32, #tpu.memory_space<hbm>> -> memref<1024xf32, #tpu.memory_space<hbm>>
      %dma_wait3A_1603 = tpu.memref_slice %arg5[%mul3A_991] : memref<131072xf32, #tpu.memory_space<hbm>> -> memref<1024xf32, #tpu.memory_space<hbm>>
      tpu.wait_dma2 semaphore(%run_scoped3A : memref<!tpu.dma_semaphore, #tpu.memory_space<semaphore_mem>>) src(%arg11 : memref<1024xf32, #tpu.memory_space<vmem>>) dst(%dma_wait3A_1603 : memref<1024xf32, #tpu.memory_space<hbm>>)
      tpu.yield
    }) : () -> ()
    %add3A_998 = arith.constant 96 : i32
    %add3A_999 = arith.addi %mul3A_2, %add3A_998 : i32
    %mul3A_1000 = arith.constant 32 : i32
    %mul3A_1001 = arith.muli %add3A_999, %mul3A_1000 : i32
    %mul3A_1002 = arith.constant 3 : i32
    %mul3A_1003 = arith.muli %mul3A_1001, %mul3A_1002 : i32
    "tpu.region"() ({
      %run_scoped3A = tpu.sem_alloc : memref<!tpu.dma_semaphore, #tpu.memory_space<semaphore_mem>>
      %dma_start3A_1600 = tpu.memref_slice %arg3[%mul3A_1003] : memref<393216xi32, #tpu.memory_space<hbm>> -> memref<3072xi32, #tpu.memory_space<hbm>>
      %dma_start3A_1601 = tpu.memref_slice %arg3[%mul3A_1003] : memref<393216xi32, #tpu.memory_space<hbm>> -> memref<3072xi32, #tpu.memory_space<hbm>>
      tpu.enqueue_dma source(%dma_start3A_1601 : memref<3072xi32, #tpu.memory_space<hbm>>) target(%arg7 : memref<3072xi32, #tpu.memory_space<vmem>>) target_semaphore(%run_scoped3A : memref<!tpu.dma_semaphore, #tpu.memory_space<semaphore_mem>>)
      %dma_wait3A_1602 = tpu.memref_slice %arg3[%mul3A_1003] : memref<393216xi32, #tpu.memory_space<hbm>> -> memref<3072xi32, #tpu.memory_space<hbm>>
      %dma_wait3A_1603 = tpu.memref_slice %arg3[%mul3A_1003] : memref<393216xi32, #tpu.memory_space<hbm>> -> memref<3072xi32, #tpu.memory_space<hbm>>
      tpu.wait_dma2 semaphore(%run_scoped3A : memref<!tpu.dma_semaphore, #tpu.memory_space<semaphore_mem>>) src(%dma_wait3A_1603 : memref<3072xi32, #tpu.memory_space<hbm>>) dst(%arg7 : memref<3072xi32, #tpu.memory_space<vmem>>)
      tpu.yield
    }) : () -> ()
    %dma_start3A_1004 = arith.constant 0 : i32
    %dma_start3A_1005 = arith.constant 0 : i32
    %dma_start3A_1006 = tpu.memref_slice %arg9[%dma_start3A_1004, %dma_start3A_1005] : memref<3072x16xf32, #tpu.memory_space<vmem>> -> memref<128x16xf32, #tpu.memory_space<vmem>>
    %dma_start3A_1007 = arith.constant 0 : i32
    %dma_start3A_1008 = tpu.memref_slice %arg7[%dma_start3A_1007] : memref<3072xi32, #tpu.memory_space<vmem>> -> memref<128xi32, #tpu.memory_space<vmem>>
    %dma_start3A_1009 = arith.constant 0 : i32
    %dma_start3A_1010 = arith.constant 0 : i32
    %dma_start3A_1011 = tpu.memref_slice %arg2[%dma_start3A_1009, %dma_start3A_1010] : memref<2230272x16xf32, #tpu.memory_space<hbm>> -> memref<2230272x16xf32, #tpu.memory_space<hbm>>
    tpu.enqueue_indirect_dma source(%dma_start3A_1011 : memref<2230272x16xf32, #tpu.memory_space<hbm>>) target(%dma_start3A_1006 : memref<128x16xf32, #tpu.memory_space<vmem>>) offsets(%dma_start3A_1008 : memref<128xi32, #tpu.memory_space<vmem>>) semaphore(%arg13 : memref<!tpu.dma_semaphore, #tpu.memory_space<semaphore_mem>>)
    %dma_start3A_1012 = arith.constant 128 : i32
    %dma_start3A_1013 = arith.constant 0 : i32
    %dma_start3A_1014 = tpu.memref_slice %arg9[%dma_start3A_1012, %dma_start3A_1013] : memref<3072x16xf32, #tpu.memory_space<vmem>> -> memref<128x16xf32, #tpu.memory_space<vmem>>
    %dma_start3A_1015 = arith.constant 128 : i32
    %dma_start3A_1016 = tpu.memref_slice %arg7[%dma_start3A_1015] : memref<3072xi32, #tpu.memory_space<vmem>> -> memref<128xi32, #tpu.memory_space<vmem>>
    %dma_start3A_1017 = arith.constant 0 : i32
    %dma_start3A_1018 = arith.constant 0 : i32
    %dma_start3A_1019 = tpu.memref_slice %arg2[%dma_start3A_1017, %dma_start3A_1018] : memref<2230272x16xf32, #tpu.memory_space<hbm>> -> memref<2230272x16xf32, #tpu.memory_space<hbm>>
    tpu.enqueue_indirect_dma source(%dma_start3A_1019 : memref<2230272x16xf32, #tpu.memory_space<hbm>>) target(%dma_start3A_1014 : memref<128x16xf32, #tpu.memory_space<vmem>>) offsets(%dma_start3A_1016 : memref<128xi32, #tpu.memory_space<vmem>>) semaphore(%arg13 : memref<!tpu.dma_semaphore, #tpu.memory_space<semaphore_mem>>)
    %dma_start3A_1020 = arith.constant 256 : i32
    %dma_start3A_1021 = arith.constant 0 : i32
    %dma_start3A_1022 = tpu.memref_slice %arg9[%dma_start3A_1020, %dma_start3A_1021] : memref<3072x16xf32, #tpu.memory_space<vmem>> -> memref<128x16xf32, #tpu.memory_space<vmem>>
    %dma_start3A_1023 = arith.constant 256 : i32
    %dma_start3A_1024 = tpu.memref_slice %arg7[%dma_start3A_1023] : memref<3072xi32, #tpu.memory_space<vmem>> -> memref<128xi32, #tpu.memory_space<vmem>>
    %dma_start3A_1025 = arith.constant 0 : i32
    %dma_start3A_1026 = arith.constant 0 : i32
    %dma_start3A_1027 = tpu.memref_slice %arg2[%dma_start3A_1025, %dma_start3A_1026] : memref<2230272x16xf32, #tpu.memory_space<hbm>> -> memref<2230272x16xf32, #tpu.memory_space<hbm>>
    tpu.enqueue_indirect_dma source(%dma_start3A_1027 : memref<2230272x16xf32, #tpu.memory_space<hbm>>) target(%dma_start3A_1022 : memref<128x16xf32, #tpu.memory_space<vmem>>) offsets(%dma_start3A_1024 : memref<128xi32, #tpu.memory_space<vmem>>) semaphore(%arg13 : memref<!tpu.dma_semaphore, #tpu.memory_space<semaphore_mem>>)
    %dma_start3A_1028 = arith.constant 384 : i32
    %dma_start3A_1029 = arith.constant 0 : i32
    %dma_start3A_1030 = tpu.memref_slice %arg9[%dma_start3A_1028, %dma_start3A_1029] : memref<3072x16xf32, #tpu.memory_space<vmem>> -> memref<128x16xf32, #tpu.memory_space<vmem>>
    %dma_start3A_1031 = arith.constant 384 : i32
    %dma_start3A_1032 = tpu.memref_slice %arg7[%dma_start3A_1031] : memref<3072xi32, #tpu.memory_space<vmem>> -> memref<128xi32, #tpu.memory_space<vmem>>
    %dma_start3A_1033 = arith.constant 0 : i32
    %dma_start3A_1034 = arith.constant 0 : i32
    %dma_start3A_1035 = tpu.memref_slice %arg2[%dma_start3A_1033, %dma_start3A_1034] : memref<2230272x16xf32, #tpu.memory_space<hbm>> -> memref<2230272x16xf32, #tpu.memory_space<hbm>>
    tpu.enqueue_indirect_dma source(%dma_start3A_1035 : memref<2230272x16xf32, #tpu.memory_space<hbm>>) target(%dma_start3A_1030 : memref<128x16xf32, #tpu.memory_space<vmem>>) offsets(%dma_start3A_1032 : memref<128xi32, #tpu.memory_space<vmem>>) semaphore(%arg13 : memref<!tpu.dma_semaphore, #tpu.memory_space<semaphore_mem>>)
    %dma_start3A_1036 = arith.constant 512 : i32
    %dma_start3A_1037 = arith.constant 0 : i32
    %dma_start3A_1038 = tpu.memref_slice %arg9[%dma_start3A_1036, %dma_start3A_1037] : memref<3072x16xf32, #tpu.memory_space<vmem>> -> memref<128x16xf32, #tpu.memory_space<vmem>>
    %dma_start3A_1039 = arith.constant 512 : i32
    %dma_start3A_1040 = tpu.memref_slice %arg7[%dma_start3A_1039] : memref<3072xi32, #tpu.memory_space<vmem>> -> memref<128xi32, #tpu.memory_space<vmem>>
    %dma_start3A_1041 = arith.constant 0 : i32
    %dma_start3A_1042 = arith.constant 0 : i32
    %dma_start3A_1043 = tpu.memref_slice %arg2[%dma_start3A_1041, %dma_start3A_1042] : memref<2230272x16xf32, #tpu.memory_space<hbm>> -> memref<2230272x16xf32, #tpu.memory_space<hbm>>
    tpu.enqueue_indirect_dma source(%dma_start3A_1043 : memref<2230272x16xf32, #tpu.memory_space<hbm>>) target(%dma_start3A_1038 : memref<128x16xf32, #tpu.memory_space<vmem>>) offsets(%dma_start3A_1040 : memref<128xi32, #tpu.memory_space<vmem>>) semaphore(%arg13 : memref<!tpu.dma_semaphore, #tpu.memory_space<semaphore_mem>>)
    %dma_start3A_1044 = arith.constant 640 : i32
    %dma_start3A_1045 = arith.constant 0 : i32
    %dma_start3A_1046 = tpu.memref_slice %arg9[%dma_start3A_1044, %dma_start3A_1045] : memref<3072x16xf32, #tpu.memory_space<vmem>> -> memref<128x16xf32, #tpu.memory_space<vmem>>
    %dma_start3A_1047 = arith.constant 640 : i32
    %dma_start3A_1048 = tpu.memref_slice %arg7[%dma_start3A_1047] : memref<3072xi32, #tpu.memory_space<vmem>> -> memref<128xi32, #tpu.memory_space<vmem>>
    %dma_start3A_1049 = arith.constant 0 : i32
    %dma_start3A_1050 = arith.constant 0 : i32
    %dma_start3A_1051 = tpu.memref_slice %arg2[%dma_start3A_1049, %dma_start3A_1050] : memref<2230272x16xf32, #tpu.memory_space<hbm>> -> memref<2230272x16xf32, #tpu.memory_space<hbm>>
    tpu.enqueue_indirect_dma source(%dma_start3A_1051 : memref<2230272x16xf32, #tpu.memory_space<hbm>>) target(%dma_start3A_1046 : memref<128x16xf32, #tpu.memory_space<vmem>>) offsets(%dma_start3A_1048 : memref<128xi32, #tpu.memory_space<vmem>>) semaphore(%arg13 : memref<!tpu.dma_semaphore, #tpu.memory_space<semaphore_mem>>)
    %dma_start3A_1052 = arith.constant 768 : i32
    %dma_start3A_1053 = arith.constant 0 : i32
    %dma_start3A_1054 = tpu.memref_slice %arg9[%dma_start3A_1052, %dma_start3A_1053] : memref<3072x16xf32, #tpu.memory_space<vmem>> -> memref<128x16xf32, #tpu.memory_space<vmem>>
    %dma_start3A_1055 = arith.constant 768 : i32
    %dma_start3A_1056 = tpu.memref_slice %arg7[%dma_start3A_1055] : memref<3072xi32, #tpu.memory_space<vmem>> -> memref<128xi32, #tpu.memory_space<vmem>>
    %dma_start3A_1057 = arith.constant 0 : i32
    %dma_start3A_1058 = arith.constant 0 : i32
    %dma_start3A_1059 = tpu.memref_slice %arg2[%dma_start3A_1057, %dma_start3A_1058] : memref<2230272x16xf32, #tpu.memory_space<hbm>> -> memref<2230272x16xf32, #tpu.memory_space<hbm>>
    tpu.enqueue_indirect_dma source(%dma_start3A_1059 : memref<2230272x16xf32, #tpu.memory_space<hbm>>) target(%dma_start3A_1054 : memref<128x16xf32, #tpu.memory_space<vmem>>) offsets(%dma_start3A_1056 : memref<128xi32, #tpu.memory_space<vmem>>) semaphore(%arg13 : memref<!tpu.dma_semaphore, #tpu.memory_space<semaphore_mem>>)
    %dma_start3A_1060 = arith.constant 896 : i32
    %dma_start3A_1061 = arith.constant 0 : i32
    %dma_start3A_1062 = tpu.memref_slice %arg9[%dma_start3A_1060, %dma_start3A_1061] : memref<3072x16xf32, #tpu.memory_space<vmem>> -> memref<128x16xf32, #tpu.memory_space<vmem>>
    %dma_start3A_1063 = arith.constant 896 : i32
    %dma_start3A_1064 = tpu.memref_slice %arg7[%dma_start3A_1063] : memref<3072xi32, #tpu.memory_space<vmem>> -> memref<128xi32, #tpu.memory_space<vmem>>
    %dma_start3A_1065 = arith.constant 0 : i32
    %dma_start3A_1066 = arith.constant 0 : i32
    %dma_start3A_1067 = tpu.memref_slice %arg2[%dma_start3A_1065, %dma_start3A_1066] : memref<2230272x16xf32, #tpu.memory_space<hbm>> -> memref<2230272x16xf32, #tpu.memory_space<hbm>>
    tpu.enqueue_indirect_dma source(%dma_start3A_1067 : memref<2230272x16xf32, #tpu.memory_space<hbm>>) target(%dma_start3A_1062 : memref<128x16xf32, #tpu.memory_space<vmem>>) offsets(%dma_start3A_1064 : memref<128xi32, #tpu.memory_space<vmem>>) semaphore(%arg13 : memref<!tpu.dma_semaphore, #tpu.memory_space<semaphore_mem>>)
    %dma_start3A_1068 = arith.constant 1024 : i32
    %dma_start3A_1069 = arith.constant 0 : i32
    %dma_start3A_1070 = tpu.memref_slice %arg9[%dma_start3A_1068, %dma_start3A_1069] : memref<3072x16xf32, #tpu.memory_space<vmem>> -> memref<128x16xf32, #tpu.memory_space<vmem>>
    %dma_start3A_1071 = arith.constant 1024 : i32
    %dma_start3A_1072 = tpu.memref_slice %arg7[%dma_start3A_1071] : memref<3072xi32, #tpu.memory_space<vmem>> -> memref<128xi32, #tpu.memory_space<vmem>>
    %dma_start3A_1073 = arith.constant 0 : i32
    %dma_start3A_1074 = arith.constant 0 : i32
    %dma_start3A_1075 = tpu.memref_slice %arg2[%dma_start3A_1073, %dma_start3A_1074] : memref<2230272x16xf32, #tpu.memory_space<hbm>> -> memref<2230272x16xf32, #tpu.memory_space<hbm>>
    tpu.enqueue_indirect_dma source(%dma_start3A_1075 : memref<2230272x16xf32, #tpu.memory_space<hbm>>) target(%dma_start3A_1070 : memref<128x16xf32, #tpu.memory_space<vmem>>) offsets(%dma_start3A_1072 : memref<128xi32, #tpu.memory_space<vmem>>) semaphore(%arg13 : memref<!tpu.dma_semaphore, #tpu.memory_space<semaphore_mem>>)
    %dma_start3A_1076 = arith.constant 1152 : i32
    %dma_start3A_1077 = arith.constant 0 : i32
    %dma_start3A_1078 = tpu.memref_slice %arg9[%dma_start3A_1076, %dma_start3A_1077] : memref<3072x16xf32, #tpu.memory_space<vmem>> -> memref<128x16xf32, #tpu.memory_space<vmem>>
    %dma_start3A_1079 = arith.constant 1152 : i32
    %dma_start3A_1080 = tpu.memref_slice %arg7[%dma_start3A_1079] : memref<3072xi32, #tpu.memory_space<vmem>> -> memref<128xi32, #tpu.memory_space<vmem>>
    %dma_start3A_1081 = arith.constant 0 : i32
    %dma_start3A_1082 = arith.constant 0 : i32
    %dma_start3A_1083 = tpu.memref_slice %arg2[%dma_start3A_1081, %dma_start3A_1082] : memref<2230272x16xf32, #tpu.memory_space<hbm>> -> memref<2230272x16xf32, #tpu.memory_space<hbm>>
    tpu.enqueue_indirect_dma source(%dma_start3A_1083 : memref<2230272x16xf32, #tpu.memory_space<hbm>>) target(%dma_start3A_1078 : memref<128x16xf32, #tpu.memory_space<vmem>>) offsets(%dma_start3A_1080 : memref<128xi32, #tpu.memory_space<vmem>>) semaphore(%arg13 : memref<!tpu.dma_semaphore, #tpu.memory_space<semaphore_mem>>)
    %dma_start3A_1084 = arith.constant 1280 : i32
    %dma_start3A_1085 = arith.constant 0 : i32
    %dma_start3A_1086 = tpu.memref_slice %arg9[%dma_start3A_1084, %dma_start3A_1085] : memref<3072x16xf32, #tpu.memory_space<vmem>> -> memref<128x16xf32, #tpu.memory_space<vmem>>
    %dma_start3A_1087 = arith.constant 1280 : i32
    %dma_start3A_1088 = tpu.memref_slice %arg7[%dma_start3A_1087] : memref<3072xi32, #tpu.memory_space<vmem>> -> memref<128xi32, #tpu.memory_space<vmem>>
    %dma_start3A_1089 = arith.constant 0 : i32
    %dma_start3A_1090 = arith.constant 0 : i32
    %dma_start3A_1091 = tpu.memref_slice %arg2[%dma_start3A_1089, %dma_start3A_1090] : memref<2230272x16xf32, #tpu.memory_space<hbm>> -> memref<2230272x16xf32, #tpu.memory_space<hbm>>
    tpu.enqueue_indirect_dma source(%dma_start3A_1091 : memref<2230272x16xf32, #tpu.memory_space<hbm>>) target(%dma_start3A_1086 : memref<128x16xf32, #tpu.memory_space<vmem>>) offsets(%dma_start3A_1088 : memref<128xi32, #tpu.memory_space<vmem>>) semaphore(%arg13 : memref<!tpu.dma_semaphore, #tpu.memory_space<semaphore_mem>>)
    %dma_start3A_1092 = arith.constant 1408 : i32
    %dma_start3A_1093 = arith.constant 0 : i32
    %dma_start3A_1094 = tpu.memref_slice %arg9[%dma_start3A_1092, %dma_start3A_1093] : memref<3072x16xf32, #tpu.memory_space<vmem>> -> memref<128x16xf32, #tpu.memory_space<vmem>>
    %dma_start3A_1095 = arith.constant 1408 : i32
    %dma_start3A_1096 = tpu.memref_slice %arg7[%dma_start3A_1095] : memref<3072xi32, #tpu.memory_space<vmem>> -> memref<128xi32, #tpu.memory_space<vmem>>
    %dma_start3A_1097 = arith.constant 0 : i32
    %dma_start3A_1098 = arith.constant 0 : i32
    %dma_start3A_1099 = tpu.memref_slice %arg2[%dma_start3A_1097, %dma_start3A_1098] : memref<2230272x16xf32, #tpu.memory_space<hbm>> -> memref<2230272x16xf32, #tpu.memory_space<hbm>>
    tpu.enqueue_indirect_dma source(%dma_start3A_1099 : memref<2230272x16xf32, #tpu.memory_space<hbm>>) target(%dma_start3A_1094 : memref<128x16xf32, #tpu.memory_space<vmem>>) offsets(%dma_start3A_1096 : memref<128xi32, #tpu.memory_space<vmem>>) semaphore(%arg13 : memref<!tpu.dma_semaphore, #tpu.memory_space<semaphore_mem>>)
    %dma_start3A_1100 = arith.constant 1536 : i32
    %dma_start3A_1101 = arith.constant 0 : i32
    %dma_start3A_1102 = tpu.memref_slice %arg9[%dma_start3A_1100, %dma_start3A_1101] : memref<3072x16xf32, #tpu.memory_space<vmem>> -> memref<128x16xf32, #tpu.memory_space<vmem>>
    %dma_start3A_1103 = arith.constant 1536 : i32
    %dma_start3A_1104 = tpu.memref_slice %arg7[%dma_start3A_1103] : memref<3072xi32, #tpu.memory_space<vmem>> -> memref<128xi32, #tpu.memory_space<vmem>>
    %dma_start3A_1105 = arith.constant 0 : i32
    %dma_start3A_1106 = arith.constant 0 : i32
    %dma_start3A_1107 = tpu.memref_slice %arg2[%dma_start3A_1105, %dma_start3A_1106] : memref<2230272x16xf32, #tpu.memory_space<hbm>> -> memref<2230272x16xf32, #tpu.memory_space<hbm>>
    tpu.enqueue_indirect_dma source(%dma_start3A_1107 : memref<2230272x16xf32, #tpu.memory_space<hbm>>) target(%dma_start3A_1102 : memref<128x16xf32, #tpu.memory_space<vmem>>) offsets(%dma_start3A_1104 : memref<128xi32, #tpu.memory_space<vmem>>) semaphore(%arg13 : memref<!tpu.dma_semaphore, #tpu.memory_space<semaphore_mem>>)
    %dma_start3A_1108 = arith.constant 1664 : i32
    %dma_start3A_1109 = arith.constant 0 : i32
    %dma_start3A_1110 = tpu.memref_slice %arg9[%dma_start3A_1108, %dma_start3A_1109] : memref<3072x16xf32, #tpu.memory_space<vmem>> -> memref<128x16xf32, #tpu.memory_space<vmem>>
    %dma_start3A_1111 = arith.constant 1664 : i32
    %dma_start3A_1112 = tpu.memref_slice %arg7[%dma_start3A_1111] : memref<3072xi32, #tpu.memory_space<vmem>> -> memref<128xi32, #tpu.memory_space<vmem>>
    %dma_start3A_1113 = arith.constant 0 : i32
    %dma_start3A_1114 = arith.constant 0 : i32
    %dma_start3A_1115 = tpu.memref_slice %arg2[%dma_start3A_1113, %dma_start3A_1114] : memref<2230272x16xf32, #tpu.memory_space<hbm>> -> memref<2230272x16xf32, #tpu.memory_space<hbm>>
    tpu.enqueue_indirect_dma source(%dma_start3A_1115 : memref<2230272x16xf32, #tpu.memory_space<hbm>>) target(%dma_start3A_1110 : memref<128x16xf32, #tpu.memory_space<vmem>>) offsets(%dma_start3A_1112 : memref<128xi32, #tpu.memory_space<vmem>>) semaphore(%arg13 : memref<!tpu.dma_semaphore, #tpu.memory_space<semaphore_mem>>)
    %dma_start3A_1116 = arith.constant 1792 : i32
    %dma_start3A_1117 = arith.constant 0 : i32
    %dma_start3A_1118 = tpu.memref_slice %arg9[%dma_start3A_1116, %dma_start3A_1117] : memref<3072x16xf32, #tpu.memory_space<vmem>> -> memref<128x16xf32, #tpu.memory_space<vmem>>
    %dma_start3A_1119 = arith.constant 1792 : i32
    %dma_start3A_1120 = tpu.memref_slice %arg7[%dma_start3A_1119] : memref<3072xi32, #tpu.memory_space<vmem>> -> memref<128xi32, #tpu.memory_space<vmem>>
    %dma_start3A_1121 = arith.constant 0 : i32
    %dma_start3A_1122 = arith.constant 0 : i32
    %dma_start3A_1123 = tpu.memref_slice %arg2[%dma_start3A_1121, %dma_start3A_1122] : memref<2230272x16xf32, #tpu.memory_space<hbm>> -> memref<2230272x16xf32, #tpu.memory_space<hbm>>
    tpu.enqueue_indirect_dma source(%dma_start3A_1123 : memref<2230272x16xf32, #tpu.memory_space<hbm>>) target(%dma_start3A_1118 : memref<128x16xf32, #tpu.memory_space<vmem>>) offsets(%dma_start3A_1120 : memref<128xi32, #tpu.memory_space<vmem>>) semaphore(%arg13 : memref<!tpu.dma_semaphore, #tpu.memory_space<semaphore_mem>>)
    %dma_start3A_1124 = arith.constant 1920 : i32
    %dma_start3A_1125 = arith.constant 0 : i32
    %dma_start3A_1126 = tpu.memref_slice %arg9[%dma_start3A_1124, %dma_start3A_1125] : memref<3072x16xf32, #tpu.memory_space<vmem>> -> memref<128x16xf32, #tpu.memory_space<vmem>>
    %dma_start3A_1127 = arith.constant 1920 : i32
    %dma_start3A_1128 = tpu.memref_slice %arg7[%dma_start3A_1127] : memref<3072xi32, #tpu.memory_space<vmem>> -> memref<128xi32, #tpu.memory_space<vmem>>
    %dma_start3A_1129 = arith.constant 0 : i32
    %dma_start3A_1130 = arith.constant 0 : i32
    %dma_start3A_1131 = tpu.memref_slice %arg2[%dma_start3A_1129, %dma_start3A_1130] : memref<2230272x16xf32, #tpu.memory_space<hbm>> -> memref<2230272x16xf32, #tpu.memory_space<hbm>>
    tpu.enqueue_indirect_dma source(%dma_start3A_1131 : memref<2230272x16xf32, #tpu.memory_space<hbm>>) target(%dma_start3A_1126 : memref<128x16xf32, #tpu.memory_space<vmem>>) offsets(%dma_start3A_1128 : memref<128xi32, #tpu.memory_space<vmem>>) semaphore(%arg13 : memref<!tpu.dma_semaphore, #tpu.memory_space<semaphore_mem>>)
    %dma_start3A_1132 = arith.constant 2048 : i32
    %dma_start3A_1133 = arith.constant 0 : i32
    %dma_start3A_1134 = tpu.memref_slice %arg9[%dma_start3A_1132, %dma_start3A_1133] : memref<3072x16xf32, #tpu.memory_space<vmem>> -> memref<128x16xf32, #tpu.memory_space<vmem>>
    %dma_start3A_1135 = arith.constant 2048 : i32
    %dma_start3A_1136 = tpu.memref_slice %arg7[%dma_start3A_1135] : memref<3072xi32, #tpu.memory_space<vmem>> -> memref<128xi32, #tpu.memory_space<vmem>>
    %dma_start3A_1137 = arith.constant 0 : i32
    %dma_start3A_1138 = arith.constant 0 : i32
    %dma_start3A_1139 = tpu.memref_slice %arg2[%dma_start3A_1137, %dma_start3A_1138] : memref<2230272x16xf32, #tpu.memory_space<hbm>> -> memref<2230272x16xf32, #tpu.memory_space<hbm>>
    tpu.enqueue_indirect_dma source(%dma_start3A_1139 : memref<2230272x16xf32, #tpu.memory_space<hbm>>) target(%dma_start3A_1134 : memref<128x16xf32, #tpu.memory_space<vmem>>) offsets(%dma_start3A_1136 : memref<128xi32, #tpu.memory_space<vmem>>) semaphore(%arg13 : memref<!tpu.dma_semaphore, #tpu.memory_space<semaphore_mem>>)
    %dma_start3A_1140 = arith.constant 2176 : i32
    %dma_start3A_1141 = arith.constant 0 : i32
    %dma_start3A_1142 = tpu.memref_slice %arg9[%dma_start3A_1140, %dma_start3A_1141] : memref<3072x16xf32, #tpu.memory_space<vmem>> -> memref<128x16xf32, #tpu.memory_space<vmem>>
    %dma_start3A_1143 = arith.constant 2176 : i32
    %dma_start3A_1144 = tpu.memref_slice %arg7[%dma_start3A_1143] : memref<3072xi32, #tpu.memory_space<vmem>> -> memref<128xi32, #tpu.memory_space<vmem>>
    %dma_start3A_1145 = arith.constant 0 : i32
    %dma_start3A_1146 = arith.constant 0 : i32
    %dma_start3A_1147 = tpu.memref_slice %arg2[%dma_start3A_1145, %dma_start3A_1146] : memref<2230272x16xf32, #tpu.memory_space<hbm>> -> memref<2230272x16xf32, #tpu.memory_space<hbm>>
    tpu.enqueue_indirect_dma source(%dma_start3A_1147 : memref<2230272x16xf32, #tpu.memory_space<hbm>>) target(%dma_start3A_1142 : memref<128x16xf32, #tpu.memory_space<vmem>>) offsets(%dma_start3A_1144 : memref<128xi32, #tpu.memory_space<vmem>>) semaphore(%arg13 : memref<!tpu.dma_semaphore, #tpu.memory_space<semaphore_mem>>)
    %dma_start3A_1148 = arith.constant 2304 : i32
    %dma_start3A_1149 = arith.constant 0 : i32
    %dma_start3A_1150 = tpu.memref_slice %arg9[%dma_start3A_1148, %dma_start3A_1149] : memref<3072x16xf32, #tpu.memory_space<vmem>> -> memref<128x16xf32, #tpu.memory_space<vmem>>
    %dma_start3A_1151 = arith.constant 2304 : i32
    %dma_start3A_1152 = tpu.memref_slice %arg7[%dma_start3A_1151] : memref<3072xi32, #tpu.memory_space<vmem>> -> memref<128xi32, #tpu.memory_space<vmem>>
    %dma_start3A_1153 = arith.constant 0 : i32
    %dma_start3A_1154 = arith.constant 0 : i32
    %dma_start3A_1155 = tpu.memref_slice %arg2[%dma_start3A_1153, %dma_start3A_1154] : memref<2230272x16xf32, #tpu.memory_space<hbm>> -> memref<2230272x16xf32, #tpu.memory_space<hbm>>
    tpu.enqueue_indirect_dma source(%dma_start3A_1155 : memref<2230272x16xf32, #tpu.memory_space<hbm>>) target(%dma_start3A_1150 : memref<128x16xf32, #tpu.memory_space<vmem>>) offsets(%dma_start3A_1152 : memref<128xi32, #tpu.memory_space<vmem>>) semaphore(%arg13 : memref<!tpu.dma_semaphore, #tpu.memory_space<semaphore_mem>>)
    %dma_start3A_1156 = arith.constant 2432 : i32
    %dma_start3A_1157 = arith.constant 0 : i32
    %dma_start3A_1158 = tpu.memref_slice %arg9[%dma_start3A_1156, %dma_start3A_1157] : memref<3072x16xf32, #tpu.memory_space<vmem>> -> memref<128x16xf32, #tpu.memory_space<vmem>>
    %dma_start3A_1159 = arith.constant 2432 : i32
    %dma_start3A_1160 = tpu.memref_slice %arg7[%dma_start3A_1159] : memref<3072xi32, #tpu.memory_space<vmem>> -> memref<128xi32, #tpu.memory_space<vmem>>
    %dma_start3A_1161 = arith.constant 0 : i32
    %dma_start3A_1162 = arith.constant 0 : i32
    %dma_start3A_1163 = tpu.memref_slice %arg2[%dma_start3A_1161, %dma_start3A_1162] : memref<2230272x16xf32, #tpu.memory_space<hbm>> -> memref<2230272x16xf32, #tpu.memory_space<hbm>>
    tpu.enqueue_indirect_dma source(%dma_start3A_1163 : memref<2230272x16xf32, #tpu.memory_space<hbm>>) target(%dma_start3A_1158 : memref<128x16xf32, #tpu.memory_space<vmem>>) offsets(%dma_start3A_1160 : memref<128xi32, #tpu.memory_space<vmem>>) semaphore(%arg13 : memref<!tpu.dma_semaphore, #tpu.memory_space<semaphore_mem>>)
    %dma_start3A_1164 = arith.constant 2560 : i32
    %dma_start3A_1165 = arith.constant 0 : i32
    %dma_start3A_1166 = tpu.memref_slice %arg9[%dma_start3A_1164, %dma_start3A_1165] : memref<3072x16xf32, #tpu.memory_space<vmem>> -> memref<128x16xf32, #tpu.memory_space<vmem>>
    %dma_start3A_1167 = arith.constant 2560 : i32
    %dma_start3A_1168 = tpu.memref_slice %arg7[%dma_start3A_1167] : memref<3072xi32, #tpu.memory_space<vmem>> -> memref<128xi32, #tpu.memory_space<vmem>>
    %dma_start3A_1169 = arith.constant 0 : i32
    %dma_start3A_1170 = arith.constant 0 : i32
    %dma_start3A_1171 = tpu.memref_slice %arg2[%dma_start3A_1169, %dma_start3A_1170] : memref<2230272x16xf32, #tpu.memory_space<hbm>> -> memref<2230272x16xf32, #tpu.memory_space<hbm>>
    tpu.enqueue_indirect_dma source(%dma_start3A_1171 : memref<2230272x16xf32, #tpu.memory_space<hbm>>) target(%dma_start3A_1166 : memref<128x16xf32, #tpu.memory_space<vmem>>) offsets(%dma_start3A_1168 : memref<128xi32, #tpu.memory_space<vmem>>) semaphore(%arg13 : memref<!tpu.dma_semaphore, #tpu.memory_space<semaphore_mem>>)
    %dma_start3A_1172 = arith.constant 2688 : i32
    %dma_start3A_1173 = arith.constant 0 : i32
    %dma_start3A_1174 = tpu.memref_slice %arg9[%dma_start3A_1172, %dma_start3A_1173] : memref<3072x16xf32, #tpu.memory_space<vmem>> -> memref<128x16xf32, #tpu.memory_space<vmem>>
    %dma_start3A_1175 = arith.constant 2688 : i32
    %dma_start3A_1176 = tpu.memref_slice %arg7[%dma_start3A_1175] : memref<3072xi32, #tpu.memory_space<vmem>> -> memref<128xi32, #tpu.memory_space<vmem>>
    %dma_start3A_1177 = arith.constant 0 : i32
    %dma_start3A_1178 = arith.constant 0 : i32
    %dma_start3A_1179 = tpu.memref_slice %arg2[%dma_start3A_1177, %dma_start3A_1178] : memref<2230272x16xf32, #tpu.memory_space<hbm>> -> memref<2230272x16xf32, #tpu.memory_space<hbm>>
    tpu.enqueue_indirect_dma source(%dma_start3A_1179 : memref<2230272x16xf32, #tpu.memory_space<hbm>>) target(%dma_start3A_1174 : memref<128x16xf32, #tpu.memory_space<vmem>>) offsets(%dma_start3A_1176 : memref<128xi32, #tpu.memory_space<vmem>>) semaphore(%arg13 : memref<!tpu.dma_semaphore, #tpu.memory_space<semaphore_mem>>)
    %dma_start3A_1180 = arith.constant 2816 : i32
    %dma_start3A_1181 = arith.constant 0 : i32
    %dma_start3A_1182 = tpu.memref_slice %arg9[%dma_start3A_1180, %dma_start3A_1181] : memref<3072x16xf32, #tpu.memory_space<vmem>> -> memref<128x16xf32, #tpu.memory_space<vmem>>
    %dma_start3A_1183 = arith.constant 2816 : i32
    %dma_start3A_1184 = tpu.memref_slice %arg7[%dma_start3A_1183] : memref<3072xi32, #tpu.memory_space<vmem>> -> memref<128xi32, #tpu.memory_space<vmem>>
    %dma_start3A_1185 = arith.constant 0 : i32
    %dma_start3A_1186 = arith.constant 0 : i32
    %dma_start3A_1187 = tpu.memref_slice %arg2[%dma_start3A_1185, %dma_start3A_1186] : memref<2230272x16xf32, #tpu.memory_space<hbm>> -> memref<2230272x16xf32, #tpu.memory_space<hbm>>
    tpu.enqueue_indirect_dma source(%dma_start3A_1187 : memref<2230272x16xf32, #tpu.memory_space<hbm>>) target(%dma_start3A_1182 : memref<128x16xf32, #tpu.memory_space<vmem>>) offsets(%dma_start3A_1184 : memref<128xi32, #tpu.memory_space<vmem>>) semaphore(%arg13 : memref<!tpu.dma_semaphore, #tpu.memory_space<semaphore_mem>>)
    %dma_start3A_1188 = arith.constant 2944 : i32
    %dma_start3A_1189 = arith.constant 0 : i32
    %dma_start3A_1190 = tpu.memref_slice %arg9[%dma_start3A_1188, %dma_start3A_1189] : memref<3072x16xf32, #tpu.memory_space<vmem>> -> memref<128x16xf32, #tpu.memory_space<vmem>>
    %dma_start3A_1191 = arith.constant 2944 : i32
    %dma_start3A_1192 = tpu.memref_slice %arg7[%dma_start3A_1191] : memref<3072xi32, #tpu.memory_space<vmem>> -> memref<128xi32, #tpu.memory_space<vmem>>
    %dma_start3A_1193 = arith.constant 0 : i32
    %dma_start3A_1194 = arith.constant 0 : i32
    %dma_start3A_1195 = tpu.memref_slice %arg2[%dma_start3A_1193, %dma_start3A_1194] : memref<2230272x16xf32, #tpu.memory_space<hbm>> -> memref<2230272x16xf32, #tpu.memory_space<hbm>>
    tpu.enqueue_indirect_dma source(%dma_start3A_1195 : memref<2230272x16xf32, #tpu.memory_space<hbm>>) target(%dma_start3A_1190 : memref<128x16xf32, #tpu.memory_space<vmem>>) offsets(%dma_start3A_1192 : memref<128xi32, #tpu.memory_space<vmem>>) semaphore(%arg13 : memref<!tpu.dma_semaphore, #tpu.memory_space<semaphore_mem>>)
    %dma_wait3A_1196 = arith.constant 0 : i32
    %dma_wait3A_1197 = arith.constant 0 : i32
    %dma_wait3A_1198 = tpu.memref_slice %arg8[%dma_wait3A_1196, %dma_wait3A_1197] : memref<3072x16xf32, #tpu.memory_space<vmem>> -> memref<128x16xf32, #tpu.memory_space<vmem>>
    %dma_wait3A_1199 = arith.constant 0 : i32
    %dma_wait3A_1200 = tpu.memref_slice %arg6[%dma_wait3A_1199] : memref<3072xi32, #tpu.memory_space<vmem>> -> memref<128xi32, #tpu.memory_space<vmem>>
    %dma_wait3A_1201 = arith.constant 0 : i32
    %dma_wait3A_1202 = arith.constant 0 : i32
    %dma_wait3A_1203 = tpu.memref_slice %arg2[%dma_wait3A_1201, %dma_wait3A_1202] : memref<2230272x16xf32, #tpu.memory_space<hbm>> -> memref<2230272x16xf32, #tpu.memory_space<hbm>>
    tpu.wait_indirect_dma semaphore(%arg12 : memref<!tpu.dma_semaphore, #tpu.memory_space<semaphore_mem>>) src(%dma_wait3A_1203 : memref<2230272x16xf32, #tpu.memory_space<hbm>>) dst(%dma_wait3A_1198 : memref<128x16xf32, #tpu.memory_space<vmem>>)
    %dma_wait3A_1204 = arith.constant 128 : i32
    %dma_wait3A_1205 = arith.constant 0 : i32
    %dma_wait3A_1206 = tpu.memref_slice %arg8[%dma_wait3A_1204, %dma_wait3A_1205] : memref<3072x16xf32, #tpu.memory_space<vmem>> -> memref<128x16xf32, #tpu.memory_space<vmem>>
    %dma_wait3A_1207 = arith.constant 128 : i32
    %dma_wait3A_1208 = tpu.memref_slice %arg6[%dma_wait3A_1207] : memref<3072xi32, #tpu.memory_space<vmem>> -> memref<128xi32, #tpu.memory_space<vmem>>
    %dma_wait3A_1209 = arith.constant 0 : i32
    %dma_wait3A_1210 = arith.constant 0 : i32
    %dma_wait3A_1211 = tpu.memref_slice %arg2[%dma_wait3A_1209, %dma_wait3A_1210] : memref<2230272x16xf32, #tpu.memory_space<hbm>> -> memref<2230272x16xf32, #tpu.memory_space<hbm>>
    tpu.wait_indirect_dma semaphore(%arg12 : memref<!tpu.dma_semaphore, #tpu.memory_space<semaphore_mem>>) src(%dma_wait3A_1211 : memref<2230272x16xf32, #tpu.memory_space<hbm>>) dst(%dma_wait3A_1206 : memref<128x16xf32, #tpu.memory_space<vmem>>)
    %dma_wait3A_1212 = arith.constant 256 : i32
    %dma_wait3A_1213 = arith.constant 0 : i32
    %dma_wait3A_1214 = tpu.memref_slice %arg8[%dma_wait3A_1212, %dma_wait3A_1213] : memref<3072x16xf32, #tpu.memory_space<vmem>> -> memref<128x16xf32, #tpu.memory_space<vmem>>
    %dma_wait3A_1215 = arith.constant 256 : i32
    %dma_wait3A_1216 = tpu.memref_slice %arg6[%dma_wait3A_1215] : memref<3072xi32, #tpu.memory_space<vmem>> -> memref<128xi32, #tpu.memory_space<vmem>>
    %dma_wait3A_1217 = arith.constant 0 : i32
    %dma_wait3A_1218 = arith.constant 0 : i32
    %dma_wait3A_1219 = tpu.memref_slice %arg2[%dma_wait3A_1217, %dma_wait3A_1218] : memref<2230272x16xf32, #tpu.memory_space<hbm>> -> memref<2230272x16xf32, #tpu.memory_space<hbm>>
    tpu.wait_indirect_dma semaphore(%arg12 : memref<!tpu.dma_semaphore, #tpu.memory_space<semaphore_mem>>) src(%dma_wait3A_1219 : memref<2230272x16xf32, #tpu.memory_space<hbm>>) dst(%dma_wait3A_1214 : memref<128x16xf32, #tpu.memory_space<vmem>>)
    %dma_wait3A_1220 = arith.constant 384 : i32
    %dma_wait3A_1221 = arith.constant 0 : i32
    %dma_wait3A_1222 = tpu.memref_slice %arg8[%dma_wait3A_1220, %dma_wait3A_1221] : memref<3072x16xf32, #tpu.memory_space<vmem>> -> memref<128x16xf32, #tpu.memory_space<vmem>>
    %dma_wait3A_1223 = arith.constant 384 : i32
    %dma_wait3A_1224 = tpu.memref_slice %arg6[%dma_wait3A_1223] : memref<3072xi32, #tpu.memory_space<vmem>> -> memref<128xi32, #tpu.memory_space<vmem>>
    %dma_wait3A_1225 = arith.constant 0 : i32
    %dma_wait3A_1226 = arith.constant 0 : i32
    %dma_wait3A_1227 = tpu.memref_slice %arg2[%dma_wait3A_1225, %dma_wait3A_1226] : memref<2230272x16xf32, #tpu.memory_space<hbm>> -> memref<2230272x16xf32, #tpu.memory_space<hbm>>
    tpu.wait_indirect_dma semaphore(%arg12 : memref<!tpu.dma_semaphore, #tpu.memory_space<semaphore_mem>>) src(%dma_wait3A_1227 : memref<2230272x16xf32, #tpu.memory_space<hbm>>) dst(%dma_wait3A_1222 : memref<128x16xf32, #tpu.memory_space<vmem>>)
    %dma_wait3A_1228 = arith.constant 512 : i32
    %dma_wait3A_1229 = arith.constant 0 : i32
    %dma_wait3A_1230 = tpu.memref_slice %arg8[%dma_wait3A_1228, %dma_wait3A_1229] : memref<3072x16xf32, #tpu.memory_space<vmem>> -> memref<128x16xf32, #tpu.memory_space<vmem>>
    %dma_wait3A_1231 = arith.constant 512 : i32
    %dma_wait3A_1232 = tpu.memref_slice %arg6[%dma_wait3A_1231] : memref<3072xi32, #tpu.memory_space<vmem>> -> memref<128xi32, #tpu.memory_space<vmem>>
    %dma_wait3A_1233 = arith.constant 0 : i32
    %dma_wait3A_1234 = arith.constant 0 : i32
    %dma_wait3A_1235 = tpu.memref_slice %arg2[%dma_wait3A_1233, %dma_wait3A_1234] : memref<2230272x16xf32, #tpu.memory_space<hbm>> -> memref<2230272x16xf32, #tpu.memory_space<hbm>>
    tpu.wait_indirect_dma semaphore(%arg12 : memref<!tpu.dma_semaphore, #tpu.memory_space<semaphore_mem>>) src(%dma_wait3A_1235 : memref<2230272x16xf32, #tpu.memory_space<hbm>>) dst(%dma_wait3A_1230 : memref<128x16xf32, #tpu.memory_space<vmem>>)
    %dma_wait3A_1236 = arith.constant 640 : i32
    %dma_wait3A_1237 = arith.constant 0 : i32
    %dma_wait3A_1238 = tpu.memref_slice %arg8[%dma_wait3A_1236, %dma_wait3A_1237] : memref<3072x16xf32, #tpu.memory_space<vmem>> -> memref<128x16xf32, #tpu.memory_space<vmem>>
    %dma_wait3A_1239 = arith.constant 640 : i32
    %dma_wait3A_1240 = tpu.memref_slice %arg6[%dma_wait3A_1239] : memref<3072xi32, #tpu.memory_space<vmem>> -> memref<128xi32, #tpu.memory_space<vmem>>
    %dma_wait3A_1241 = arith.constant 0 : i32
    %dma_wait3A_1242 = arith.constant 0 : i32
    %dma_wait3A_1243 = tpu.memref_slice %arg2[%dma_wait3A_1241, %dma_wait3A_1242] : memref<2230272x16xf32, #tpu.memory_space<hbm>> -> memref<2230272x16xf32, #tpu.memory_space<hbm>>
    tpu.wait_indirect_dma semaphore(%arg12 : memref<!tpu.dma_semaphore, #tpu.memory_space<semaphore_mem>>) src(%dma_wait3A_1243 : memref<2230272x16xf32, #tpu.memory_space<hbm>>) dst(%dma_wait3A_1238 : memref<128x16xf32, #tpu.memory_space<vmem>>)
    %dma_wait3A_1244 = arith.constant 768 : i32
    %dma_wait3A_1245 = arith.constant 0 : i32
    %dma_wait3A_1246 = tpu.memref_slice %arg8[%dma_wait3A_1244, %dma_wait3A_1245] : memref<3072x16xf32, #tpu.memory_space<vmem>> -> memref<128x16xf32, #tpu.memory_space<vmem>>
    %dma_wait3A_1247 = arith.constant 768 : i32
    %dma_wait3A_1248 = tpu.memref_slice %arg6[%dma_wait3A_1247] : memref<3072xi32, #tpu.memory_space<vmem>> -> memref<128xi32, #tpu.memory_space<vmem>>
    %dma_wait3A_1249 = arith.constant 0 : i32
    %dma_wait3A_1250 = arith.constant 0 : i32
    %dma_wait3A_1251 = tpu.memref_slice %arg2[%dma_wait3A_1249, %dma_wait3A_1250] : memref<2230272x16xf32, #tpu.memory_space<hbm>> -> memref<2230272x16xf32, #tpu.memory_space<hbm>>
    tpu.wait_indirect_dma semaphore(%arg12 : memref<!tpu.dma_semaphore, #tpu.memory_space<semaphore_mem>>) src(%dma_wait3A_1251 : memref<2230272x16xf32, #tpu.memory_space<hbm>>) dst(%dma_wait3A_1246 : memref<128x16xf32, #tpu.memory_space<vmem>>)
    %dma_wait3A_1252 = arith.constant 896 : i32
    %dma_wait3A_1253 = arith.constant 0 : i32
    %dma_wait3A_1254 = tpu.memref_slice %arg8[%dma_wait3A_1252, %dma_wait3A_1253] : memref<3072x16xf32, #tpu.memory_space<vmem>> -> memref<128x16xf32, #tpu.memory_space<vmem>>
    %dma_wait3A_1255 = arith.constant 896 : i32
    %dma_wait3A_1256 = tpu.memref_slice %arg6[%dma_wait3A_1255] : memref<3072xi32, #tpu.memory_space<vmem>> -> memref<128xi32, #tpu.memory_space<vmem>>
    %dma_wait3A_1257 = arith.constant 0 : i32
    %dma_wait3A_1258 = arith.constant 0 : i32
    %dma_wait3A_1259 = tpu.memref_slice %arg2[%dma_wait3A_1257, %dma_wait3A_1258] : memref<2230272x16xf32, #tpu.memory_space<hbm>> -> memref<2230272x16xf32, #tpu.memory_space<hbm>>
    tpu.wait_indirect_dma semaphore(%arg12 : memref<!tpu.dma_semaphore, #tpu.memory_space<semaphore_mem>>) src(%dma_wait3A_1259 : memref<2230272x16xf32, #tpu.memory_space<hbm>>) dst(%dma_wait3A_1254 : memref<128x16xf32, #tpu.memory_space<vmem>>)
    %dma_wait3A_1260 = arith.constant 1024 : i32
    %dma_wait3A_1261 = arith.constant 0 : i32
    %dma_wait3A_1262 = tpu.memref_slice %arg8[%dma_wait3A_1260, %dma_wait3A_1261] : memref<3072x16xf32, #tpu.memory_space<vmem>> -> memref<128x16xf32, #tpu.memory_space<vmem>>
    %dma_wait3A_1263 = arith.constant 1024 : i32
    %dma_wait3A_1264 = tpu.memref_slice %arg6[%dma_wait3A_1263] : memref<3072xi32, #tpu.memory_space<vmem>> -> memref<128xi32, #tpu.memory_space<vmem>>
    %dma_wait3A_1265 = arith.constant 0 : i32
    %dma_wait3A_1266 = arith.constant 0 : i32
    %dma_wait3A_1267 = tpu.memref_slice %arg2[%dma_wait3A_1265, %dma_wait3A_1266] : memref<2230272x16xf32, #tpu.memory_space<hbm>> -> memref<2230272x16xf32, #tpu.memory_space<hbm>>
    tpu.wait_indirect_dma semaphore(%arg12 : memref<!tpu.dma_semaphore, #tpu.memory_space<semaphore_mem>>) src(%dma_wait3A_1267 : memref<2230272x16xf32, #tpu.memory_space<hbm>>) dst(%dma_wait3A_1262 : memref<128x16xf32, #tpu.memory_space<vmem>>)
    %dma_wait3A_1268 = arith.constant 1152 : i32
    %dma_wait3A_1269 = arith.constant 0 : i32
    %dma_wait3A_1270 = tpu.memref_slice %arg8[%dma_wait3A_1268, %dma_wait3A_1269] : memref<3072x16xf32, #tpu.memory_space<vmem>> -> memref<128x16xf32, #tpu.memory_space<vmem>>
    %dma_wait3A_1271 = arith.constant 1152 : i32
    %dma_wait3A_1272 = tpu.memref_slice %arg6[%dma_wait3A_1271] : memref<3072xi32, #tpu.memory_space<vmem>> -> memref<128xi32, #tpu.memory_space<vmem>>
    %dma_wait3A_1273 = arith.constant 0 : i32
    %dma_wait3A_1274 = arith.constant 0 : i32
    %dma_wait3A_1275 = tpu.memref_slice %arg2[%dma_wait3A_1273, %dma_wait3A_1274] : memref<2230272x16xf32, #tpu.memory_space<hbm>> -> memref<2230272x16xf32, #tpu.memory_space<hbm>>
    tpu.wait_indirect_dma semaphore(%arg12 : memref<!tpu.dma_semaphore, #tpu.memory_space<semaphore_mem>>) src(%dma_wait3A_1275 : memref<2230272x16xf32, #tpu.memory_space<hbm>>) dst(%dma_wait3A_1270 : memref<128x16xf32, #tpu.memory_space<vmem>>)
    %dma_wait3A_1276 = arith.constant 1280 : i32
    %dma_wait3A_1277 = arith.constant 0 : i32
    %dma_wait3A_1278 = tpu.memref_slice %arg8[%dma_wait3A_1276, %dma_wait3A_1277] : memref<3072x16xf32, #tpu.memory_space<vmem>> -> memref<128x16xf32, #tpu.memory_space<vmem>>
    %dma_wait3A_1279 = arith.constant 1280 : i32
    %dma_wait3A_1280 = tpu.memref_slice %arg6[%dma_wait3A_1279] : memref<3072xi32, #tpu.memory_space<vmem>> -> memref<128xi32, #tpu.memory_space<vmem>>
    %dma_wait3A_1281 = arith.constant 0 : i32
    %dma_wait3A_1282 = arith.constant 0 : i32
    %dma_wait3A_1283 = tpu.memref_slice %arg2[%dma_wait3A_1281, %dma_wait3A_1282] : memref<2230272x16xf32, #tpu.memory_space<hbm>> -> memref<2230272x16xf32, #tpu.memory_space<hbm>>
    tpu.wait_indirect_dma semaphore(%arg12 : memref<!tpu.dma_semaphore, #tpu.memory_space<semaphore_mem>>) src(%dma_wait3A_1283 : memref<2230272x16xf32, #tpu.memory_space<hbm>>) dst(%dma_wait3A_1278 : memref<128x16xf32, #tpu.memory_space<vmem>>)
    %dma_wait3A_1284 = arith.constant 1408 : i32
    %dma_wait3A_1285 = arith.constant 0 : i32
    %dma_wait3A_1286 = tpu.memref_slice %arg8[%dma_wait3A_1284, %dma_wait3A_1285] : memref<3072x16xf32, #tpu.memory_space<vmem>> -> memref<128x16xf32, #tpu.memory_space<vmem>>
    %dma_wait3A_1287 = arith.constant 1408 : i32
    %dma_wait3A_1288 = tpu.memref_slice %arg6[%dma_wait3A_1287] : memref<3072xi32, #tpu.memory_space<vmem>> -> memref<128xi32, #tpu.memory_space<vmem>>
    %dma_wait3A_1289 = arith.constant 0 : i32
    %dma_wait3A_1290 = arith.constant 0 : i32
    %dma_wait3A_1291 = tpu.memref_slice %arg2[%dma_wait3A_1289, %dma_wait3A_1290] : memref<2230272x16xf32, #tpu.memory_space<hbm>> -> memref<2230272x16xf32, #tpu.memory_space<hbm>>
    tpu.wait_indirect_dma semaphore(%arg12 : memref<!tpu.dma_semaphore, #tpu.memory_space<semaphore_mem>>) src(%dma_wait3A_1291 : memref<2230272x16xf32, #tpu.memory_space<hbm>>) dst(%dma_wait3A_1286 : memref<128x16xf32, #tpu.memory_space<vmem>>)
    %dma_wait3A_1292 = arith.constant 1536 : i32
    %dma_wait3A_1293 = arith.constant 0 : i32
    %dma_wait3A_1294 = tpu.memref_slice %arg8[%dma_wait3A_1292, %dma_wait3A_1293] : memref<3072x16xf32, #tpu.memory_space<vmem>> -> memref<128x16xf32, #tpu.memory_space<vmem>>
    %dma_wait3A_1295 = arith.constant 1536 : i32
    %dma_wait3A_1296 = tpu.memref_slice %arg6[%dma_wait3A_1295] : memref<3072xi32, #tpu.memory_space<vmem>> -> memref<128xi32, #tpu.memory_space<vmem>>
    %dma_wait3A_1297 = arith.constant 0 : i32
    %dma_wait3A_1298 = arith.constant 0 : i32
    %dma_wait3A_1299 = tpu.memref_slice %arg2[%dma_wait3A_1297, %dma_wait3A_1298] : memref<2230272x16xf32, #tpu.memory_space<hbm>> -> memref<2230272x16xf32, #tpu.memory_space<hbm>>
    tpu.wait_indirect_dma semaphore(%arg12 : memref<!tpu.dma_semaphore, #tpu.memory_space<semaphore_mem>>) src(%dma_wait3A_1299 : memref<2230272x16xf32, #tpu.memory_space<hbm>>) dst(%dma_wait3A_1294 : memref<128x16xf32, #tpu.memory_space<vmem>>)
    %dma_wait3A_1300 = arith.constant 1664 : i32
    %dma_wait3A_1301 = arith.constant 0 : i32
    %dma_wait3A_1302 = tpu.memref_slice %arg8[%dma_wait3A_1300, %dma_wait3A_1301] : memref<3072x16xf32, #tpu.memory_space<vmem>> -> memref<128x16xf32, #tpu.memory_space<vmem>>
    %dma_wait3A_1303 = arith.constant 1664 : i32
    %dma_wait3A_1304 = tpu.memref_slice %arg6[%dma_wait3A_1303] : memref<3072xi32, #tpu.memory_space<vmem>> -> memref<128xi32, #tpu.memory_space<vmem>>
    %dma_wait3A_1305 = arith.constant 0 : i32
    %dma_wait3A_1306 = arith.constant 0 : i32
    %dma_wait3A_1307 = tpu.memref_slice %arg2[%dma_wait3A_1305, %dma_wait3A_1306] : memref<2230272x16xf32, #tpu.memory_space<hbm>> -> memref<2230272x16xf32, #tpu.memory_space<hbm>>
    tpu.wait_indirect_dma semaphore(%arg12 : memref<!tpu.dma_semaphore, #tpu.memory_space<semaphore_mem>>) src(%dma_wait3A_1307 : memref<2230272x16xf32, #tpu.memory_space<hbm>>) dst(%dma_wait3A_1302 : memref<128x16xf32, #tpu.memory_space<vmem>>)
    %dma_wait3A_1308 = arith.constant 1792 : i32
    %dma_wait3A_1309 = arith.constant 0 : i32
    %dma_wait3A_1310 = tpu.memref_slice %arg8[%dma_wait3A_1308, %dma_wait3A_1309] : memref<3072x16xf32, #tpu.memory_space<vmem>> -> memref<128x16xf32, #tpu.memory_space<vmem>>
    %dma_wait3A_1311 = arith.constant 1792 : i32
    %dma_wait3A_1312 = tpu.memref_slice %arg6[%dma_wait3A_1311] : memref<3072xi32, #tpu.memory_space<vmem>> -> memref<128xi32, #tpu.memory_space<vmem>>
    %dma_wait3A_1313 = arith.constant 0 : i32
    %dma_wait3A_1314 = arith.constant 0 : i32
    %dma_wait3A_1315 = tpu.memref_slice %arg2[%dma_wait3A_1313, %dma_wait3A_1314] : memref<2230272x16xf32, #tpu.memory_space<hbm>> -> memref<2230272x16xf32, #tpu.memory_space<hbm>>
    tpu.wait_indirect_dma semaphore(%arg12 : memref<!tpu.dma_semaphore, #tpu.memory_space<semaphore_mem>>) src(%dma_wait3A_1315 : memref<2230272x16xf32, #tpu.memory_space<hbm>>) dst(%dma_wait3A_1310 : memref<128x16xf32, #tpu.memory_space<vmem>>)
    %dma_wait3A_1316 = arith.constant 1920 : i32
    %dma_wait3A_1317 = arith.constant 0 : i32
    %dma_wait3A_1318 = tpu.memref_slice %arg8[%dma_wait3A_1316, %dma_wait3A_1317] : memref<3072x16xf32, #tpu.memory_space<vmem>> -> memref<128x16xf32, #tpu.memory_space<vmem>>
    %dma_wait3A_1319 = arith.constant 1920 : i32
    %dma_wait3A_1320 = tpu.memref_slice %arg6[%dma_wait3A_1319] : memref<3072xi32, #tpu.memory_space<vmem>> -> memref<128xi32, #tpu.memory_space<vmem>>
    %dma_wait3A_1321 = arith.constant 0 : i32
    %dma_wait3A_1322 = arith.constant 0 : i32
    %dma_wait3A_1323 = tpu.memref_slice %arg2[%dma_wait3A_1321, %dma_wait3A_1322] : memref<2230272x16xf32, #tpu.memory_space<hbm>> -> memref<2230272x16xf32, #tpu.memory_space<hbm>>
    tpu.wait_indirect_dma semaphore(%arg12 : memref<!tpu.dma_semaphore, #tpu.memory_space<semaphore_mem>>) src(%dma_wait3A_1323 : memref<2230272x16xf32, #tpu.memory_space<hbm>>) dst(%dma_wait3A_1318 : memref<128x16xf32, #tpu.memory_space<vmem>>)
    %dma_wait3A_1324 = arith.constant 2048 : i32
    %dma_wait3A_1325 = arith.constant 0 : i32
    %dma_wait3A_1326 = tpu.memref_slice %arg8[%dma_wait3A_1324, %dma_wait3A_1325] : memref<3072x16xf32, #tpu.memory_space<vmem>> -> memref<128x16xf32, #tpu.memory_space<vmem>>
    %dma_wait3A_1327 = arith.constant 2048 : i32
    %dma_wait3A_1328 = tpu.memref_slice %arg6[%dma_wait3A_1327] : memref<3072xi32, #tpu.memory_space<vmem>> -> memref<128xi32, #tpu.memory_space<vmem>>
    %dma_wait3A_1329 = arith.constant 0 : i32
    %dma_wait3A_1330 = arith.constant 0 : i32
    %dma_wait3A_1331 = tpu.memref_slice %arg2[%dma_wait3A_1329, %dma_wait3A_1330] : memref<2230272x16xf32, #tpu.memory_space<hbm>> -> memref<2230272x16xf32, #tpu.memory_space<hbm>>
    tpu.wait_indirect_dma semaphore(%arg12 : memref<!tpu.dma_semaphore, #tpu.memory_space<semaphore_mem>>) src(%dma_wait3A_1331 : memref<2230272x16xf32, #tpu.memory_space<hbm>>) dst(%dma_wait3A_1326 : memref<128x16xf32, #tpu.memory_space<vmem>>)
    %dma_wait3A_1332 = arith.constant 2176 : i32
    %dma_wait3A_1333 = arith.constant 0 : i32
    %dma_wait3A_1334 = tpu.memref_slice %arg8[%dma_wait3A_1332, %dma_wait3A_1333] : memref<3072x16xf32, #tpu.memory_space<vmem>> -> memref<128x16xf32, #tpu.memory_space<vmem>>
    %dma_wait3A_1335 = arith.constant 2176 : i32
    %dma_wait3A_1336 = tpu.memref_slice %arg6[%dma_wait3A_1335] : memref<3072xi32, #tpu.memory_space<vmem>> -> memref<128xi32, #tpu.memory_space<vmem>>
    %dma_wait3A_1337 = arith.constant 0 : i32
    %dma_wait3A_1338 = arith.constant 0 : i32
    %dma_wait3A_1339 = tpu.memref_slice %arg2[%dma_wait3A_1337, %dma_wait3A_1338] : memref<2230272x16xf32, #tpu.memory_space<hbm>> -> memref<2230272x16xf32, #tpu.memory_space<hbm>>
    tpu.wait_indirect_dma semaphore(%arg12 : memref<!tpu.dma_semaphore, #tpu.memory_space<semaphore_mem>>) src(%dma_wait3A_1339 : memref<2230272x16xf32, #tpu.memory_space<hbm>>) dst(%dma_wait3A_1334 : memref<128x16xf32, #tpu.memory_space<vmem>>)
    %dma_wait3A_1340 = arith.constant 2304 : i32
    %dma_wait3A_1341 = arith.constant 0 : i32
    %dma_wait3A_1342 = tpu.memref_slice %arg8[%dma_wait3A_1340, %dma_wait3A_1341] : memref<3072x16xf32, #tpu.memory_space<vmem>> -> memref<128x16xf32, #tpu.memory_space<vmem>>
    %dma_wait3A_1343 = arith.constant 2304 : i32
    %dma_wait3A_1344 = tpu.memref_slice %arg6[%dma_wait3A_1343] : memref<3072xi32, #tpu.memory_space<vmem>> -> memref<128xi32, #tpu.memory_space<vmem>>
    %dma_wait3A_1345 = arith.constant 0 : i32
    %dma_wait3A_1346 = arith.constant 0 : i32
    %dma_wait3A_1347 = tpu.memref_slice %arg2[%dma_wait3A_1345, %dma_wait3A_1346] : memref<2230272x16xf32, #tpu.memory_space<hbm>> -> memref<2230272x16xf32, #tpu.memory_space<hbm>>
    tpu.wait_indirect_dma semaphore(%arg12 : memref<!tpu.dma_semaphore, #tpu.memory_space<semaphore_mem>>) src(%dma_wait3A_1347 : memref<2230272x16xf32, #tpu.memory_space<hbm>>) dst(%dma_wait3A_1342 : memref<128x16xf32, #tpu.memory_space<vmem>>)
    %dma_wait3A_1348 = arith.constant 2432 : i32
    %dma_wait3A_1349 = arith.constant 0 : i32
    %dma_wait3A_1350 = tpu.memref_slice %arg8[%dma_wait3A_1348, %dma_wait3A_1349] : memref<3072x16xf32, #tpu.memory_space<vmem>> -> memref<128x16xf32, #tpu.memory_space<vmem>>
    %dma_wait3A_1351 = arith.constant 2432 : i32
    %dma_wait3A_1352 = tpu.memref_slice %arg6[%dma_wait3A_1351] : memref<3072xi32, #tpu.memory_space<vmem>> -> memref<128xi32, #tpu.memory_space<vmem>>
    %dma_wait3A_1353 = arith.constant 0 : i32
    %dma_wait3A_1354 = arith.constant 0 : i32
    %dma_wait3A_1355 = tpu.memref_slice %arg2[%dma_wait3A_1353, %dma_wait3A_1354] : memref<2230272x16xf32, #tpu.memory_space<hbm>> -> memref<2230272x16xf32, #tpu.memory_space<hbm>>
    tpu.wait_indirect_dma semaphore(%arg12 : memref<!tpu.dma_semaphore, #tpu.memory_space<semaphore_mem>>) src(%dma_wait3A_1355 : memref<2230272x16xf32, #tpu.memory_space<hbm>>) dst(%dma_wait3A_1350 : memref<128x16xf32, #tpu.memory_space<vmem>>)
    %dma_wait3A_1356 = arith.constant 2560 : i32
    %dma_wait3A_1357 = arith.constant 0 : i32
    %dma_wait3A_1358 = tpu.memref_slice %arg8[%dma_wait3A_1356, %dma_wait3A_1357] : memref<3072x16xf32, #tpu.memory_space<vmem>> -> memref<128x16xf32, #tpu.memory_space<vmem>>
    %dma_wait3A_1359 = arith.constant 2560 : i32
    %dma_wait3A_1360 = tpu.memref_slice %arg6[%dma_wait3A_1359] : memref<3072xi32, #tpu.memory_space<vmem>> -> memref<128xi32, #tpu.memory_space<vmem>>
    %dma_wait3A_1361 = arith.constant 0 : i32
    %dma_wait3A_1362 = arith.constant 0 : i32
    %dma_wait3A_1363 = tpu.memref_slice %arg2[%dma_wait3A_1361, %dma_wait3A_1362] : memref<2230272x16xf32, #tpu.memory_space<hbm>> -> memref<2230272x16xf32, #tpu.memory_space<hbm>>
    tpu.wait_indirect_dma semaphore(%arg12 : memref<!tpu.dma_semaphore, #tpu.memory_space<semaphore_mem>>) src(%dma_wait3A_1363 : memref<2230272x16xf32, #tpu.memory_space<hbm>>) dst(%dma_wait3A_1358 : memref<128x16xf32, #tpu.memory_space<vmem>>)
    %dma_wait3A_1364 = arith.constant 2688 : i32
    %dma_wait3A_1365 = arith.constant 0 : i32
    %dma_wait3A_1366 = tpu.memref_slice %arg8[%dma_wait3A_1364, %dma_wait3A_1365] : memref<3072x16xf32, #tpu.memory_space<vmem>> -> memref<128x16xf32, #tpu.memory_space<vmem>>
    %dma_wait3A_1367 = arith.constant 2688 : i32
    %dma_wait3A_1368 = tpu.memref_slice %arg6[%dma_wait3A_1367] : memref<3072xi32, #tpu.memory_space<vmem>> -> memref<128xi32, #tpu.memory_space<vmem>>
    %dma_wait3A_1369 = arith.constant 0 : i32
    %dma_wait3A_1370 = arith.constant 0 : i32
    %dma_wait3A_1371 = tpu.memref_slice %arg2[%dma_wait3A_1369, %dma_wait3A_1370] : memref<2230272x16xf32, #tpu.memory_space<hbm>> -> memref<2230272x16xf32, #tpu.memory_space<hbm>>
    tpu.wait_indirect_dma semaphore(%arg12 : memref<!tpu.dma_semaphore, #tpu.memory_space<semaphore_mem>>) src(%dma_wait3A_1371 : memref<2230272x16xf32, #tpu.memory_space<hbm>>) dst(%dma_wait3A_1366 : memref<128x16xf32, #tpu.memory_space<vmem>>)
    %dma_wait3A_1372 = arith.constant 2816 : i32
    %dma_wait3A_1373 = arith.constant 0 : i32
    %dma_wait3A_1374 = tpu.memref_slice %arg8[%dma_wait3A_1372, %dma_wait3A_1373] : memref<3072x16xf32, #tpu.memory_space<vmem>> -> memref<128x16xf32, #tpu.memory_space<vmem>>
    %dma_wait3A_1375 = arith.constant 2816 : i32
    %dma_wait3A_1376 = tpu.memref_slice %arg6[%dma_wait3A_1375] : memref<3072xi32, #tpu.memory_space<vmem>> -> memref<128xi32, #tpu.memory_space<vmem>>
    %dma_wait3A_1377 = arith.constant 0 : i32
    %dma_wait3A_1378 = arith.constant 0 : i32
    %dma_wait3A_1379 = tpu.memref_slice %arg2[%dma_wait3A_1377, %dma_wait3A_1378] : memref<2230272x16xf32, #tpu.memory_space<hbm>> -> memref<2230272x16xf32, #tpu.memory_space<hbm>>
    tpu.wait_indirect_dma semaphore(%arg12 : memref<!tpu.dma_semaphore, #tpu.memory_space<semaphore_mem>>) src(%dma_wait3A_1379 : memref<2230272x16xf32, #tpu.memory_space<hbm>>) dst(%dma_wait3A_1374 : memref<128x16xf32, #tpu.memory_space<vmem>>)
    %dma_wait3A_1380 = arith.constant 2944 : i32
    %dma_wait3A_1381 = arith.constant 0 : i32
    %dma_wait3A_1382 = tpu.memref_slice %arg8[%dma_wait3A_1380, %dma_wait3A_1381] : memref<3072x16xf32, #tpu.memory_space<vmem>> -> memref<128x16xf32, #tpu.memory_space<vmem>>
    %dma_wait3A_1383 = arith.constant 2944 : i32
    %dma_wait3A_1384 = tpu.memref_slice %arg6[%dma_wait3A_1383] : memref<3072xi32, #tpu.memory_space<vmem>> -> memref<128xi32, #tpu.memory_space<vmem>>
    %dma_wait3A_1385 = arith.constant 0 : i32
    %dma_wait3A_1386 = arith.constant 0 : i32
    %dma_wait3A_1387 = tpu.memref_slice %arg2[%dma_wait3A_1385, %dma_wait3A_1386] : memref<2230272x16xf32, #tpu.memory_space<hbm>> -> memref<2230272x16xf32, #tpu.memory_space<hbm>>
    tpu.wait_indirect_dma semaphore(%arg12 : memref<!tpu.dma_semaphore, #tpu.memory_space<semaphore_mem>>) src(%dma_wait3A_1387 : memref<2230272x16xf32, #tpu.memory_space<hbm>>) dst(%dma_wait3A_1382 : memref<128x16xf32, #tpu.memory_space<vmem>>)
    %add3A_1388 = arith.constant 64 : i32
    %add3A_1389 = arith.addi %mul3A_2, %add3A_1388 : i32
    %mul3A_1390 = arith.constant 32 : i32
    %mul3A_1391 = arith.muli %add3A_1389, %mul3A_1390 : i32
    "tpu.region"() ({
      %run_scoped3A = tpu.sem_alloc : memref<!tpu.dma_semaphore, #tpu.memory_space<semaphore_mem>>
      %dma_start3A_1600 = tpu.memref_slice %arg4[%mul3A_1391] : memref<131072xi32, #tpu.memory_space<hbm>> -> memref<1024xi32, #tpu.memory_space<hbm>>
      %dma_start3A_1601 = tpu.memref_slice %arg4[%mul3A_1391] : memref<131072xi32, #tpu.memory_space<hbm>> -> memref<1024xi32, #tpu.memory_space<hbm>>
      tpu.enqueue_dma source(%dma_start3A_1601 : memref<1024xi32, #tpu.memory_space<hbm>>) target(%arg10 : memref<1024xi32, #tpu.memory_space<vmem>>) target_semaphore(%run_scoped3A : memref<!tpu.dma_semaphore, #tpu.memory_space<semaphore_mem>>)
      %dma_wait3A_1602 = tpu.memref_slice %arg4[%mul3A_1391] : memref<131072xi32, #tpu.memory_space<hbm>> -> memref<1024xi32, #tpu.memory_space<hbm>>
      %dma_wait3A_1603 = tpu.memref_slice %arg4[%mul3A_1391] : memref<131072xi32, #tpu.memory_space<hbm>> -> memref<1024xi32, #tpu.memory_space<hbm>>
      tpu.wait_dma2 semaphore(%run_scoped3A : memref<!tpu.dma_semaphore, #tpu.memory_space<semaphore_mem>>) src(%dma_wait3A_1603 : memref<1024xi32, #tpu.memory_space<hbm>>) dst(%arg10 : memref<1024xi32, #tpu.memory_space<vmem>>)
      tpu.yield
    }) : () -> ()
    %scan3A_1392 = arith.constant 0 : i32
    %scan3A_1393 = arith.constant 0 : i32
    %scan3A_1394 = arith.constant 64 : i32
    %scan3A_1395 = arith.addi %scan3A_1393, %scan3A_1394 : i32
    %scan3A_1396 = arith.constant 1 : i32
    scf.for %scan3A_1600 = %scan3A_1393 to %scan3A_1395 step %scan3A_1396  : i32 {
      %mul3A_1601 = arith.constant 16 : i32
      %mul3A_1602 = arith.muli %scan3A_1600, %mul3A_1601 : i32
      %get3A = arith.index_cast %mul3A_1602 : i32 to index
      %get3A_1603 = tpu.vector_load %arg10[%get3A] {strides = array<i32>} : memref<1024xi32, #tpu.memory_space<vmem>>, vector<16xi32>,
      %shift_right_arithmetic3A = arith.constant 4 : i32
      %shift_right_arithmetic3A_1604 = vector.broadcast %shift_right_arithmetic3A : i32 to vector<16xi32>
      %shift_right_arithmetic3A_1605 = arith.shrsi %get3A_1603, %shift_right_arithmetic3A_1604 : vector<16xi32>
      %and3A = arith.constant 15 : i32
      %and3A_1606 = vector.broadcast %and3A : i32 to vector<16xi32>
      %and3A_1607 = arith.andi %get3A_1603, %and3A_1606 : vector<16xi32>
      %gather3A = tpu.vector_load_idx %arg8[%shift_right_arithmetic3A_1605, %and3A_1607] : memref<3072x16xf32, #tpu.memory_space<vmem>>[vector<16xi32>, vector<16xi32>], vector<16xf32>,
      %add3A_1608 = arith.constant 1 : i32
      %add3A_1609 = vector.broadcast %add3A_1608 : i32 to vector<16xi32>
      %add3A_1610 = arith.addi %get3A_1603, %add3A_1609 : vector<16xi32>
      %shift_right_arithmetic3A_1611 = arith.constant 4 : i32
      %shift_right_arithmetic3A_1612 = vector.broadcast %shift_right_arithmetic3A_1611 : i32 to vector<16xi32>
      %shift_right_arithmetic3A_1613 = arith.shrsi %add3A_1610, %shift_right_arithmetic3A_1612 : vector<16xi32>
      %and3A_1614 = arith.constant 15 : i32
      %and3A_1615 = vector.broadcast %and3A_1614 : i32 to vector<16xi32>
      %and3A_1616 = arith.andi %add3A_1610, %and3A_1615 : vector<16xi32>
      %gather3A_1617 = tpu.vector_load_idx %arg8[%shift_right_arithmetic3A_1613, %and3A_1616] : memref<3072x16xf32, #tpu.memory_space<vmem>>[vector<16xi32>, vector<16xi32>], vector<16xf32>,
      %add3A_1618 = arith.addf %gather3A, %gather3A_1617 : vector<16xf32>
      %add3A_1619 = arith.constant 2 : i32
      %add3A_1620 = vector.broadcast %add3A_1619 : i32 to vector<16xi32>
      %add3A_1621 = arith.addi %get3A_1603, %add3A_1620 : vector<16xi32>
      %shift_right_arithmetic3A_1622 = arith.constant 4 : i32
      %shift_right_arithmetic3A_1623 = vector.broadcast %shift_right_arithmetic3A_1622 : i32 to vector<16xi32>
      %shift_right_arithmetic3A_1624 = arith.shrsi %add3A_1621, %shift_right_arithmetic3A_1623 : vector<16xi32>
      %and3A_1625 = arith.constant 15 : i32
      %and3A_1626 = vector.broadcast %and3A_1625 : i32 to vector<16xi32>
      %and3A_1627 = arith.andi %add3A_1621, %and3A_1626 : vector<16xi32>
      %gather3A_1628 = tpu.vector_load_idx %arg8[%shift_right_arithmetic3A_1624, %and3A_1627] : memref<3072x16xf32, #tpu.memory_space<vmem>>[vector<16xi32>, vector<16xi32>], vector<16xf32>,
      %add3A_1629 = arith.addf %add3A_1618, %gather3A_1628 : vector<16xf32>
      %add3A_1630 = arith.constant 3 : i32
      %add3A_1631 = vector.broadcast %add3A_1630 : i32 to vector<16xi32>
      %add3A_1632 = arith.addi %get3A_1603, %add3A_1631 : vector<16xi32>
      %shift_right_arithmetic3A_1633 = arith.constant 4 : i32
      %shift_right_arithmetic3A_1634 = vector.broadcast %shift_right_arithmetic3A_1633 : i32 to vector<16xi32>
      %shift_right_arithmetic3A_1635 = arith.shrsi %add3A_1632, %shift_right_arithmetic3A_1634 : vector<16xi32>
      %and3A_1636 = arith.constant 15 : i32
      %and3A_1637 = vector.broadcast %and3A_1636 : i32 to vector<16xi32>
      %and3A_1638 = arith.andi %add3A_1632, %and3A_1637 : vector<16xi32>
      %gather3A_1639 = tpu.vector_load_idx %arg8[%shift_right_arithmetic3A_1635, %and3A_1638] : memref<3072x16xf32, #tpu.memory_space<vmem>>[vector<16xi32>, vector<16xi32>], vector<16xf32>,
      %add3A_1640 = arith.addf %add3A_1629, %gather3A_1639 : vector<16xf32>
      %add3A_1641 = arith.constant 4 : i32
      %add3A_1642 = vector.broadcast %add3A_1641 : i32 to vector<16xi32>
      %add3A_1643 = arith.addi %get3A_1603, %add3A_1642 : vector<16xi32>
      %shift_right_arithmetic3A_1644 = arith.constant 4 : i32
      %shift_right_arithmetic3A_1645 = vector.broadcast %shift_right_arithmetic3A_1644 : i32 to vector<16xi32>
      %shift_right_arithmetic3A_1646 = arith.shrsi %add3A_1643, %shift_right_arithmetic3A_1645 : vector<16xi32>
      %and3A_1647 = arith.constant 15 : i32
      %and3A_1648 = vector.broadcast %and3A_1647 : i32 to vector<16xi32>
      %and3A_1649 = arith.andi %add3A_1643, %and3A_1648 : vector<16xi32>
      %gather3A_1650 = tpu.vector_load_idx %arg8[%shift_right_arithmetic3A_1646, %and3A_1649] : memref<3072x16xf32, #tpu.memory_space<vmem>>[vector<16xi32>, vector<16xi32>], vector<16xf32>,
      %add3A_1651 = arith.addf %add3A_1640, %gather3A_1650 : vector<16xf32>
      %add3A_1652 = arith.constant 5 : i32
      %add3A_1653 = vector.broadcast %add3A_1652 : i32 to vector<16xi32>
      %add3A_1654 = arith.addi %get3A_1603, %add3A_1653 : vector<16xi32>
      %shift_right_arithmetic3A_1655 = arith.constant 4 : i32
      %shift_right_arithmetic3A_1656 = vector.broadcast %shift_right_arithmetic3A_1655 : i32 to vector<16xi32>
      %shift_right_arithmetic3A_1657 = arith.shrsi %add3A_1654, %shift_right_arithmetic3A_1656 : vector<16xi32>
      %and3A_1658 = arith.constant 15 : i32
      %and3A_1659 = vector.broadcast %and3A_1658 : i32 to vector<16xi32>
      %and3A_1660 = arith.andi %add3A_1654, %and3A_1659 : vector<16xi32>
      %gather3A_1661 = tpu.vector_load_idx %arg8[%shift_right_arithmetic3A_1657, %and3A_1660] : memref<3072x16xf32, #tpu.memory_space<vmem>>[vector<16xi32>, vector<16xi32>], vector<16xf32>,
      %add3A_1662 = arith.addf %add3A_1651, %gather3A_1661 : vector<16xf32>
      %add3A_1663 = arith.constant 6 : i32
      %add3A_1664 = vector.broadcast %add3A_1663 : i32 to vector<16xi32>
      %add3A_1665 = arith.addi %get3A_1603, %add3A_1664 : vector<16xi32>
      %shift_right_arithmetic3A_1666 = arith.constant 4 : i32
      %shift_right_arithmetic3A_1667 = vector.broadcast %shift_right_arithmetic3A_1666 : i32 to vector<16xi32>
      %shift_right_arithmetic3A_1668 = arith.shrsi %add3A_1665, %shift_right_arithmetic3A_1667 : vector<16xi32>
      %and3A_1669 = arith.constant 15 : i32
      %and3A_1670 = vector.broadcast %and3A_1669 : i32 to vector<16xi32>
      %and3A_1671 = arith.andi %add3A_1665, %and3A_1670 : vector<16xi32>
      %gather3A_1672 = tpu.vector_load_idx %arg8[%shift_right_arithmetic3A_1668, %and3A_1671] : memref<3072x16xf32, #tpu.memory_space<vmem>>[vector<16xi32>, vector<16xi32>], vector<16xf32>,
      %add3A_1673 = arith.addf %add3A_1662, %gather3A_1672 : vector<16xf32>
      %add3A_1674 = arith.constant 7 : i32
      %add3A_1675 = vector.broadcast %add3A_1674 : i32 to vector<16xi32>
      %add3A_1676 = arith.addi %get3A_1603, %add3A_1675 : vector<16xi32>
      %shift_right_arithmetic3A_1677 = arith.constant 4 : i32
      %shift_right_arithmetic3A_1678 = vector.broadcast %shift_right_arithmetic3A_1677 : i32 to vector<16xi32>
      %shift_right_arithmetic3A_1679 = arith.shrsi %add3A_1676, %shift_right_arithmetic3A_1678 : vector<16xi32>
      %and3A_1680 = arith.constant 15 : i32
      %and3A_1681 = vector.broadcast %and3A_1680 : i32 to vector<16xi32>
      %and3A_1682 = arith.andi %add3A_1676, %and3A_1681 : vector<16xi32>
      %gather3A_1683 = tpu.vector_load_idx %arg8[%shift_right_arithmetic3A_1679, %and3A_1682] : memref<3072x16xf32, #tpu.memory_space<vmem>>[vector<16xi32>, vector<16xi32>], vector<16xf32>,
      %add3A_1684 = arith.addf %add3A_1673, %gather3A_1683 : vector<16xf32>
      %add3A_1685 = arith.constant 8 : i32
      %add3A_1686 = vector.broadcast %add3A_1685 : i32 to vector<16xi32>
      %add3A_1687 = arith.addi %get3A_1603, %add3A_1686 : vector<16xi32>
      %shift_right_arithmetic3A_1688 = arith.constant 4 : i32
      %shift_right_arithmetic3A_1689 = vector.broadcast %shift_right_arithmetic3A_1688 : i32 to vector<16xi32>
      %shift_right_arithmetic3A_1690 = arith.shrsi %add3A_1687, %shift_right_arithmetic3A_1689 : vector<16xi32>
      %and3A_1691 = arith.constant 15 : i32
      %and3A_1692 = vector.broadcast %and3A_1691 : i32 to vector<16xi32>
      %and3A_1693 = arith.andi %add3A_1687, %and3A_1692 : vector<16xi32>
      %gather3A_1694 = tpu.vector_load_idx %arg8[%shift_right_arithmetic3A_1690, %and3A_1693] : memref<3072x16xf32, #tpu.memory_space<vmem>>[vector<16xi32>, vector<16xi32>], vector<16xf32>,
      %add3A_1695 = arith.addf %add3A_1684, %gather3A_1694 : vector<16xf32>
      %add3A_1696 = arith.constant 9 : i32
      %add3A_1697 = vector.broadcast %add3A_1696 : i32 to vector<16xi32>
      %add3A_1698 = arith.addi %get3A_1603, %add3A_1697 : vector<16xi32>
      %shift_right_arithmetic3A_1699 = arith.constant 4 : i32
      %shift_right_arithmetic3A_1700 = vector.broadcast %shift_right_arithmetic3A_1699 : i32 to vector<16xi32>
      %shift_right_arithmetic3A_1701 = arith.shrsi %add3A_1698, %shift_right_arithmetic3A_1700 : vector<16xi32>
      %and3A_1702 = arith.constant 15 : i32
      %and3A_1703 = vector.broadcast %and3A_1702 : i32 to vector<16xi32>
      %and3A_1704 = arith.andi %add3A_1698, %and3A_1703 : vector<16xi32>
      %gather3A_1705 = tpu.vector_load_idx %arg8[%shift_right_arithmetic3A_1701, %and3A_1704] : memref<3072x16xf32, #tpu.memory_space<vmem>>[vector<16xi32>, vector<16xi32>], vector<16xf32>,
      %add3A_1706 = arith.addf %add3A_1695, %gather3A_1705 : vector<16xf32>
      %add3A_1707 = arith.constant 10 : i32
      %add3A_1708 = vector.broadcast %add3A_1707 : i32 to vector<16xi32>
      %add3A_1709 = arith.addi %get3A_1603, %add3A_1708 : vector<16xi32>
      %shift_right_arithmetic3A_1710 = arith.constant 4 : i32
      %shift_right_arithmetic3A_1711 = vector.broadcast %shift_right_arithmetic3A_1710 : i32 to vector<16xi32>
      %shift_right_arithmetic3A_1712 = arith.shrsi %add3A_1709, %shift_right_arithmetic3A_1711 : vector<16xi32>
      %and3A_1713 = arith.constant 15 : i32
      %and3A_1714 = vector.broadcast %and3A_1713 : i32 to vector<16xi32>
      %and3A_1715 = arith.andi %add3A_1709, %and3A_1714 : vector<16xi32>
      %gather3A_1716 = tpu.vector_load_idx %arg8[%shift_right_arithmetic3A_1712, %and3A_1715] : memref<3072x16xf32, #tpu.memory_space<vmem>>[vector<16xi32>, vector<16xi32>], vector<16xf32>,
      %add3A_1717 = arith.addf %add3A_1706, %gather3A_1716 : vector<16xf32>
      %add3A_1718 = arith.constant 11 : i32
      %add3A_1719 = vector.broadcast %add3A_1718 : i32 to vector<16xi32>
      %add3A_1720 = arith.addi %get3A_1603, %add3A_1719 : vector<16xi32>
      %shift_right_arithmetic3A_1721 = arith.constant 4 : i32
      %shift_right_arithmetic3A_1722 = vector.broadcast %shift_right_arithmetic3A_1721 : i32 to vector<16xi32>
      %shift_right_arithmetic3A_1723 = arith.shrsi %add3A_1720, %shift_right_arithmetic3A_1722 : vector<16xi32>
      %and3A_1724 = arith.constant 15 : i32
      %and3A_1725 = vector.broadcast %and3A_1724 : i32 to vector<16xi32>
      %and3A_1726 = arith.andi %add3A_1720, %and3A_1725 : vector<16xi32>
      %gather3A_1727 = tpu.vector_load_idx %arg8[%shift_right_arithmetic3A_1723, %and3A_1726] : memref<3072x16xf32, #tpu.memory_space<vmem>>[vector<16xi32>, vector<16xi32>], vector<16xf32>,
      %add3A_1728 = arith.addf %add3A_1717, %gather3A_1727 : vector<16xf32>
      %add3A_1729 = arith.constant 12 : i32
      %add3A_1730 = vector.broadcast %add3A_1729 : i32 to vector<16xi32>
      %add3A_1731 = arith.addi %get3A_1603, %add3A_1730 : vector<16xi32>
      %shift_right_arithmetic3A_1732 = arith.constant 4 : i32
      %shift_right_arithmetic3A_1733 = vector.broadcast %shift_right_arithmetic3A_1732 : i32 to vector<16xi32>
      %shift_right_arithmetic3A_1734 = arith.shrsi %add3A_1731, %shift_right_arithmetic3A_1733 : vector<16xi32>
      %and3A_1735 = arith.constant 15 : i32
      %and3A_1736 = vector.broadcast %and3A_1735 : i32 to vector<16xi32>
      %and3A_1737 = arith.andi %add3A_1731, %and3A_1736 : vector<16xi32>
      %gather3A_1738 = tpu.vector_load_idx %arg8[%shift_right_arithmetic3A_1734, %and3A_1737] : memref<3072x16xf32, #tpu.memory_space<vmem>>[vector<16xi32>, vector<16xi32>], vector<16xf32>,
      %add3A_1739 = arith.addf %add3A_1728, %gather3A_1738 : vector<16xf32>
      %add3A_1740 = arith.constant 13 : i32
      %add3A_1741 = vector.broadcast %add3A_1740 : i32 to vector<16xi32>
      %add3A_1742 = arith.addi %get3A_1603, %add3A_1741 : vector<16xi32>
      %shift_right_arithmetic3A_1743 = arith.constant 4 : i32
      %shift_right_arithmetic3A_1744 = vector.broadcast %shift_right_arithmetic3A_1743 : i32 to vector<16xi32>
      %shift_right_arithmetic3A_1745 = arith.shrsi %add3A_1742, %shift_right_arithmetic3A_1744 : vector<16xi32>
      %and3A_1746 = arith.constant 15 : i32
      %and3A_1747 = vector.broadcast %and3A_1746 : i32 to vector<16xi32>
      %and3A_1748 = arith.andi %add3A_1742, %and3A_1747 : vector<16xi32>
      %gather3A_1749 = tpu.vector_load_idx %arg8[%shift_right_arithmetic3A_1745, %and3A_1748] : memref<3072x16xf32, #tpu.memory_space<vmem>>[vector<16xi32>, vector<16xi32>], vector<16xf32>,
      %add3A_1750 = arith.addf %add3A_1739, %gather3A_1749 : vector<16xf32>
      %add3A_1751 = arith.constant 14 : i32
      %add3A_1752 = vector.broadcast %add3A_1751 : i32 to vector<16xi32>
      %add3A_1753 = arith.addi %get3A_1603, %add3A_1752 : vector<16xi32>
      %shift_right_arithmetic3A_1754 = arith.constant 4 : i32
      %shift_right_arithmetic3A_1755 = vector.broadcast %shift_right_arithmetic3A_1754 : i32 to vector<16xi32>
      %shift_right_arithmetic3A_1756 = arith.shrsi %add3A_1753, %shift_right_arithmetic3A_1755 : vector<16xi32>
      %and3A_1757 = arith.constant 15 : i32
      %and3A_1758 = vector.broadcast %and3A_1757 : i32 to vector<16xi32>
      %and3A_1759 = arith.andi %add3A_1753, %and3A_1758 : vector<16xi32>
      %gather3A_1760 = tpu.vector_load_idx %arg8[%shift_right_arithmetic3A_1756, %and3A_1759] : memref<3072x16xf32, #tpu.memory_space<vmem>>[vector<16xi32>, vector<16xi32>], vector<16xf32>,
      %add3A_1761 = arith.addf %add3A_1750, %gather3A_1760 : vector<16xf32>
      %add3A_1762 = arith.constant 15 : i32
      %add3A_1763 = vector.broadcast %add3A_1762 : i32 to vector<16xi32>
      %add3A_1764 = arith.addi %get3A_1603, %add3A_1763 : vector<16xi32>
      %shift_right_arithmetic3A_1765 = arith.constant 4 : i32
      %shift_right_arithmetic3A_1766 = vector.broadcast %shift_right_arithmetic3A_1765 : i32 to vector<16xi32>
      %shift_right_arithmetic3A_1767 = arith.shrsi %add3A_1764, %shift_right_arithmetic3A_1766 : vector<16xi32>
      %and3A_1768 = arith.constant 15 : i32
      %and3A_1769 = vector.broadcast %and3A_1768 : i32 to vector<16xi32>
      %and3A_1770 = arith.andi %add3A_1764, %and3A_1769 : vector<16xi32>
      %gather3A_1771 = tpu.vector_load_idx %arg8[%shift_right_arithmetic3A_1767, %and3A_1770] : memref<3072x16xf32, #tpu.memory_space<vmem>>[vector<16xi32>, vector<16xi32>], vector<16xf32>,
      %add3A_1772 = arith.addf %add3A_1761, %gather3A_1771 : vector<16xf32>
      %add3A_1773 = arith.constant 16 : i32
      %add3A_1774 = vector.broadcast %add3A_1773 : i32 to vector<16xi32>
      %add3A_1775 = arith.addi %get3A_1603, %add3A_1774 : vector<16xi32>
      %shift_right_arithmetic3A_1776 = arith.constant 4 : i32
      %shift_right_arithmetic3A_1777 = vector.broadcast %shift_right_arithmetic3A_1776 : i32 to vector<16xi32>
      %shift_right_arithmetic3A_1778 = arith.shrsi %add3A_1775, %shift_right_arithmetic3A_1777 : vector<16xi32>
      %and3A_1779 = arith.constant 15 : i32
      %and3A_1780 = vector.broadcast %and3A_1779 : i32 to vector<16xi32>
      %and3A_1781 = arith.andi %add3A_1775, %and3A_1780 : vector<16xi32>
      %gather3A_1782 = tpu.vector_load_idx %arg8[%shift_right_arithmetic3A_1778, %and3A_1781] : memref<3072x16xf32, #tpu.memory_space<vmem>>[vector<16xi32>, vector<16xi32>], vector<16xf32>,
      %add3A_1783 = arith.addf %add3A_1772, %gather3A_1782 : vector<16xf32>
      %add3A_1784 = arith.constant 17 : i32
      %add3A_1785 = vector.broadcast %add3A_1784 : i32 to vector<16xi32>
      %add3A_1786 = arith.addi %get3A_1603, %add3A_1785 : vector<16xi32>
      %shift_right_arithmetic3A_1787 = arith.constant 4 : i32
      %shift_right_arithmetic3A_1788 = vector.broadcast %shift_right_arithmetic3A_1787 : i32 to vector<16xi32>
      %shift_right_arithmetic3A_1789 = arith.shrsi %add3A_1786, %shift_right_arithmetic3A_1788 : vector<16xi32>
      %and3A_1790 = arith.constant 15 : i32
      %and3A_1791 = vector.broadcast %and3A_1790 : i32 to vector<16xi32>
      %and3A_1792 = arith.andi %add3A_1786, %and3A_1791 : vector<16xi32>
      %gather3A_1793 = tpu.vector_load_idx %arg8[%shift_right_arithmetic3A_1789, %and3A_1792] : memref<3072x16xf32, #tpu.memory_space<vmem>>[vector<16xi32>, vector<16xi32>], vector<16xf32>,
      %add3A_1794 = arith.addf %add3A_1783, %gather3A_1793 : vector<16xf32>
      %add3A_1795 = arith.constant 18 : i32
      %add3A_1796 = vector.broadcast %add3A_1795 : i32 to vector<16xi32>
      %add3A_1797 = arith.addi %get3A_1603, %add3A_1796 : vector<16xi32>
      %shift_right_arithmetic3A_1798 = arith.constant 4 : i32
      %shift_right_arithmetic3A_1799 = vector.broadcast %shift_right_arithmetic3A_1798 : i32 to vector<16xi32>
      %shift_right_arithmetic3A_1800 = arith.shrsi %add3A_1797, %shift_right_arithmetic3A_1799 : vector<16xi32>
      %and3A_1801 = arith.constant 15 : i32
      %and3A_1802 = vector.broadcast %and3A_1801 : i32 to vector<16xi32>
      %and3A_1803 = arith.andi %add3A_1797, %and3A_1802 : vector<16xi32>
      %gather3A_1804 = tpu.vector_load_idx %arg8[%shift_right_arithmetic3A_1800, %and3A_1803] : memref<3072x16xf32, #tpu.memory_space<vmem>>[vector<16xi32>, vector<16xi32>], vector<16xf32>,
      %add3A_1805 = arith.addf %add3A_1794, %gather3A_1804 : vector<16xf32>
      %add3A_1806 = arith.constant 19 : i32
      %add3A_1807 = vector.broadcast %add3A_1806 : i32 to vector<16xi32>
      %add3A_1808 = arith.addi %get3A_1603, %add3A_1807 : vector<16xi32>
      %shift_right_arithmetic3A_1809 = arith.constant 4 : i32
      %shift_right_arithmetic3A_1810 = vector.broadcast %shift_right_arithmetic3A_1809 : i32 to vector<16xi32>
      %shift_right_arithmetic3A_1811 = arith.shrsi %add3A_1808, %shift_right_arithmetic3A_1810 : vector<16xi32>
      %and3A_1812 = arith.constant 15 : i32
      %and3A_1813 = vector.broadcast %and3A_1812 : i32 to vector<16xi32>
      %and3A_1814 = arith.andi %add3A_1808, %and3A_1813 : vector<16xi32>
      %gather3A_1815 = tpu.vector_load_idx %arg8[%shift_right_arithmetic3A_1811, %and3A_1814] : memref<3072x16xf32, #tpu.memory_space<vmem>>[vector<16xi32>, vector<16xi32>], vector<16xf32>,
      %add3A_1816 = arith.addf %add3A_1805, %gather3A_1815 : vector<16xf32>
      %add3A_1817 = arith.constant 20 : i32
      %add3A_1818 = vector.broadcast %add3A_1817 : i32 to vector<16xi32>
      %add3A_1819 = arith.addi %get3A_1603, %add3A_1818 : vector<16xi32>
      %shift_right_arithmetic3A_1820 = arith.constant 4 : i32
      %shift_right_arithmetic3A_1821 = vector.broadcast %shift_right_arithmetic3A_1820 : i32 to vector<16xi32>
      %shift_right_arithmetic3A_1822 = arith.shrsi %add3A_1819, %shift_right_arithmetic3A_1821 : vector<16xi32>
      %and3A_1823 = arith.constant 15 : i32
      %and3A_1824 = vector.broadcast %and3A_1823 : i32 to vector<16xi32>
      %and3A_1825 = arith.andi %add3A_1819, %and3A_1824 : vector<16xi32>
      %gather3A_1826 = tpu.vector_load_idx %arg8[%shift_right_arithmetic3A_1822, %and3A_1825] : memref<3072x16xf32, #tpu.memory_space<vmem>>[vector<16xi32>, vector<16xi32>], vector<16xf32>,
      %add3A_1827 = arith.addf %add3A_1816, %gather3A_1826 : vector<16xf32>
      %gt3A = arith.constant 0.000000e+00 : f32
      %gt3A_1828 = vector.broadcast %gt3A : f32 to vector<16xf32>
      %gt3A_1829 = arith.cmpf ogt, %add3A_1827, %gt3A_1828 : vector<16xf32>
      %jit3A = arith.constant 1.000000e+00 : f32
      %jit3A_1830 = arith.constant 0.000000e+00 : f32
      %broadcast_in_dim3A = vector.broadcast %jit3A : f32 to vector<16xf32>
      %broadcast_in_dim3A_1831 = vector.broadcast %jit3A_1830 : f32 to vector<16xf32>
      %select_n3A = arith.select %gt3A_1829, %broadcast_in_dim3A, %broadcast_in_dim3A_1831 : vector<16xi1>, vector<16xf32>
      %mul3A_1832 = arith.constant 16 : i32
      %mul3A_1833 = arith.muli %scan3A_1600, %mul3A_1832 : i32
      %swap3A = arith.index_cast %mul3A_1833 : i32 to index
      %swap3A_1834 = tpu.vector_load %arg11[%swap3A] {strides = array<i32>} : memref<1024xf32, #tpu.memory_space<vmem>>, vector<16xf32>,
      tpu.vector_store %arg11[%swap3A], %select_n3A {strides = array<i32>} : memref<1024xf32, #tpu.memory_space<vmem>>, vector<16xf32>,
    }
    %scan3A_1397 = arith.constant 64 : i32
    "tpu.region"() ({
      %run_scoped3A = tpu.sem_alloc : memref<!tpu.dma_semaphore, #tpu.memory_space<semaphore_mem>>
      %dma_start3A_1600 = tpu.memref_slice %arg5[%mul3A_1391] : memref<131072xf32, #tpu.memory_space<hbm>> -> memref<1024xf32, #tpu.memory_space<hbm>>
      %dma_start3A_1601 = tpu.memref_slice %arg5[%mul3A_1391] : memref<131072xf32, #tpu.memory_space<hbm>> -> memref<1024xf32, #tpu.memory_space<hbm>>
      tpu.enqueue_dma source(%arg11 : memref<1024xf32, #tpu.memory_space<vmem>>) target(%dma_start3A_1601 : memref<1024xf32, #tpu.memory_space<hbm>>) target_semaphore(%run_scoped3A : memref<!tpu.dma_semaphore, #tpu.memory_space<semaphore_mem>>)
      %dma_wait3A_1602 = tpu.memref_slice %arg5[%mul3A_1391] : memref<131072xf32, #tpu.memory_space<hbm>> -> memref<1024xf32, #tpu.memory_space<hbm>>
      %dma_wait3A_1603 = tpu.memref_slice %arg5[%mul3A_1391] : memref<131072xf32, #tpu.memory_space<hbm>> -> memref<1024xf32, #tpu.memory_space<hbm>>
      tpu.wait_dma2 semaphore(%run_scoped3A : memref<!tpu.dma_semaphore, #tpu.memory_space<semaphore_mem>>) src(%arg11 : memref<1024xf32, #tpu.memory_space<vmem>>) dst(%dma_wait3A_1603 : memref<1024xf32, #tpu.memory_space<hbm>>)
      tpu.yield
    }) : () -> ()
    %dma_wait3A_1398 = arith.constant 0 : i32
    %dma_wait3A_1399 = arith.constant 0 : i32
    %dma_wait3A_1400 = tpu.memref_slice %arg9[%dma_wait3A_1398, %dma_wait3A_1399] : memref<3072x16xf32, #tpu.memory_space<vmem>> -> memref<128x16xf32, #tpu.memory_space<vmem>>
    %dma_wait3A_1401 = arith.constant 0 : i32
    %dma_wait3A_1402 = tpu.memref_slice %arg7[%dma_wait3A_1401] : memref<3072xi32, #tpu.memory_space<vmem>> -> memref<128xi32, #tpu.memory_space<vmem>>
    %dma_wait3A_1403 = arith.constant 0 : i32
    %dma_wait3A_1404 = arith.constant 0 : i32
    %dma_wait3A_1405 = tpu.memref_slice %arg2[%dma_wait3A_1403, %dma_wait3A_1404] : memref<2230272x16xf32, #tpu.memory_space<hbm>> -> memref<2230272x16xf32, #tpu.memory_space<hbm>>
    tpu.wait_indirect_dma semaphore(%arg13 : memref<!tpu.dma_semaphore, #tpu.memory_space<semaphore_mem>>) src(%dma_wait3A_1405 : memref<2230272x16xf32, #tpu.memory_space<hbm>>) dst(%dma_wait3A_1400 : memref<128x16xf32, #tpu.memory_space<vmem>>)
    %dma_wait3A_1406 = arith.constant 128 : i32
    %dma_wait3A_1407 = arith.constant 0 : i32
    %dma_wait3A_1408 = tpu.memref_slice %arg9[%dma_wait3A_1406, %dma_wait3A_1407] : memref<3072x16xf32, #tpu.memory_space<vmem>> -> memref<128x16xf32, #tpu.memory_space<vmem>>
    %dma_wait3A_1409 = arith.constant 128 : i32
    %dma_wait3A_1410 = tpu.memref_slice %arg7[%dma_wait3A_1409] : memref<3072xi32, #tpu.memory_space<vmem>> -> memref<128xi32, #tpu.memory_space<vmem>>
    %dma_wait3A_1411 = arith.constant 0 : i32
    %dma_wait3A_1412 = arith.constant 0 : i32
    %dma_wait3A_1413 = tpu.memref_slice %arg2[%dma_wait3A_1411, %dma_wait3A_1412] : memref<2230272x16xf32, #tpu.memory_space<hbm>> -> memref<2230272x16xf32, #tpu.memory_space<hbm>>
    tpu.wait_indirect_dma semaphore(%arg13 : memref<!tpu.dma_semaphore, #tpu.memory_space<semaphore_mem>>) src(%dma_wait3A_1413 : memref<2230272x16xf32, #tpu.memory_space<hbm>>) dst(%dma_wait3A_1408 : memref<128x16xf32, #tpu.memory_space<vmem>>)
    %dma_wait3A_1414 = arith.constant 256 : i32
    %dma_wait3A_1415 = arith.constant 0 : i32
    %dma_wait3A_1416 = tpu.memref_slice %arg9[%dma_wait3A_1414, %dma_wait3A_1415] : memref<3072x16xf32, #tpu.memory_space<vmem>> -> memref<128x16xf32, #tpu.memory_space<vmem>>
    %dma_wait3A_1417 = arith.constant 256 : i32
    %dma_wait3A_1418 = tpu.memref_slice %arg7[%dma_wait3A_1417] : memref<3072xi32, #tpu.memory_space<vmem>> -> memref<128xi32, #tpu.memory_space<vmem>>
    %dma_wait3A_1419 = arith.constant 0 : i32
    %dma_wait3A_1420 = arith.constant 0 : i32
    %dma_wait3A_1421 = tpu.memref_slice %arg2[%dma_wait3A_1419, %dma_wait3A_1420] : memref<2230272x16xf32, #tpu.memory_space<hbm>> -> memref<2230272x16xf32, #tpu.memory_space<hbm>>
    tpu.wait_indirect_dma semaphore(%arg13 : memref<!tpu.dma_semaphore, #tpu.memory_space<semaphore_mem>>) src(%dma_wait3A_1421 : memref<2230272x16xf32, #tpu.memory_space<hbm>>) dst(%dma_wait3A_1416 : memref<128x16xf32, #tpu.memory_space<vmem>>)
    %dma_wait3A_1422 = arith.constant 384 : i32
    %dma_wait3A_1423 = arith.constant 0 : i32
    %dma_wait3A_1424 = tpu.memref_slice %arg9[%dma_wait3A_1422, %dma_wait3A_1423] : memref<3072x16xf32, #tpu.memory_space<vmem>> -> memref<128x16xf32, #tpu.memory_space<vmem>>
    %dma_wait3A_1425 = arith.constant 384 : i32
    %dma_wait3A_1426 = tpu.memref_slice %arg7[%dma_wait3A_1425] : memref<3072xi32, #tpu.memory_space<vmem>> -> memref<128xi32, #tpu.memory_space<vmem>>
    %dma_wait3A_1427 = arith.constant 0 : i32
    %dma_wait3A_1428 = arith.constant 0 : i32
    %dma_wait3A_1429 = tpu.memref_slice %arg2[%dma_wait3A_1427, %dma_wait3A_1428] : memref<2230272x16xf32, #tpu.memory_space<hbm>> -> memref<2230272x16xf32, #tpu.memory_space<hbm>>
    tpu.wait_indirect_dma semaphore(%arg13 : memref<!tpu.dma_semaphore, #tpu.memory_space<semaphore_mem>>) src(%dma_wait3A_1429 : memref<2230272x16xf32, #tpu.memory_space<hbm>>) dst(%dma_wait3A_1424 : memref<128x16xf32, #tpu.memory_space<vmem>>)
    %dma_wait3A_1430 = arith.constant 512 : i32
    %dma_wait3A_1431 = arith.constant 0 : i32
    %dma_wait3A_1432 = tpu.memref_slice %arg9[%dma_wait3A_1430, %dma_wait3A_1431] : memref<3072x16xf32, #tpu.memory_space<vmem>> -> memref<128x16xf32, #tpu.memory_space<vmem>>
    %dma_wait3A_1433 = arith.constant 512 : i32
    %dma_wait3A_1434 = tpu.memref_slice %arg7[%dma_wait3A_1433] : memref<3072xi32, #tpu.memory_space<vmem>> -> memref<128xi32, #tpu.memory_space<vmem>>
    %dma_wait3A_1435 = arith.constant 0 : i32
    %dma_wait3A_1436 = arith.constant 0 : i32
    %dma_wait3A_1437 = tpu.memref_slice %arg2[%dma_wait3A_1435, %dma_wait3A_1436] : memref<2230272x16xf32, #tpu.memory_space<hbm>> -> memref<2230272x16xf32, #tpu.memory_space<hbm>>
    tpu.wait_indirect_dma semaphore(%arg13 : memref<!tpu.dma_semaphore, #tpu.memory_space<semaphore_mem>>) src(%dma_wait3A_1437 : memref<2230272x16xf32, #tpu.memory_space<hbm>>) dst(%dma_wait3A_1432 : memref<128x16xf32, #tpu.memory_space<vmem>>)
    %dma_wait3A_1438 = arith.constant 640 : i32
    %dma_wait3A_1439 = arith.constant 0 : i32
    %dma_wait3A_1440 = tpu.memref_slice %arg9[%dma_wait3A_1438, %dma_wait3A_1439] : memref<3072x16xf32, #tpu.memory_space<vmem>> -> memref<128x16xf32, #tpu.memory_space<vmem>>
    %dma_wait3A_1441 = arith.constant 640 : i32
    %dma_wait3A_1442 = tpu.memref_slice %arg7[%dma_wait3A_1441] : memref<3072xi32, #tpu.memory_space<vmem>> -> memref<128xi32, #tpu.memory_space<vmem>>
    %dma_wait3A_1443 = arith.constant 0 : i32
    %dma_wait3A_1444 = arith.constant 0 : i32
    %dma_wait3A_1445 = tpu.memref_slice %arg2[%dma_wait3A_1443, %dma_wait3A_1444] : memref<2230272x16xf32, #tpu.memory_space<hbm>> -> memref<2230272x16xf32, #tpu.memory_space<hbm>>
    tpu.wait_indirect_dma semaphore(%arg13 : memref<!tpu.dma_semaphore, #tpu.memory_space<semaphore_mem>>) src(%dma_wait3A_1445 : memref<2230272x16xf32, #tpu.memory_space<hbm>>) dst(%dma_wait3A_1440 : memref<128x16xf32, #tpu.memory_space<vmem>>)
    %dma_wait3A_1446 = arith.constant 768 : i32
    %dma_wait3A_1447 = arith.constant 0 : i32
    %dma_wait3A_1448 = tpu.memref_slice %arg9[%dma_wait3A_1446, %dma_wait3A_1447] : memref<3072x16xf32, #tpu.memory_space<vmem>> -> memref<128x16xf32, #tpu.memory_space<vmem>>
    %dma_wait3A_1449 = arith.constant 768 : i32
    %dma_wait3A_1450 = tpu.memref_slice %arg7[%dma_wait3A_1449] : memref<3072xi32, #tpu.memory_space<vmem>> -> memref<128xi32, #tpu.memory_space<vmem>>
    %dma_wait3A_1451 = arith.constant 0 : i32
    %dma_wait3A_1452 = arith.constant 0 : i32
    %dma_wait3A_1453 = tpu.memref_slice %arg2[%dma_wait3A_1451, %dma_wait3A_1452] : memref<2230272x16xf32, #tpu.memory_space<hbm>> -> memref<2230272x16xf32, #tpu.memory_space<hbm>>
    tpu.wait_indirect_dma semaphore(%arg13 : memref<!tpu.dma_semaphore, #tpu.memory_space<semaphore_mem>>) src(%dma_wait3A_1453 : memref<2230272x16xf32, #tpu.memory_space<hbm>>) dst(%dma_wait3A_1448 : memref<128x16xf32, #tpu.memory_space<vmem>>)
    %dma_wait3A_1454 = arith.constant 896 : i32
    %dma_wait3A_1455 = arith.constant 0 : i32
    %dma_wait3A_1456 = tpu.memref_slice %arg9[%dma_wait3A_1454, %dma_wait3A_1455] : memref<3072x16xf32, #tpu.memory_space<vmem>> -> memref<128x16xf32, #tpu.memory_space<vmem>>
    %dma_wait3A_1457 = arith.constant 896 : i32
    %dma_wait3A_1458 = tpu.memref_slice %arg7[%dma_wait3A_1457] : memref<3072xi32, #tpu.memory_space<vmem>> -> memref<128xi32, #tpu.memory_space<vmem>>
    %dma_wait3A_1459 = arith.constant 0 : i32
    %dma_wait3A_1460 = arith.constant 0 : i32
    %dma_wait3A_1461 = tpu.memref_slice %arg2[%dma_wait3A_1459, %dma_wait3A_1460] : memref<2230272x16xf32, #tpu.memory_space<hbm>> -> memref<2230272x16xf32, #tpu.memory_space<hbm>>
    tpu.wait_indirect_dma semaphore(%arg13 : memref<!tpu.dma_semaphore, #tpu.memory_space<semaphore_mem>>) src(%dma_wait3A_1461 : memref<2230272x16xf32, #tpu.memory_space<hbm>>) dst(%dma_wait3A_1456 : memref<128x16xf32, #tpu.memory_space<vmem>>)
    %dma_wait3A_1462 = arith.constant 1024 : i32
    %dma_wait3A_1463 = arith.constant 0 : i32
    %dma_wait3A_1464 = tpu.memref_slice %arg9[%dma_wait3A_1462, %dma_wait3A_1463] : memref<3072x16xf32, #tpu.memory_space<vmem>> -> memref<128x16xf32, #tpu.memory_space<vmem>>
    %dma_wait3A_1465 = arith.constant 1024 : i32
    %dma_wait3A_1466 = tpu.memref_slice %arg7[%dma_wait3A_1465] : memref<3072xi32, #tpu.memory_space<vmem>> -> memref<128xi32, #tpu.memory_space<vmem>>
    %dma_wait3A_1467 = arith.constant 0 : i32
    %dma_wait3A_1468 = arith.constant 0 : i32
    %dma_wait3A_1469 = tpu.memref_slice %arg2[%dma_wait3A_1467, %dma_wait3A_1468] : memref<2230272x16xf32, #tpu.memory_space<hbm>> -> memref<2230272x16xf32, #tpu.memory_space<hbm>>
    tpu.wait_indirect_dma semaphore(%arg13 : memref<!tpu.dma_semaphore, #tpu.memory_space<semaphore_mem>>) src(%dma_wait3A_1469 : memref<2230272x16xf32, #tpu.memory_space<hbm>>) dst(%dma_wait3A_1464 : memref<128x16xf32, #tpu.memory_space<vmem>>)
    %dma_wait3A_1470 = arith.constant 1152 : i32
    %dma_wait3A_1471 = arith.constant 0 : i32
    %dma_wait3A_1472 = tpu.memref_slice %arg9[%dma_wait3A_1470, %dma_wait3A_1471] : memref<3072x16xf32, #tpu.memory_space<vmem>> -> memref<128x16xf32, #tpu.memory_space<vmem>>
    %dma_wait3A_1473 = arith.constant 1152 : i32
    %dma_wait3A_1474 = tpu.memref_slice %arg7[%dma_wait3A_1473] : memref<3072xi32, #tpu.memory_space<vmem>> -> memref<128xi32, #tpu.memory_space<vmem>>
    %dma_wait3A_1475 = arith.constant 0 : i32
    %dma_wait3A_1476 = arith.constant 0 : i32
    %dma_wait3A_1477 = tpu.memref_slice %arg2[%dma_wait3A_1475, %dma_wait3A_1476] : memref<2230272x16xf32, #tpu.memory_space<hbm>> -> memref<2230272x16xf32, #tpu.memory_space<hbm>>
    tpu.wait_indirect_dma semaphore(%arg13 : memref<!tpu.dma_semaphore, #tpu.memory_space<semaphore_mem>>) src(%dma_wait3A_1477 : memref<2230272x16xf32, #tpu.memory_space<hbm>>) dst(%dma_wait3A_1472 : memref<128x16xf32, #tpu.memory_space<vmem>>)
    %dma_wait3A_1478 = arith.constant 1280 : i32
    %dma_wait3A_1479 = arith.constant 0 : i32
    %dma_wait3A_1480 = tpu.memref_slice %arg9[%dma_wait3A_1478, %dma_wait3A_1479] : memref<3072x16xf32, #tpu.memory_space<vmem>> -> memref<128x16xf32, #tpu.memory_space<vmem>>
    %dma_wait3A_1481 = arith.constant 1280 : i32
    %dma_wait3A_1482 = tpu.memref_slice %arg7[%dma_wait3A_1481] : memref<3072xi32, #tpu.memory_space<vmem>> -> memref<128xi32, #tpu.memory_space<vmem>>
    %dma_wait3A_1483 = arith.constant 0 : i32
    %dma_wait3A_1484 = arith.constant 0 : i32
    %dma_wait3A_1485 = tpu.memref_slice %arg2[%dma_wait3A_1483, %dma_wait3A_1484] : memref<2230272x16xf32, #tpu.memory_space<hbm>> -> memref<2230272x16xf32, #tpu.memory_space<hbm>>
    tpu.wait_indirect_dma semaphore(%arg13 : memref<!tpu.dma_semaphore, #tpu.memory_space<semaphore_mem>>) src(%dma_wait3A_1485 : memref<2230272x16xf32, #tpu.memory_space<hbm>>) dst(%dma_wait3A_1480 : memref<128x16xf32, #tpu.memory_space<vmem>>)
    %dma_wait3A_1486 = arith.constant 1408 : i32
    %dma_wait3A_1487 = arith.constant 0 : i32
    %dma_wait3A_1488 = tpu.memref_slice %arg9[%dma_wait3A_1486, %dma_wait3A_1487] : memref<3072x16xf32, #tpu.memory_space<vmem>> -> memref<128x16xf32, #tpu.memory_space<vmem>>
    %dma_wait3A_1489 = arith.constant 1408 : i32
    %dma_wait3A_1490 = tpu.memref_slice %arg7[%dma_wait3A_1489] : memref<3072xi32, #tpu.memory_space<vmem>> -> memref<128xi32, #tpu.memory_space<vmem>>
    %dma_wait3A_1491 = arith.constant 0 : i32
    %dma_wait3A_1492 = arith.constant 0 : i32
    %dma_wait3A_1493 = tpu.memref_slice %arg2[%dma_wait3A_1491, %dma_wait3A_1492] : memref<2230272x16xf32, #tpu.memory_space<hbm>> -> memref<2230272x16xf32, #tpu.memory_space<hbm>>
    tpu.wait_indirect_dma semaphore(%arg13 : memref<!tpu.dma_semaphore, #tpu.memory_space<semaphore_mem>>) src(%dma_wait3A_1493 : memref<2230272x16xf32, #tpu.memory_space<hbm>>) dst(%dma_wait3A_1488 : memref<128x16xf32, #tpu.memory_space<vmem>>)
    %dma_wait3A_1494 = arith.constant 1536 : i32
    %dma_wait3A_1495 = arith.constant 0 : i32
    %dma_wait3A_1496 = tpu.memref_slice %arg9[%dma_wait3A_1494, %dma_wait3A_1495] : memref<3072x16xf32, #tpu.memory_space<vmem>> -> memref<128x16xf32, #tpu.memory_space<vmem>>
    %dma_wait3A_1497 = arith.constant 1536 : i32
    %dma_wait3A_1498 = tpu.memref_slice %arg7[%dma_wait3A_1497] : memref<3072xi32, #tpu.memory_space<vmem>> -> memref<128xi32, #tpu.memory_space<vmem>>
    %dma_wait3A_1499 = arith.constant 0 : i32
    %dma_wait3A_1500 = arith.constant 0 : i32
    %dma_wait3A_1501 = tpu.memref_slice %arg2[%dma_wait3A_1499, %dma_wait3A_1500] : memref<2230272x16xf32, #tpu.memory_space<hbm>> -> memref<2230272x16xf32, #tpu.memory_space<hbm>>
    tpu.wait_indirect_dma semaphore(%arg13 : memref<!tpu.dma_semaphore, #tpu.memory_space<semaphore_mem>>) src(%dma_wait3A_1501 : memref<2230272x16xf32, #tpu.memory_space<hbm>>) dst(%dma_wait3A_1496 : memref<128x16xf32, #tpu.memory_space<vmem>>)
    %dma_wait3A_1502 = arith.constant 1664 : i32
    %dma_wait3A_1503 = arith.constant 0 : i32
    %dma_wait3A_1504 = tpu.memref_slice %arg9[%dma_wait3A_1502, %dma_wait3A_1503] : memref<3072x16xf32, #tpu.memory_space<vmem>> -> memref<128x16xf32, #tpu.memory_space<vmem>>
    %dma_wait3A_1505 = arith.constant 1664 : i32
    %dma_wait3A_1506 = tpu.memref_slice %arg7[%dma_wait3A_1505] : memref<3072xi32, #tpu.memory_space<vmem>> -> memref<128xi32, #tpu.memory_space<vmem>>
    %dma_wait3A_1507 = arith.constant 0 : i32
    %dma_wait3A_1508 = arith.constant 0 : i32
    %dma_wait3A_1509 = tpu.memref_slice %arg2[%dma_wait3A_1507, %dma_wait3A_1508] : memref<2230272x16xf32, #tpu.memory_space<hbm>> -> memref<2230272x16xf32, #tpu.memory_space<hbm>>
    tpu.wait_indirect_dma semaphore(%arg13 : memref<!tpu.dma_semaphore, #tpu.memory_space<semaphore_mem>>) src(%dma_wait3A_1509 : memref<2230272x16xf32, #tpu.memory_space<hbm>>) dst(%dma_wait3A_1504 : memref<128x16xf32, #tpu.memory_space<vmem>>)
    %dma_wait3A_1510 = arith.constant 1792 : i32
    %dma_wait3A_1511 = arith.constant 0 : i32
    %dma_wait3A_1512 = tpu.memref_slice %arg9[%dma_wait3A_1510, %dma_wait3A_1511] : memref<3072x16xf32, #tpu.memory_space<vmem>> -> memref<128x16xf32, #tpu.memory_space<vmem>>
    %dma_wait3A_1513 = arith.constant 1792 : i32
    %dma_wait3A_1514 = tpu.memref_slice %arg7[%dma_wait3A_1513] : memref<3072xi32, #tpu.memory_space<vmem>> -> memref<128xi32, #tpu.memory_space<vmem>>
    %dma_wait3A_1515 = arith.constant 0 : i32
    %dma_wait3A_1516 = arith.constant 0 : i32
    %dma_wait3A_1517 = tpu.memref_slice %arg2[%dma_wait3A_1515, %dma_wait3A_1516] : memref<2230272x16xf32, #tpu.memory_space<hbm>> -> memref<2230272x16xf32, #tpu.memory_space<hbm>>
    tpu.wait_indirect_dma semaphore(%arg13 : memref<!tpu.dma_semaphore, #tpu.memory_space<semaphore_mem>>) src(%dma_wait3A_1517 : memref<2230272x16xf32, #tpu.memory_space<hbm>>) dst(%dma_wait3A_1512 : memref<128x16xf32, #tpu.memory_space<vmem>>)
    %dma_wait3A_1518 = arith.constant 1920 : i32
    %dma_wait3A_1519 = arith.constant 0 : i32
    %dma_wait3A_1520 = tpu.memref_slice %arg9[%dma_wait3A_1518, %dma_wait3A_1519] : memref<3072x16xf32, #tpu.memory_space<vmem>> -> memref<128x16xf32, #tpu.memory_space<vmem>>
    %dma_wait3A_1521 = arith.constant 1920 : i32
    %dma_wait3A_1522 = tpu.memref_slice %arg7[%dma_wait3A_1521] : memref<3072xi32, #tpu.memory_space<vmem>> -> memref<128xi32, #tpu.memory_space<vmem>>
    %dma_wait3A_1523 = arith.constant 0 : i32
    %dma_wait3A_1524 = arith.constant 0 : i32
    %dma_wait3A_1525 = tpu.memref_slice %arg2[%dma_wait3A_1523, %dma_wait3A_1524] : memref<2230272x16xf32, #tpu.memory_space<hbm>> -> memref<2230272x16xf32, #tpu.memory_space<hbm>>
    tpu.wait_indirect_dma semaphore(%arg13 : memref<!tpu.dma_semaphore, #tpu.memory_space<semaphore_mem>>) src(%dma_wait3A_1525 : memref<2230272x16xf32, #tpu.memory_space<hbm>>) dst(%dma_wait3A_1520 : memref<128x16xf32, #tpu.memory_space<vmem>>)
    %dma_wait3A_1526 = arith.constant 2048 : i32
    %dma_wait3A_1527 = arith.constant 0 : i32
    %dma_wait3A_1528 = tpu.memref_slice %arg9[%dma_wait3A_1526, %dma_wait3A_1527] : memref<3072x16xf32, #tpu.memory_space<vmem>> -> memref<128x16xf32, #tpu.memory_space<vmem>>
    %dma_wait3A_1529 = arith.constant 2048 : i32
    %dma_wait3A_1530 = tpu.memref_slice %arg7[%dma_wait3A_1529] : memref<3072xi32, #tpu.memory_space<vmem>> -> memref<128xi32, #tpu.memory_space<vmem>>
    %dma_wait3A_1531 = arith.constant 0 : i32
    %dma_wait3A_1532 = arith.constant 0 : i32
    %dma_wait3A_1533 = tpu.memref_slice %arg2[%dma_wait3A_1531, %dma_wait3A_1532] : memref<2230272x16xf32, #tpu.memory_space<hbm>> -> memref<2230272x16xf32, #tpu.memory_space<hbm>>
    tpu.wait_indirect_dma semaphore(%arg13 : memref<!tpu.dma_semaphore, #tpu.memory_space<semaphore_mem>>) src(%dma_wait3A_1533 : memref<2230272x16xf32, #tpu.memory_space<hbm>>) dst(%dma_wait3A_1528 : memref<128x16xf32, #tpu.memory_space<vmem>>)
    %dma_wait3A_1534 = arith.constant 2176 : i32
    %dma_wait3A_1535 = arith.constant 0 : i32
    %dma_wait3A_1536 = tpu.memref_slice %arg9[%dma_wait3A_1534, %dma_wait3A_1535] : memref<3072x16xf32, #tpu.memory_space<vmem>> -> memref<128x16xf32, #tpu.memory_space<vmem>>
    %dma_wait3A_1537 = arith.constant 2176 : i32
    %dma_wait3A_1538 = tpu.memref_slice %arg7[%dma_wait3A_1537] : memref<3072xi32, #tpu.memory_space<vmem>> -> memref<128xi32, #tpu.memory_space<vmem>>
    %dma_wait3A_1539 = arith.constant 0 : i32
    %dma_wait3A_1540 = arith.constant 0 : i32
    %dma_wait3A_1541 = tpu.memref_slice %arg2[%dma_wait3A_1539, %dma_wait3A_1540] : memref<2230272x16xf32, #tpu.memory_space<hbm>> -> memref<2230272x16xf32, #tpu.memory_space<hbm>>
    tpu.wait_indirect_dma semaphore(%arg13 : memref<!tpu.dma_semaphore, #tpu.memory_space<semaphore_mem>>) src(%dma_wait3A_1541 : memref<2230272x16xf32, #tpu.memory_space<hbm>>) dst(%dma_wait3A_1536 : memref<128x16xf32, #tpu.memory_space<vmem>>)
    %dma_wait3A_1542 = arith.constant 2304 : i32
    %dma_wait3A_1543 = arith.constant 0 : i32
    %dma_wait3A_1544 = tpu.memref_slice %arg9[%dma_wait3A_1542, %dma_wait3A_1543] : memref<3072x16xf32, #tpu.memory_space<vmem>> -> memref<128x16xf32, #tpu.memory_space<vmem>>
    %dma_wait3A_1545 = arith.constant 2304 : i32
    %dma_wait3A_1546 = tpu.memref_slice %arg7[%dma_wait3A_1545] : memref<3072xi32, #tpu.memory_space<vmem>> -> memref<128xi32, #tpu.memory_space<vmem>>
    %dma_wait3A_1547 = arith.constant 0 : i32
    %dma_wait3A_1548 = arith.constant 0 : i32
    %dma_wait3A_1549 = tpu.memref_slice %arg2[%dma_wait3A_1547, %dma_wait3A_1548] : memref<2230272x16xf32, #tpu.memory_space<hbm>> -> memref<2230272x16xf32, #tpu.memory_space<hbm>>
    tpu.wait_indirect_dma semaphore(%arg13 : memref<!tpu.dma_semaphore, #tpu.memory_space<semaphore_mem>>) src(%dma_wait3A_1549 : memref<2230272x16xf32, #tpu.memory_space<hbm>>) dst(%dma_wait3A_1544 : memref<128x16xf32, #tpu.memory_space<vmem>>)
    %dma_wait3A_1550 = arith.constant 2432 : i32
    %dma_wait3A_1551 = arith.constant 0 : i32
    %dma_wait3A_1552 = tpu.memref_slice %arg9[%dma_wait3A_1550, %dma_wait3A_1551] : memref<3072x16xf32, #tpu.memory_space<vmem>> -> memref<128x16xf32, #tpu.memory_space<vmem>>
    %dma_wait3A_1553 = arith.constant 2432 : i32
    %dma_wait3A_1554 = tpu.memref_slice %arg7[%dma_wait3A_1553] : memref<3072xi32, #tpu.memory_space<vmem>> -> memref<128xi32, #tpu.memory_space<vmem>>
    %dma_wait3A_1555 = arith.constant 0 : i32
    %dma_wait3A_1556 = arith.constant 0 : i32
    %dma_wait3A_1557 = tpu.memref_slice %arg2[%dma_wait3A_1555, %dma_wait3A_1556] : memref<2230272x16xf32, #tpu.memory_space<hbm>> -> memref<2230272x16xf32, #tpu.memory_space<hbm>>
    tpu.wait_indirect_dma semaphore(%arg13 : memref<!tpu.dma_semaphore, #tpu.memory_space<semaphore_mem>>) src(%dma_wait3A_1557 : memref<2230272x16xf32, #tpu.memory_space<hbm>>) dst(%dma_wait3A_1552 : memref<128x16xf32, #tpu.memory_space<vmem>>)
    %dma_wait3A_1558 = arith.constant 2560 : i32
    %dma_wait3A_1559 = arith.constant 0 : i32
    %dma_wait3A_1560 = tpu.memref_slice %arg9[%dma_wait3A_1558, %dma_wait3A_1559] : memref<3072x16xf32, #tpu.memory_space<vmem>> -> memref<128x16xf32, #tpu.memory_space<vmem>>
    %dma_wait3A_1561 = arith.constant 2560 : i32
    %dma_wait3A_1562 = tpu.memref_slice %arg7[%dma_wait3A_1561] : memref<3072xi32, #tpu.memory_space<vmem>> -> memref<128xi32, #tpu.memory_space<vmem>>
    %dma_wait3A_1563 = arith.constant 0 : i32
    %dma_wait3A_1564 = arith.constant 0 : i32
    %dma_wait3A_1565 = tpu.memref_slice %arg2[%dma_wait3A_1563, %dma_wait3A_1564] : memref<2230272x16xf32, #tpu.memory_space<hbm>> -> memref<2230272x16xf32, #tpu.memory_space<hbm>>
    tpu.wait_indirect_dma semaphore(%arg13 : memref<!tpu.dma_semaphore, #tpu.memory_space<semaphore_mem>>) src(%dma_wait3A_1565 : memref<2230272x16xf32, #tpu.memory_space<hbm>>) dst(%dma_wait3A_1560 : memref<128x16xf32, #tpu.memory_space<vmem>>)
    %dma_wait3A_1566 = arith.constant 2688 : i32
    %dma_wait3A_1567 = arith.constant 0 : i32
    %dma_wait3A_1568 = tpu.memref_slice %arg9[%dma_wait3A_1566, %dma_wait3A_1567] : memref<3072x16xf32, #tpu.memory_space<vmem>> -> memref<128x16xf32, #tpu.memory_space<vmem>>
    %dma_wait3A_1569 = arith.constant 2688 : i32
    %dma_wait3A_1570 = tpu.memref_slice %arg7[%dma_wait3A_1569] : memref<3072xi32, #tpu.memory_space<vmem>> -> memref<128xi32, #tpu.memory_space<vmem>>
    %dma_wait3A_1571 = arith.constant 0 : i32
    %dma_wait3A_1572 = arith.constant 0 : i32
    %dma_wait3A_1573 = tpu.memref_slice %arg2[%dma_wait3A_1571, %dma_wait3A_1572] : memref<2230272x16xf32, #tpu.memory_space<hbm>> -> memref<2230272x16xf32, #tpu.memory_space<hbm>>
    tpu.wait_indirect_dma semaphore(%arg13 : memref<!tpu.dma_semaphore, #tpu.memory_space<semaphore_mem>>) src(%dma_wait3A_1573 : memref<2230272x16xf32, #tpu.memory_space<hbm>>) dst(%dma_wait3A_1568 : memref<128x16xf32, #tpu.memory_space<vmem>>)
    %dma_wait3A_1574 = arith.constant 2816 : i32
    %dma_wait3A_1575 = arith.constant 0 : i32
    %dma_wait3A_1576 = tpu.memref_slice %arg9[%dma_wait3A_1574, %dma_wait3A_1575] : memref<3072x16xf32, #tpu.memory_space<vmem>> -> memref<128x16xf32, #tpu.memory_space<vmem>>
    %dma_wait3A_1577 = arith.constant 2816 : i32
    %dma_wait3A_1578 = tpu.memref_slice %arg7[%dma_wait3A_1577] : memref<3072xi32, #tpu.memory_space<vmem>> -> memref<128xi32, #tpu.memory_space<vmem>>
    %dma_wait3A_1579 = arith.constant 0 : i32
    %dma_wait3A_1580 = arith.constant 0 : i32
    %dma_wait3A_1581 = tpu.memref_slice %arg2[%dma_wait3A_1579, %dma_wait3A_1580] : memref<2230272x16xf32, #tpu.memory_space<hbm>> -> memref<2230272x16xf32, #tpu.memory_space<hbm>>
    tpu.wait_indirect_dma semaphore(%arg13 : memref<!tpu.dma_semaphore, #tpu.memory_space<semaphore_mem>>) src(%dma_wait3A_1581 : memref<2230272x16xf32, #tpu.memory_space<hbm>>) dst(%dma_wait3A_1576 : memref<128x16xf32, #tpu.memory_space<vmem>>)
    %dma_wait3A_1582 = arith.constant 2944 : i32
    %dma_wait3A_1583 = arith.constant 0 : i32
    %dma_wait3A_1584 = tpu.memref_slice %arg9[%dma_wait3A_1582, %dma_wait3A_1583] : memref<3072x16xf32, #tpu.memory_space<vmem>> -> memref<128x16xf32, #tpu.memory_space<vmem>>
    %dma_wait3A_1585 = arith.constant 2944 : i32
    %dma_wait3A_1586 = tpu.memref_slice %arg7[%dma_wait3A_1585] : memref<3072xi32, #tpu.memory_space<vmem>> -> memref<128xi32, #tpu.memory_space<vmem>>
    %dma_wait3A_1587 = arith.constant 0 : i32
    %dma_wait3A_1588 = arith.constant 0 : i32
    %dma_wait3A_1589 = tpu.memref_slice %arg2[%dma_wait3A_1587, %dma_wait3A_1588] : memref<2230272x16xf32, #tpu.memory_space<hbm>> -> memref<2230272x16xf32, #tpu.memory_space<hbm>>
    tpu.wait_indirect_dma semaphore(%arg13 : memref<!tpu.dma_semaphore, #tpu.memory_space<semaphore_mem>>) src(%dma_wait3A_1589 : memref<2230272x16xf32, #tpu.memory_space<hbm>>) dst(%dma_wait3A_1584 : memref<128x16xf32, #tpu.memory_space<vmem>>)
    %add3A_1590 = arith.constant 96 : i32
    %add3A_1591 = arith.addi %mul3A_2, %add3A_1590 : i32
    %mul3A_1592 = arith.constant 32 : i32
    %mul3A_1593 = arith.muli %add3A_1591, %mul3A_1592 : i32
    "tpu.region"() ({
      %run_scoped3A = tpu.sem_alloc : memref<!tpu.dma_semaphore, #tpu.memory_space<semaphore_mem>>
      %dma_start3A_1600 = tpu.memref_slice %arg4[%mul3A_1593] : memref<131072xi32, #tpu.memory_space<hbm>> -> memref<1024xi32, #tpu.memory_space<hbm>>
      %dma_start3A_1601 = tpu.memref_slice %arg4[%mul3A_1593] : memref<131072xi32, #tpu.memory_space<hbm>> -> memref<1024xi32, #tpu.memory_space<hbm>>
      tpu.enqueue_dma source(%dma_start3A_1601 : memref<1024xi32, #tpu.memory_space<hbm>>) target(%arg10 : memref<1024xi32, #tpu.memory_space<vmem>>) target_semaphore(%run_scoped3A : memref<!tpu.dma_semaphore, #tpu.memory_space<semaphore_mem>>)
      %dma_wait3A_1602 = tpu.memref_slice %arg4[%mul3A_1593] : memref<131072xi32, #tpu.memory_space<hbm>> -> memref<1024xi32, #tpu.memory_space<hbm>>
      %dma_wait3A_1603 = tpu.memref_slice %arg4[%mul3A_1593] : memref<131072xi32, #tpu.memory_space<hbm>> -> memref<1024xi32, #tpu.memory_space<hbm>>
      tpu.wait_dma2 semaphore(%run_scoped3A : memref<!tpu.dma_semaphore, #tpu.memory_space<semaphore_mem>>) src(%dma_wait3A_1603 : memref<1024xi32, #tpu.memory_space<hbm>>) dst(%arg10 : memref<1024xi32, #tpu.memory_space<vmem>>)
      tpu.yield
    }) : () -> ()
    %scan3A_1594 = arith.constant 0 : i32
    %scan3A_1595 = arith.constant 0 : i32
    %scan3A_1596 = arith.constant 64 : i32
    %scan3A_1597 = arith.addi %scan3A_1595, %scan3A_1596 : i32
    %scan3A_1598 = arith.constant 1 : i32
    scf.for %scan3A_1600 = %scan3A_1595 to %scan3A_1597 step %scan3A_1598  : i32 {
      %mul3A_1601 = arith.constant 16 : i32
      %mul3A_1602 = arith.muli %scan3A_1600, %mul3A_1601 : i32
      %get3A = arith.index_cast %mul3A_1602 : i32 to index
      %get3A_1603 = tpu.vector_load %arg10[%get3A] {strides = array<i32>} : memref<1024xi32, #tpu.memory_space<vmem>>, vector<16xi32>,
      %shift_right_arithmetic3A = arith.constant 4 : i32
      %shift_right_arithmetic3A_1604 = vector.broadcast %shift_right_arithmetic3A : i32 to vector<16xi32>
      %shift_right_arithmetic3A_1605 = arith.shrsi %get3A_1603, %shift_right_arithmetic3A_1604 : vector<16xi32>
      %and3A = arith.constant 15 : i32
      %and3A_1606 = vector.broadcast %and3A : i32 to vector<16xi32>
      %and3A_1607 = arith.andi %get3A_1603, %and3A_1606 : vector<16xi32>
      %gather3A = tpu.vector_load_idx %arg9[%shift_right_arithmetic3A_1605, %and3A_1607] : memref<3072x16xf32, #tpu.memory_space<vmem>>[vector<16xi32>, vector<16xi32>], vector<16xf32>,
      %add3A_1608 = arith.constant 1 : i32
      %add3A_1609 = vector.broadcast %add3A_1608 : i32 to vector<16xi32>
      %add3A_1610 = arith.addi %get3A_1603, %add3A_1609 : vector<16xi32>
      %shift_right_arithmetic3A_1611 = arith.constant 4 : i32
      %shift_right_arithmetic3A_1612 = vector.broadcast %shift_right_arithmetic3A_1611 : i32 to vector<16xi32>
      %shift_right_arithmetic3A_1613 = arith.shrsi %add3A_1610, %shift_right_arithmetic3A_1612 : vector<16xi32>
      %and3A_1614 = arith.constant 15 : i32
      %and3A_1615 = vector.broadcast %and3A_1614 : i32 to vector<16xi32>
      %and3A_1616 = arith.andi %add3A_1610, %and3A_1615 : vector<16xi32>
      %gather3A_1617 = tpu.vector_load_idx %arg9[%shift_right_arithmetic3A_1613, %and3A_1616] : memref<3072x16xf32, #tpu.memory_space<vmem>>[vector<16xi32>, vector<16xi32>], vector<16xf32>,
      %add3A_1618 = arith.addf %gather3A, %gather3A_1617 : vector<16xf32>
      %add3A_1619 = arith.constant 2 : i32
      %add3A_1620 = vector.broadcast %add3A_1619 : i32 to vector<16xi32>
      %add3A_1621 = arith.addi %get3A_1603, %add3A_1620 : vector<16xi32>
      %shift_right_arithmetic3A_1622 = arith.constant 4 : i32
      %shift_right_arithmetic3A_1623 = vector.broadcast %shift_right_arithmetic3A_1622 : i32 to vector<16xi32>
      %shift_right_arithmetic3A_1624 = arith.shrsi %add3A_1621, %shift_right_arithmetic3A_1623 : vector<16xi32>
      %and3A_1625 = arith.constant 15 : i32
      %and3A_1626 = vector.broadcast %and3A_1625 : i32 to vector<16xi32>
      %and3A_1627 = arith.andi %add3A_1621, %and3A_1626 : vector<16xi32>
      %gather3A_1628 = tpu.vector_load_idx %arg9[%shift_right_arithmetic3A_1624, %and3A_1627] : memref<3072x16xf32, #tpu.memory_space<vmem>>[vector<16xi32>, vector<16xi32>], vector<16xf32>,
      %add3A_1629 = arith.addf %add3A_1618, %gather3A_1628 : vector<16xf32>
      %add3A_1630 = arith.constant 3 : i32
      %add3A_1631 = vector.broadcast %add3A_1630 : i32 to vector<16xi32>
      %add3A_1632 = arith.addi %get3A_1603, %add3A_1631 : vector<16xi32>
      %shift_right_arithmetic3A_1633 = arith.constant 4 : i32
      %shift_right_arithmetic3A_1634 = vector.broadcast %shift_right_arithmetic3A_1633 : i32 to vector<16xi32>
      %shift_right_arithmetic3A_1635 = arith.shrsi %add3A_1632, %shift_right_arithmetic3A_1634 : vector<16xi32>
      %and3A_1636 = arith.constant 15 : i32
      %and3A_1637 = vector.broadcast %and3A_1636 : i32 to vector<16xi32>
      %and3A_1638 = arith.andi %add3A_1632, %and3A_1637 : vector<16xi32>
      %gather3A_1639 = tpu.vector_load_idx %arg9[%shift_right_arithmetic3A_1635, %and3A_1638] : memref<3072x16xf32, #tpu.memory_space<vmem>>[vector<16xi32>, vector<16xi32>], vector<16xf32>,
      %add3A_1640 = arith.addf %add3A_1629, %gather3A_1639 : vector<16xf32>
      %add3A_1641 = arith.constant 4 : i32
      %add3A_1642 = vector.broadcast %add3A_1641 : i32 to vector<16xi32>
      %add3A_1643 = arith.addi %get3A_1603, %add3A_1642 : vector<16xi32>
      %shift_right_arithmetic3A_1644 = arith.constant 4 : i32
      %shift_right_arithmetic3A_1645 = vector.broadcast %shift_right_arithmetic3A_1644 : i32 to vector<16xi32>
      %shift_right_arithmetic3A_1646 = arith.shrsi %add3A_1643, %shift_right_arithmetic3A_1645 : vector<16xi32>
      %and3A_1647 = arith.constant 15 : i32
      %and3A_1648 = vector.broadcast %and3A_1647 : i32 to vector<16xi32>
      %and3A_1649 = arith.andi %add3A_1643, %and3A_1648 : vector<16xi32>
      %gather3A_1650 = tpu.vector_load_idx %arg9[%shift_right_arithmetic3A_1646, %and3A_1649] : memref<3072x16xf32, #tpu.memory_space<vmem>>[vector<16xi32>, vector<16xi32>], vector<16xf32>,
      %add3A_1651 = arith.addf %add3A_1640, %gather3A_1650 : vector<16xf32>
      %add3A_1652 = arith.constant 5 : i32
      %add3A_1653 = vector.broadcast %add3A_1652 : i32 to vector<16xi32>
      %add3A_1654 = arith.addi %get3A_1603, %add3A_1653 : vector<16xi32>
      %shift_right_arithmetic3A_1655 = arith.constant 4 : i32
      %shift_right_arithmetic3A_1656 = vector.broadcast %shift_right_arithmetic3A_1655 : i32 to vector<16xi32>
      %shift_right_arithmetic3A_1657 = arith.shrsi %add3A_1654, %shift_right_arithmetic3A_1656 : vector<16xi32>
      %and3A_1658 = arith.constant 15 : i32
      %and3A_1659 = vector.broadcast %and3A_1658 : i32 to vector<16xi32>
      %and3A_1660 = arith.andi %add3A_1654, %and3A_1659 : vector<16xi32>
      %gather3A_1661 = tpu.vector_load_idx %arg9[%shift_right_arithmetic3A_1657, %and3A_1660] : memref<3072x16xf32, #tpu.memory_space<vmem>>[vector<16xi32>, vector<16xi32>], vector<16xf32>,
      %add3A_1662 = arith.addf %add3A_1651, %gather3A_1661 : vector<16xf32>
      %add3A_1663 = arith.constant 6 : i32
      %add3A_1664 = vector.broadcast %add3A_1663 : i32 to vector<16xi32>
      %add3A_1665 = arith.addi %get3A_1603, %add3A_1664 : vector<16xi32>
      %shift_right_arithmetic3A_1666 = arith.constant 4 : i32
      %shift_right_arithmetic3A_1667 = vector.broadcast %shift_right_arithmetic3A_1666 : i32 to vector<16xi32>
      %shift_right_arithmetic3A_1668 = arith.shrsi %add3A_1665, %shift_right_arithmetic3A_1667 : vector<16xi32>
      %and3A_1669 = arith.constant 15 : i32
      %and3A_1670 = vector.broadcast %and3A_1669 : i32 to vector<16xi32>
      %and3A_1671 = arith.andi %add3A_1665, %and3A_1670 : vector<16xi32>
      %gather3A_1672 = tpu.vector_load_idx %arg9[%shift_right_arithmetic3A_1668, %and3A_1671] : memref<3072x16xf32, #tpu.memory_space<vmem>>[vector<16xi32>, vector<16xi32>], vector<16xf32>,
      %add3A_1673 = arith.addf %add3A_1662, %gather3A_1672 : vector<16xf32>
      %add3A_1674 = arith.constant 7 : i32
      %add3A_1675 = vector.broadcast %add3A_1674 : i32 to vector<16xi32>
      %add3A_1676 = arith.addi %get3A_1603, %add3A_1675 : vector<16xi32>
      %shift_right_arithmetic3A_1677 = arith.constant 4 : i32
      %shift_right_arithmetic3A_1678 = vector.broadcast %shift_right_arithmetic3A_1677 : i32 to vector<16xi32>
      %shift_right_arithmetic3A_1679 = arith.shrsi %add3A_1676, %shift_right_arithmetic3A_1678 : vector<16xi32>
      %and3A_1680 = arith.constant 15 : i32
      %and3A_1681 = vector.broadcast %and3A_1680 : i32 to vector<16xi32>
      %and3A_1682 = arith.andi %add3A_1676, %and3A_1681 : vector<16xi32>
      %gather3A_1683 = tpu.vector_load_idx %arg9[%shift_right_arithmetic3A_1679, %and3A_1682] : memref<3072x16xf32, #tpu.memory_space<vmem>>[vector<16xi32>, vector<16xi32>], vector<16xf32>,
      %add3A_1684 = arith.addf %add3A_1673, %gather3A_1683 : vector<16xf32>
      %add3A_1685 = arith.constant 8 : i32
      %add3A_1686 = vector.broadcast %add3A_1685 : i32 to vector<16xi32>
      %add3A_1687 = arith.addi %get3A_1603, %add3A_1686 : vector<16xi32>
      %shift_right_arithmetic3A_1688 = arith.constant 4 : i32
      %shift_right_arithmetic3A_1689 = vector.broadcast %shift_right_arithmetic3A_1688 : i32 to vector<16xi32>
      %shift_right_arithmetic3A_1690 = arith.shrsi %add3A_1687, %shift_right_arithmetic3A_1689 : vector<16xi32>
      %and3A_1691 = arith.constant 15 : i32
      %and3A_1692 = vector.broadcast %and3A_1691 : i32 to vector<16xi32>
      %and3A_1693 = arith.andi %add3A_1687, %and3A_1692 : vector<16xi32>
      %gather3A_1694 = tpu.vector_load_idx %arg9[%shift_right_arithmetic3A_1690, %and3A_1693] : memref<3072x16xf32, #tpu.memory_space<vmem>>[vector<16xi32>, vector<16xi32>], vector<16xf32>,
      %add3A_1695 = arith.addf %add3A_1684, %gather3A_1694 : vector<16xf32>
      %add3A_1696 = arith.constant 9 : i32
      %add3A_1697 = vector.broadcast %add3A_1696 : i32 to vector<16xi32>
      %add3A_1698 = arith.addi %get3A_1603, %add3A_1697 : vector<16xi32>
      %shift_right_arithmetic3A_1699 = arith.constant 4 : i32
      %shift_right_arithmetic3A_1700 = vector.broadcast %shift_right_arithmetic3A_1699 : i32 to vector<16xi32>
      %shift_right_arithmetic3A_1701 = arith.shrsi %add3A_1698, %shift_right_arithmetic3A_1700 : vector<16xi32>
      %and3A_1702 = arith.constant 15 : i32
      %and3A_1703 = vector.broadcast %and3A_1702 : i32 to vector<16xi32>
      %and3A_1704 = arith.andi %add3A_1698, %and3A_1703 : vector<16xi32>
      %gather3A_1705 = tpu.vector_load_idx %arg9[%shift_right_arithmetic3A_1701, %and3A_1704] : memref<3072x16xf32, #tpu.memory_space<vmem>>[vector<16xi32>, vector<16xi32>], vector<16xf32>,
      %add3A_1706 = arith.addf %add3A_1695, %gather3A_1705 : vector<16xf32>
      %add3A_1707 = arith.constant 10 : i32
      %add3A_1708 = vector.broadcast %add3A_1707 : i32 to vector<16xi32>
      %add3A_1709 = arith.addi %get3A_1603, %add3A_1708 : vector<16xi32>
      %shift_right_arithmetic3A_1710 = arith.constant 4 : i32
      %shift_right_arithmetic3A_1711 = vector.broadcast %shift_right_arithmetic3A_1710 : i32 to vector<16xi32>
      %shift_right_arithmetic3A_1712 = arith.shrsi %add3A_1709, %shift_right_arithmetic3A_1711 : vector<16xi32>
      %and3A_1713 = arith.constant 15 : i32
      %and3A_1714 = vector.broadcast %and3A_1713 : i32 to vector<16xi32>
      %and3A_1715 = arith.andi %add3A_1709, %and3A_1714 : vector<16xi32>
      %gather3A_1716 = tpu.vector_load_idx %arg9[%shift_right_arithmetic3A_1712, %and3A_1715] : memref<3072x16xf32, #tpu.memory_space<vmem>>[vector<16xi32>, vector<16xi32>], vector<16xf32>,
      %add3A_1717 = arith.addf %add3A_1706, %gather3A_1716 : vector<16xf32>
      %add3A_1718 = arith.constant 11 : i32
      %add3A_1719 = vector.broadcast %add3A_1718 : i32 to vector<16xi32>
      %add3A_1720 = arith.addi %get3A_1603, %add3A_1719 : vector<16xi32>
      %shift_right_arithmetic3A_1721 = arith.constant 4 : i32
      %shift_right_arithmetic3A_1722 = vector.broadcast %shift_right_arithmetic3A_1721 : i32 to vector<16xi32>
      %shift_right_arithmetic3A_1723 = arith.shrsi %add3A_1720, %shift_right_arithmetic3A_1722 : vector<16xi32>
      %and3A_1724 = arith.constant 15 : i32
      %and3A_1725 = vector.broadcast %and3A_1724 : i32 to vector<16xi32>
      %and3A_1726 = arith.andi %add3A_1720, %and3A_1725 : vector<16xi32>
      %gather3A_1727 = tpu.vector_load_idx %arg9[%shift_right_arithmetic3A_1723, %and3A_1726] : memref<3072x16xf32, #tpu.memory_space<vmem>>[vector<16xi32>, vector<16xi32>], vector<16xf32>,
      %add3A_1728 = arith.addf %add3A_1717, %gather3A_1727 : vector<16xf32>
      %add3A_1729 = arith.constant 12 : i32
      %add3A_1730 = vector.broadcast %add3A_1729 : i32 to vector<16xi32>
      %add3A_1731 = arith.addi %get3A_1603, %add3A_1730 : vector<16xi32>
      %shift_right_arithmetic3A_1732 = arith.constant 4 : i32
      %shift_right_arithmetic3A_1733 = vector.broadcast %shift_right_arithmetic3A_1732 : i32 to vector<16xi32>
      %shift_right_arithmetic3A_1734 = arith.shrsi %add3A_1731, %shift_right_arithmetic3A_1733 : vector<16xi32>
      %and3A_1735 = arith.constant 15 : i32
      %and3A_1736 = vector.broadcast %and3A_1735 : i32 to vector<16xi32>
      %and3A_1737 = arith.andi %add3A_1731, %and3A_1736 : vector<16xi32>
      %gather3A_1738 = tpu.vector_load_idx %arg9[%shift_right_arithmetic3A_1734, %and3A_1737] : memref<3072x16xf32, #tpu.memory_space<vmem>>[vector<16xi32>, vector<16xi32>], vector<16xf32>,
      %add3A_1739 = arith.addf %add3A_1728, %gather3A_1738 : vector<16xf32>
      %add3A_1740 = arith.constant 13 : i32
      %add3A_1741 = vector.broadcast %add3A_1740 : i32 to vector<16xi32>
      %add3A_1742 = arith.addi %get3A_1603, %add3A_1741 : vector<16xi32>
      %shift_right_arithmetic3A_1743 = arith.constant 4 : i32
      %shift_right_arithmetic3A_1744 = vector.broadcast %shift_right_arithmetic3A_1743 : i32 to vector<16xi32>
      %shift_right_arithmetic3A_1745 = arith.shrsi %add3A_1742, %shift_right_arithmetic3A_1744 : vector<16xi32>
      %and3A_1746 = arith.constant 15 : i32
      %and3A_1747 = vector.broadcast %and3A_1746 : i32 to vector<16xi32>
      %and3A_1748 = arith.andi %add3A_1742, %and3A_1747 : vector<16xi32>
      %gather3A_1749 = tpu.vector_load_idx %arg9[%shift_right_arithmetic3A_1745, %and3A_1748] : memref<3072x16xf32, #tpu.memory_space<vmem>>[vector<16xi32>, vector<16xi32>], vector<16xf32>,
      %add3A_1750 = arith.addf %add3A_1739, %gather3A_1749 : vector<16xf32>
      %add3A_1751 = arith.constant 14 : i32
      %add3A_1752 = vector.broadcast %add3A_1751 : i32 to vector<16xi32>
      %add3A_1753 = arith.addi %get3A_1603, %add3A_1752 : vector<16xi32>
      %shift_right_arithmetic3A_1754 = arith.constant 4 : i32
      %shift_right_arithmetic3A_1755 = vector.broadcast %shift_right_arithmetic3A_1754 : i32 to vector<16xi32>
      %shift_right_arithmetic3A_1756 = arith.shrsi %add3A_1753, %shift_right_arithmetic3A_1755 : vector<16xi32>
      %and3A_1757 = arith.constant 15 : i32
      %and3A_1758 = vector.broadcast %and3A_1757 : i32 to vector<16xi32>
      %and3A_1759 = arith.andi %add3A_1753, %and3A_1758 : vector<16xi32>
      %gather3A_1760 = tpu.vector_load_idx %arg9[%shift_right_arithmetic3A_1756, %and3A_1759] : memref<3072x16xf32, #tpu.memory_space<vmem>>[vector<16xi32>, vector<16xi32>], vector<16xf32>,
      %add3A_1761 = arith.addf %add3A_1750, %gather3A_1760 : vector<16xf32>
      %add3A_1762 = arith.constant 15 : i32
      %add3A_1763 = vector.broadcast %add3A_1762 : i32 to vector<16xi32>
      %add3A_1764 = arith.addi %get3A_1603, %add3A_1763 : vector<16xi32>
      %shift_right_arithmetic3A_1765 = arith.constant 4 : i32
      %shift_right_arithmetic3A_1766 = vector.broadcast %shift_right_arithmetic3A_1765 : i32 to vector<16xi32>
      %shift_right_arithmetic3A_1767 = arith.shrsi %add3A_1764, %shift_right_arithmetic3A_1766 : vector<16xi32>
      %and3A_1768 = arith.constant 15 : i32
      %and3A_1769 = vector.broadcast %and3A_1768 : i32 to vector<16xi32>
      %and3A_1770 = arith.andi %add3A_1764, %and3A_1769 : vector<16xi32>
      %gather3A_1771 = tpu.vector_load_idx %arg9[%shift_right_arithmetic3A_1767, %and3A_1770] : memref<3072x16xf32, #tpu.memory_space<vmem>>[vector<16xi32>, vector<16xi32>], vector<16xf32>,
      %add3A_1772 = arith.addf %add3A_1761, %gather3A_1771 : vector<16xf32>
      %add3A_1773 = arith.constant 16 : i32
      %add3A_1774 = vector.broadcast %add3A_1773 : i32 to vector<16xi32>
      %add3A_1775 = arith.addi %get3A_1603, %add3A_1774 : vector<16xi32>
      %shift_right_arithmetic3A_1776 = arith.constant 4 : i32
      %shift_right_arithmetic3A_1777 = vector.broadcast %shift_right_arithmetic3A_1776 : i32 to vector<16xi32>
      %shift_right_arithmetic3A_1778 = arith.shrsi %add3A_1775, %shift_right_arithmetic3A_1777 : vector<16xi32>
      %and3A_1779 = arith.constant 15 : i32
      %and3A_1780 = vector.broadcast %and3A_1779 : i32 to vector<16xi32>
      %and3A_1781 = arith.andi %add3A_1775, %and3A_1780 : vector<16xi32>
      %gather3A_1782 = tpu.vector_load_idx %arg9[%shift_right_arithmetic3A_1778, %and3A_1781] : memref<3072x16xf32, #tpu.memory_space<vmem>>[vector<16xi32>, vector<16xi32>], vector<16xf32>,
      %add3A_1783 = arith.addf %add3A_1772, %gather3A_1782 : vector<16xf32>
      %add3A_1784 = arith.constant 17 : i32
      %add3A_1785 = vector.broadcast %add3A_1784 : i32 to vector<16xi32>
      %add3A_1786 = arith.addi %get3A_1603, %add3A_1785 : vector<16xi32>
      %shift_right_arithmetic3A_1787 = arith.constant 4 : i32
      %shift_right_arithmetic3A_1788 = vector.broadcast %shift_right_arithmetic3A_1787 : i32 to vector<16xi32>
      %shift_right_arithmetic3A_1789 = arith.shrsi %add3A_1786, %shift_right_arithmetic3A_1788 : vector<16xi32>
      %and3A_1790 = arith.constant 15 : i32
      %and3A_1791 = vector.broadcast %and3A_1790 : i32 to vector<16xi32>
      %and3A_1792 = arith.andi %add3A_1786, %and3A_1791 : vector<16xi32>
      %gather3A_1793 = tpu.vector_load_idx %arg9[%shift_right_arithmetic3A_1789, %and3A_1792] : memref<3072x16xf32, #tpu.memory_space<vmem>>[vector<16xi32>, vector<16xi32>], vector<16xf32>,
      %add3A_1794 = arith.addf %add3A_1783, %gather3A_1793 : vector<16xf32>
      %add3A_1795 = arith.constant 18 : i32
      %add3A_1796 = vector.broadcast %add3A_1795 : i32 to vector<16xi32>
      %add3A_1797 = arith.addi %get3A_1603, %add3A_1796 : vector<16xi32>
      %shift_right_arithmetic3A_1798 = arith.constant 4 : i32
      %shift_right_arithmetic3A_1799 = vector.broadcast %shift_right_arithmetic3A_1798 : i32 to vector<16xi32>
      %shift_right_arithmetic3A_1800 = arith.shrsi %add3A_1797, %shift_right_arithmetic3A_1799 : vector<16xi32>
      %and3A_1801 = arith.constant 15 : i32
      %and3A_1802 = vector.broadcast %and3A_1801 : i32 to vector<16xi32>
      %and3A_1803 = arith.andi %add3A_1797, %and3A_1802 : vector<16xi32>
      %gather3A_1804 = tpu.vector_load_idx %arg9[%shift_right_arithmetic3A_1800, %and3A_1803] : memref<3072x16xf32, #tpu.memory_space<vmem>>[vector<16xi32>, vector<16xi32>], vector<16xf32>,
      %add3A_1805 = arith.addf %add3A_1794, %gather3A_1804 : vector<16xf32>
      %add3A_1806 = arith.constant 19 : i32
      %add3A_1807 = vector.broadcast %add3A_1806 : i32 to vector<16xi32>
      %add3A_1808 = arith.addi %get3A_1603, %add3A_1807 : vector<16xi32>
      %shift_right_arithmetic3A_1809 = arith.constant 4 : i32
      %shift_right_arithmetic3A_1810 = vector.broadcast %shift_right_arithmetic3A_1809 : i32 to vector<16xi32>
      %shift_right_arithmetic3A_1811 = arith.shrsi %add3A_1808, %shift_right_arithmetic3A_1810 : vector<16xi32>
      %and3A_1812 = arith.constant 15 : i32
      %and3A_1813 = vector.broadcast %and3A_1812 : i32 to vector<16xi32>
      %and3A_1814 = arith.andi %add3A_1808, %and3A_1813 : vector<16xi32>
      %gather3A_1815 = tpu.vector_load_idx %arg9[%shift_right_arithmetic3A_1811, %and3A_1814] : memref<3072x16xf32, #tpu.memory_space<vmem>>[vector<16xi32>, vector<16xi32>], vector<16xf32>,
      %add3A_1816 = arith.addf %add3A_1805, %gather3A_1815 : vector<16xf32>
      %add3A_1817 = arith.constant 20 : i32
      %add3A_1818 = vector.broadcast %add3A_1817 : i32 to vector<16xi32>
      %add3A_1819 = arith.addi %get3A_1603, %add3A_1818 : vector<16xi32>
      %shift_right_arithmetic3A_1820 = arith.constant 4 : i32
      %shift_right_arithmetic3A_1821 = vector.broadcast %shift_right_arithmetic3A_1820 : i32 to vector<16xi32>
      %shift_right_arithmetic3A_1822 = arith.shrsi %add3A_1819, %shift_right_arithmetic3A_1821 : vector<16xi32>
      %and3A_1823 = arith.constant 15 : i32
      %and3A_1824 = vector.broadcast %and3A_1823 : i32 to vector<16xi32>
      %and3A_1825 = arith.andi %add3A_1819, %and3A_1824 : vector<16xi32>
      %gather3A_1826 = tpu.vector_load_idx %arg9[%shift_right_arithmetic3A_1822, %and3A_1825] : memref<3072x16xf32, #tpu.memory_space<vmem>>[vector<16xi32>, vector<16xi32>], vector<16xf32>,
      %add3A_1827 = arith.addf %add3A_1816, %gather3A_1826 : vector<16xf32>
      %gt3A = arith.constant 0.000000e+00 : f32
      %gt3A_1828 = vector.broadcast %gt3A : f32 to vector<16xf32>
      %gt3A_1829 = arith.cmpf ogt, %add3A_1827, %gt3A_1828 : vector<16xf32>
      %jit3A = arith.constant 1.000000e+00 : f32
      %jit3A_1830 = arith.constant 0.000000e+00 : f32
      %broadcast_in_dim3A = vector.broadcast %jit3A : f32 to vector<16xf32>
      %broadcast_in_dim3A_1831 = vector.broadcast %jit3A_1830 : f32 to vector<16xf32>
      %select_n3A = arith.select %gt3A_1829, %broadcast_in_dim3A, %broadcast_in_dim3A_1831 : vector<16xi1>, vector<16xf32>
      %mul3A_1832 = arith.constant 16 : i32
      %mul3A_1833 = arith.muli %scan3A_1600, %mul3A_1832 : i32
      %swap3A = arith.index_cast %mul3A_1833 : i32 to index
      %swap3A_1834 = tpu.vector_load %arg11[%swap3A] {strides = array<i32>} : memref<1024xf32, #tpu.memory_space<vmem>>, vector<16xf32>,
      tpu.vector_store %arg11[%swap3A], %select_n3A {strides = array<i32>} : memref<1024xf32, #tpu.memory_space<vmem>>, vector<16xf32>,
    }
    %scan3A_1599 = arith.constant 64 : i32
    "tpu.region"() ({
      %run_scoped3A = tpu.sem_alloc : memref<!tpu.dma_semaphore, #tpu.memory_space<semaphore_mem>>
      %dma_start3A_1600 = tpu.memref_slice %arg5[%mul3A_1593] : memref<131072xf32, #tpu.memory_space<hbm>> -> memref<1024xf32, #tpu.memory_space<hbm>>
      %dma_start3A_1601 = tpu.memref_slice %arg5[%mul3A_1593] : memref<131072xf32, #tpu.memory_space<hbm>> -> memref<1024xf32, #tpu.memory_space<hbm>>
      tpu.enqueue_dma source(%arg11 : memref<1024xf32, #tpu.memory_space<vmem>>) target(%dma_start3A_1601 : memref<1024xf32, #tpu.memory_space<hbm>>) target_semaphore(%run_scoped3A : memref<!tpu.dma_semaphore, #tpu.memory_space<semaphore_mem>>)
      %dma_wait3A_1602 = tpu.memref_slice %arg5[%mul3A_1593] : memref<131072xf32, #tpu.memory_space<hbm>> -> memref<1024xf32, #tpu.memory_space<hbm>>
      %dma_wait3A_1603 = tpu.memref_slice %arg5[%mul3A_1593] : memref<131072xf32, #tpu.memory_space<hbm>> -> memref<1024xf32, #tpu.memory_space<hbm>>
      tpu.wait_dma2 semaphore(%run_scoped3A : memref<!tpu.dma_semaphore, #tpu.memory_space<semaphore_mem>>) src(%arg11 : memref<1024xf32, #tpu.memory_space<vmem>>) dst(%dma_wait3A_1603 : memref<1024xf32, #tpu.memory_space<hbm>>)
      tpu.yield
    }) : () -> ()
    return
  }
}

module attributes {stable_mosaic.version = 14 : i64} {
  func.func @_tc_full_body(%arg0: i32, %arg1: memref<512x2178xf32, #tpu.memory_space<vmem>>, %arg2: memref<2178x32xbf16, #tpu.memory_space<vmem>>, %arg3: memref<13x128xf32, #tpu.memory_space<vmem>>, %arg4: memref<16x128xf32, #tpu.memory_space<vmem>>, %arg5: memref<128x256xf32, #tpu.memory_space<vmem>>, %arg6: memref<1x128xf32, #tpu.memory_space<vmem>>, %arg7: memref<512x128xf32, #tpu.memory_space<vmem>>) attributes {dimension_semantics = [#tpu.dimension_semantics<parallel>], iteration_bounds = array<i64: 24>, scalar_prefetch = 0 : i64, scratch_operands = 0 : i64, tpu.core_type = #tpu.core_type<tc>, window_params = [{transform_indices = @transform_0, window_bounds = array<i64: 512, 2178>}, {pipeline_mode = #tpu.pipeline_mode<synchronous>, transform_indices = @transform_1, window_bounds = array<i64: 2178, 32>}, {pipeline_mode = #tpu.pipeline_mode<synchronous>, transform_indices = @transform_2, window_bounds = array<i64: 13, 128>}, {pipeline_mode = #tpu.pipeline_mode<synchronous>, transform_indices = @transform_3, window_bounds = array<i64: 16, 128>}, {pipeline_mode = #tpu.pipeline_mode<synchronous>, transform_indices = @transform_4, window_bounds = array<i64: 128, 256>}, {pipeline_mode = #tpu.pipeline_mode<synchronous>, transform_indices = @transform_5, window_bounds = array<i64: 1, 128>}, {transform_indices = @transform_6, window_bounds = array<i64: 512, 128>}]} {
    %get3A = arith.constant 0 : index
    %get3A_0 = arith.constant 0 : index
    %get3A_1 = vector.load %arg1[%get3A, %get3A_0] : memref<512x2178xf32, #tpu.memory_space<vmem>>, vector<512x2178xf32>
    %convert_element_type3A = arith.truncf %get3A_1 : vector<512x2178xf32> to vector<512x2178xbf16>
    %get3A_2 = arith.constant 0 : index
    %get3A_3 = arith.constant 0 : index
    %get3A_4 = vector.load %arg2[%get3A_2, %get3A_3] : memref<2178x32xbf16, #tpu.memory_space<vmem>>, vector<2178x32xbf16>
    %dot_general3A = arith.constant dense<0.000000e+00> : vector<512x32xf32>
    %dot_general3A_5 = tpu.matmul %convert_element_type3A, %get3A_4, %dot_general3A {dimension_numbers = #tpu.dot_dimension_numbers<[1], [0], [0], [1], [0, 0, 1, 1], [], []>, transpose_lhs_hint = false} : vector<512x2178xbf16>, vector<2178x32xbf16>, vector<512x32xf32> -> vector<512x32xf32>
    %gt3A = arith.constant 0.000000e+00 : f32
    %gt3A_6 = vector.broadcast %gt3A : f32 to vector<512x32xf32>
    %gt3A_7 = arith.cmpf ogt, %dot_general3A_5, %gt3A_6 : vector<512x32xf32>
    %convert_element_type3A_8 = arith.extui %gt3A_7 : vector<512x32xi1> to vector<512x32xi32>
    %convert_element_type3A_9 = arith.sitofp %convert_element_type3A_8 : vector<512x32xi32> to vector<512x32xf32>
    %get3A_10 = arith.constant 0 : index
    %get3A_11 = arith.constant 0 : index
    %get3A_12 = vector.load %arg3[%get3A_10, %get3A_11] : memref<13x128xf32, #tpu.memory_space<vmem>>, vector<13x128xf32>
    %get3A_13 = arith.constant 0 : index
    %get3A_14 = arith.constant 0 : index
    %get3A_15 = vector.load %arg5[%get3A_13, %get3A_14] : memref<128x256xf32, #tpu.memory_space<vmem>>, vector<128x128xf32>
    %dot_general3A_16 = arith.constant dense<0.000000e+00> : vector<13x128xf32>
    %dot_general3A_17 = tpu.matmul %get3A_12, %get3A_15, %dot_general3A_16 {dimension_numbers = #tpu.dot_dimension_numbers<[1], [1], [0], [0], [0, 0, 1, 0], [], []>, transpose_lhs_hint = false} : vector<13x128xf32>, vector<128x128xf32>, vector<13x128xf32> -> vector<13x128xf32>
    %get3A_18 = arith.constant 0 : index
    %get3A_19 = arith.constant 0 : index
    %get3A_20 = vector.load %arg4[%get3A_18, %get3A_19] : memref<16x128xf32, #tpu.memory_space<vmem>>, vector<16x128xf32>
    %get3A_21 = arith.constant 0 : index
    %get3A_22 = arith.constant 128 : index
    %get3A_23 = vector.load %arg5[%get3A_21, %get3A_22] : memref<128x256xf32, #tpu.memory_space<vmem>>, vector<128x128xf32>
    %dot_general3A_24 = arith.constant dense<0.000000e+00> : vector<16x128xf32>
    %dot_general3A_25 = tpu.matmul %get3A_20, %get3A_23, %dot_general3A_24 {dimension_numbers = #tpu.dot_dimension_numbers<[1], [1], [0], [0], [0, 0, 1, 0], [], []>, transpose_lhs_hint = false} : vector<16x128xf32>, vector<128x128xf32>, vector<16x128xf32> -> vector<16x128xf32>
    %broadcast_in_dim3A = arith.constant 0.000000e+00 : f32
    %broadcast_in_dim3A_26 = vector.broadcast %broadcast_in_dim3A : f32 to vector<3x128xf32>
    %concatenate3A = tpu.concatenate %dot_general3A_17, %dot_general3A_25, %broadcast_in_dim3A_26 in 0 : vector<13x128xf32>, vector<16x128xf32>, vector<3x128xf32> -> vector<32x128xf32>
    %dot_general3A_27 = arith.constant dense<0.000000e+00> : vector<512x128xf32>
    %dot_general3A_28 = tpu.matmul %convert_element_type3A_9, %concatenate3A, %dot_general3A_27 {dimension_numbers = #tpu.dot_dimension_numbers<[1], [0], [0], [1], [0, 0, 1, 1], [], []>, transpose_lhs_hint = false} : vector<512x32xf32>, vector<32x128xf32>, vector<512x128xf32> -> vector<512x128xf32>
    %get3A_29 = arith.constant 0 : index
    %get3A_30 = arith.constant 0 : index
    %get3A_31 = vector.load %arg6[%get3A_29, %get3A_30] : memref<1x128xf32, #tpu.memory_space<vmem>>, vector<1x128xf32>
    %add3A = vector.broadcast %get3A_31 : vector<1x128xf32> to vector<512x128xf32>
    %add3A_32 = arith.addf %dot_general3A_28, %add3A : vector<512x128xf32>
    %swap3A = arith.constant 0 : index
    %swap3A_33 = arith.constant 0 : index
    %swap3A_34 = vector.load %arg7[%swap3A, %swap3A_33] : memref<512x128xf32, #tpu.memory_space<vmem>>, vector<512x128xf32>
    tpu.vector_store %arg7[%swap3A, %swap3A_33], %add3A_32 {strides = array<i32>} : memref<512x128xf32, #tpu.memory_space<vmem>>, vector<512x128xf32>,
    return
  }
  func.func @transform_0(%arg0: i32) -> (i32, i32) {
    %c0_i32 = arith.constant 0 : i32
    %c0_i32_0 = arith.constant 0 : i32
    return %arg0, %c0_i32 : i32, i32
  }
  func.func @transform_1(%arg0: i32) -> (i32, i32) {
    %c0_i32 = arith.constant 0 : i32
    %c0_i32_0 = arith.constant 0 : i32
    %c0_i32_1 = arith.constant 0 : i32
    return %c0_i32, %c0_i32_0 : i32, i32
  }
  func.func @transform_2(%arg0: i32) -> (i32, i32) {
    %c0_i32 = arith.constant 0 : i32
    %c0_i32_0 = arith.constant 0 : i32
    %c0_i32_1 = arith.constant 0 : i32
    return %c0_i32, %c0_i32_0 : i32, i32
  }
  func.func @transform_3(%arg0: i32) -> (i32, i32) {
    %c0_i32 = arith.constant 0 : i32
    %c0_i32_0 = arith.constant 0 : i32
    %c0_i32_1 = arith.constant 0 : i32
    return %c0_i32, %c0_i32_0 : i32, i32
  }
  func.func @transform_4(%arg0: i32) -> (i32, i32) {
    %c0_i32 = arith.constant 0 : i32
    %c0_i32_0 = arith.constant 0 : i32
    %c0_i32_1 = arith.constant 0 : i32
    return %c0_i32, %c0_i32_0 : i32, i32
  }
  func.func @transform_5(%arg0: i32) -> (i32, i32) {
    %c0_i32 = arith.constant 0 : i32
    %c0_i32_0 = arith.constant 0 : i32
    %c0_i32_1 = arith.constant 0 : i32
    return %c0_i32, %c0_i32_0 : i32, i32
  }
  func.func @transform_6(%arg0: i32) -> (i32, i32) {
    %c0_i32 = arith.constant 0 : i32
    %c0_i32_0 = arith.constant 0 : i32
    return %arg0, %c0_i32 : i32, i32
  }
}

module attributes {stable_mosaic.version = 14 : i64} {
  func.func @_tc_mut_body(%arg0: i32, %arg1: memref<2048x32xf32, #tpu.memory_space<vmem>>, %arg2: memref<13x128xf32, #tpu.memory_space<vmem>>, %arg3: memref<16x128xf32, #tpu.memory_space<vmem>>, %arg4: memref<128x256xf32, #tpu.memory_space<vmem>>, %arg5: memref<1x128xf32, #tpu.memory_space<vmem>>, %arg6: memref<2048x128xf32, #tpu.memory_space<vmem>>) attributes {dimension_semantics = [#tpu.dimension_semantics<parallel>], iteration_bounds = array<i64: 2>, scalar_prefetch = 0 : i64, scratch_operands = 0 : i64, tpu.core_type = #tpu.core_type<tc>, window_params = [{transform_indices = @transform_0, window_bounds = array<i64: 2048, 32>}, {pipeline_mode = #tpu.pipeline_mode<synchronous>, transform_indices = @transform_1, window_bounds = array<i64: 13, 128>}, {pipeline_mode = #tpu.pipeline_mode<synchronous>, transform_indices = @transform_2, window_bounds = array<i64: 16, 128>}, {pipeline_mode = #tpu.pipeline_mode<synchronous>, transform_indices = @transform_3, window_bounds = array<i64: 128, 256>}, {pipeline_mode = #tpu.pipeline_mode<synchronous>, transform_indices = @transform_4, window_bounds = array<i64: 1, 128>}, {transform_indices = @transform_5, window_bounds = array<i64: 2048, 128>}]} {
    %get3A = arith.constant 0 : index
    %get3A_0 = arith.constant 0 : index
    %get3A_1 = vector.load %arg1[%get3A, %get3A_0] : memref<2048x32xf32, #tpu.memory_space<vmem>>, vector<2048x32xf32>
    %get3A_2 = arith.constant 0 : index
    %get3A_3 = arith.constant 0 : index
    %get3A_4 = vector.load %arg2[%get3A_2, %get3A_3] : memref<13x128xf32, #tpu.memory_space<vmem>>, vector<13x128xf32>
    %get3A_5 = arith.constant 0 : index
    %get3A_6 = arith.constant 0 : index
    %get3A_7 = vector.load %arg4[%get3A_5, %get3A_6] : memref<128x256xf32, #tpu.memory_space<vmem>>, vector<128x128xf32>
    %dot_general3A = arith.constant dense<0.000000e+00> : vector<13x128xf32>
    %dot_general3A_8 = tpu.matmul %get3A_4, %get3A_7, %dot_general3A {dimension_numbers = #tpu.dot_dimension_numbers<[1], [1], [0], [0], [0, 0, 1, 0], [], []>, transpose_lhs_hint = false} : vector<13x128xf32>, vector<128x128xf32>, vector<13x128xf32> -> vector<13x128xf32>
    %get3A_9 = arith.constant 0 : index
    %get3A_10 = arith.constant 0 : index
    %get3A_11 = vector.load %arg3[%get3A_9, %get3A_10] : memref<16x128xf32, #tpu.memory_space<vmem>>, vector<16x128xf32>
    %get3A_12 = arith.constant 0 : index
    %get3A_13 = arith.constant 128 : index
    %get3A_14 = vector.load %arg4[%get3A_12, %get3A_13] : memref<128x256xf32, #tpu.memory_space<vmem>>, vector<128x128xf32>
    %dot_general3A_15 = arith.constant dense<0.000000e+00> : vector<16x128xf32>
    %dot_general3A_16 = tpu.matmul %get3A_11, %get3A_14, %dot_general3A_15 {dimension_numbers = #tpu.dot_dimension_numbers<[1], [1], [0], [0], [0, 0, 1, 0], [], []>, transpose_lhs_hint = false} : vector<16x128xf32>, vector<128x128xf32>, vector<16x128xf32> -> vector<16x128xf32>
    %broadcast_in_dim3A = arith.constant 0.000000e+00 : f32
    %broadcast_in_dim3A_17 = vector.broadcast %broadcast_in_dim3A : f32 to vector<3x128xf32>
    %concatenate3A = tpu.concatenate %dot_general3A_8, %dot_general3A_16, %broadcast_in_dim3A_17 in 0 : vector<13x128xf32>, vector<16x128xf32>, vector<3x128xf32> -> vector<32x128xf32>
    %dot_general3A_18 = arith.constant dense<0.000000e+00> : vector<2048x128xf32>
    %dot_general3A_19 = tpu.matmul %get3A_1, %concatenate3A, %dot_general3A_18 {dimension_numbers = #tpu.dot_dimension_numbers<[1], [0], [0], [1], [0, 0, 1, 1], [], []>, transpose_lhs_hint = false} : vector<2048x32xf32>, vector<32x128xf32>, vector<2048x128xf32> -> vector<2048x128xf32>
    %get3A_20 = arith.constant 0 : index
    %get3A_21 = arith.constant 0 : index
    %get3A_22 = vector.load %arg5[%get3A_20, %get3A_21] : memref<1x128xf32, #tpu.memory_space<vmem>>, vector<1x128xf32>
    %add3A = vector.broadcast %get3A_22 : vector<1x128xf32> to vector<2048x128xf32>
    %add3A_23 = arith.addf %dot_general3A_19, %add3A : vector<2048x128xf32>
    %swap3A = arith.constant 0 : index
    %swap3A_24 = arith.constant 0 : index
    %swap3A_25 = vector.load %arg6[%swap3A, %swap3A_24] : memref<2048x128xf32, #tpu.memory_space<vmem>>, vector<2048x128xf32>
    tpu.vector_store %arg6[%swap3A, %swap3A_24], %add3A_23 {strides = array<i32>} : memref<2048x128xf32, #tpu.memory_space<vmem>>, vector<2048x128xf32>,
    return
  }
  func.func @transform_0(%arg0: i32) -> (i32, i32) {
    %c0_i32 = arith.constant 0 : i32
    %c0_i32_0 = arith.constant 0 : i32
    return %arg0, %c0_i32 : i32, i32
  }
  func.func @transform_1(%arg0: i32) -> (i32, i32) {
    %c0_i32 = arith.constant 0 : i32
    %c0_i32_0 = arith.constant 0 : i32
    %c0_i32_1 = arith.constant 0 : i32
    return %c0_i32, %c0_i32_0 : i32, i32
  }
  func.func @transform_2(%arg0: i32) -> (i32, i32) {
    %c0_i32 = arith.constant 0 : i32
    %c0_i32_0 = arith.constant 0 : i32
    %c0_i32_1 = arith.constant 0 : i32
    return %c0_i32, %c0_i32_0 : i32, i32
  }
  func.func @transform_3(%arg0: i32) -> (i32, i32) {
    %c0_i32 = arith.constant 0 : i32
    %c0_i32_0 = arith.constant 0 : i32
    %c0_i32_1 = arith.constant 0 : i32
    return %c0_i32, %c0_i32_0 : i32, i32
  }
  func.func @transform_4(%arg0: i32) -> (i32, i32) {
    %c0_i32 = arith.constant 0 : i32
    %c0_i32_0 = arith.constant 0 : i32
    %c0_i32_1 = arith.constant 0 : i32
    return %c0_i32, %c0_i32_0 : i32, i32
  }
  func.func @transform_5(%arg0: i32) -> (i32, i32) {
    %c0_i32 = arith.constant 0 : i32
    %c0_i32_0 = arith.constant 0 : i32
    return %arg0, %c0_i32 : i32, i32
  }
}

</mosaic_0001>

<sc_bundles>
// kernel: kernel.5.cloned.1.call-start
scs
__scs_entry_jumppad:
0x0: {  	(pc) =	sbr.rel $0x88, $3  }
0x1: {  	(tag) =	ssettag $0x0;
	lr =	simm.s32 $0x1  }
0x2: {  	[smem:$0x3F9C] =	sst lr;
	_ =	strace $0xD0000000  }
0x3: {  	_ = 	snop  }
0x4: {  	_ = 	snop  }
0x5: {  	_ = 	snop  }
0x6: {  	_ = 	snop  }
0x7: {  	_ = 	snop  }
__scs_overlays_trampoline_lowered:
0x8: {  	[smem:$0x3FAB] =	sst s0  }
0x9: {  	[smem:$0x3FAC] =	sst s1  }
0xa: {  	[smem:$0x3FAD] =	sst s2  }
0xb: {  	[smem:$0x3FAE] =	sst s3  }
0xc: {  	[smem:$0x3FAF] =	sst s4  }
0xd: {  	[smem:$0x3FB0] =	sst s5  }
0xe: {  	[smem:$0x3FB1] =	sst s6  }
0xf: {  	[smem:$0x3FB2] =	sst s7  }
0x10: {  	[smem:$0x3FB3] =	sst s8  }
0x11: {  	[smem:$0x3FB4] =	sst s9;
	s0 =	simm.s32 @!p0 $0x0  }
0x12: {  	s1 =	sld [smem:$0x3F9A];
	s0 =	simm.s32 @p0 $0x1  }
0x13: {  	[smem:$0x3FB5] =	sst s0;
	s0 =	simm.s32 @!p1 $0x0  }
0x14: {  	s2 =	sld [smem:$0x3F99];
	s0 =	simm.s32 @p1 $0x1  }
0x15: {  	[smem:$0x3FB6] =	sst s0;
	s0 =	simm.s32 @!p2 $0x0  }
0x16: {  	s3 =	sld [smem:$0x3FDB];
	s0 =	simm.s32 @p2 $0x1  }
0x17: {  	s4 =	simm.s32 $0x1BF5;
	[smem:$0x3FB8] =	sst s0  }
0x18: {  	s0 =	sld [smem:$0x3F9B];
	_ =	swait.ge [sflag:s4], $0x0  }
0x19: {  	s7 =	sld [smem:$0x3F9C]  }
0x1a: {  	s8 =	sadd.s32 $0xFFFFE003, lr  }
0x1b: {  	s9 =	sadd.s32 $0xFFFFFEF7, lr;
	s5 =	simm.s32 $0xFFFFFFFF;
	p2 =	slt.u32 s8, $0xFFFFF086  }
0x1c: {  	p1 =	slt.u32 s9, $0xF7A;
	s5 =	simm.s32 @!p2 $0x0  }
0x1d: {  	s5 =	simm.s32 @p1 $0x1;
	p0 =	seq.s32 s7, s2  }
0x1e: {  	s7 =	smul.u32 @!p0 $0xF7A, s2;
	p2 =	seq.s32 @!p0 s5, $0x0  }
0x1f: {  	s9 =	smul.u32 $0xF7A, s1;
	s8 =	simm.s32 @!p0 $0x1BF5;
	p2 =	por !p2, p0  }
0x20: {  	[sflag:s8] =	ssyncset.s32 @!p0 $0xFFFFF086;
	s6 =	sadd.s32 @!p0 s3, s7;
	s7 =	simm.s32 @!p0 $0x108  }
0x21: {  	s3 =	sadd.s32 s3, s9;
	s6 =	sadd.s32 @!p0 $0x88, s6;
	s7 =	simm.s32 @p2 $0x1082  }
0x22: {  	[simem:s7], [sflag:s8] =	dma.local @!p0 [hbm:s6], $0xF7A  }
0x23: {  	s9 =	sor.u32 $0xD0000000, s2;
	s6 =	simm.s32 $0x108;
	_ =	swait.ge @!p0 [sflag:s8], $0x0  }
0x24: {  	s3 =	sadd.s32 $0x88, s3;
	s6 =	simm.s32 @!p1 $0x1082;
	[sflag:s4] =	ssyncset.s32 $0xFFFFF086  }
0x25: {  	[simem:s6], [sflag:s4] =	dma.local [hbm:s3], $0xF7A  }
0x26: {  	[smem:$0x3F9C] =	sst s1;
	(tag) =	ssettag s2;
	_ =	strace s9  }
0x27: {  	s1 =	sld [smem:$0x3FAC]  }
0x28: {  	s2 =	sld [smem:$0x3FAD]  }
0x29: {  	s4 =	sld [smem:$0x3FAF]  }
0x2a: {  	p0 =	seq.s32 s5, $0x0;
	s5 =	sld [smem:$0x3FB0]  }
0x2b: {  	s6 =	sld [smem:$0x3FB1]  }
0x2c: {  	s7 =	sld [smem:$0x3FB2]  }
0x2d: {  	s3 =	simm.s32 $0x108;
	s8 =	sld [smem:$0x3FB3]  }
0x2e: {  	s3 =	simm.s32 @!p0 $0x1082;
	s9 =	sld [smem:$0x3FB4]  }
0x2f: {  	lr =	sadd.s32 s0, s3;
	s0 =	sld [smem:$0x3FAB]  }
0x30: {  	s3 =	sld [smem:$0x3FAE]  }
0x31: {  	[smem:$0x3FB7] =	sst s10  }
0x32: {  	s10 =	sld [smem:$0x3FB5];
	_ =	sdelay $0x3  }
0x33: {  	p0 =	seq.s32 s10, $0x1;
	s10 =	sld [smem:$0x3FB7];
	_ =	sdelay $0x3  }
0x34: {  	[smem:$0x3FB7] =	sst s10  }
0x35: {  	s10 =	sld [smem:$0x3FB6];
	_ =	sdelay $0x3  }
0x36: {  	p1 =	seq.s32 s10, $0x1;
	s10 =	sld [smem:$0x3FB7];
	_ =	sdelay $0x3  }
0x37: {  	[smem:$0x3FB7] =	sst s10  }
0x38: {  	s10 =	sld [smem:$0x3FB8]  }
0x39: {  	_ = 	snop;
	(pc) =	sbr.ind lr, $3  }
0x3a: {  	_ = 	snop  }
0x3b: {  	_ = 	snop  }
0x3c: {  	p2 =	seq.s32 s10, $0x1;
	s10 =	sld [smem:$0x3FB7]  }
0x3d: {  	_ =	shalt  }
0x3e: {  	_ =	shalt  }
0x3f: {  	_ =	shalt  }
0x40: {  	_ =	shalt  }
0x41: {  	_ =	shalt  }
0x42: {  	_ =	shalt  }
0x43: {  	_ =	shalt  }
0x44: {  	_ =	shalt  }
0x45: {  	_ =	shalt  }
0x46: {  	_ =	shalt  }
0x47: {  	_ =	shalt  }
0x48: {  	_ =	shalt  }
0x49: {  	_ =	shalt  }
0x4a: {  	_ =	shalt  }
0x4b: {  	_ =	shalt  }
0x4c: {  	_ =	shalt  }
0x4d: {  	_ =	shalt  }
0x4e: {  	_ =	shalt  }
0x4f: {  	_ =	shalt  }
0x50: {  	_ =	shalt  }
0x51: {  	_ =	shalt  }
0x52: {  	_ =	shalt  }
0x53: {  	_ =	shalt  }
0x54: {  	_ =	shalt  }
0x55: {  	_ =	shalt  }
0x56: {  	_ =	shalt  }
0x57: {  	_ =	shalt  }
0x58: {  	_ =	shalt  }
0x59: {  	_ =	shalt  }
0x5a: {  	_ =	shalt  }
0x5b: {  	_ =	shalt  }
0x5c: {  	_ =	shalt  }
0x5d: {  	_ =	shalt  }
0x5e: {  	_ =	shalt  }
0x5f: {  	_ =	shalt  }
0x60: {  	_ =	shalt  }
0x61: {  	_ =	shalt  }
0x62: {  	_ =	shalt  }
0x63: {  	_ =	shalt  }
0x64: {  	_ =	shalt  }
0x65: {  	_ =	shalt  }
0x66: {  	_ =	shalt  }
0x67: {  	_ =	shalt  }
0x68: {  	_ =	shalt  }
0x69: {  	_ =	shalt  }
0x6a: {  	_ =	shalt  }
0x6b: {  	_ =	shalt  }
0x6c: {  	_ =	shalt  }
0x6d: {  	_ =	shalt  }
0x6e: {  	_ =	shalt  }
0x6f: {  	_ =	shalt  }
0x70: {  	_ =	shalt  }
0x71: {  	_ =	shalt  }
0x72: {  	_ =	shalt  }
0x73: {  	_ =	shalt  }
0x74: {  	_ =	shalt  }
0x75: {  	_ =	shalt  }
0x76: {  	_ =	shalt  }
0x77: {  	_ =	shalt  }
0x78: {  	_ =	shalt  }
0x79: {  	_ =	shalt  }
0x7a: {  	_ =	shalt  }
0x7b: {  	_ =	shalt  }
0x7c: {  	_ =	shalt  }
0x7d: {  	_ =	shalt  }
0x7e: {  	_ =	shalt  }
0x7f: {  	_ =	shalt  }
0x80: {  	_ =	shalt  }
0x81: {  	_ =	shalt  }
0x82: {  	_ =	shalt  }
0x83: {  	_ =	shalt  }
0x84: {  	_ =	shalt  }
0x85: {  	_ =	shalt  }
0x86: {  	_ =	shalt  }
0x87: {  	_ =	shalt  }
.Lfunc_end0:
.L_simem_size_0:
called_computation_lowered:
.L_overlay_start_0:
0x88: {  	s2 =	sld [smem:$0x3FD9]  }
0x89: {  	s3 =	sld [smem:$0x3FFE];
	_ =	sdelay $0x1  }
0x8a: {  	s1 =	srdreg.scid  }
0x8b: {  	s0 =	sand.u32 $0x1, s1  }
0x8c: {  	s17 =	sshll.u32 s0, $0xA;
	s2 =	sadd.s32 s3, s2  }
0x8d: {  	s2 =	sadd.s32 s2, s17  }
0x8e: {  	[smem:$0x3FC3] =	sst s2  }
0x8f: {  	_ = 	snop  }
0x90: {  	s2 =	sld [smem:$0x3FD0];
	(tm) =	ssettm $0x1  }
0x91: {  	s18 =	sld [smem:$0x3FFB];
	_ =	sdelay $0x3  }
0x92: {  	_ =	strace s18  }
0x93: {  	s3 =	sld [smem:$0x3FFC];
	_ =	sdelay $0x3  }
0x94: {  	_ =	strace s3  }
0x95: {  	s3 =	sld [smem:$0x3FFD];
	_ =	sdelay $0x3  }
0x96: {  	_ =	strace s3  }
0x97: {  	_ =	strace $0x8FFFFFFF  }
0x98: {  	s19 =	sld [smem:$0x3FDB];
	_ =	sdelay $0x1  }
0x99: {  	s4 =	simm.s32 $_scs_section_size  }
0x9a: {  	s5 =	simm.s32 $_size__tile_overlayer_lowered;
	s6 =	simm.s32 $_tile_overlayer_lowered  }
0x9b: {  	s22 =	simm.s32 $0x1BFF;
	s21 =	sshll.u32 s6, $0x1;
	s3 =	sadd.s32 s4, s19  }
0x9c: {  	s7 =	simm.s32 $0x0;
	s20 =	sshll.u32 s5, $0x1;
	s5 =	sadd.s32 s21, s3  }
0x9d: {  	[timem:s7], [sflag:s22] =	dma.local [hbm:s5], s20  }
0x9e: {  	_ =	swait.ge [sflag:s22], s20  }
0x9f: {  	s4 =	ssub.s32 $0x0, s20;
	[sflag:s22] =	ssyncset.done $0x0  }
0xa0: {  	[sflag:s22] =	ssyncadd.s32 s4;
	_ =	sdelay $0x1  }
0xa1: {  	s23 =	simm.s32 $0x1B8B  }
0xa2: {  	_ =	swait.ge [sflag:s23], $0x1  }
0xa3: {  	[sflag:s23] =	ssyncset.done $0x0  }
0xa4: {  	s25 =	simm.s32 $0x1B8E;
	s24 =	sld [smem:$0x3FFE];
	[sflag:s23] =	ssyncadd.s32 $0xFFFFFFFF  }
0xa5: {  	s26 =	simm.s32 $execute0_lowered;
	[smem:$0x3FD2] =	sst s25  }
0xa6: {  	s5 =	sshll.u32 s26, $0x1;
	_ =	strace $0x80000046;
	[dreg:$0x1] =	wrdreg $0xFFFFFFFF  }
0xa7: {  	s28 =	simm.s32 $_size_execute0_lowered;
	s3 =	sadd.s32 s3, s5;
	[dreg:$0x0] =	wrdreg $0x0  }
0xa8: {  	s5 =	sshll.u32 s28, $0x1;
	[dreg:$0x2] =	wrdreg s3  }
0xa9: {  	[dreg:$0x3] =	wrdreg s5  }
0xaa: {  	[dreg:$0x4] =	wrdreg $0xC0  }
0xab: {  	_ =	task [dreg:s7], $0x5FFFF  }
0xac: {  	[dreg:$0x1] =	wrdreg $0xFFFFFFFF  }
0xad: {  	[dreg:$0x0] =	wrdreg $0x60  }
0xae: {  	[dreg:$0x2] =	wrdreg s24  }
0xaf: {  	[dreg:$0x3] =	wrdreg s2  }
0xb0: {  	[dreg:$0x4] =	wrdreg $0x9  }
0xb1: {  	_ =	task.clear_ibuf [dreg:s7], $0x5FFFF;
	_ =	strace $0x90000046  }
0xb2: {  	s29 =	simm.s32 $0x9;
	_ =	strace $0x80000048  }
0xb3: {  	_ =	swait.ge [sflag:s29], $0x1  }
0xb4: {  	[sflag:s29] =	ssyncadd.s32 $0xFFFFFFFF  }
0xb5: {  	_ =	strace $0x90000048  }
0xb6: {  	_ =	sfence  }
0xb7: {  	s30 =	sld [smem:$0x0];
	_ =	sdelay $0x2  }
0xb8: {  	s31 =	sshll.u32 s1, $0xD;
	s1 =	sshrl.u32 s1, $0x2  }
0xb9: {  	s3 =	sand.u32 $0x4000, s31;
	s1 =	sadd.s32 s1, s30  }
0xba: {  	s0 =	sor.u32 s3, s0;
	s1 =	sshll.u32 s1, $0x11  }
0xbb: {  	s0 =	sor.u32 s1, s0  }
0xbc: {  	s0 =	sadd.s32 $0x8F2B, s0  }
0xbd: {  	[sflag:s0] =	ssyncadd.remote.s32 $0x1  }
0xbe: {  	_ =	sfence.sel $0xFFFF  }
0xbf: {  	[dreg:$0x0] =	wrdreg $0xFFFFFFFF;
	(pc) =	sbr.abs _section_cstart, $3  }
0xc0: {  	[dreg:$0x1] =	wrdreg $0xFFFFFFFF  }
0xc1: {  	_ =	task.clear_ibuf [dreg:s7], $0x2FFFF;
	_ =	strace $0x9FFFFFFF  }
0xc2: {  	(tm) =	ssettm $0x7FFFFFFF  }
0xc3: {  	_ =	shalt  }
tec
execute0_lowered:
.L_overlay_start_1:
0x0: {  	(tag) =	ssettag $0x1  }
0x1: {  	s0 =	rddreg [dreg:$0x0]  }
0x2: {  	s1 =	rddreg [dreg:$0x1]  }
0x3: {  	s2 =	simm.s32 $0x0;
	s3 =	srdreg.scid;
	s5 =	stileid.u32  }
0x4: {  	s30 =	simm.s32 $0x1400;
	s31 =	simm.s32 $0x15800;
	s12 =	simm.s32 $0x1680  }
0x5: {  	[smem:$0x7FF] =	sst s2;
	s4 =	sand.u32 $0x1, s3;
	s3 =	sadd.s32 $0x481200, s0  }
0x6: {  	s13 =	sshll.u32 s5, $0x1;
	s6 =	sadd.s32 $0x8C2200, s0;
	s0 =	sadd.s32 $0x8C6200, s0  }
0x7: {  	_ =	strace $0x80000047;
	s5 =	sor.u32 s4, s13;
	s4 =	ssub.s32 $0x2, s4  }
0x8: {  	s13 =	simm.s32 $0x18800;
	s7 =	sshll.u32 s5, $0x7;
	s8 =	smul.u32 $0x600, s5  }
0x9: {  	s10 =	sshrl.u32 s4, $0x1;
	s5 =	sshll.u32 s5, $0x9;
	s9 =	sor.u32 $0x20, s7  }
0xa: {  	s4 =	ssub.s32 s4, s10;
	s14 =	sor.u32 $0x40, s7;
	s17 =	sadd.s32 s6, s5  }
0xb: {  	s5 =	sadd.s32 s0, s5;
	s18 =	sor.u32 $0x60, s7;
	s10 =	simm.s32 $0x16800  }
0xc: {  	s11 =	smul.u32 $0xC, s9;
	s8 =	sadd.s32 s1, s8;
	[dreg:$0x5] =	wrdreg s17  }
0xd: {  	s16 =	smul.u32 $0xC, s14;
	[dreg:$0x6] =	wrdreg s5;
	s20 =	sshll.u32 s9, $0x2  }
0xe: {  	s21 =	smul.u32 $0xC, s18;
	s23 =	sshll.u32 s14, $0x2;
	s25 =	sshll.u32 s18, $0x2  }
0xf: {  	s29 =	smax.u32 s4, $0x1;
	s17 =	simm.s32 $0x3;
	s18 =	simm.s32 $0x80  }
0x10: {  	s9 =	simm.s32 $0x16000;
	s4 =	simm.s32 $0x17000;
	s5 =	simm.s32 $0x1700  }
0x11: {  	s14 =	simm.s32 $0x19000;
	[dreg:$0x3] =	wrdreg s8;
	s22 =	sadd.s32 s6, s20  }
0x12: {  	s7 =	sadd.s32 s0, s20;
	s24 =	sadd.s32 s6, s23;
	[dreg:$0xf] =	wrdreg s29  }
0x13: {  	s26 =	sadd.s32 s0, s23;
	s28 =	sadd.s32 s6, s25;
	[dreg:$0x8] =	wrdreg s22  }
0x14: {  	s0 =	sadd.s32 s0, s25;
	s25 =	simm.s32 $0xC00;
	[dreg:$0x9] =	wrdreg s7  }
0x15: {  	s20 =	simm.s32 $0x1580;
	s23 =	simm.s32 $0x1780;
	[dreg:$0xb] =	wrdreg s24  }
0x16: {  	s6 =	simm.s32 $0x19C00;
	s15 =	sadd.s32 s1, s11;
	[dreg:$0xc] =	wrdreg s26  }
0x17: {  	s19 =	sadd.s32 s1, s16;
	s1 =	sadd.s32 s1, s21;
	[dreg:$0xd] =	wrdreg s28  }
0x18: {  	[dreg:$0xe] =	wrdreg s0;
	s16 =	simm.s32 $0xD800;
	s0 =	simm.s32 $0x1480  }
0x19: {  	s11 =	simm.s32 $0x1600;
	s21 =	simm.s32 $0x17800;
	[dreg:$0x4] =	wrdreg s15  }
0x1a: {  	s22 =	simm.s32 $0x18000;
	s24 =	simm.s32 $0x1;
	[dreg:$0x7] =	wrdreg s19  }
0x1b: {  	s26 =	simm.s32 $0x2;
	s7 =	simm.s32 $0x0;
	[dreg:$0xa] =	wrdreg s1  }
0x1c: {  	v0 =	vimm.f32 $0.0e+00;
	s19 =	simm.s32 $0x1800;
	s1 =	simm.s32 $0x1500;
	s15 =	simm.s32 $0x19800  }
.LBB2_1:
0x1d: {  	s8 =	rddreg [dreg:$0x3]  }
0x1e: {  	[tilespmem:s2], [sflag:$0x3] =	stream.linear.gather [hbm4b:s8+s2], $0xC00, $0x38;
	[tilespmem:$0x1A000] =	vst v63  }
0x1f: {  	_ =	swait.ge [sflag:s17], $0xC00  }
0x20: {  	[sflag:s17] =	ssyncset.done $0x0  }
0x21: {  	[sflag:s17] =	ssyncadd.s32 $0xFFFFF400  }
0x22: {  	[tilespmem:s19], [sflag:$0x1] =	stream.indirect.gather [hbm4b:s3+s18], $0x10, s2, s18, $0xb8;
	[tilespmem:$0x1A000] =	vst v63  }
0x23: {  	s8 =	simm.s32 $0x2000  }
0x24: {  	[tilespmem:s8], [sflag:$0x1] =	stream.indirect.gather [hbm4b:s3+s18], $0x10, s18, s18, $0xb8;
	[tilespmem:$0x1A000] =	vst v63  }
0x25: {  	s28 =	simm.s32 $0x2800;
	s8 =	simm.s32 $0x100  }
0x26: {  	[tilespmem:s28], [sflag:$0x1] =	stream.indirect.gather [hbm4b:s3+s18], $0x10, s8, s18, $0xb8;
	[tilespmem:$0x1A000] =	vst v63  }
0x27: {  	s8 =	simm.s32 $0x180;
	s28 =	simm.s32 $0x3000  }
0x28: {  	[tilespmem:s28], [sflag:$0x1] =	stream.indirect.gather [hbm4b:s3+s18], $0x10, s8, s18, $0xb8;
	[tilespmem:$0x1A000] =	vst v63  }
0x29: {  	s8 =	simm.s32 $0x200;
	s28 =	simm.s32 $0x3800  }
0x2a: {  	[tilespmem:s28], [sflag:$0x1] =	stream.indirect.gather [hbm4b:s3+s18], $0x10, s8, s18, $0xb8;
	[tilespmem:$0x1A000] =	vst v63  }
0x2b: {  	s8 =	simm.s32 $0x280;
	s28 =	simm.s32 $0x4000  }
0x2c: {  	[tilespmem:s28], [sflag:$0x1] =	stream.indirect.gather [hbm4b:s3+s18], $0x10, s8, s18, $0xb8;
	[tilespmem:$0x1A000] =	vst v63  }
0x2d: {  	s8 =	simm.s32 $0x300;
	s28 =	simm.s32 $0x4800  }
0x2e: {  	[tilespmem:s28], [sflag:$0x1] =	stream.indirect.gather [hbm4b:s3+s18], $0x10, s8, s18, $0xb8;
	[tilespmem:$0x1A000] =	vst v63  }
0x2f: {  	s8 =	simm.s32 $0x380;
	s28 =	simm.s32 $0x5000  }
0x30: {  	[tilespmem:s28], [sflag:$0x1] =	stream.indirect.gather [hbm4b:s3+s18], $0x10, s8, s18, $0xb8;
	[tilespmem:$0x1A000] =	vst v63  }
0x31: {  	s8 =	simm.s32 $0x400;
	s28 =	simm.s32 $0x5800  }
0x32: {  	[tilespmem:s28], [sflag:$0x1] =	stream.indirect.gather [hbm4b:s3+s18], $0x10, s8, s18, $0xb8;
	[tilespmem:$0x1A000] =	vst v63  }
0x33: {  	s8 =	simm.s32 $0x480;
	s28 =	simm.s32 $0x6000  }
0x34: {  	[tilespmem:s28], [sflag:$0x1] =	stream.indirect.gather [hbm4b:s3+s18], $0x10, s8, s18, $0xb8;
	[tilespmem:$0x1A000] =	vst v63  }
0x35: {  	s8 =	simm.s32 $0x500;
	s28 =	simm.s32 $0x6800  }
0x36: {  	[tilespmem:s28], [sflag:$0x1] =	stream.indirect.gather [hbm4b:s3+s18], $0x10, s8, s18, $0xb8;
	[tilespmem:$0x1A000] =	vst v63  }
0x37: {  	s8 =	simm.s32 $0x580;
	s28 =	simm.s32 $0x7000  }
0x38: {  	[tilespmem:s28], [sflag:$0x1] =	stream.indirect.gather [hbm4b:s3+s18], $0x10, s8, s18, $0xb8;
	[tilespmem:$0x1A000] =	vst v63  }
0x39: {  	s8 =	simm.s32 $0x600;
	s28 =	simm.s32 $0x7800  }
0x3a: {  	[tilespmem:s28], [sflag:$0x1] =	stream.indirect.gather [hbm4b:s3+s18], $0x10, s8, s18, $0xb8;
	[tilespmem:$0x1A000] =	vst v63  }
0x3b: {  	s8 =	simm.s32 $0x680;
	s28 =	simm.s32 $0x8000  }
0x3c: {  	[tilespmem:s28], [sflag:$0x1] =	stream.indirect.gather [hbm4b:s3+s18], $0x10, s8, s18, $0xb8;
	[tilespmem:$0x1A000] =	vst v63  }
0x3d: {  	s8 =	simm.s32 $0x700;
	s28 =	simm.s32 $0x8800  }
0x3e: {  	[tilespmem:s28], [sflag:$0x1] =	stream.indirect.gather [hbm4b:s3+s18], $0x10, s8, s18, $0xb8;
	[tilespmem:$0x1A000] =	vst v63  }
0x3f: {  	s8 =	simm.s32 $0x780;
	s28 =	simm.s32 $0x9000  }
0x40: {  	[tilespmem:s28], [sflag:$0x1] =	stream.indirect.gather [hbm4b:s3+s18], $0x10, s8, s18, $0xb8;
	[tilespmem:$0x1A000] =	vst v63  }
0x41: {  	s8 =	simm.s32 $0x800;
	s28 =	simm.s32 $0x9800  }
0x42: {  	[tilespmem:s28], [sflag:$0x1] =	stream.indirect.gather [hbm4b:s3+s18], $0x10, s8, s18, $0xb8;
	[tilespmem:$0x1A000] =	vst v63  }
0x43: {  	s8 =	simm.s32 $0x880;
	s28 =	simm.s32 $0xA000  }
0x44: {  	[tilespmem:s28], [sflag:$0x1] =	stream.indirect.gather [hbm4b:s3+s18], $0x10, s8, s18, $0xb8;
	[tilespmem:$0x1A000] =	vst v63  }
0x45: {  	s8 =	simm.s32 $0x900;
	s28 =	simm.s32 $0xA800  }
0x46: {  	[tilespmem:s28], [sflag:$0x1] =	stream.indirect.gather [hbm4b:s3+s18], $0x10, s8, s18, $0xb8;
	[tilespmem:$0x1A000] =	vst v63  }
0x47: {  	s8 =	simm.s32 $0x980;
	s28 =	simm.s32 $0xB000  }
0x48: {  	[tilespmem:s28], [sflag:$0x1] =	stream.indirect.gather [hbm4b:s3+s18], $0x10, s8, s18, $0xb8;
	[tilespmem:$0x1A000] =	vst v63  }
0x49: {  	s8 =	simm.s32 $0xA00;
	s28 =	simm.s32 $0xB800  }
0x4a: {  	[tilespmem:s28], [sflag:$0x1] =	stream.indirect.gather [hbm4b:s3+s18], $0x10, s8, s18, $0xb8;
	[tilespmem:$0x1A000] =	vst v63  }
0x4b: {  	s8 =	simm.s32 $0xA80;
	s28 =	simm.s32 $0xC000  }
0x4c: {  	[tilespmem:s28], [sflag:$0x1] =	stream.indirect.gather [hbm4b:s3+s18], $0x10, s8, s18, $0xb8;
	[tilespmem:$0x1A000] =	vst v63  }
0x4d: {  	s8 =	simm.s32 $0xB00;
	s28 =	simm.s32 $0xC800  }
0x4e: {  	[tilespmem:s28], [sflag:$0x1] =	stream.indirect.gather [hbm4b:s3+s18], $0x10, s8, s18, $0xb8;
	[tilespmem:$0x1A000] =	vst v63  }
0x4f: {  	s8 =	simm.s32 $0xB80;
	s28 =	simm.s32 $0xD000  }
0x50: {  	[tilespmem:s28], [sflag:$0x1] =	stream.indirect.gather [hbm4b:s3+s18], $0x10, s8, s18, $0xb8;
	[tilespmem:$0x1A000] =	vst v63  }
0x51: {  	s8 =	rddreg [dreg:$0x4]  }
0x52: {  	[tilespmem:s25], [sflag:$0x3] =	stream.linear.gather [hbm4b:s8+s2], $0xC00, $0x38;
	[tilespmem:$0x1A000] =	vst v63  }
0x53: {  	_ =	swait.ge [sflag:s17], $0xC00  }
0x54: {  	[sflag:s17] =	ssyncset.done $0x0  }
0x55: {  	[sflag:s17] =	ssyncadd.s32 $0xFFFFF400  }
0x56: {  	[tilespmem:s16], [sflag:$0x2] =	stream.indirect.gather [hbm4b:s3+s18], $0x10, s25, s18, $0xb8;
	[tilespmem:$0x1A000] =	vst v63  }
0x57: {  	s28 =	simm.s32 $0xE000;
	s8 =	simm.s32 $0xC80  }
0x58: {  	[tilespmem:s28], [sflag:$0x2] =	stream.indirect.gather [hbm4b:s3+s18], $0x10, s8, s18, $0xb8;
	[tilespmem:$0x1A000] =	vst v63  }
0x59: {  	s8 =	simm.s32 $0xD00;
	s28 =	simm.s32 $0xE800  }
0x5a: {  	[tilespmem:s28], [sflag:$0x2] =	stream.indirect.gather [hbm4b:s3+s18], $0x10, s8, s18, $0xb8;
	[tilespmem:$0x1A000] =	vst v63  }
0x5b: {  	s8 =	simm.s32 $0xD80;
	s28 =	simm.s32 $0xF000  }
0x5c: {  	[tilespmem:s28], [sflag:$0x2] =	stream.indirect.gather [hbm4b:s3+s18], $0x10, s8, s18, $0xb8;
	[tilespmem:$0x1A000] =	vst v63  }
0x5d: {  	s8 =	simm.s32 $0xE00;
	s28 =	simm.s32 $0xF800  }
0x5e: {  	[tilespmem:s28], [sflag:$0x2] =	stream.indirect.gather [hbm4b:s3+s18], $0x10, s8, s18, $0xb8;
	[tilespmem:$0x1A000] =	vst v63  }
0x5f: {  	s8 =	simm.s32 $0xE80;
	s28 =	simm.s32 $0x10000  }
0x60: {  	[tilespmem:s28], [sflag:$0x2] =	stream.indirect.gather [hbm4b:s3+s18], $0x10, s8, s18, $0xb8;
	[tilespmem:$0x1A000] =	vst v63  }
0x61: {  	s8 =	simm.s32 $0xF00;
	s28 =	simm.s32 $0x10800  }
0x62: {  	[tilespmem:s28], [sflag:$0x2] =	stream.indirect.gather [hbm4b:s3+s18], $0x10, s8, s18, $0xb8;
	[tilespmem:$0x1A000] =	vst v63  }
0x63: {  	s8 =	simm.s32 $0xF80;
	s28 =	simm.s32 $0x11000  }
0x64: {  	[tilespmem:s28], [sflag:$0x2] =	stream.indirect.gather [hbm4b:s3+s18], $0x10, s8, s18, $0xb8;
	[tilespmem:$0x1A000] =	vst v63  }
0x65: {  	s8 =	simm.s32 $0x1000;
	s28 =	simm.s32 $0x11800  }
0x66: {  	[tilespmem:s28], [sflag:$0x2] =	stream.indirect.gather [hbm4b:s3+s18], $0x10, s8, s18, $0xb8;
	[tilespmem:$0x1A000] =	vst v63  }
0x67: {  	s8 =	simm.s32 $0x1080;
	s28 =	simm.s32 $0x12000  }
0x68: {  	[tilespmem:s28], [sflag:$0x2] =	stream.indirect.gather [hbm4b:s3+s18], $0x10, s8, s18, $0xb8;
	[tilespmem:$0x1A000] =	vst v63  }
0x69: {  	s8 =	simm.s32 $0x1100;
	s28 =	simm.s32 $0x12800  }
0x6a: {  	[tilespmem:s28], [sflag:$0x2] =	stream.indirect.gather [hbm4b:s3+s18], $0x10, s8, s18, $0xb8;
	[tilespmem:$0x1A000] =	vst v63  }
0x6b: {  	s8 =	simm.s32 $0x1180;
	s28 =	simm.s32 $0x13000  }
0x6c: {  	[tilespmem:s28], [sflag:$0x2] =	stream.indirect.gather [hbm4b:s3+s18], $0x10, s8, s18, $0xb8;
	[tilespmem:$0x1A000] =	vst v63  }
0x6d: {  	s8 =	simm.s32 $0x1200;
	s28 =	simm.s32 $0x13800  }
0x6e: {  	[tilespmem:s28], [sflag:$0x2] =	stream.indirect.gather [hbm4b:s3+s18], $0x10, s8, s18, $0xb8;
	[tilespmem:$0x1A000] =	vst v63  }
0x6f: {  	s8 =	simm.s32 $0x1280;
	s28 =	simm.s32 $0x14000  }
0x70: {  	[tilespmem:s28], [sflag:$0x2] =	stream.indirect.gather [hbm4b:s3+s18], $0x10, s8, s18, $0xb8;
	[tilespmem:$0x1A000] =	vst v63  }
0x71: {  	s8 =	simm.s32 $0x1300;
	s28 =	simm.s32 $0x14800  }
0x72: {  	[tilespmem:s28], [sflag:$0x2] =	stream.indirect.gather [hbm4b:s3+s18], $0x10, s8, s18, $0xb8;
	[tilespmem:$0x1A000] =	vst v63  }
0x73: {  	s8 =	simm.s32 $0x1380;
	s28 =	simm.s32 $0x15000  }
0x74: {  	[tilespmem:s28], [sflag:$0x2] =	stream.indirect.gather [hbm4b:s3+s18], $0x10, s8, s18, $0xb8;
	[tilespmem:$0x1A000] =	vst v63  }
0x75: {  	_ = 	snop  }
0x76: {  	[tilespmem:s31], [sflag:$0x2] =	stream.indirect.gather [hbm4b:s3+s18], $0x10, s30, s18, $0xb8;
	[tilespmem:$0x1A000] =	vst v63  }
0x77: {  	_ = 	snop  }
0x78: {  	[tilespmem:s9], [sflag:$0x2] =	stream.indirect.gather [hbm4b:s3+s18], $0x10, s0, s18, $0xb8;
	[tilespmem:$0x1A000] =	vst v63  }
0x79: {  	_ = 	snop  }
0x7a: {  	[tilespmem:s10], [sflag:$0x2] =	stream.indirect.gather [hbm4b:s3+s18], $0x10, s1, s18, $0xb8;
	[tilespmem:$0x1A000] =	vst v63  }
0x7b: {  	_ = 	snop  }
0x7c: {  	[tilespmem:s4], [sflag:$0x2] =	stream.indirect.gather [hbm4b:s3+s18], $0x10, s20, s18, $0xb8;
	[tilespmem:$0x1A000] =	vst v63  }
0x7d: {  	_ = 	snop  }
0x7e: {  	[tilespmem:s21], [sflag:$0x2] =	stream.indirect.gather [hbm4b:s3+s18], $0x10, s11, s18, $0xb8;
	[tilespmem:$0x1A000] =	vst v63  }
0x7f: {  	_ = 	snop  }
0x80: {  	[tilespmem:s22], [sflag:$0x2] =	stream.indirect.gather [hbm4b:s3+s18], $0x10, s12, s18, $0xb8;
	[tilespmem:$0x1A000] =	vst v63  }
0x81: {  	_ = 	snop  }
0x82: {  	[tilespmem:s13], [sflag:$0x2] =	stream.indirect.gather [hbm4b:s3+s18], $0x10, s5, s18, $0xb8;
	[tilespmem:$0x1A000] =	vst v63  }
0x83: {  	_ = 	snop  }
0x84: {  	[tilespmem:s14], [sflag:$0x2] =	stream.indirect.gather [hbm4b:s3+s18], $0x10, s23, s18, $0xb8;
	[tilespmem:$0x1A000] =	vst v63  }
0x85: {  	_ =	swait.ge [sflag:s24], $0x800  }
0x86: {  	[sflag:s24] =	ssyncset.done $0x0  }
0x87: {  	[sflag:s24] =	ssyncadd.s32 $0xFFFFF800  }
0x88: {  	_ =	swait.ge [sflag:s24], $0x800  }
0x89: {  	[sflag:s24] =	ssyncset.done $0x0  }
0x8a: {  	[sflag:s24] =	ssyncadd.s32 $0xFFFFF800  }
0x8b: {  	_ =	swait.ge [sflag:s24], $0x800  }
0x8c: {  	[sflag:s24] =	ssyncset.done $0x0  }
0x8d: {  	[sflag:s24] =	ssyncadd.s32 $0xFFFFF800  }
0x8e: {  	_ =	swait.ge [sflag:s24], $0x800  }
0x8f: {  	[sflag:s24] =	ssyncset.done $0x0  }
0x90: {  	[sflag:s24] =	ssyncadd.s32 $0xFFFFF800  }
0x91: {  	_ =	swait.ge [sflag:s24], $0x800  }
0x92: {  	[sflag:s24] =	ssyncset.done $0x0  }
0x93: {  	[sflag:s24] =	ssyncadd.s32 $0xFFFFF800  }
0x94: {  	_ =	swait.ge [sflag:s24], $0x800  }
0x95: {  	[sflag:s24] =	ssyncset.done $0x0  }
0x96: {  	[sflag:s24] =	ssyncadd.s32 $0xFFFFF800  }
0x97: {  	_ =	swait.ge [sflag:s24], $0x800  }
0x98: {  	[sflag:s24] =	ssyncset.done $0x0  }
0x99: {  	[sflag:s24] =	ssyncadd.s32 $0xFFFFF800  }
0x9a: {  	_ =	swait.ge [sflag:s24], $0x800  }
0x9b: {  	[sflag:s24] =	ssyncset.done $0x0  }
0x9c: {  	[sflag:s24] =	ssyncadd.s32 $0xFFFFF800  }
0x9d: {  	_ =	swait.ge [sflag:s24], $0x800  }
0x9e: {  	[sflag:s24] =	ssyncset.done $0x0  }
0x9f: {  	[sflag:s24] =	ssyncadd.s32 $0xFFFFF800  }
0xa0: {  	_ =	swait.ge [sflag:s24], $0x800  }
0xa1: {  	[sflag:s24] =	ssyncset.done $0x0  }
0xa2: {  	[sflag:s24] =	ssyncadd.s32 $0xFFFFF800  }
0xa3: {  	_ =	swait.ge [sflag:s24], $0x800  }
0xa4: {  	[sflag:s24] =	ssyncset.done $0x0  }
0xa5: {  	[sflag:s24] =	ssyncadd.s32 $0xFFFFF800  }
0xa6: {  	_ =	swait.ge [sflag:s24], $0x800  }
0xa7: {  	[sflag:s24] =	ssyncset.done $0x0  }
0xa8: {  	[sflag:s24] =	ssyncadd.s32 $0xFFFFF800  }
0xa9: {  	_ =	swait.ge [sflag:s24], $0x800  }
0xaa: {  	[sflag:s24] =	ssyncset.done $0x0  }
0xab: {  	[sflag:s24] =	ssyncadd.s32 $0xFFFFF800  }
0xac: {  	_ =	swait.ge [sflag:s24], $0x800  }
0xad: {  	[sflag:s24] =	ssyncset.done $0x0  }
0xae: {  	[sflag:s24] =	ssyncadd.s32 $0xFFFFF800  }
0xaf: {  	_ =	swait.ge [sflag:s24], $0x800  }
0xb0: {  	[sflag:s24] =	ssyncset.done $0x0  }
0xb1: {  	[sflag:s24] =	ssyncadd.s32 $0xFFFFF800  }
0xb2: {  	_ =	swait.ge [sflag:s24], $0x800  }
0xb3: {  	[sflag:s24] =	ssyncset.done $0x0  }
0xb4: {  	[sflag:s24] =	ssyncadd.s32 $0xFFFFF800  }
0xb5: {  	_ =	swait.ge [sflag:s24], $0x800  }
0xb6: {  	[sflag:s24] =	ssyncset.done $0x0  }
0xb7: {  	[sflag:s24] =	ssyncadd.s32 $0xFFFFF800  }
0xb8: {  	_ =	swait.ge [sflag:s24], $0x800  }
0xb9: {  	[sflag:s24] =	ssyncset.done $0x0  }
0xba: {  	[sflag:s24] =	ssyncadd.s32 $0xFFFFF800  }
0xbb: {  	_ =	swait.ge [sflag:s24], $0x800  }
0xbc: {  	[sflag:s24] =	ssyncset.done $0x0  }
0xbd: {  	[sflag:s24] =	ssyncadd.s32 $0xFFFFF800  }
0xbe: {  	_ =	swait.ge [sflag:s24], $0x800  }
0xbf: {  	[sflag:s24] =	ssyncset.done $0x0  }
0xc0: {  	[sflag:s24] =	ssyncadd.s32 $0xFFFFF800  }
0xc1: {  	_ =	swait.ge [sflag:s24], $0x800  }
0xc2: {  	[sflag:s24] =	ssyncset.done $0x0  }
0xc3: {  	[sflag:s24] =	ssyncadd.s32 $0xFFFFF800  }
0xc4: {  	_ =	swait.ge [sflag:s24], $0x800  }
0xc5: {  	[sflag:s24] =	ssyncset.done $0x0  }
0xc6: {  	[sflag:s24] =	ssyncadd.s32 $0xFFFFF800  }
0xc7: {  	_ =	swait.ge [sflag:s24], $0x800  }
0xc8: {  	[sflag:s24] =	ssyncset.done $0x0  }
0xc9: {  	[sflag:s24] =	ssyncadd.s32 $0xFFFFF800  }
0xca: {  	_ =	swait.ge [sflag:s24], $0x800  }
0xcb: {  	[sflag:s24] =	ssyncset.done $0x0  }
0xcc: {  	s8 =	rddreg [dreg:$0x5];
	[sflag:s24] =	ssyncadd.s32 $0xFFFFF800  }
0xcd: {  	[tilespmem:s15], [sflag:$0x3] =	stream.linear.gather [hbm4b:s8+s2], $0x400, $0x38;
	[tilespmem:$0x1A000] =	vst v63  }
0xce: {  	_ =	swait.ge [sflag:s17], $0x400  }
0xcf: {  	[sflag:s17] =	ssyncset.done $0x0  }
0xd0: {  	s28 =	simm.s32 $0x0;
	[sflag:s17] =	ssyncadd.s32 $0xFFFFFC00  }
0xd1: {  	v1 =	vld [tilespmem:s28+$0x19800];
	_ =	sdelay $0x4  }
0xd2: {  	v2 =	vadd.s32 $0x1, v1;
	_ =	sdelay $0x1  }
0xd3: {  	v3 =	vadd.s32 $0x2, v1;
	_ =	sdelay $0x1  }
0xd4: {  	v4 =	vadd.s32 $0x3, v1;
	v5 =	vld.idx.msk [tilespmem:v1+s19+$0x0], $0xffff  }
0xd5: {  	v2 =	vld.idx.msk [tilespmem:v2+s19+$0x0], $0xffff  }
0xd6: {  	v6 =	vadd.s32 $0x4, v1  }
0xd7: {  	v3 =	vld.idx.msk [tilespmem:v3+s19+$0x0], $0xffff  }
0xd8: {  	v7 =	vadd.s32 $0x5, v1  }
0xd9: {  	v4 =	vld.idx.msk [tilespmem:v4+s19+$0x0], $0xffff  }
0xda: {  	v8 =	vadd.s32 $0x6, v1;
	v2 =	vadd.f32 v2, v5  }
0xdb: {  	v5 =	vld.idx.msk [tilespmem:v6+s19+$0x0], $0xffff  }
0xdc: {  	v6 =	vadd.s32 $0x7, v1;
	v2 =	vadd.f32 v3, v2  }
0xdd: {  	v3 =	vld.idx.msk [tilespmem:v7+s19+$0x0], $0xffff  }
0xde: {  	v7 =	vadd.s32 $0x8, v1;
	v2 =	vadd.f32 v4, v2  }
0xdf: {  	v4 =	vld.idx.msk [tilespmem:v8+s19+$0x0], $0xffff  }
0xe0: {  	v60 =	vadd.s32 $0x9, v1;
	v2 =	vadd.f32 v5, v2  }
0xe1: {  	v5 =	vld.idx.msk [tilespmem:v6+s19+$0x0], $0xffff  }
0xe2: {  	v6 =	vadd.s32 $0xA, v1;
	v2 =	vadd.f32 v3, v2  }
0xe3: {  	v3 =	vld.idx.msk [tilespmem:v7+s19+$0x0], $0xffff  }
0xe4: {  	v7 =	vadd.s32 $0xB, v1;
	v2 =	vadd.f32 v4, v2  }
0xe5: {  	v4 =	vld.idx.msk [tilespmem:v60+s19+$0x0], $0xffff  }
0xe6: {  	v61 =	vadd.s32 $0xC, v1;
	v2 =	vadd.f32 v5, v2  }
0xe7: {  	v5 =	vld.idx.msk [tilespmem:v6+s19+$0x0], $0xffff  }
0xe8: {  	v6 =	vadd.s32 $0xD, v1;
	v2 =	vadd.f32 v3, v2  }
0xe9: {  	v3 =	vld.idx.msk [tilespmem:v7+s19+$0x0], $0xffff  }
0xea: {  	v7 =	vadd.s32 $0xE, v1;
	v2 =	vadd.f32 v4, v2  }
0xeb: {  	v4 =	vld.idx.msk [tilespmem:v61+s19+$0x0], $0xffff  }
0xec: {  	v62 =	vadd.s32 $0xF, v1;
	v2 =	vadd.f32 v5, v2  }
0xed: {  	v5 =	vld.idx.msk [tilespmem:v6+s19+$0x0], $0xffff  }
0xee: {  	v6 =	vadd.s32 $0x10, v1;
	v2 =	vadd.f32 v3, v2  }
0xef: {  	v3 =	vld.idx.msk [tilespmem:v7+s19+$0x0], $0xffff  }
0xf0: {  	v7 =	vadd.s32 $0x11, v1;
	v2 =	vadd.f32 v4, v2  }
0xf1: {  	v4 =	vld.idx.msk [tilespmem:v62+s19+$0x0], $0xffff  }
0xf2: {  	v63 =	vadd.s32 $0x12, v1;
	v2 =	vadd.f32 v5, v2  }
0xf3: {  	v5 =	vld.idx.msk [tilespmem:v6+s19+$0x0], $0xffff  }
0xf4: {  	v6 =	vadd.s32 $0x13, v1;
	v2 =	vadd.f32 v3, v2  }
0xf5: {  	v1 =	vadd.s32 $0x14, v1;
	v7 =	vld.idx.msk [tilespmem:v7+s19+$0x0], $0xffff  }
0xf6: {  	v3 =	vadd.f32 v4, v2  }
0xf7: {  	v2 =	vld.idx.msk [tilespmem:v63+s19+$0x0], $0xffff  }
0xf8: {  	v5 =	vadd.f32 v5, v3  }
0xf9: {  	v3 =	vld.idx.msk [tilespmem:v6+s19+$0x0], $0xffff  }
0xfa: {  	s8 =	simm.s32 $0x10;
	v4 =	vld.idx.msk [tilespmem:v1+s19+$0x0], $0xffff;
	v5 =	vadd.f32 v7, v5  }
0xfb: {  	s29 =	simm.s32 $0x80;
	v1 =	vld [tilespmem:s8+$0x19800]  }
.LBB2_2:
0xfc: {  	p0 =	sne.s32 s29, $0xFC0;
	v2 =	vadd.f32 v2, v5;
	_ =	sdelay $0x1  }
0xfd: {  	v2 =	vadd.f32 v3, v2;
	_ =	sdelay $0x1  }
0xfe: {  	v3 =	vadd.s32 $0x1, v1;
	v2 =	vadd.f32 v4, v2;
	_ =	sdelay $0x1  }
0xff: {  	vm0 =	vgt.f32 v2, $0.0e+00  }
0x100: {  	v2 =	vadd.s32 $0x2, v1;
	v4 =	vsel vm0, $0x3F800000, v0  }
0x101: {  	[tilespmem:s28+$0x19C00] =	vst v4;
	s28 =	smov.u32 s8  }
0x102: {  	v4 =	vadd.s32 $0x3, v1;
	v3 =	vld.idx.msk [tilespmem:v3+s19+$0x0], $0xffff  }
0x103: {  	v5 =	vld.idx.msk [tilespmem:v1+s19+$0x0], $0xffff  }
0x104: {  	v6 =	vadd.s32 $0x4, v1  }
0x105: {  	v2 =	vld.idx.msk [tilespmem:v2+s19+$0x0], $0xffff  }
0x106: {  	v7 =	vadd.s32 $0x5, v1  }
0x107: {  	v4 =	vld.idx.msk [tilespmem:v4+s19+$0x0], $0xffff  }
0x108: {  	v8 =	vadd.s32 $0x6, v1  }
0x109: {  	v3 =	vadd.f32 v3, v5;
	v5 =	vld.idx.msk [tilespmem:v6+s19+$0x0], $0xffff  }
0x10a: {  	v6 =	vadd.s32 $0x7, v1  }
0x10b: {  	v2 =	vadd.f32 v2, v3;
	v3 =	vld.idx.msk [tilespmem:v7+s19+$0x0], $0xffff  }
0x10c: {  	v7 =	vadd.s32 $0x8, v1  }
0x10d: {  	v2 =	vadd.f32 v4, v2;
	v4 =	vld.idx.msk [tilespmem:v8+s19+$0x0], $0xffff  }
0x10e: {  	v8 =	vadd.s32 $0x9, v1  }
0x10f: {  	v2 =	vadd.f32 v5, v2;
	v5 =	vld.idx.msk [tilespmem:v6+s19+$0x0], $0xffff  }
0x110: {  	v6 =	vadd.s32 $0xA, v1  }
0x111: {  	v2 =	vadd.f32 v3, v2;
	v3 =	vld.idx.msk [tilespmem:v7+s19+$0x0], $0xffff  }
0x112: {  	v7 =	vadd.s32 $0xB, v1  }
0x113: {  	v2 =	vadd.f32 v4, v2;
	v4 =	vld.idx.msk [tilespmem:v8+s19+$0x0], $0xffff  }
0x114: {  	v8 =	vadd.s32 $0xC, v1  }
0x115: {  	v2 =	vadd.f32 v5, v2;
	v5 =	vld.idx.msk [tilespmem:v6+s19+$0x0], $0xffff  }
0x116: {  	v6 =	vadd.s32 $0xD, v1  }
0x117: {  	v2 =	vadd.f32 v3, v2;
	v3 =	vld.idx.msk [tilespmem:v7+s19+$0x0], $0xffff  }
0x118: {  	v7 =	vadd.s32 $0xE, v1  }
0x119: {  	v2 =	vadd.f32 v4, v2;
	v4 =	vld.idx.msk [tilespmem:v8+s19+$0x0], $0xffff  }
0x11a: {  	v8 =	vadd.s32 $0xF, v1  }
0x11b: {  	v2 =	vadd.f32 v5, v2;
	v5 =	vld.idx.msk [tilespmem:v6+s19+$0x0], $0xffff  }
0x11c: {  	v6 =	vadd.s32 $0x10, v1  }
0x11d: {  	v2 =	vadd.f32 v3, v2;
	v3 =	vld.idx.msk [tilespmem:v7+s19+$0x0], $0xffff  }
0x11e: {  	v7 =	vadd.s32 $0x11, v1  }
0x11f: {  	v2 =	vadd.f32 v4, v2;
	v4 =	vld.idx.msk [tilespmem:v8+s19+$0x0], $0xffff  }
0x120: {  	v8 =	vadd.s32 $0x12, v1  }
0x121: {  	v2 =	vadd.f32 v5, v2;
	v5 =	vld.idx.msk [tilespmem:v6+s19+$0x0], $0xffff  }
0x122: {  	v6 =	vadd.s32 $0x13, v1  }
0x123: {  	v2 =	vadd.f32 v3, v2;
	v7 =	vld.idx.msk [tilespmem:v7+s19+$0x0], $0xffff  }
0x124: {  	v1 =	vadd.s32 $0x14, v1  }
0x125: {  	v3 =	vadd.f32 v4, v2;
	v2 =	vld.idx.msk [tilespmem:v8+s19+$0x0], $0xffff  }
.Ltmp0:
0x126: {  	(pc) =	sbr.rel @p0 .LBB2_2-.Ltmp0, $3  }
0x127: {  	v4 =	vadd.f32 v5, v3;
	v3 =	vld.idx.msk [tilespmem:v6+s19+$0x0], $0xffff;
	_ =	sdelay $0x1  }
0x128: {  	s8 =	sshra.s32 s29, $0x2;
	v5 =	vadd.f32 v7, v4;
	v4 =	vld.idx.msk [tilespmem:v1+s19+$0x0], $0xffff  }
0x129: {  	s29 =	sadd.s32 $0x40, s29;
	v1 =	vld [tilespmem:s8+$0x19800]  }
0x12a: {  	v2 =	vadd.f32 v2, v5;
	_ =	sdelay $0x1  }
0x12b: {  	v2 =	vadd.f32 v3, v2;
	_ =	sdelay $0x1  }
0x12c: {  	v3 =	vadd.s32 $0x1, v1;
	v2 =	vadd.f32 v4, v2;
	_ =	sdelay $0x1  }
0x12d: {  	vm0 =	vgt.f32 v2, $0.0e+00  }
0x12e: {  	v2 =	vadd.s32 $0x2, v1;
	v4 =	vsel vm0, $0x3F800000, v0  }
0x12f: {  	[tilespmem:s28+$0x19C00] =	vst v4  }
0x130: {  	v4 =	vadd.s32 $0x3, v1;
	v3 =	vld.idx.msk [tilespmem:v3+s19+$0x0], $0xffff  }
0x131: {  	v5 =	vld.idx.msk [tilespmem:v1+s19+$0x0], $0xffff  }
0x132: {  	v6 =	vadd.s32 $0x4, v1  }
0x133: {  	v2 =	vld.idx.msk [tilespmem:v2+s19+$0x0], $0xffff  }
0x134: {  	v7 =	vadd.s32 $0x5, v1  }
0x135: {  	v4 =	vld.idx.msk [tilespmem:v4+s19+$0x0], $0xffff  }
0x136: {  	v8 =	vadd.s32 $0x6, v1;
	v3 =	vadd.f32 v3, v5  }
0x137: {  	v5 =	vld.idx.msk [tilespmem:v6+s19+$0x0], $0xffff  }
0x138: {  	v6 =	vadd.s32 $0x7, v1;
	v2 =	vadd.f32 v2, v3  }
0x139: {  	v3 =	vld.idx.msk [tilespmem:v7+s19+$0x0], $0xffff  }
0x13a: {  	v7 =	vadd.s32 $0x8, v1;
	v2 =	vadd.f32 v4, v2  }
0x13b: {  	v4 =	vld.idx.msk [tilespmem:v8+s19+$0x0], $0xffff  }
0x13c: {  	v55 =	vadd.s32 $0x9, v1;
	v2 =	vadd.f32 v5, v2  }
0x13d: {  	v5 =	vld.idx.msk [tilespmem:v6+s19+$0x0], $0xffff  }
0x13e: {  	v6 =	vadd.s32 $0xA, v1;
	v2 =	vadd.f32 v3, v2  }
0x13f: {  	v3 =	vld.idx.msk [tilespmem:v7+s19+$0x0], $0xffff  }
0x140: {  	v7 =	vadd.s32 $0xB, v1;
	v2 =	vadd.f32 v4, v2  }
0x141: {  	v4 =	vld.idx.msk [tilespmem:v55+s19+$0x0], $0xffff  }
0x142: {  	v56 =	vadd.s32 $0xC, v1;
	v2 =	vadd.f32 v5, v2  }
0x143: {  	v5 =	vld.idx.msk [tilespmem:v6+s19+$0x0], $0xffff  }
0x144: {  	v6 =	vadd.s32 $0xD, v1;
	v2 =	vadd.f32 v3, v2  }
0x145: {  	v3 =	vld.idx.msk [tilespmem:v7+s19+$0x0], $0xffff  }
0x146: {  	v7 =	vadd.s32 $0xE, v1;
	v2 =	vadd.f32 v4, v2  }
0x147: {  	v4 =	vld.idx.msk [tilespmem:v56+s19+$0x0], $0xffff  }
0x148: {  	v57 =	vadd.s32 $0xF, v1;
	v2 =	vadd.f32 v5, v2  }
0x149: {  	v5 =	vld.idx.msk [tilespmem:v6+s19+$0x0], $0xffff  }
0x14a: {  	v6 =	vadd.s32 $0x10, v1;
	v2 =	vadd.f32 v3, v2  }
0x14b: {  	v3 =	vld.idx.msk [tilespmem:v7+s19+$0x0], $0xffff  }
0x14c: {  	v7 =	vadd.s32 $0x11, v1;
	v2 =	vadd.f32 v4, v2  }
0x14d: {  	v4 =	vld.idx.msk [tilespmem:v57+s19+$0x0], $0xffff  }
0x14e: {  	v58 =	vadd.s32 $0x12, v1;
	v2 =	vadd.f32 v5, v2  }
0x14f: {  	v5 =	vld.idx.msk [tilespmem:v6+s19+$0x0], $0xffff  }
0x150: {  	v6 =	vadd.s32 $0x13, v1;
	v2 =	vadd.f32 v3, v2  }
0x151: {  	v3 =	vld.idx.msk [tilespmem:v7+s19+$0x0], $0xffff  }
0x152: {  	v1 =	vadd.s32 $0x14, v1;
	v2 =	vadd.f32 v4, v2  }
0x153: {  	v4 =	vld.idx.msk [tilespmem:v58+s19+$0x0], $0xffff  }
0x154: {  	v2 =	vadd.f32 v5, v2  }
0x155: {  	v5 =	vld.idx.msk [tilespmem:v6+s19+$0x0], $0xffff  }
0x156: {  	v2 =	vadd.f32 v3, v2  }
0x157: {  	v1 =	vld.idx.msk [tilespmem:v1+s19+$0x0], $0xffff  }
0x158: {  	v2 =	vadd.f32 v4, v2;
	_ =	sdelay $0x1  }
0x159: {  	v2 =	vadd.f32 v5, v2;
	_ =	sdelay $0x1  }
0x15a: {  	v1 =	vadd.f32 v1, v2;
	_ =	sdelay $0x1  }
0x15b: {  	vm15 =	vgt.f32 v1, $0.0e+00  }
0x15c: {  	v1 =	vsel vm15, $0x3F800000, v0  }
0x15d: {  	s28 =	simm.s32 $0x0;
	[tilespmem:s8+$0x19C00] =	vst v1;
	s8 =	rddreg [dreg:$0x6]  }
0x15e: {  	[hbm4b:s8+s28] =	stream.linear.scatter [tilespmem:s6], [sflag:$0x3], $0x400, $0x38;
	[tilespmem:$0x1A000] =	vst v63  }
0x15f: {  	_ =	swait.ge [sflag:s17], $0x400  }
0x160: {  	[sflag:s17] =	ssyncset.done $0x0  }
0x161: {  	s8 =	rddreg [dreg:$0x7];
	[sflag:s17] =	ssyncadd.s32 $0xFFFFFC00  }
0x162: {  	[tilespmem:s28], [sflag:$0x3] =	stream.linear.gather [hbm4b:s8+s28], $0xC00, $0x38;
	[tilespmem:$0x1A000] =	vst v63  }
0x163: {  	_ =	swait.ge [sflag:s17], $0xC00  }
0x164: {  	[sflag:s17] =	ssyncset.done $0x0  }
0x165: {  	[sflag:s17] =	ssyncadd.s32 $0xFFFFF400  }
0x166: {  	[tilespmem:s19], [sflag:$0x1] =	stream.indirect.gather [hbm4b:s3+s18], $0x10, s28, s18, $0xb8;
	[tilespmem:$0x1A000] =	vst v63  }
0x167: {  	s8 =	simm.s32 $0x2000  }
0x168: {  	[tilespmem:s8], [sflag:$0x1] =	stream.indirect.gather [hbm4b:s3+s18], $0x10, s18, s18, $0xb8;
	[tilespmem:$0x1A000] =	vst v63  }
0x169: {  	s29 =	simm.s32 $0x2800;
	s8 =	simm.s32 $0x100  }
0x16a: {  	[tilespmem:s29], [sflag:$0x1] =	stream.indirect.gather [hbm4b:s3+s18], $0x10, s8, s18, $0xb8;
	[tilespmem:$0x1A000] =	vst v63  }
0x16b: {  	s8 =	simm.s32 $0x180;
	s29 =	simm.s32 $0x3000  }
0x16c: {  	[tilespmem:s29], [sflag:$0x1] =	stream.indirect.gather [hbm4b:s3+s18], $0x10, s8, s18, $0xb8;
	[tilespmem:$0x1A000] =	vst v63  }
0x16d: {  	s8 =	simm.s32 $0x200;
	s29 =	simm.s32 $0x3800  }
0x16e: {  	[tilespmem:s29], [sflag:$0x1] =	stream.indirect.gather [hbm4b:s3+s18], $0x10, s8, s18, $0xb8;
	[tilespmem:$0x1A000] =	vst v63  }
0x16f: {  	s8 =	simm.s32 $0x280;
	s29 =	simm.s32 $0x4000  }
0x170: {  	[tilespmem:s29], [sflag:$0x1] =	stream.indirect.gather [hbm4b:s3+s18], $0x10, s8, s18, $0xb8;
	[tilespmem:$0x1A000] =	vst v63  }
0x171: {  	s8 =	simm.s32 $0x300;
	s29 =	simm.s32 $0x4800  }
0x172: {  	[tilespmem:s29], [sflag:$0x1] =	stream.indirect.gather [hbm4b:s3+s18], $0x10, s8, s18, $0xb8;
	[tilespmem:$0x1A000] =	vst v63  }
0x173: {  	s8 =	simm.s32 $0x380;
	s29 =	simm.s32 $0x5000  }
0x174: {  	[tilespmem:s29], [sflag:$0x1] =	stream.indirect.gather [hbm4b:s3+s18], $0x10, s8, s18, $0xb8;
	[tilespmem:$0x1A000] =	vst v63  }
0x175: {  	s8 =	simm.s32 $0x400;
	s29 =	simm.s32 $0x5800  }
0x176: {  	[tilespmem:s29], [sflag:$0x1] =	stream.indirect.gather [hbm4b:s3+s18], $0x10, s8, s18, $0xb8;
	[tilespmem:$0x1A000] =	vst v63  }
0x177: {  	s8 =	simm.s32 $0x480;
	s29 =	simm.s32 $0x6000  }
0x178: {  	[tilespmem:s29], [sflag:$0x1] =	stream.indirect.gather [hbm4b:s3+s18], $0x10, s8, s18, $0xb8;
	[tilespmem:$0x1A000] =	vst v63  }
0x179: {  	s8 =	simm.s32 $0x500;
	s29 =	simm.s32 $0x6800  }
0x17a: {  	[tilespmem:s29], [sflag:$0x1] =	stream.indirect.gather [hbm4b:s3+s18], $0x10, s8, s18, $0xb8;
	[tilespmem:$0x1A000] =	vst v63  }
0x17b: {  	s8 =	simm.s32 $0x580;
	s29 =	simm.s32 $0x7000  }
0x17c: {  	[tilespmem:s29], [sflag:$0x1] =	stream.indirect.gather [hbm4b:s3+s18], $0x10, s8, s18, $0xb8;
	[tilespmem:$0x1A000] =	vst v63  }
0x17d: {  	s8 =	simm.s32 $0x600;
	s29 =	simm.s32 $0x7800  }
0x17e: {  	[tilespmem:s29], [sflag:$0x1] =	stream.indirect.gather [hbm4b:s3+s18], $0x10, s8, s18, $0xb8;
	[tilespmem:$0x1A000] =	vst v63  }
0x17f: {  	s8 =	simm.s32 $0x680;
	s29 =	simm.s32 $0x8000  }
0x180: {  	[tilespmem:s29], [sflag:$0x1] =	stream.indirect.gather [hbm4b:s3+s18], $0x10, s8, s18, $0xb8;
	[tilespmem:$0x1A000] =	vst v63  }
0x181: {  	s8 =	simm.s32 $0x700;
	s29 =	simm.s32 $0x8800  }
0x182: {  	[tilespmem:s29], [sflag:$0x1] =	stream.indirect.gather [hbm4b:s3+s18], $0x10, s8, s18, $0xb8;
	[tilespmem:$0x1A000] =	vst v63  }
0x183: {  	s8 =	simm.s32 $0x780;
	s29 =	simm.s32 $0x9000  }
0x184: {  	[tilespmem:s29], [sflag:$0x1] =	stream.indirect.gather [hbm4b:s3+s18], $0x10, s8, s18, $0xb8;
	[tilespmem:$0x1A000] =	vst v63  }
0x185: {  	s8 =	simm.s32 $0x800;
	s29 =	simm.s32 $0x9800  }
0x186: {  	[tilespmem:s29], [sflag:$0x1] =	stream.indirect.gather [hbm4b:s3+s18], $0x10, s8, s18, $0xb8;
	[tilespmem:$0x1A000] =	vst v63  }
0x187: {  	s8 =	simm.s32 $0x880;
	s29 =	simm.s32 $0xA000  }
0x188: {  	[tilespmem:s29], [sflag:$0x1] =	stream.indirect.gather [hbm4b:s3+s18], $0x10, s8, s18, $0xb8;
	[tilespmem:$0x1A000] =	vst v63  }
0x189: {  	s8 =	simm.s32 $0x900;
	s29 =	simm.s32 $0xA800  }
0x18a: {  	[tilespmem:s29], [sflag:$0x1] =	stream.indirect.gather [hbm4b:s3+s18], $0x10, s8, s18, $0xb8;
	[tilespmem:$0x1A000] =	vst v63  }
0x18b: {  	s8 =	simm.s32 $0x980;
	s29 =	simm.s32 $0xB000  }
0x18c: {  	[tilespmem:s29], [sflag:$0x1] =	stream.indirect.gather [hbm4b:s3+s18], $0x10, s8, s18, $0xb8;
	[tilespmem:$0x1A000] =	vst v63  }
0x18d: {  	s8 =	simm.s32 $0xA00;
	s29 =	simm.s32 $0xB800  }
0x18e: {  	[tilespmem:s29], [sflag:$0x1] =	stream.indirect.gather [hbm4b:s3+s18], $0x10, s8, s18, $0xb8;
	[tilespmem:$0x1A000] =	vst v63  }
0x18f: {  	s8 =	simm.s32 $0xA80;
	s29 =	simm.s32 $0xC000  }
0x190: {  	[tilespmem:s29], [sflag:$0x1] =	stream.indirect.gather [hbm4b:s3+s18], $0x10, s8, s18, $0xb8;
	[tilespmem:$0x1A000] =	vst v63  }
0x191: {  	s8 =	simm.s32 $0xB00;
	s29 =	simm.s32 $0xC800  }
0x192: {  	[tilespmem:s29], [sflag:$0x1] =	stream.indirect.gather [hbm4b:s3+s18], $0x10, s8, s18, $0xb8;
	[tilespmem:$0x1A000] =	vst v63  }
0x193: {  	s8 =	simm.s32 $0xB80;
	s29 =	simm.s32 $0xD000  }
0x194: {  	[tilespmem:s29], [sflag:$0x1] =	stream.indirect.gather [hbm4b:s3+s18], $0x10, s8, s18, $0xb8;
	[tilespmem:$0x1A000] =	vst v63  }
0x195: {  	_ =	swait.ge [sflag:s26], $0x800  }
0x196: {  	[sflag:s26] =	ssyncset.done $0x0  }
0x197: {  	[sflag:s26] =	ssyncadd.s32 $0xFFFFF800  }
0x198: {  	_ =	swait.ge [sflag:s26], $0x800  }
0x199: {  	[sflag:s26] =	ssyncset.done $0x0  }
0x19a: {  	[sflag:s26] =	ssyncadd.s32 $0xFFFFF800  }
0x19b: {  	_ =	swait.ge [sflag:s26], $0x800  }
0x19c: {  	[sflag:s26] =	ssyncset.done $0x0  }
0x19d: {  	[sflag:s26] =	ssyncadd.s32 $0xFFFFF800  }
0x19e: {  	_ =	swait.ge [sflag:s26], $0x800  }
0x19f: {  	[sflag:s26] =	ssyncset.done $0x0  }
0x1a0: {  	[sflag:s26] =	ssyncadd.s32 $0xFFFFF800  }
0x1a1: {  	_ =	swait.ge [sflag:s26], $0x800  }
0x1a2: {  	[sflag:s26] =	ssyncset.done $0x0  }
0x1a3: {  	[sflag:s26] =	ssyncadd.s32 $0xFFFFF800  }
0x1a4: {  	_ =	swait.ge [sflag:s26], $0x800  }
0x1a5: {  	[sflag:s26] =	ssyncset.done $0x0  }
0x1a6: {  	[sflag:s26] =	ssyncadd.s32 $0xFFFFF800  }
0x1a7: {  	_ =	swait.ge [sflag:s26], $0x800  }
0x1a8: {  	[sflag:s26] =	ssyncset.done $0x0  }
0x1a9: {  	[sflag:s26] =	ssyncadd.s32 $0xFFFFF800  }
0x1aa: {  	_ =	swait.ge [sflag:s26], $0x800  }
0x1ab: {  	[sflag:s26] =	ssyncset.done $0x0  }
0x1ac: {  	[sflag:s26] =	ssyncadd.s32 $0xFFFFF800  }
0x1ad: {  	_ =	swait.ge [sflag:s26], $0x800  }
0x1ae: {  	[sflag:s26] =	ssyncset.done $0x0  }
0x1af: {  	[sflag:s26] =	ssyncadd.s32 $0xFFFFF800  }
0x1b0: {  	_ =	swait.ge [sflag:s26], $0x800  }
0x1b1: {  	[sflag:s26] =	ssyncset.done $0x0  }
0x1b2: {  	[sflag:s26] =	ssyncadd.s32 $0xFFFFF800  }
0x1b3: {  	_ =	swait.ge [sflag:s26], $0x800  }
0x1b4: {  	[sflag:s26] =	ssyncset.done $0x0  }
0x1b5: {  	[sflag:s26] =	ssyncadd.s32 $0xFFFFF800  }
0x1b6: {  	_ =	swait.ge [sflag:s26], $0x800  }
0x1b7: {  	[sflag:s26] =	ssyncset.done $0x0  }
0x1b8: {  	[sflag:s26] =	ssyncadd.s32 $0xFFFFF800  }
0x1b9: {  	_ =	swait.ge [sflag:s26], $0x800  }
0x1ba: {  	[sflag:s26] =	ssyncset.done $0x0  }
0x1bb: {  	[sflag:s26] =	ssyncadd.s32 $0xFFFFF800  }
0x1bc: {  	_ =	swait.ge [sflag:s26], $0x800  }
0x1bd: {  	[sflag:s26] =	ssyncset.done $0x0  }
0x1be: {  	[sflag:s26] =	ssyncadd.s32 $0xFFFFF800  }
0x1bf: {  	_ =	swait.ge [sflag:s26], $0x800  }
0x1c0: {  	[sflag:s26] =	ssyncset.done $0x0  }
0x1c1: {  	[sflag:s26] =	ssyncadd.s32 $0xFFFFF800  }
0x1c2: {  	_ =	swait.ge [sflag:s26], $0x800  }
0x1c3: {  	[sflag:s26] =	ssyncset.done $0x0  }
0x1c4: {  	[sflag:s26] =	ssyncadd.s32 $0xFFFFF800  }
0x1c5: {  	_ =	swait.ge [sflag:s26], $0x800  }
0x1c6: {  	[sflag:s26] =	ssyncset.done $0x0  }
0x1c7: {  	[sflag:s26] =	ssyncadd.s32 $0xFFFFF800  }
0x1c8: {  	_ =	swait.ge [sflag:s26], $0x800  }
0x1c9: {  	[sflag:s26] =	ssyncset.done $0x0  }
0x1ca: {  	[sflag:s26] =	ssyncadd.s32 $0xFFFFF800  }
0x1cb: {  	_ =	swait.ge [sflag:s26], $0x800  }
0x1cc: {  	[sflag:s26] =	ssyncset.done $0x0  }
0x1cd: {  	[sflag:s26] =	ssyncadd.s32 $0xFFFFF800  }
0x1ce: {  	_ =	swait.ge [sflag:s26], $0x800  }
0x1cf: {  	[sflag:s26] =	ssyncset.done $0x0  }
0x1d0: {  	[sflag:s26] =	ssyncadd.s32 $0xFFFFF800  }
0x1d1: {  	_ =	swait.ge [sflag:s26], $0x800  }
0x1d2: {  	[sflag:s26] =	ssyncset.done $0x0  }
0x1d3: {  	[sflag:s26] =	ssyncadd.s32 $0xFFFFF800  }
0x1d4: {  	_ =	swait.ge [sflag:s26], $0x800  }
0x1d5: {  	[sflag:s26] =	ssyncset.done $0x0  }
0x1d6: {  	[sflag:s26] =	ssyncadd.s32 $0xFFFFF800  }
0x1d7: {  	_ =	swait.ge [sflag:s26], $0x800  }
0x1d8: {  	[sflag:s26] =	ssyncset.done $0x0  }
0x1d9: {  	[sflag:s26] =	ssyncadd.s32 $0xFFFFF800  }
0x1da: {  	_ =	swait.ge [sflag:s26], $0x800  }
0x1db: {  	[sflag:s26] =	ssyncset.done $0x0  }
0x1dc: {  	s8 =	rddreg [dreg:$0x8];
	[sflag:s26] =	ssyncadd.s32 $0xFFFFF800  }
0x1dd: {  	[tilespmem:s15], [sflag:$0x3] =	stream.linear.gather [hbm4b:s8+s28], $0x400, $0x38;
	[tilespmem:$0x1A000] =	vst v63  }
0x1de: {  	_ =	swait.ge [sflag:s17], $0x400  }
0x1df: {  	[sflag:s17] =	ssyncset.done $0x0  }
0x1e0: {  	s28 =	simm.s32 $0x0;
	[sflag:s17] =	ssyncadd.s32 $0xFFFFFC00  }
0x1e1: {  	v1 =	vld [tilespmem:s28+$0x19800];
	_ =	sdelay $0x4  }
0x1e2: {  	v2 =	vadd.s32 $0x1, v1;
	_ =	sdelay $0x1  }
0x1e3: {  	v3 =	vadd.s32 $0x2, v1;
	_ =	sdelay $0x1  }
0x1e4: {  	v4 =	vadd.s32 $0x3, v1;
	v5 =	vld.idx.msk [tilespmem:v1+s16+$0x0], $0xffff  }
0x1e5: {  	v2 =	vld.idx.msk [tilespmem:v2+s16+$0x0], $0xffff  }
0x1e6: {  	v6 =	vadd.s32 $0x4, v1  }
0x1e7: {  	v3 =	vld.idx.msk [tilespmem:v3+s16+$0x0], $0xffff  }
0x1e8: {  	v7 =	vadd.s32 $0x5, v1  }
0x1e9: {  	v4 =	vld.idx.msk [tilespmem:v4+s16+$0x0], $0xffff  }
0x1ea: {  	v59 =	vadd.s32 $0x6, v1;
	v2 =	vadd.f32 v2, v5  }
0x1eb: {  	v5 =	vld.idx.msk [tilespmem:v6+s16+$0x0], $0xffff  }
0x1ec: {  	v6 =	vadd.s32 $0x7, v1;
	v2 =	vadd.f32 v3, v2  }
0x1ed: {  	v3 =	vld.idx.msk [tilespmem:v7+s16+$0x0], $0xffff  }
0x1ee: {  	v7 =	vadd.s32 $0x8, v1;
	v2 =	vadd.f32 v4, v2  }
0x1ef: {  	v4 =	vld.idx.msk [tilespmem:v59+s16+$0x0], $0xffff  }
0x1f0: {  	v60 =	vadd.s32 $0x9, v1;
	v2 =	vadd.f32 v5, v2  }
0x1f1: {  	v5 =	vld.idx.msk [tilespmem:v6+s16+$0x0], $0xffff  }
0x1f2: {  	v6 =	vadd.s32 $0xA, v1;
	v2 =	vadd.f32 v3, v2  }
0x1f3: {  	v3 =	vld.idx.msk [tilespmem:v7+s16+$0x0], $0xffff  }
0x1f4: {  	v7 =	vadd.s32 $0xB, v1;
	v2 =	vadd.f32 v4, v2  }
0x1f5: {  	v4 =	vld.idx.msk [tilespmem:v60+s16+$0x0], $0xffff  }
0x1f6: {  	v61 =	vadd.s32 $0xC, v1;
	v2 =	vadd.f32 v5, v2  }
0x1f7: {  	v5 =	vld.idx.msk [tilespmem:v6+s16+$0x0], $0xffff  }
0x1f8: {  	v6 =	vadd.s32 $0xD, v1;
	v2 =	vadd.f32 v3, v2  }
0x1f9: {  	v3 =	vld.idx.msk [tilespmem:v7+s16+$0x0], $0xffff  }
0x1fa: {  	v7 =	vadd.s32 $0xE, v1;
	v2 =	vadd.f32 v4, v2  }
0x1fb: {  	v4 =	vld.idx.msk [tilespmem:v61+s16+$0x0], $0xffff  }
0x1fc: {  	v62 =	vadd.s32 $0xF, v1;
	v2 =	vadd.f32 v5, v2  }
0x1fd: {  	v5 =	vld.idx.msk [tilespmem:v6+s16+$0x0], $0xffff  }
0x1fe: {  	v6 =	vadd.s32 $0x10, v1;
	v2 =	vadd.f32 v3, v2  }
0x1ff: {  	v3 =	vld.idx.msk [tilespmem:v7+s16+$0x0], $0xffff  }
0x200: {  	v7 =	vadd.s32 $0x11, v1;
	v2 =	vadd.f32 v4, v2  }
0x201: {  	v4 =	vld.idx.msk [tilespmem:v62+s16+$0x0], $0xffff  }
0x202: {  	v63 =	vadd.s32 $0x12, v1;
	v2 =	vadd.f32 v5, v2  }
0x203: {  	v5 =	vld.idx.msk [tilespmem:v6+s16+$0x0], $0xffff  }
0x204: {  	v6 =	vadd.s32 $0x13, v1;
	v2 =	vadd.f32 v3, v2  }
0x205: {  	v1 =	vadd.s32 $0x14, v1;
	v7 =	vld.idx.msk [tilespmem:v7+s16+$0x0], $0xffff  }
0x206: {  	v3 =	vadd.f32 v4, v2  }
0x207: {  	v2 =	vld.idx.msk [tilespmem:v63+s16+$0x0], $0xffff  }
0x208: {  	v5 =	vadd.f32 v5, v3  }
0x209: {  	v3 =	vld.idx.msk [tilespmem:v6+s16+$0x0], $0xffff  }
0x20a: {  	s8 =	simm.s32 $0x10;
	v4 =	vld.idx.msk [tilespmem:v1+s16+$0x0], $0xffff;
	v5 =	vadd.f32 v7, v5  }
0x20b: {  	s29 =	simm.s32 $0x80;
	v1 =	vld [tilespmem:s8+$0x19800]  }
.LBB2_4:
0x20c: {  	p0 =	sne.s32 s29, $0xFC0;
	v2 =	vadd.f32 v2, v5;
	_ =	sdelay $0x1  }
0x20d: {  	v2 =	vadd.f32 v3, v2;
	_ =	sdelay $0x1  }
0x20e: {  	v3 =	vadd.s32 $0x1, v1;
	v2 =	vadd.f32 v4, v2;
	_ =	sdelay $0x1  }
0x20f: {  	vm0 =	vgt.f32 v2, $0.0e+00  }
0x210: {  	v2 =	vadd.s32 $0x2, v1;
	v4 =	vsel vm0, $0x3F800000, v0  }
0x211: {  	[tilespmem:s28+$0x19C00] =	vst v4;
	s28 =	smov.u32 s8  }
0x212: {  	v4 =	vadd.s32 $0x3, v1;
	v3 =	vld.idx.msk [tilespmem:v3+s16+$0x0], $0xffff  }
0x213: {  	v5 =	vld.idx.msk [tilespmem:v1+s16+$0x0], $0xffff  }
0x214: {  	v6 =	vadd.s32 $0x4, v1  }
0x215: {  	v2 =	vld.idx.msk [tilespmem:v2+s16+$0x0], $0xffff  }
0x216: {  	v7 =	vadd.s32 $0x5, v1  }
0x217: {  	v4 =	vld.idx.msk [tilespmem:v4+s16+$0x0], $0xffff  }
0x218: {  	v8 =	vadd.s32 $0x6, v1  }
0x219: {  	v3 =	vadd.f32 v3, v5;
	v5 =	vld.idx.msk [tilespmem:v6+s16+$0x0], $0xffff  }
0x21a: {  	v6 =	vadd.s32 $0x7, v1  }
0x21b: {  	v2 =	vadd.f32 v2, v3;
	v3 =	vld.idx.msk [tilespmem:v7+s16+$0x0], $0xffff  }
0x21c: {  	v7 =	vadd.s32 $0x8, v1  }
0x21d: {  	v2 =	vadd.f32 v4, v2;
	v4 =	vld.idx.msk [tilespmem:v8+s16+$0x0], $0xffff  }
0x21e: {  	v8 =	vadd.s32 $0x9, v1  }
0x21f: {  	v2 =	vadd.f32 v5, v2;
	v5 =	vld.idx.msk [tilespmem:v6+s16+$0x0], $0xffff  }
0x220: {  	v6 =	vadd.s32 $0xA, v1  }
0x221: {  	v2 =	vadd.f32 v3, v2;
	v3 =	vld.idx.msk [tilespmem:v7+s16+$0x0], $0xffff  }
0x222: {  	v7 =	vadd.s32 $0xB, v1  }
0x223: {  	v2 =	vadd.f32 v4, v2;
	v4 =	vld.idx.msk [tilespmem:v8+s16+$0x0], $0xffff  }
0x224: {  	v8 =	vadd.s32 $0xC, v1  }
0x225: {  	v2 =	vadd.f32 v5, v2;
	v5 =	vld.idx.msk [tilespmem:v6+s16+$0x0], $0xffff  }
0x226: {  	v6 =	vadd.s32 $0xD, v1  }
0x227: {  	v2 =	vadd.f32 v3, v2;
	v3 =	vld.idx.msk [tilespmem:v7+s16+$0x0], $0xffff  }
0x228: {  	v7 =	vadd.s32 $0xE, v1  }
0x229: {  	v2 =	vadd.f32 v4, v2;
	v4 =	vld.idx.msk [tilespmem:v8+s16+$0x0], $0xffff  }
0x22a: {  	v8 =	vadd.s32 $0xF, v1  }
0x22b: {  	v2 =	vadd.f32 v5, v2;
	v5 =	vld.idx.msk [tilespmem:v6+s16+$0x0], $0xffff  }
0x22c: {  	v6 =	vadd.s32 $0x10, v1  }
0x22d: {  	v2 =	vadd.f32 v3, v2;
	v3 =	vld.idx.msk [tilespmem:v7+s16+$0x0], $0xffff  }
0x22e: {  	v7 =	vadd.s32 $0x11, v1  }
0x22f: {  	v2 =	vadd.f32 v4, v2;
	v4 =	vld.idx.msk [tilespmem:v8+s16+$0x0], $0xffff  }
0x230: {  	v8 =	vadd.s32 $0x12, v1  }
0x231: {  	v2 =	vadd.f32 v5, v2;
	v5 =	vld.idx.msk [tilespmem:v6+s16+$0x0], $0xffff  }
0x232: {  	v6 =	vadd.s32 $0x13, v1  }
0x233: {  	v2 =	vadd.f32 v3, v2;
	v7 =	vld.idx.msk [tilespmem:v7+s16+$0x0], $0xffff  }
0x234: {  	v1 =	vadd.s32 $0x14, v1  }
0x235: {  	v3 =	vadd.f32 v4, v2;
	v2 =	vld.idx.msk [tilespmem:v8+s16+$0x0], $0xffff  }
.Ltmp1:
0x236: {  	(pc) =	sbr.rel @p0 .LBB2_4-.Ltmp1, $3  }
0x237: {  	v4 =	vadd.f32 v5, v3;
	v3 =	vld.idx.msk [tilespmem:v6+s16+$0x0], $0xffff;
	_ =	sdelay $0x1  }
0x238: {  	s8 =	sshra.s32 s29, $0x2;
	v5 =	vadd.f32 v7, v4;
	v4 =	vld.idx.msk [tilespmem:v1+s16+$0x0], $0xffff  }
0x239: {  	s29 =	sadd.s32 $0x40, s29;
	v1 =	vld [tilespmem:s8+$0x19800]  }
0x23a: {  	v2 =	vadd.f32 v2, v5;
	_ =	sdelay $0x1  }
0x23b: {  	v2 =	vadd.f32 v3, v2;
	_ =	sdelay $0x1  }
0x23c: {  	v3 =	vadd.s32 $0x1, v1;
	v2 =	vadd.f32 v4, v2;
	_ =	sdelay $0x1  }
0x23d: {  	vm0 =	vgt.f32 v2, $0.0e+00  }
0x23e: {  	v2 =	vadd.s32 $0x2, v1;
	v4 =	vsel vm0, $0x3F800000, v0  }
0x23f: {  	[tilespmem:s28+$0x19C00] =	vst v4  }
0x240: {  	v4 =	vadd.s32 $0x3, v1;
	v3 =	vld.idx.msk [tilespmem:v3+s16+$0x0], $0xffff  }
0x241: {  	v5 =	vld.idx.msk [tilespmem:v1+s16+$0x0], $0xffff  }
0x242: {  	v6 =	vadd.s32 $0x4, v1  }
0x243: {  	v2 =	vld.idx.msk [tilespmem:v2+s16+$0x0], $0xffff  }
0x244: {  	v7 =	vadd.s32 $0x5, v1  }
0x245: {  	v4 =	vld.idx.msk [tilespmem:v4+s16+$0x0], $0xffff  }
0x246: {  	v8 =	vadd.s32 $0x6, v1;
	v3 =	vadd.f32 v3, v5  }
0x247: {  	v5 =	vld.idx.msk [tilespmem:v6+s16+$0x0], $0xffff  }
0x248: {  	v6 =	vadd.s32 $0x7, v1;
	v2 =	vadd.f32 v2, v3  }
0x249: {  	v3 =	vld.idx.msk [tilespmem:v7+s16+$0x0], $0xffff  }
0x24a: {  	v7 =	vadd.s32 $0x8, v1;
	v2 =	vadd.f32 v4, v2  }
0x24b: {  	v4 =	vld.idx.msk [tilespmem:v8+s16+$0x0], $0xffff  }
0x24c: {  	v55 =	vadd.s32 $0x9, v1;
	v2 =	vadd.f32 v5, v2  }
0x24d: {  	v5 =	vld.idx.msk [tilespmem:v6+s16+$0x0], $0xffff  }
0x24e: {  	v6 =	vadd.s32 $0xA, v1;
	v2 =	vadd.f32 v3, v2  }
0x24f: {  	v3 =	vld.idx.msk [tilespmem:v7+s16+$0x0], $0xffff  }
0x250: {  	v7 =	vadd.s32 $0xB, v1;
	v2 =	vadd.f32 v4, v2  }
0x251: {  	v4 =	vld.idx.msk [tilespmem:v55+s16+$0x0], $0xffff  }
0x252: {  	v56 =	vadd.s32 $0xC, v1;
	v2 =	vadd.f32 v5, v2  }
0x253: {  	v5 =	vld.idx.msk [tilespmem:v6+s16+$0x0], $0xffff  }
0x254: {  	v6 =	vadd.s32 $0xD, v1;
	v2 =	vadd.f32 v3, v2  }
0x255: {  	v3 =	vld.idx.msk [tilespmem:v7+s16+$0x0], $0xffff  }
0x256: {  	v7 =	vadd.s32 $0xE, v1;
	v2 =	vadd.f32 v4, v2  }
0x257: {  	v4 =	vld.idx.msk [tilespmem:v56+s16+$0x0], $0xffff  }
0x258: {  	v57 =	vadd.s32 $0xF, v1;
	v2 =	vadd.f32 v5, v2  }
0x259: {  	v5 =	vld.idx.msk [tilespmem:v6+s16+$0x0], $0xffff  }
0x25a: {  	v6 =	vadd.s32 $0x10, v1;
	v2 =	vadd.f32 v3, v2  }
0x25b: {  	v3 =	vld.idx.msk [tilespmem:v7+s16+$0x0], $0xffff  }
0x25c: {  	v7 =	vadd.s32 $0x11, v1;
	v2 =	vadd.f32 v4, v2  }
0x25d: {  	v4 =	vld.idx.msk [tilespmem:v57+s16+$0x0], $0xffff  }
0x25e: {  	v58 =	vadd.s32 $0x12, v1;
	v2 =	vadd.f32 v5, v2  }
0x25f: {  	v5 =	vld.idx.msk [tilespmem:v6+s16+$0x0], $0xffff  }
0x260: {  	v6 =	vadd.s32 $0x13, v1;
	v2 =	vadd.f32 v3, v2  }
0x261: {  	v3 =	vld.idx.msk [tilespmem:v7+s16+$0x0], $0xffff  }
0x262: {  	v1 =	vadd.s32 $0x14, v1;
	v2 =	vadd.f32 v4, v2  }
0x263: {  	v4 =	vld.idx.msk [tilespmem:v58+s16+$0x0], $0xffff  }
0x264: {  	v2 =	vadd.f32 v5, v2  }
0x265: {  	v5 =	vld.idx.msk [tilespmem:v6+s16+$0x0], $0xffff  }
0x266: {  	v2 =	vadd.f32 v3, v2  }
0x267: {  	v1 =	vld.idx.msk [tilespmem:v1+s16+$0x0], $0xffff  }
0x268: {  	v2 =	vadd.f32 v4, v2;
	_ =	sdelay $0x1  }
0x269: {  	v2 =	vadd.f32 v5, v2;
	_ =	sdelay $0x1  }
0x26a: {  	v1 =	vadd.f32 v1, v2;
	_ =	sdelay $0x1  }
0x26b: {  	vm15 =	vgt.f32 v1, $0.0e+00  }
0x26c: {  	v1 =	vsel vm15, $0x3F800000, v0  }
0x26d: {  	s28 =	simm.s32 $0x0;
	[tilespmem:s8+$0x19C00] =	vst v1;
	s8 =	rddreg [dreg:$0x9]  }
0x26e: {  	[hbm4b:s8+s28] =	stream.linear.scatter [tilespmem:s6], [sflag:$0x3], $0x400, $0x38;
	[tilespmem:$0x1A000] =	vst v63  }
0x26f: {  	_ =	swait.ge [sflag:s17], $0x400  }
0x270: {  	[sflag:s17] =	ssyncset.done $0x0  }
0x271: {  	s8 =	rddreg [dreg:$0xa];
	[sflag:s17] =	ssyncadd.s32 $0xFFFFFC00  }
0x272: {  	[tilespmem:s25], [sflag:$0x3] =	stream.linear.gather [hbm4b:s8+s28], $0xC00, $0x38;
	[tilespmem:$0x1A000] =	vst v63  }
0x273: {  	_ =	swait.ge [sflag:s17], $0xC00  }
0x274: {  	[sflag:s17] =	ssyncset.done $0x0  }
0x275: {  	[sflag:s17] =	ssyncadd.s32 $0xFFFFF400  }
0x276: {  	[tilespmem:s16], [sflag:$0x2] =	stream.indirect.gather [hbm4b:s3+s18], $0x10, s25, s18, $0xb8;
	[tilespmem:$0x1A000] =	vst v63  }
0x277: {  	s29 =	simm.s32 $0xE000;
	s8 =	simm.s32 $0xC80  }
0x278: {  	[tilespmem:s29], [sflag:$0x2] =	stream.indirect.gather [hbm4b:s3+s18], $0x10, s8, s18, $0xb8;
	[tilespmem:$0x1A000] =	vst v63  }
0x279: {  	s8 =	simm.s32 $0xD00;
	s29 =	simm.s32 $0xE800  }
0x27a: {  	[tilespmem:s29], [sflag:$0x2] =	stream.indirect.gather [hbm4b:s3+s18], $0x10, s8, s18, $0xb8;
	[tilespmem:$0x1A000] =	vst v63  }
0x27b: {  	s8 =	simm.s32 $0xD80;
	s29 =	simm.s32 $0xF000  }
0x27c: {  	[tilespmem:s29], [sflag:$0x2] =	stream.indirect.gather [hbm4b:s3+s18], $0x10, s8, s18, $0xb8;
	[tilespmem:$0x1A000] =	vst v63  }
0x27d: {  	s8 =	simm.s32 $0xE00;
	s29 =	simm.s32 $0xF800  }
0x27e: {  	[tilespmem:s29], [sflag:$0x2] =	stream.indirect.gather [hbm4b:s3+s18], $0x10, s8, s18, $0xb8;
	[tilespmem:$0x1A000] =	vst v63  }
0x27f: {  	s8 =	simm.s32 $0xE80;
	s29 =	simm.s32 $0x10000  }
0x280: {  	[tilespmem:s29], [sflag:$0x2] =	stream.indirect.gather [hbm4b:s3+s18], $0x10, s8, s18, $0xb8;
	[tilespmem:$0x1A000] =	vst v63  }
0x281: {  	s8 =	simm.s32 $0xF00;
	s29 =	simm.s32 $0x10800  }
0x282: {  	[tilespmem:s29], [sflag:$0x2] =	stream.indirect.gather [hbm4b:s3+s18], $0x10, s8, s18, $0xb8;
	[tilespmem:$0x1A000] =	vst v63  }
0x283: {  	s8 =	simm.s32 $0xF80;
	s29 =	simm.s32 $0x11000  }
0x284: {  	[tilespmem:s29], [sflag:$0x2] =	stream.indirect.gather [hbm4b:s3+s18], $0x10, s8, s18, $0xb8;
	[tilespmem:$0x1A000] =	vst v63  }
0x285: {  	s8 =	simm.s32 $0x1000;
	s29 =	simm.s32 $0x11800  }
0x286: {  	[tilespmem:s29], [sflag:$0x2] =	stream.indirect.gather [hbm4b:s3+s18], $0x10, s8, s18, $0xb8;
	[tilespmem:$0x1A000] =	vst v63  }
0x287: {  	s8 =	simm.s32 $0x1080;
	s29 =	simm.s32 $0x12000  }
0x288: {  	[tilespmem:s29], [sflag:$0x2] =	stream.indirect.gather [hbm4b:s3+s18], $0x10, s8, s18, $0xb8;
	[tilespmem:$0x1A000] =	vst v63  }
0x289: {  	s8 =	simm.s32 $0x1100;
	s29 =	simm.s32 $0x12800  }
0x28a: {  	[tilespmem:s29], [sflag:$0x2] =	stream.indirect.gather [hbm4b:s3+s18], $0x10, s8, s18, $0xb8;
	[tilespmem:$0x1A000] =	vst v63  }
0x28b: {  	s8 =	simm.s32 $0x1180;
	s29 =	simm.s32 $0x13000  }
0x28c: {  	[tilespmem:s29], [sflag:$0x2] =	stream.indirect.gather [hbm4b:s3+s18], $0x10, s8, s18, $0xb8;
	[tilespmem:$0x1A000] =	vst v63  }
0x28d: {  	s8 =	simm.s32 $0x1200;
	s29 =	simm.s32 $0x13800  }
0x28e: {  	[tilespmem:s29], [sflag:$0x2] =	stream.indirect.gather [hbm4b:s3+s18], $0x10, s8, s18, $0xb8;
	[tilespmem:$0x1A000] =	vst v63  }
0x28f: {  	s8 =	simm.s32 $0x1280;
	s29 =	simm.s32 $0x14000  }
0x290: {  	[tilespmem:s29], [sflag:$0x2] =	stream.indirect.gather [hbm4b:s3+s18], $0x10, s8, s18, $0xb8;
	[tilespmem:$0x1A000] =	vst v63  }
0x291: {  	s8 =	simm.s32 $0x1300;
	s29 =	simm.s32 $0x14800  }
0x292: {  	[tilespmem:s29], [sflag:$0x2] =	stream.indirect.gather [hbm4b:s3+s18], $0x10, s8, s18, $0xb8;
	[tilespmem:$0x1A000] =	vst v63  }
0x293: {  	s8 =	simm.s32 $0x1380;
	s29 =	simm.s32 $0x15000  }
0x294: {  	[tilespmem:s29], [sflag:$0x2] =	stream.indirect.gather [hbm4b:s3+s18], $0x10, s8, s18, $0xb8;
	[tilespmem:$0x1A000] =	vst v63  }
0x295: {  	_ = 	snop  }
0x296: {  	[tilespmem:s31], [sflag:$0x2] =	stream.indirect.gather [hbm4b:s3+s18], $0x10, s30, s18, $0xb8;
	[tilespmem:$0x1A000] =	vst v63  }
0x297: {  	_ = 	snop  }
0x298: {  	[tilespmem:s9], [sflag:$0x2] =	stream.indirect.gather [hbm4b:s3+s18], $0x10, s0, s18, $0xb8;
	[tilespmem:$0x1A000] =	vst v63  }
0x299: {  	_ = 	snop  }
0x29a: {  	[tilespmem:s10], [sflag:$0x2] =	stream.indirect.gather [hbm4b:s3+s18], $0x10, s1, s18, $0xb8;
	[tilespmem:$0x1A000] =	vst v63  }
0x29b: {  	_ = 	snop  }
0x29c: {  	[tilespmem:s4], [sflag:$0x2] =	stream.indirect.gather [hbm4b:s3+s18], $0x10, s20, s18, $0xb8;
	[tilespmem:$0x1A000] =	vst v63  }
0x29d: {  	_ = 	snop  }
0x29e: {  	[tilespmem:s21], [sflag:$0x2] =	stream.indirect.gather [hbm4b:s3+s18], $0x10, s11, s18, $0xb8;
	[tilespmem:$0x1A000] =	vst v63  }
0x29f: {  	_ = 	snop  }
0x2a0: {  	[tilespmem:s22], [sflag:$0x2] =	stream.indirect.gather [hbm4b:s3+s18], $0x10, s12, s18, $0xb8;
	[tilespmem:$0x1A000] =	vst v63  }
0x2a1: {  	_ = 	snop  }
0x2a2: {  	[tilespmem:s13], [sflag:$0x2] =	stream.indirect.gather [hbm4b:s3+s18], $0x10, s5, s18, $0xb8;
	[tilespmem:$0x1A000] =	vst v63  }
0x2a3: {  	_ = 	snop  }
0x2a4: {  	[tilespmem:s14], [sflag:$0x2] =	stream.indirect.gather [hbm4b:s3+s18], $0x10, s23, s18, $0xb8;
	[tilespmem:$0x1A000] =	vst v63  }
0x2a5: {  	_ =	swait.ge [sflag:s24], $0x800  }
0x2a6: {  	[sflag:s24] =	ssyncset.done $0x0  }
0x2a7: {  	[sflag:s24] =	ssyncadd.s32 $0xFFFFF800  }
0x2a8: {  	_ =	swait.ge [sflag:s24], $0x800  }
0x2a9: {  	[sflag:s24] =	ssyncset.done $0x0  }
0x2aa: {  	[sflag:s24] =	ssyncadd.s32 $0xFFFFF800  }
0x2ab: {  	_ =	swait.ge [sflag:s24], $0x800  }
0x2ac: {  	[sflag:s24] =	ssyncset.done $0x0  }
0x2ad: {  	[sflag:s24] =	ssyncadd.s32 $0xFFFFF800  }
0x2ae: {  	_ =	swait.ge [sflag:s24], $0x800  }
0x2af: {  	[sflag:s24] =	ssyncset.done $0x0  }
0x2b0: {  	[sflag:s24] =	ssyncadd.s32 $0xFFFFF800  }
0x2b1: {  	_ =	swait.ge [sflag:s24], $0x800  }
0x2b2: {  	[sflag:s24] =	ssyncset.done $0x0  }
0x2b3: {  	[sflag:s24] =	ssyncadd.s32 $0xFFFFF800  }
0x2b4: {  	_ =	swait.ge [sflag:s24], $0x800  }
0x2b5: {  	[sflag:s24] =	ssyncset.done $0x0  }
0x2b6: {  	[sflag:s24] =	ssyncadd.s32 $0xFFFFF800  }
0x2b7: {  	_ =	swait.ge [sflag:s24], $0x800  }
0x2b8: {  	[sflag:s24] =	ssyncset.done $0x0  }
0x2b9: {  	[sflag:s24] =	ssyncadd.s32 $0xFFFFF800  }
0x2ba: {  	_ =	swait.ge [sflag:s24], $0x800  }
0x2bb: {  	[sflag:s24] =	ssyncset.done $0x0  }
0x2bc: {  	[sflag:s24] =	ssyncadd.s32 $0xFFFFF800  }
0x2bd: {  	_ =	swait.ge [sflag:s24], $0x800  }
0x2be: {  	[sflag:s24] =	ssyncset.done $0x0  }
0x2bf: {  	[sflag:s24] =	ssyncadd.s32 $0xFFFFF800  }
0x2c0: {  	_ =	swait.ge [sflag:s24], $0x800  }
0x2c1: {  	[sflag:s24] =	ssyncset.done $0x0  }
0x2c2: {  	[sflag:s24] =	ssyncadd.s32 $0xFFFFF800  }
0x2c3: {  	_ =	swait.ge [sflag:s24], $0x800  }
0x2c4: {  	[sflag:s24] =	ssyncset.done $0x0  }
0x2c5: {  	[sflag:s24] =	ssyncadd.s32 $0xFFFFF800  }
0x2c6: {  	_ =	swait.ge [sflag:s24], $0x800  }
0x2c7: {  	[sflag:s24] =	ssyncset.done $0x0  }
0x2c8: {  	[sflag:s24] =	ssyncadd.s32 $0xFFFFF800  }
0x2c9: {  	_ =	swait.ge [sflag:s24], $0x800  }
0x2ca: {  	[sflag:s24] =	ssyncset.done $0x0  }
0x2cb: {  	[sflag:s24] =	ssyncadd.s32 $0xFFFFF800  }
0x2cc: {  	_ =	swait.ge [sflag:s24], $0x800  }
0x2cd: {  	[sflag:s24] =	ssyncset.done $0x0  }
0x2ce: {  	[sflag:s24] =	ssyncadd.s32 $0xFFFFF800  }
0x2cf: {  	_ =	swait.ge [sflag:s24], $0x800  }
0x2d0: {  	[sflag:s24] =	ssyncset.done $0x0  }
0x2d1: {  	[sflag:s24] =	ssyncadd.s32 $0xFFFFF800  }
0x2d2: {  	_ =	swait.ge [sflag:s24], $0x800  }
0x2d3: {  	[sflag:s24] =	ssyncset.done $0x0  }
0x2d4: {  	[sflag:s24] =	ssyncadd.s32 $0xFFFFF800  }
0x2d5: {  	_ =	swait.ge [sflag:s24], $0x800  }
0x2d6: {  	[sflag:s24] =	ssyncset.done $0x0  }
0x2d7: {  	[sflag:s24] =	ssyncadd.s32 $0xFFFFF800  }
0x2d8: {  	_ =	swait.ge [sflag:s24], $0x800  }
0x2d9: {  	[sflag:s24] =	ssyncset.done $0x0  }
0x2da: {  	[sflag:s24] =	ssyncadd.s32 $0xFFFFF800  }
0x2db: {  	_ =	swait.ge [sflag:s24], $0x800  }
0x2dc: {  	[sflag:s24] =	ssyncset.done $0x0  }
0x2dd: {  	[sflag:s24] =	ssyncadd.s32 $0xFFFFF800  }
0x2de: {  	_ =	swait.ge [sflag:s24], $0x800  }
0x2df: {  	[sflag:s24] =	ssyncset.done $0x0  }
0x2e0: {  	[sflag:s24] =	ssyncadd.s32 $0xFFFFF800  }
0x2e1: {  	_ =	swait.ge [sflag:s24], $0x800  }
0x2e2: {  	[sflag:s24] =	ssyncset.done $0x0  }
0x2e3: {  	[sflag:s24] =	ssyncadd.s32 $0xFFFFF800  }
0x2e4: {  	_ =	swait.ge [sflag:s24], $0x800  }
0x2e5: {  	[sflag:s24] =	ssyncset.done $0x0  }
0x2e6: {  	[sflag:s24] =	ssyncadd.s32 $0xFFFFF800  }
0x2e7: {  	_ =	swait.ge [sflag:s24], $0x800  }
0x2e8: {  	[sflag:s24] =	ssyncset.done $0x0  }
0x2e9: {  	[sflag:s24] =	ssyncadd.s32 $0xFFFFF800  }
0x2ea: {  	_ =	swait.ge [sflag:s24], $0x800  }
0x2eb: {  	[sflag:s24] =	ssyncset.done $0x0  }
0x2ec: {  	s8 =	rddreg [dreg:$0xb];
	[sflag:s24] =	ssyncadd.s32 $0xFFFFF800  }
0x2ed: {  	[tilespmem:s15], [sflag:$0x3] =	stream.linear.gather [hbm4b:s8+s28], $0x400, $0x38;
	[tilespmem:$0x1A000] =	vst v63  }
0x2ee: {  	_ =	swait.ge [sflag:s17], $0x400  }
0x2ef: {  	[sflag:s17] =	ssyncset.done $0x0  }
0x2f0: {  	s28 =	simm.s32 $0x0;
	[sflag:s17] =	ssyncadd.s32 $0xFFFFFC00  }
0x2f1: {  	v1 =	vld [tilespmem:s28+$0x19800];
	_ =	sdelay $0x4  }
0x2f2: {  	v2 =	vadd.s32 $0x1, v1;
	_ =	sdelay $0x1  }
0x2f3: {  	v3 =	vadd.s32 $0x2, v1;
	_ =	sdelay $0x1  }
0x2f4: {  	v4 =	vadd.s32 $0x3, v1;
	v5 =	vld.idx.msk [tilespmem:v1+s19+$0x0], $0xffff  }
0x2f5: {  	v2 =	vld.idx.msk [tilespmem:v2+s19+$0x0], $0xffff  }
0x2f6: {  	v6 =	vadd.s32 $0x4, v1  }
0x2f7: {  	v3 =	vld.idx.msk [tilespmem:v3+s19+$0x0], $0xffff  }
0x2f8: {  	v7 =	vadd.s32 $0x5, v1  }
0x2f9: {  	v4 =	vld.idx.msk [tilespmem:v4+s19+$0x0], $0xffff  }
0x2fa: {  	v59 =	vadd.s32 $0x6, v1;
	v2 =	vadd.f32 v2, v5  }
0x2fb: {  	v5 =	vld.idx.msk [tilespmem:v6+s19+$0x0], $0xffff  }
0x2fc: {  	v6 =	vadd.s32 $0x7, v1;
	v2 =	vadd.f32 v3, v2  }
0x2fd: {  	v3 =	vld.idx.msk [tilespmem:v7+s19+$0x0], $0xffff  }
0x2fe: {  	v7 =	vadd.s32 $0x8, v1;
	v2 =	vadd.f32 v4, v2  }
0x2ff: {  	v4 =	vld.idx.msk [tilespmem:v59+s19+$0x0], $0xffff  }
0x300: {  	v60 =	vadd.s32 $0x9, v1;
	v2 =	vadd.f32 v5, v2  }
0x301: {  	v5 =	vld.idx.msk [tilespmem:v6+s19+$0x0], $0xffff  }
0x302: {  	v6 =	vadd.s32 $0xA, v1;
	v2 =	vadd.f32 v3, v2  }
0x303: {  	v3 =	vld.idx.msk [tilespmem:v7+s19+$0x0], $0xffff  }
0x304: {  	v7 =	vadd.s32 $0xB, v1;
	v2 =	vadd.f32 v4, v2  }
0x305: {  	v4 =	vld.idx.msk [tilespmem:v60+s19+$0x0], $0xffff  }
0x306: {  	v61 =	vadd.s32 $0xC, v1;
	v2 =	vadd.f32 v5, v2  }
0x307: {  	v5 =	vld.idx.msk [tilespmem:v6+s19+$0x0], $0xffff  }
0x308: {  	v6 =	vadd.s32 $0xD, v1;
	v2 =	vadd.f32 v3, v2  }
0x309: {  	v3 =	vld.idx.msk [tilespmem:v7+s19+$0x0], $0xffff  }
0x30a: {  	v7 =	vadd.s32 $0xE, v1;
	v2 =	vadd.f32 v4, v2  }
0x30b: {  	v4 =	vld.idx.msk [tilespmem:v61+s19+$0x0], $0xffff  }
0x30c: {  	v62 =	vadd.s32 $0xF, v1;
	v2 =	vadd.f32 v5, v2  }
0x30d: {  	v5 =	vld.idx.msk [tilespmem:v6+s19+$0x0], $0xffff  }
0x30e: {  	v6 =	vadd.s32 $0x10, v1;
	v2 =	vadd.f32 v3, v2  }
0x30f: {  	v3 =	vld.idx.msk [tilespmem:v7+s19+$0x0], $0xffff  }
0x310: {  	v7 =	vadd.s32 $0x11, v1;
	v2 =	vadd.f32 v4, v2  }
0x311: {  	v4 =	vld.idx.msk [tilespmem:v62+s19+$0x0], $0xffff  }
0x312: {  	v63 =	vadd.s32 $0x12, v1;
	v2 =	vadd.f32 v5, v2  }
0x313: {  	v5 =	vld.idx.msk [tilespmem:v6+s19+$0x0], $0xffff  }
0x314: {  	v6 =	vadd.s32 $0x13, v1;
	v2 =	vadd.f32 v3, v2  }
0x315: {  	v1 =	vadd.s32 $0x14, v1;
	v7 =	vld.idx.msk [tilespmem:v7+s19+$0x0], $0xffff  }
0x316: {  	v3 =	vadd.f32 v4, v2  }
0x317: {  	v2 =	vld.idx.msk [tilespmem:v63+s19+$0x0], $0xffff  }
0x318: {  	v5 =	vadd.f32 v5, v3  }
0x319: {  	v3 =	vld.idx.msk [tilespmem:v6+s19+$0x0], $0xffff  }
0x31a: {  	s8 =	simm.s32 $0x10;
	v4 =	vld.idx.msk [tilespmem:v1+s19+$0x0], $0xffff;
	v5 =	vadd.f32 v7, v5  }
0x31b: {  	s29 =	simm.s32 $0x80;
	v1 =	vld [tilespmem:s8+$0x19800]  }
.LBB2_6:
0x31c: {  	p0 =	sne.s32 s29, $0xFC0;
	v2 =	vadd.f32 v2, v5;
	_ =	sdelay $0x1  }
0x31d: {  	v2 =	vadd.f32 v3, v2;
	_ =	sdelay $0x1  }
0x31e: {  	v3 =	vadd.s32 $0x1, v1;
	v2 =	vadd.f32 v4, v2;
	_ =	sdelay $0x1  }
0x31f: {  	vm0 =	vgt.f32 v2, $0.0e+00  }
0x320: {  	v2 =	vadd.s32 $0x2, v1;
	v4 =	vsel vm0, $0x3F800000, v0  }
0x321: {  	[tilespmem:s28+$0x19C00] =	vst v4;
	s28 =	smov.u32 s8  }
0x322: {  	v4 =	vadd.s32 $0x3, v1;
	v3 =	vld.idx.msk [tilespmem:v3+s19+$0x0], $0xffff  }
0x323: {  	v5 =	vld.idx.msk [tilespmem:v1+s19+$0x0], $0xffff  }
0x324: {  	v6 =	vadd.s32 $0x4, v1  }
0x325: {  	v2 =	vld.idx.msk [tilespmem:v2+s19+$0x0], $0xffff  }
0x326: {  	v7 =	vadd.s32 $0x5, v1  }
0x327: {  	v4 =	vld.idx.msk [tilespmem:v4+s19+$0x0], $0xffff  }
0x328: {  	v8 =	vadd.s32 $0x6, v1  }
0x329: {  	v3 =	vadd.f32 v3, v5;
	v5 =	vld.idx.msk [tilespmem:v6+s19+$0x0], $0xffff  }
0x32a: {  	v6 =	vadd.s32 $0x7, v1  }
0x32b: {  	v2 =	vadd.f32 v2, v3;
	v3 =	vld.idx.msk [tilespmem:v7+s19+$0x0], $0xffff  }
0x32c: {  	v7 =	vadd.s32 $0x8, v1  }
0x32d: {  	v2 =	vadd.f32 v4, v2;
	v4 =	vld.idx.msk [tilespmem:v8+s19+$0x0], $0xffff  }
0x32e: {  	v8 =	vadd.s32 $0x9, v1  }
0x32f: {  	v2 =	vadd.f32 v5, v2;
	v5 =	vld.idx.msk [tilespmem:v6+s19+$0x0], $0xffff  }
0x330: {  	v6 =	vadd.s32 $0xA, v1  }
0x331: {  	v2 =	vadd.f32 v3, v2;
	v3 =	vld.idx.msk [tilespmem:v7+s19+$0x0], $0xffff  }
0x332: {  	v7 =	vadd.s32 $0xB, v1  }
0x333: {  	v2 =	vadd.f32 v4, v2;
	v4 =	vld.idx.msk [tilespmem:v8+s19+$0x0], $0xffff  }
0x334: {  	v8 =	vadd.s32 $0xC, v1  }
0x335: {  	v2 =	vadd.f32 v5, v2;
	v5 =	vld.idx.msk [tilespmem:v6+s19+$0x0], $0xffff  }
0x336: {  	v6 =	vadd.s32 $0xD, v1  }
0x337: {  	v2 =	vadd.f32 v3, v2;
	v3 =	vld.idx.msk [tilespmem:v7+s19+$0x0], $0xffff  }
0x338: {  	v7 =	vadd.s32 $0xE, v1  }
0x339: {  	v2 =	vadd.f32 v4, v2;
	v4 =	vld.idx.msk [tilespmem:v8+s19+$0x0], $0xffff  }
0x33a: {  	v8 =	vadd.s32 $0xF, v1  }
0x33b: {  	v2 =	vadd.f32 v5, v2;
	v5 =	vld.idx.msk [tilespmem:v6+s19+$0x0], $0xffff  }
0x33c: {  	v6 =	vadd.s32 $0x10, v1  }
0x33d: {  	v2 =	vadd.f32 v3, v2;
	v3 =	vld.idx.msk [tilespmem:v7+s19+$0x0], $0xffff  }
0x33e: {  	v7 =	vadd.s32 $0x11, v1  }
0x33f: {  	v2 =	vadd.f32 v4, v2;
	v4 =	vld.idx.msk [tilespmem:v8+s19+$0x0], $0xffff  }
0x340: {  	v8 =	vadd.s32 $0x12, v1  }
0x341: {  	v2 =	vadd.f32 v5, v2;
	v5 =	vld.idx.msk [tilespmem:v6+s19+$0x0], $0xffff  }
0x342: {  	v6 =	vadd.s32 $0x13, v1  }
0x343: {  	v2 =	vadd.f32 v3, v2;
	v7 =	vld.idx.msk [tilespmem:v7+s19+$0x0], $0xffff  }
0x344: {  	v1 =	vadd.s32 $0x14, v1  }
0x345: {  	v3 =	vadd.f32 v4, v2;
	v2 =	vld.idx.msk [tilespmem:v8+s19+$0x0], $0xffff  }
.Ltmp2:
0x346: {  	(pc) =	sbr.rel @p0 .LBB2_6-.Ltmp2, $3  }
0x347: {  	v4 =	vadd.f32 v5, v3;
	v3 =	vld.idx.msk [tilespmem:v6+s19+$0x0], $0xffff;
	_ =	sdelay $0x1  }
0x348: {  	s8 =	sshra.s32 s29, $0x2;
	v5 =	vadd.f32 v7, v4;
	v4 =	vld.idx.msk [tilespmem:v1+s19+$0x0], $0xffff  }
0x349: {  	s29 =	sadd.s32 $0x40, s29;
	v1 =	vld [tilespmem:s8+$0x19800]  }
0x34a: {  	v2 =	vadd.f32 v2, v5;
	_ =	sdelay $0x1  }
0x34b: {  	v2 =	vadd.f32 v3, v2;
	_ =	sdelay $0x1  }
0x34c: {  	v3 =	vadd.s32 $0x1, v1;
	v2 =	vadd.f32 v4, v2;
	_ =	sdelay $0x1  }
0x34d: {  	vm0 =	vgt.f32 v2, $0.0e+00  }
0x34e: {  	v2 =	vadd.s32 $0x2, v1;
	v4 =	vsel vm0, $0x3F800000, v0  }
0x34f: {  	[tilespmem:s28+$0x19C00] =	vst v4  }
0x350: {  	v4 =	vadd.s32 $0x3, v1;
	v3 =	vld.idx.msk [tilespmem:v3+s19+$0x0], $0xffff  }
0x351: {  	v5 =	vld.idx.msk [tilespmem:v1+s19+$0x0], $0xffff  }
0x352: {  	v6 =	vadd.s32 $0x4, v1  }
0x353: {  	v2 =	vld.idx.msk [tilespmem:v2+s19+$0x0], $0xffff  }
0x354: {  	v7 =	vadd.s32 $0x5, v1  }
0x355: {  	v4 =	vld.idx.msk [tilespmem:v4+s19+$0x0], $0xffff  }
0x356: {  	v8 =	vadd.s32 $0x6, v1;
	v3 =	vadd.f32 v3, v5  }
0x357: {  	v5 =	vld.idx.msk [tilespmem:v6+s19+$0x0], $0xffff  }
0x358: {  	v6 =	vadd.s32 $0x7, v1;
	v2 =	vadd.f32 v2, v3  }
0x359: {  	v3 =	vld.idx.msk [tilespmem:v7+s19+$0x0], $0xffff  }
0x35a: {  	v7 =	vadd.s32 $0x8, v1;
	v2 =	vadd.f32 v4, v2  }
0x35b: {  	v4 =	vld.idx.msk [tilespmem:v8+s19+$0x0], $0xffff  }
0x35c: {  	v55 =	vadd.s32 $0x9, v1;
	v2 =	vadd.f32 v5, v2  }
0x35d: {  	v5 =	vld.idx.msk [tilespmem:v6+s19+$0x0], $0xffff  }
0x35e: {  	v6 =	vadd.s32 $0xA, v1;
	v2 =	vadd.f32 v3, v2  }
0x35f: {  	v3 =	vld.idx.msk [tilespmem:v7+s19+$0x0], $0xffff  }
0x360: {  	v7 =	vadd.s32 $0xB, v1;
	v2 =	vadd.f32 v4, v2  }
0x361: {  	v4 =	vld.idx.msk [tilespmem:v55+s19+$0x0], $0xffff  }
0x362: {  	v56 =	vadd.s32 $0xC, v1;
	v2 =	vadd.f32 v5, v2  }
0x363: {  	v5 =	vld.idx.msk [tilespmem:v6+s19+$0x0], $0xffff  }
0x364: {  	v6 =	vadd.s32 $0xD, v1;
	v2 =	vadd.f32 v3, v2  }
0x365: {  	v3 =	vld.idx.msk [tilespmem:v7+s19+$0x0], $0xffff  }
0x366: {  	v7 =	vadd.s32 $0xE, v1;
	v2 =	vadd.f32 v4, v2  }
0x367: {  	v4 =	vld.idx.msk [tilespmem:v56+s19+$0x0], $0xffff  }
0x368: {  	v57 =	vadd.s32 $0xF, v1;
	v2 =	vadd.f32 v5, v2  }
0x369: {  	v5 =	vld.idx.msk [tilespmem:v6+s19+$0x0], $0xffff  }
0x36a: {  	v6 =	vadd.s32 $0x10, v1;
	v2 =	vadd.f32 v3, v2  }
0x36b: {  	v3 =	vld.idx.msk [tilespmem:v7+s19+$0x0], $0xffff  }
0x36c: {  	v7 =	vadd.s32 $0x11, v1;
	v2 =	vadd.f32 v4, v2  }
0x36d: {  	v4 =	vld.idx.msk [tilespmem:v57+s19+$0x0], $0xffff  }
0x36e: {  	v58 =	vadd.s32 $0x12, v1;
	v2 =	vadd.f32 v5, v2  }
0x36f: {  	v5 =	vld.idx.msk [tilespmem:v6+s19+$0x0], $0xffff  }
0x370: {  	v6 =	vadd.s32 $0x13, v1;
	v2 =	vadd.f32 v3, v2  }
0x371: {  	v3 =	vld.idx.msk [tilespmem:v7+s19+$0x0], $0xffff  }
0x372: {  	v1 =	vadd.s32 $0x14, v1;
	v2 =	vadd.f32 v4, v2  }
0x373: {  	v4 =	vld.idx.msk [tilespmem:v58+s19+$0x0], $0xffff  }
0x374: {  	v2 =	vadd.f32 v5, v2  }
0x375: {  	v5 =	vld.idx.msk [tilespmem:v6+s19+$0x0], $0xffff  }
0x376: {  	v2 =	vadd.f32 v3, v2  }
0x377: {  	v1 =	vld.idx.msk [tilespmem:v1+s19+$0x0], $0xffff  }
0x378: {  	v2 =	vadd.f32 v4, v2;
	_ =	sdelay $0x1  }
0x379: {  	v2 =	vadd.f32 v5, v2;
	_ =	sdelay $0x1  }
0x37a: {  	v1 =	vadd.f32 v1, v2;
	_ =	sdelay $0x1  }
0x37b: {  	vm15 =	vgt.f32 v1, $0.0e+00  }
0x37c: {  	v1 =	vsel vm15, $0x3F800000, v0  }
0x37d: {  	s28 =	rddreg [dreg:$0xc];
	[tilespmem:s8+$0x19C00] =	vst v1;
	s8 =	simm.s32 $0x0  }
0x37e: {  	[hbm4b:s28+s8] =	stream.linear.scatter [tilespmem:s6], [sflag:$0x3], $0x400, $0x38;
	[tilespmem:$0x1A000] =	vst v63  }
0x37f: {  	_ =	swait.ge [sflag:s17], $0x400  }
0x380: {  	[sflag:s17] =	ssyncset.done $0x0  }
0x381: {  	[sflag:s17] =	ssyncadd.s32 $0xFFFFFC00  }
0x382: {  	_ =	swait.ge [sflag:s26], $0x800  }
0x383: {  	[sflag:s26] =	ssyncset.done $0x0  }
0x384: {  	[sflag:s26] =	ssyncadd.s32 $0xFFFFF800  }
0x385: {  	_ =	swait.ge [sflag:s26], $0x800  }
0x386: {  	[sflag:s26] =	ssyncset.done $0x0  }
0x387: {  	[sflag:s26] =	ssyncadd.s32 $0xFFFFF800  }
0x388: {  	_ =	swait.ge [sflag:s26], $0x800  }
0x389: {  	[sflag:s26] =	ssyncset.done $0x0  }
0x38a: {  	[sflag:s26] =	ssyncadd.s32 $0xFFFFF800  }
0x38b: {  	_ =	swait.ge [sflag:s26], $0x800  }
0x38c: {  	[sflag:s26] =	ssyncset.done $0x0  }
0x38d: {  	[sflag:s26] =	ssyncadd.s32 $0xFFFFF800  }
0x38e: {  	_ =	swait.ge [sflag:s26], $0x800  }
0x38f: {  	[sflag:s26] =	ssyncset.done $0x0  }
0x390: {  	[sflag:s26] =	ssyncadd.s32 $0xFFFFF800  }
0x391: {  	_ =	swait.ge [sflag:s26], $0x800  }
0x392: {  	[sflag:s26] =	ssyncset.done $0x0  }
0x393: {  	[sflag:s26] =	ssyncadd.s32 $0xFFFFF800  }
0x394: {  	_ =	swait.ge [sflag:s26], $0x800  }
0x395: {  	[sflag:s26] =	ssyncset.done $0x0  }
0x396: {  	[sflag:s26] =	ssyncadd.s32 $0xFFFFF800  }
0x397: {  	_ =	swait.ge [sflag:s26], $0x800  }
0x398: {  	[sflag:s26] =	ssyncset.done $0x0  }
0x399: {  	[sflag:s26] =	ssyncadd.s32 $0xFFFFF800  }
0x39a: {  	_ =	swait.ge [sflag:s26], $0x800  }
0x39b: {  	[sflag:s26] =	ssyncset.done $0x0  }
0x39c: {  	[sflag:s26] =	ssyncadd.s32 $0xFFFFF800  }
0x39d: {  	_ =	swait.ge [sflag:s26], $0x800  }
0x39e: {  	[sflag:s26] =	ssyncset.done $0x0  }
0x39f: {  	[sflag:s26] =	ssyncadd.s32 $0xFFFFF800  }
0x3a0: {  	_ =	swait.ge [sflag:s26], $0x800  }
0x3a1: {  	[sflag:s26] =	ssyncset.done $0x0  }
0x3a2: {  	[sflag:s26] =	ssyncadd.s32 $0xFFFFF800  }
0x3a3: {  	_ =	swait.ge [sflag:s26], $0x800  }
0x3a4: {  	[sflag:s26] =	ssyncset.done $0x0  }
0x3a5: {  	[sflag:s26] =	ssyncadd.s32 $0xFFFFF800  }
0x3a6: {  	_ =	swait.ge [sflag:s26], $0x800  }
0x3a7: {  	[sflag:s26] =	ssyncset.done $0x0  }
0x3a8: {  	[sflag:s26] =	ssyncadd.s32 $0xFFFFF800  }
0x3a9: {  	_ =	swait.ge [sflag:s26], $0x800  }
0x3aa: {  	[sflag:s26] =	ssyncset.done $0x0  }
0x3ab: {  	[sflag:s26] =	ssyncadd.s32 $0xFFFFF800  }
0x3ac: {  	_ =	swait.ge [sflag:s26], $0x800  }
0x3ad: {  	[sflag:s26] =	ssyncset.done $0x0  }
0x3ae: {  	[sflag:s26] =	ssyncadd.s32 $0xFFFFF800  }
0x3af: {  	_ =	swait.ge [sflag:s26], $0x800  }
0x3b0: {  	[sflag:s26] =	ssyncset.done $0x0  }
0x3b1: {  	[sflag:s26] =	ssyncadd.s32 $0xFFFFF800  }
0x3b2: {  	_ =	swait.ge [sflag:s26], $0x800  }
0x3b3: {  	[sflag:s26] =	ssyncset.done $0x0  }
0x3b4: {  	[sflag:s26] =	ssyncadd.s32 $0xFFFFF800  }
0x3b5: {  	_ =	swait.ge [sflag:s26], $0x800  }
0x3b6: {  	[sflag:s26] =	ssyncset.done $0x0  }
0x3b7: {  	[sflag:s26] =	ssyncadd.s32 $0xFFFFF800  }
0x3b8: {  	_ =	swait.ge [sflag:s26], $0x800  }
0x3b9: {  	[sflag:s26] =	ssyncset.done $0x0  }
0x3ba: {  	[sflag:s26] =	ssyncadd.s32 $0xFFFFF800  }
0x3bb: {  	_ =	swait.ge [sflag:s26], $0x800  }
0x3bc: {  	[sflag:s26] =	ssyncset.done $0x0  }
0x3bd: {  	[sflag:s26] =	ssyncadd.s32 $0xFFFFF800  }
0x3be: {  	_ =	swait.ge [sflag:s26], $0x800  }
0x3bf: {  	[sflag:s26] =	ssyncset.done $0x0  }
0x3c0: {  	[sflag:s26] =	ssyncadd.s32 $0xFFFFF800  }
0x3c1: {  	_ =	swait.ge [sflag:s26], $0x800  }
0x3c2: {  	[sflag:s26] =	ssyncset.done $0x0  }
0x3c3: {  	[sflag:s26] =	ssyncadd.s32 $0xFFFFF800  }
0x3c4: {  	_ =	swait.ge [sflag:s26], $0x800  }
0x3c5: {  	[sflag:s26] =	ssyncset.done $0x0  }
0x3c6: {  	[sflag:s26] =	ssyncadd.s32 $0xFFFFF800  }
0x3c7: {  	_ =	swait.ge [sflag:s26], $0x800  }
0x3c8: {  	[sflag:s26] =	ssyncset.done $0x0  }
0x3c9: {  	s28 =	rddreg [dreg:$0xd];
	[sflag:s26] =	ssyncadd.s32 $0xFFFFF800  }
0x3ca: {  	[tilespmem:s15], [sflag:$0x3] =	stream.linear.gather [hbm4b:s28+s8], $0x400, $0x38;
	[tilespmem:$0x1A000] =	vst v63  }
0x3cb: {  	_ =	swait.ge [sflag:s17], $0x400  }
0x3cc: {  	[sflag:s17] =	ssyncset.done $0x0  }
0x3cd: {  	s28 =	simm.s32 $0x0;
	[sflag:s17] =	ssyncadd.s32 $0xFFFFFC00  }
0x3ce: {  	v1 =	vld [tilespmem:s28+$0x19800];
	_ =	sdelay $0x4  }
0x3cf: {  	v2 =	vadd.s32 $0x1, v1;
	_ =	sdelay $0x1  }
0x3d0: {  	v3 =	vadd.s32 $0x2, v1;
	_ =	sdelay $0x1  }
0x3d1: {  	v4 =	vadd.s32 $0x3, v1;
	v5 =	vld.idx.msk [tilespmem:v1+s16+$0x0], $0xffff  }
0x3d2: {  	v2 =	vld.idx.msk [tilespmem:v2+s16+$0x0], $0xffff  }
0x3d3: {  	v6 =	vadd.s32 $0x4, v1  }
0x3d4: {  	v3 =	vld.idx.msk [tilespmem:v3+s16+$0x0], $0xffff  }
0x3d5: {  	v7 =	vadd.s32 $0x5, v1  }
0x3d6: {  	v4 =	vld.idx.msk [tilespmem:v4+s16+$0x0], $0xffff  }
0x3d7: {  	v59 =	vadd.s32 $0x6, v1;
	v2 =	vadd.f32 v2, v5  }
0x3d8: {  	v5 =	vld.idx.msk [tilespmem:v6+s16+$0x0], $0xffff  }
0x3d9: {  	v6 =	vadd.s32 $0x7, v1;
	v2 =	vadd.f32 v3, v2  }
0x3da: {  	v3 =	vld.idx.msk [tilespmem:v7+s16+$0x0], $0xffff  }
0x3db: {  	v7 =	vadd.s32 $0x8, v1;
	v2 =	vadd.f32 v4, v2  }
0x3dc: {  	v4 =	vld.idx.msk [tilespmem:v59+s16+$0x0], $0xffff  }
0x3dd: {  	v60 =	vadd.s32 $0x9, v1;
	v2 =	vadd.f32 v5, v2  }
0x3de: {  	v5 =	vld.idx.msk [tilespmem:v6+s16+$0x0], $0xffff  }
0x3df: {  	v6 =	vadd.s32 $0xA, v1;
	v2 =	vadd.f32 v3, v2  }
0x3e0: {  	v3 =	vld.idx.msk [tilespmem:v7+s16+$0x0], $0xffff  }
0x3e1: {  	v7 =	vadd.s32 $0xB, v1;
	v2 =	vadd.f32 v4, v2  }
0x3e2: {  	v4 =	vld.idx.msk [tilespmem:v60+s16+$0x0], $0xffff  }
0x3e3: {  	v61 =	vadd.s32 $0xC, v1;
	v2 =	vadd.f32 v5, v2  }
0x3e4: {  	v5 =	vld.idx.msk [tilespmem:v6+s16+$0x0], $0xffff  }
0x3e5: {  	v6 =	vadd.s32 $0xD, v1;
	v2 =	vadd.f32 v3, v2  }
0x3e6: {  	v3 =	vld.idx.msk [tilespmem:v7+s16+$0x0], $0xffff  }
0x3e7: {  	v7 =	vadd.s32 $0xE, v1;
	v2 =	vadd.f32 v4, v2  }
0x3e8: {  	v4 =	vld.idx.msk [tilespmem:v61+s16+$0x0], $0xffff  }
0x3e9: {  	v62 =	vadd.s32 $0xF, v1;
	v2 =	vadd.f32 v5, v2  }
0x3ea: {  	v5 =	vld.idx.msk [tilespmem:v6+s16+$0x0], $0xffff  }
0x3eb: {  	v6 =	vadd.s32 $0x10, v1;
	v2 =	vadd.f32 v3, v2  }
0x3ec: {  	v3 =	vld.idx.msk [tilespmem:v7+s16+$0x0], $0xffff  }
0x3ed: {  	v7 =	vadd.s32 $0x11, v1;
	v2 =	vadd.f32 v4, v2  }
0x3ee: {  	v4 =	vld.idx.msk [tilespmem:v62+s16+$0x0], $0xffff  }
0x3ef: {  	v63 =	vadd.s32 $0x12, v1;
	v2 =	vadd.f32 v5, v2  }
0x3f0: {  	v5 =	vld.idx.msk [tilespmem:v6+s16+$0x0], $0xffff  }
0x3f1: {  	v6 =	vadd.s32 $0x13, v1;
	v2 =	vadd.f32 v3, v2  }
0x3f2: {  	v1 =	vadd.s32 $0x14, v1;
	v7 =	vld.idx.msk [tilespmem:v7+s16+$0x0], $0xffff  }
0x3f3: {  	v3 =	vadd.f32 v4, v2  }
0x3f4: {  	v2 =	vld.idx.msk [tilespmem:v63+s16+$0x0], $0xffff  }
0x3f5: {  	v5 =	vadd.f32 v5, v3  }
0x3f6: {  	v3 =	vld.idx.msk [tilespmem:v6+s16+$0x0], $0xffff  }
0x3f7: {  	s8 =	simm.s32 $0x10;
	v4 =	vld.idx.msk [tilespmem:v1+s16+$0x0], $0xffff;
	v5 =	vadd.f32 v7, v5  }
0x3f8: {  	s29 =	simm.s32 $0x80;
	v1 =	vld [tilespmem:s8+$0x19800]  }
.LBB2_8:
0x3f9: {  	p0 =	sne.s32 s29, $0xFC0;
	v2 =	vadd.f32 v2, v5;
	_ =	sdelay $0x1  }
0x3fa: {  	v2 =	vadd.f32 v3, v2;
	_ =	sdelay $0x1  }
0x3fb: {  	v3 =	vadd.s32 $0x1, v1;
	v2 =	vadd.f32 v4, v2;
	_ =	sdelay $0x1  }
0x3fc: {  	vm0 =	vgt.f32 v2, $0.0e+00  }
0x3fd: {  	v2 =	vadd.s32 $0x2, v1;
	v4 =	vsel vm0, $0x3F800000, v0  }
0x3fe: {  	[tilespmem:s28+$0x19C00] =	vst v4;
	s28 =	smov.u32 s8  }
0x3ff: {  	v4 =	vadd.s32 $0x3, v1;
	v3 =	vld.idx.msk [tilespmem:v3+s16+$0x0], $0xffff  }
0x400: {  	v5 =	vld.idx.msk [tilespmem:v1+s16+$0x0], $0xffff  }
0x401: {  	v6 =	vadd.s32 $0x4, v1  }
0x402: {  	v2 =	vld.idx.msk [tilespmem:v2+s16+$0x0], $0xffff  }
0x403: {  	v7 =	vadd.s32 $0x5, v1  }
0x404: {  	v4 =	vld.idx.msk [tilespmem:v4+s16+$0x0], $0xffff  }
0x405: {  	v8 =	vadd.s32 $0x6, v1  }
0x406: {  	v3 =	vadd.f32 v3, v5;
	v5 =	vld.idx.msk [tilespmem:v6+s16+$0x0], $0xffff  }
0x407: {  	v6 =	vadd.s32 $0x7, v1  }
0x408: {  	v2 =	vadd.f32 v2, v3;
	v3 =	vld.idx.msk [tilespmem:v7+s16+$0x0], $0xffff  }
0x409: {  	v7 =	vadd.s32 $0x8, v1  }
0x40a: {  	v2 =	vadd.f32 v4, v2;
	v4 =	vld.idx.msk [tilespmem:v8+s16+$0x0], $0xffff  }
0x40b: {  	v8 =	vadd.s32 $0x9, v1  }
0x40c: {  	v2 =	vadd.f32 v5, v2;
	v5 =	vld.idx.msk [tilespmem:v6+s16+$0x0], $0xffff  }
0x40d: {  	v6 =	vadd.s32 $0xA, v1  }
0x40e: {  	v2 =	vadd.f32 v3, v2;
	v3 =	vld.idx.msk [tilespmem:v7+s16+$0x0], $0xffff  }
0x40f: {  	v7 =	vadd.s32 $0xB, v1  }
0x410: {  	v2 =	vadd.f32 v4, v2;
	v4 =	vld.idx.msk [tilespmem:v8+s16+$0x0], $0xffff  }
0x411: {  	v8 =	vadd.s32 $0xC, v1  }
0x412: {  	v2 =	vadd.f32 v5, v2;
	v5 =	vld.idx.msk [tilespmem:v6+s16+$0x0], $0xffff  }
0x413: {  	v6 =	vadd.s32 $0xD, v1  }
0x414: {  	v2 =	vadd.f32 v3, v2;
	v3 =	vld.idx.msk [tilespmem:v7+s16+$0x0], $0xffff  }
0x415: {  	v7 =	vadd.s32 $0xE, v1  }
0x416: {  	v2 =	vadd.f32 v4, v2;
	v4 =	vld.idx.msk [tilespmem:v8+s16+$0x0], $0xffff  }
0x417: {  	v8 =	vadd.s32 $0xF, v1  }
0x418: {  	v2 =	vadd.f32 v5, v2;
	v5 =	vld.idx.msk [tilespmem:v6+s16+$0x0], $0xffff  }
0x419: {  	v6 =	vadd.s32 $0x10, v1  }
0x41a: {  	v2 =	vadd.f32 v3, v2;
	v3 =	vld.idx.msk [tilespmem:v7+s16+$0x0], $0xffff  }
0x41b: {  	v7 =	vadd.s32 $0x11, v1  }
0x41c: {  	v2 =	vadd.f32 v4, v2;
	v4 =	vld.idx.msk [tilespmem:v8+s16+$0x0], $0xffff  }
0x41d: {  	v8 =	vadd.s32 $0x12, v1  }
0x41e: {  	v2 =	vadd.f32 v5, v2;
	v5 =	vld.idx.msk [tilespmem:v6+s16+$0x0], $0xffff  }
0x41f: {  	v6 =	vadd.s32 $0x13, v1  }
0x420: {  	v2 =	vadd.f32 v3, v2;
	v7 =	vld.idx.msk [tilespmem:v7+s16+$0x0], $0xffff  }
0x421: {  	v1 =	vadd.s32 $0x14, v1  }
0x422: {  	v3 =	vadd.f32 v4, v2;
	v2 =	vld.idx.msk [tilespmem:v8+s16+$0x0], $0xffff  }
.Ltmp3:
0x423: {  	(pc) =	sbr.rel @p0 .LBB2_8-.Ltmp3, $3  }
0x424: {  	v4 =	vadd.f32 v5, v3;
	v3 =	vld.idx.msk [tilespmem:v6+s16+$0x0], $0xffff;
	_ =	sdelay $0x1  }
0x425: {  	s8 =	sshra.s32 s29, $0x2;
	v5 =	vadd.f32 v7, v4;
	v4 =	vld.idx.msk [tilespmem:v1+s16+$0x0], $0xffff  }
0x426: {  	s29 =	sadd.s32 $0x40, s29;
	v1 =	vld [tilespmem:s8+$0x19800]  }
0x427: {  	v2 =	vadd.f32 v2, v5;
	_ =	sdelay $0x1  }
0x428: {  	v2 =	vadd.f32 v3, v2;
	_ =	sdelay $0x1  }
0x429: {  	v3 =	vadd.s32 $0x1, v1;
	v2 =	vadd.f32 v4, v2;
	_ =	sdelay $0x1  }
0x42a: {  	vm0 =	vgt.f32 v2, $0.0e+00  }
0x42b: {  	v2 =	vadd.s32 $0x2, v1;
	v37 =	vsel vm0, $0x3F800000, v0  }
0x42c: {  	[tilespmem:s28+$0x19C00] =	vst v37  }
0x42d: {  	v38 =	vadd.s32 $0x3, v1;
	v3 =	vld.idx.msk [tilespmem:v3+s16+$0x0], $0xffff  }
0x42e: {  	v39 =	vld.idx.msk [tilespmem:v1+s16+$0x0], $0xffff  }
0x42f: {  	v6 =	vadd.s32 $0x4, v1  }
0x430: {  	v2 =	vld.idx.msk [tilespmem:v2+s16+$0x0], $0xffff  }
0x431: {  	v7 =	vadd.s32 $0x5, v1  }
0x432: {  	v4 =	vld.idx.msk [tilespmem:v38+s16+$0x0], $0xffff  }
0x433: {  	v8 =	vadd.s32 $0x6, v1;
	v3 =	vadd.f32 v3, v39  }
0x434: {  	v40 =	vld.idx.msk [tilespmem:v6+s16+$0x0], $0xffff  }
0x435: {  	v41 =	vadd.s32 $0x7, v1;
	v2 =	vadd.f32 v2, v3  }
0x436: {  	v3 =	vld.idx.msk [tilespmem:v7+s16+$0x0], $0xffff  }
0x437: {  	v42 =	vadd.s32 $0x8, v1;
	v2 =	vadd.f32 v4, v2  }
0x438: {  	v43 =	vld.idx.msk [tilespmem:v8+s16+$0x0], $0xffff  }
0x439: {  	v44 =	vadd.s32 $0x9, v1;
	v2 =	vadd.f32 v40, v2  }
0x43a: {  	v45 =	vld.idx.msk [tilespmem:v41+s16+$0x0], $0xffff  }
0x43b: {  	v46 =	vadd.s32 $0xA, v1;
	v2 =	vadd.f32 v3, v2  }
0x43c: {  	v3 =	vld.idx.msk [tilespmem:v42+s16+$0x0], $0xffff  }
0x43d: {  	v47 =	vadd.s32 $0xB, v1;
	v2 =	vadd.f32 v43, v2  }
0x43e: {  	v48 =	vld.idx.msk [tilespmem:v44+s16+$0x0], $0xffff  }
0x43f: {  	v49 =	vadd.s32 $0xC, v1;
	v2 =	vadd.f32 v45, v2  }
0x440: {  	v50 =	vld.idx.msk [tilespmem:v46+s16+$0x0], $0xffff  }
0x441: {  	v51 =	vadd.s32 $0xD, v1;
	v2 =	vadd.f32 v3, v2  }
0x442: {  	v3 =	vld.idx.msk [tilespmem:v47+s16+$0x0], $0xffff  }
0x443: {  	v52 =	vadd.s32 $0xE, v1;
	v2 =	vadd.f32 v48, v2  }
0x444: {  	v53 =	vld.idx.msk [tilespmem:v49+s16+$0x0], $0xffff  }
0x445: {  	v54 =	vadd.s32 $0xF, v1;
	v2 =	vadd.f32 v50, v2  }
0x446: {  	v55 =	vld.idx.msk [tilespmem:v51+s16+$0x0], $0xffff  }
0x447: {  	v56 =	vadd.s32 $0x10, v1;
	v2 =	vadd.f32 v3, v2  }
0x448: {  	v3 =	vld.idx.msk [tilespmem:v52+s16+$0x0], $0xffff  }
0x449: {  	v57 =	vadd.s32 $0x11, v1;
	v2 =	vadd.f32 v53, v2  }
0x44a: {  	v58 =	vld.idx.msk [tilespmem:v54+s16+$0x0], $0xffff  }
0x44b: {  	v59 =	vadd.s32 $0x12, v1;
	v2 =	vadd.f32 v55, v2  }
0x44c: {  	v60 =	vld.idx.msk [tilespmem:v56+s16+$0x0], $0xffff  }
0x44d: {  	v61 =	vadd.s32 $0x13, v1;
	v2 =	vadd.f32 v3, v2  }
0x44e: {  	v3 =	vld.idx.msk [tilespmem:v57+s16+$0x0], $0xffff  }
0x44f: {  	v1 =	vadd.s32 $0x14, v1;
	v2 =	vadd.f32 v58, v2  }
0x450: {  	v62 =	vld.idx.msk [tilespmem:v59+s16+$0x0], $0xffff  }
0x451: {  	v2 =	vadd.f32 v60, v2  }
0x452: {  	v63 =	vld.idx.msk [tilespmem:v61+s16+$0x0], $0xffff  }
0x453: {  	v2 =	vadd.f32 v3, v2  }
0x454: {  	v1 =	vld.idx.msk [tilespmem:v1+s16+$0x0], $0xffff  }
0x455: {  	v2 =	vadd.f32 v62, v2;
	_ =	sdelay $0x1  }
0x456: {  	v2 =	vadd.f32 v63, v2;
	_ =	sdelay $0x1  }
0x457: {  	v1 =	vadd.f32 v1, v2;
	_ =	sdelay $0x1  }
0x458: {  	vm15 =	vgt.f32 v1, $0.0e+00  }
0x459: {  	v1 =	vsel vm15, $0x3F800000, v0  }
0x45a: {  	s28 =	rddreg [dreg:$0xe];
	[tilespmem:s8+$0x19C00] =	vst v1  }
0x45b: {  	[hbm4b:s28+s2] =	stream.linear.scatter [tilespmem:s6], [sflag:$0x3], $0x400, $0x38;
	[tilespmem:$0x1A000] =	vst v63  }
0x45c: {  	_ =	swait.ge [sflag:s17], $0x400  }
0x45d: {  	s7 =	sadd.s32 $0x1, s7;
	s29 =	rddreg [dreg:$0xf]  }
0x45e: {  	p0 =	sne.s32 s7, s29  }
.Ltmp4:
0x45f: {  	_ = 	snop;
	(pc) =	sbr.rel @p0 .LBB2_1-.Ltmp4, $3  }
0x460: {  	_ =	sdelay $0x1  }
0x461: {  	[sflag:s17] =	ssyncset.done $0x0  }
0x462: {  	[sflag:s17] =	ssyncadd.s32 $0xFFFFFC00  }
0x463: {  	_ =	sfence.sel $0x180000  }
0x464: {  	[bflag:$0x0] =	sbarrier.arrive $0xFFFF  }
0x465: {  	_ =	strace $0x90000047  }
0x466: {  	s0 =	stileid.u32;
	[bflag:$0x2] =	sbarrier.arrive $0xFFFF  }
0x467: {  	p0 =	sne.s32 s0, $0x0;
	s0 =	rddreg [dreg:$0x2]  }
0x468: {  	s0 =	sadd.s32 @!p0 $0x100000, s0  }
0x469: {  	[sflag:s0] =	ssyncadd.tile.s32 @!p0 $0x1;
	_ =	shalt  }
.Lfunc_end2:
_tile_overlayer_lowered:
.L_overlay_start_2:
0x46a: {  	(tag) =	ssettag $0x2  }
0x46b: {  	s0 =	rddreg [dreg:$0x0];
	s2 =	stileid.u32  }
0x46c: {  	s1 =	rddreg [dreg:$0x1];
	p0 =	sne.s32 s2, $0x0  }
0x46d: {  	s3 =	rddreg [dreg:$0x2];
	[bflag:$0x3] =	sbarrier.arrive $0xFFFF;
	s2 =	simm.s32 @!p0 $0x1C03  }
0x46e: {  	[timem:s3], [sflag:s2] =	dma.local @!p0 [hbm:s0], s1  }
0x46f: {  	s0 =	simm.s32 @!p0 $0x3  }
0x470: {  	_ =	swait.ge @!p0 [sflag:s0], s1  }
0x471: {  	s1 =	ssub.s32 @!p0 $0x0, s1;
	[sflag:s0] =	ssyncset.done @!p0 $0x0  }
0x472: {  	[sflag:s0] =	ssyncadd.s32 @!p0 s1  }
0x473: {  	[bflag:$0x3] =	sbarrier.arrive $0xFFFF  }
0x474: {  	_ =	shalt  }

</sc_bundles>
